<compile_context>
chip_gen: v7x
topology: tpu7x:2x2x1
jax: 0.10.2.dev20260603
libtpu: 0.0.44.dev20260713+nightly
codegen_flags: <defaults>
</compile_context>

<pallas_src>
import functools

import jax
import jax.numpy as jnp
from jax import lax
from jax.experimental import pallas as pl
from jax.experimental.pallas import tpu as pltpu
from jax.experimental.pallas import tpu_sc as plsc

NC = 2
NS = 16
NW = NC * NS
CHUNK = 128


NBUF = 3


@functools.lru_cache(maxsize=None)
def _sc_aggregate(N: int, D: int, E: int):
    assert E % CHUNK == 0 and D % 16 == 0
    nblk = E // CHUNK
    base_nb = nblk // NW
    rem = nblk - base_nb * NW
    assert base_nb % NBUF == 0 and base_nb >= 2 * NBUF
    RPS = (N // NS) // 8 * 8
    TAIL = N - NS * RPS
    ZR = 8
    assert RPS % ZR == 0 and TAIL % 8 == 0 and TAIL % ZR == 0
    ZD = 200
    assert N % ZD == 0 and ZD % 8 == 0

    mesh = plsc.VectorSubcoreMesh(core_axis_name="c", subcore_axis_name="s")

    @functools.partial(
        pl.kernel,
        out_type=(
            jax.ShapeDtypeStruct((N, D), jnp.float32),
            jax.ShapeDtypeStruct((N, D), jnp.float32),
            jax.ShapeDtypeStruct((N,), jnp.float32),
            jax.ShapeDtypeStruct((N,), jnp.float32),
        ),
        mesh=mesh,
        scratch_types=[
            [pltpu.VMEM((2, CHUNK), jnp.int32)] * NBUF,
            [pltpu.VMEM((CHUNK, D), jnp.float32)] * NBUF,
            pltpu.VMEM((CHUNK,), jnp.float32),
            pltpu.VMEM((ZD,), jnp.float32),
            pltpu.VMEM_SHARED((N, D), jnp.float32),
            pltpu.VMEM_SHARED((N,), jnp.float32),
            [pltpu.SemaphoreType.DMA] * NBUF,
            [pltpu.SemaphoreType.DMA] * NBUF,
            pltpu.SemaphoreType.DMA,
        ],
    )
    def agg_kernel(ei_hbm, x_hbm, agg0_out, agg1_out, deg0_out,
                   deg1_out, idx_v, rows_v, ones_v, zdeg_v,
                   agg_sp, deg_sp, semi, semr, semd):
        c = lax.axis_index("c")
        s = lax.axis_index("s")
        w = c * NS + s

        zrow_v = rows_v[0].at[pl.ds(0, ZR), :]
        zero16 = jnp.zeros((16,), jnp.float32)
        one16 = jnp.ones((16,), jnp.float32)
        for i in range(ZR):
            for j in range(D // 16):
                rows_v[0][i, pl.ds(j * 16, 16)] = zero16
        for j in range(CHUNK // 16):
            ones_v[pl.ds(j * 16, 16)] = one16
        for j in range(ZD // 16):
            zdeg_v[pl.ds(j * 16, 16)] = zero16

        for i in range(RPS // ZR):
            pltpu.async_copy(zrow_v, agg_sp.at[pl.ds(s * RPS + i * ZR, ZR), :],
                             semd)

        @pl.when(s == 0)
        def _():
            for i in range(TAIL // ZR):
                pltpu.async_copy(
                    zrow_v, agg_sp.at[pl.ds(NS * RPS + i * ZR, ZR), :], semd)
            for i in range(N // ZD):
                pltpu.async_copy(zdeg_v, deg_sp.at[pl.ds(i * ZD, ZD)], semd)

        for i in range(RPS // ZR):
            pltpu.make_async_copy(
                zrow_v, agg_sp.at[pl.ds(s * RPS + i * ZR, ZR), :], semd).wait()

        @pl.when(s == 0)
        def _():
            for i in range(TAIL // ZR):
                pltpu.make_async_copy(
                    zrow_v, agg_sp.at[pl.ds(NS * RPS + i * ZR, ZR), :],
                    semd).wait()
            for i in range(N // ZD):
                pltpu.make_async_copy(
                    zdeg_v, deg_sp.at[pl.ds(i * ZD, ZD)], semd).wait()

        plsc.subcore_barrier()

        def idx_start(b, i):
            pltpu.async_copy(ei_hbm.at[w + i * NW], idx_v[b], semi[b])

        def idx_wait(b):
            pltpu.make_async_copy(ei_hbm.at[0], idx_v[b], semi[b]).wait()

        def gather_start(b):
            pltpu.async_copy(x_hbm.at[idx_v[b].at[0]], rows_v[b], semr[b])

        def gather_wait(b):
            pltpu.make_async_copy(x_hbm.at[idx_v[b].at[0]], rows_v[b],
                                  semr[b]).wait()

        for b in range(NBUF):
            idx_start(b, b)
        idx_wait(0)
        gather_start(0)
        idx_wait(1)
        gather_start(1)

        @pl.loop(0, base_nb, step=NBUF)
        def _(g):
            for b in range(NBUF):
                i = g + b
                b2 = (b + 2) % NBUF

                @pl.when(i + 2 < base_nb)
                def _(b2=b2):
                    idx_wait(b2)
                    gather_start(b2)

                gather_wait(b)
                deg_cp = pltpu.async_copy(
                    ones_v, deg_sp.at[idx_v[b].at[1]], semd, add=True)
                pltpu.sync_copy(rows_v[b], agg_sp.at[idx_v[b].at[1]], add=True)
                deg_cp.wait()

                @pl.when(i + NBUF < base_nb)
                def _(b=b, i=i):
                    idx_start(b, i + NBUF)

        @pl.when(w < rem)
        def _():
            idx_start(0, base_nb)
            idx_wait(0)
            gather_start(0)
            gather_wait(0)
            pltpu.sync_copy(rows_v[0], agg_sp.at[idx_v[0].at[1]], add=True)
            pltpu.sync_copy(ones_v, deg_sp.at[idx_v[0].at[1]], add=True)

        plsc.subcore_barrier()

        for cc, aout, dout in ((0, agg0_out, deg0_out), (1, agg1_out, deg1_out)):
            @pl.when(c == cc)
            def _(aout=aout, dout=dout):
                pltpu.sync_copy(agg_sp.at[pl.ds(s * RPS, RPS), :],
                                aout.at[pl.ds(s * RPS, RPS), :])

                @pl.when(s == 0)
                def _():
                    if TAIL:
                        pltpu.sync_copy(agg_sp.at[pl.ds(NS * RPS, TAIL), :],
                                        aout.at[pl.ds(NS * RPS, TAIL), :])
                    pltpu.sync_copy(deg_sp, dout)

    return agg_kernel


@functools.lru_cache(maxsize=None)
def _tc_update(N: int, D: int):
    BN = 2000
    assert N % BN == 0

    def tc_body(x_ref, a0_ref, a1_ref, d_ref,
                wm_ref, bm_ref, wux_ref, wum_ref, bu_ref,
                h_ref, sc_ref):
        x = x_ref[...]
        agg = a0_ref[...] + a1_ref[...]
        aggn = agg * (1.0 / jnp.maximum(d_ref[...], 1.0))
        m = jnp.maximum(jnp.dot(aggn, wm_ref[...]) + bm_ref[...], 0.0)
        h = (jnp.dot(x, wux_ref[...]) + jnp.dot(m, wum_ref[...])
             + bu_ref[...])
        h_ref[...] = h
        d = h - x
        sc_ref[...] = jnp.mean(d * d, axis=1, keepdims=True)

    grid = (N // BN,)
    row_blk = pl.BlockSpec((BN, D), lambda i: (i, 0))
    deg_blk = pl.BlockSpec((BN, 1), lambda i: (i, 0))
    w_blk = pl.BlockSpec((D, D), lambda i: (0, 0))
    b_blk = pl.BlockSpec((1, D), lambda i: (0, 0))

    return pl.pallas_call(
        tc_body,
        grid=grid,
        in_specs=[row_blk, row_blk, row_blk, deg_blk,
                  w_blk, b_blk, w_blk, w_blk, b_blk],
        out_specs=[row_blk, deg_blk],
        out_shape=(
            jax.ShapeDtypeStruct((N, D), jnp.float32),
            jax.ShapeDtypeStruct((N, 1), jnp.float32),
        ),
    )


@jax.jit
def kernel(x, edge_index, W_msg, b_msg, W_upd, b_upd):
    N, D_in = x.shape
    E = edge_index.shape[1]
    D_out = W_msg.shape[1]

    ei3 = edge_index.reshape(2, E // CHUNK, CHUNK).transpose(1, 0, 2)

    agg0, agg1, deg0, deg1 = _sc_aggregate(N, D_in, E)(ei3, x)

    h, score = _tc_update(N, D_in)(
        x, agg0, agg1,
        (deg0 + deg1).reshape(N, 1),
        W_msg, b_msg.reshape(1, D_out),
        W_upd[:D_in], W_upd[D_in:], b_upd.reshape(1, D_out),
    )
    return h, score.reshape(N)

# --- scband reference (transcript-rebuilt; emitter-appended) ---
"""Pipeline reference for scband-my-trace-anomaly-model-15393162789543 (READ-ONLY COPY).

The authoritative reference and input builder live on the scoring server;
editing this copy changes nothing except your own understanding.
"""

import jax, jax.numpy as jnp
import numpy as np

N = 10000
E = 320000
D_IN = 128
D_OUT = 128


def setup_inputs(seed: int = 0) -> dict:
    key = jax.random.key(seed)
    k1, k2, k3, k4, k5, k6 = jax.random.split(key, 6)
    x = jax.random.normal(k1, (N, D_IN), dtype=jnp.float32)
    edge_index = jax.random.randint(k2, (2, E), 0, N, dtype=jnp.int32)
    scale1 = 1.0 / np.sqrt(D_IN)
    scale2 = 1.0 / np.sqrt(D_OUT)
    W_msg = jax.random.uniform(k3, (D_IN, D_OUT), dtype=jnp.float32, minval=-scale1, maxval=scale1)
    b_msg = jnp.zeros((D_OUT,), dtype=jnp.float32)
    W_upd = jax.random.uniform(k4, (D_IN + D_OUT, D_OUT), dtype=jnp.float32, minval=-scale2, maxval=scale2)
    b_upd = jnp.zeros((D_OUT,), dtype=jnp.float32)
    return {"x": x, "edge_index": edge_index, "W_msg": W_msg, "b_msg": b_msg, "W_upd": W_upd, "b_upd": b_upd}


def reference(x, edge_index, W_msg, b_msg, W_upd, b_upd):
    # one round of degree-normalized mean-aggregation message passing
    # (gather on src, scatter-add on dst), then linear update combining
    # self features with aggregated neighbor messages, plus a per-node
    # reconstruction-style anomaly score (trace anomaly detection head).
    src = edge_index[0]
    dst = edge_index[1]
    msgs = jnp.take(x, src, axis=0)                     # gather  [E, D_IN]
    agg = jnp.zeros((N, D_IN), dtype=x.dtype).at[dst].add(msgs)   # scatter-add
    deg = jnp.zeros((N,), dtype=x.dtype).at[dst].add(1.0)
    agg = agg / jnp.clip(deg, 1.0, None)[:, None]       # mean aggregation
    m = jax.nn.relu(agg @ W_msg + b_msg)                # [N, D_OUT]
    h = jnp.concatenate([x, m], axis=-1) @ W_upd + b_upd  # [N, D_OUT]
    score = jnp.mean((h - x) ** 2, axis=-1)             # per-node anomaly score
    return h, score

if __name__ == "__main__":
    import jax
    _d = setup_inputs()
    print(jax.jit(kernel)(*tuple(_d.values())))

</pallas_src>

<mosaic_0001>
#map = affine_map<(d0, d1) -> (0, 0, 0)>
#map1 = affine_map<(d0, d1) -> (0, 0)>
#map2 = affine_map<(d0, d1) -> (0)>
module attributes {stable_mosaic.version = 14 : i64} {
  func.func @agg_kernel(%arg0: i32, %arg1: i32, %arg2: memref<2500x2x128xi32, #tpu.memory_space<hbm>>, %arg3: memref<10000x128xf32, #tpu.memory_space<hbm>>, %arg4: memref<10000x128xf32, #tpu.memory_space<hbm>>, %arg5: memref<10000x128xf32, #tpu.memory_space<hbm>>, %arg6: memref<10000xf32, #tpu.memory_space<hbm>>, %arg7: memref<10000xf32, #tpu.memory_space<hbm>>, %arg8: memref<2x128xi32, #tpu.memory_space<vmem>>, %arg9: memref<2x128xi32, #tpu.memory_space<vmem>>, %arg10: memref<2x128xi32, #tpu.memory_space<vmem>>, %arg11: memref<128x128xf32, #tpu.memory_space<vmem>>, %arg12: memref<128x128xf32, #tpu.memory_space<vmem>>, %arg13: memref<128x128xf32, #tpu.memory_space<vmem>>, %arg14: memref<128xf32, #tpu.memory_space<vmem>>, %arg15: memref<200xf32, #tpu.memory_space<vmem>>, %arg16: memref<10000x128xf32, #tpu.memory_space<vmem_shared>>, %arg17: memref<10000xf32, #tpu.memory_space<vmem_shared>>, %arg18: memref<!tpu.dma_semaphore, #tpu.memory_space<semaphore_mem>>, %arg19: memref<!tpu.dma_semaphore, #tpu.memory_space<semaphore_mem>>, %arg20: memref<!tpu.dma_semaphore, #tpu.memory_space<semaphore_mem>>, %arg21: memref<!tpu.dma_semaphore, #tpu.memory_space<semaphore_mem>>, %arg22: memref<!tpu.dma_semaphore, #tpu.memory_space<semaphore_mem>>, %arg23: memref<!tpu.dma_semaphore, #tpu.memory_space<semaphore_mem>>, %arg24: memref<!tpu.dma_semaphore, #tpu.memory_space<semaphore_mem>>) attributes {dimension_semantics = [#tpu.dimension_semantics<core_parallel>, #tpu.dimension_semantics<subcore_parallel>], iteration_bounds = array<i64: 2, 16>, scalar_prefetch = 0 : i64, scratch_operands = 17 : i64, tpu.core_type = #tpu.core_type<sc_vector_subcore>, window_params = [{transform_indices = #map}, {transform_indices = #map1}, {transform_indices = #map1}, {transform_indices = #map1}, {transform_indices = #map2}, {transform_indices = #map2}]} {
    %mul3A = arith.constant 16 : i32
    %mul3A_0 = arith.muli %arg0, %mul3A : i32
    %add3A = arith.addi %mul3A_0, %arg1 : i32
    %broadcast_in_dim3A = arith.constant 0.000000e+00 : f32
    %broadcast_in_dim3A_1 = vector.broadcast %broadcast_in_dim3A : f32 to vector<16xf32>
    %broadcast_in_dim3A_2 = arith.constant 1.000000e+00 : f32
    %broadcast_in_dim3A_3 = vector.broadcast %broadcast_in_dim3A_2 : f32 to vector<16xf32>
    %swap3A = arith.constant 0 : i32
    %swap3A_4 = arith.index_cast %swap3A : i32 to index
    %swap3A_5 = arith.constant 0 : index
    %swap3A_6 = tpu.vector_load %arg11[%swap3A_4, %swap3A_5] {strides = array<i32>} : memref<128x128xf32, #tpu.memory_space<vmem>>, vector<1x16xf32>,
    %swap3A_7 = vector.shape_cast %swap3A_6 : vector<1x16xf32> to vector<16xf32>
    %swap3A_8 = vector.shape_cast %broadcast_in_dim3A_1 : vector<16xf32> to vector<1x16xf32>
    tpu.vector_store %arg11[%swap3A_4, %swap3A_5], %swap3A_8 {strides = array<i32>} : memref<128x128xf32, #tpu.memory_space<vmem>>, vector<1x16xf32>,
    %swap3A_9 = arith.constant 0 : i32
    %swap3A_10 = arith.index_cast %swap3A_9 : i32 to index
    %swap3A_11 = arith.constant 16 : index
    %swap3A_12 = tpu.vector_load %arg11[%swap3A_10, %swap3A_11] {strides = array<i32>} : memref<128x128xf32, #tpu.memory_space<vmem>>, vector<1x16xf32>,
    %swap3A_13 = vector.shape_cast %swap3A_12 : vector<1x16xf32> to vector<16xf32>
    %swap3A_14 = vector.shape_cast %broadcast_in_dim3A_1 : vector<16xf32> to vector<1x16xf32>
    tpu.vector_store %arg11[%swap3A_10, %swap3A_11], %swap3A_14 {strides = array<i32>} : memref<128x128xf32, #tpu.memory_space<vmem>>, vector<1x16xf32>,
    %swap3A_15 = arith.constant 0 : i32
    %swap3A_16 = arith.index_cast %swap3A_15 : i32 to index
    %swap3A_17 = arith.constant 32 : index
    %swap3A_18 = tpu.vector_load %arg11[%swap3A_16, %swap3A_17] {strides = array<i32>} : memref<128x128xf32, #tpu.memory_space<vmem>>, vector<1x16xf32>,
    %swap3A_19 = vector.shape_cast %swap3A_18 : vector<1x16xf32> to vector<16xf32>
    %swap3A_20 = vector.shape_cast %broadcast_in_dim3A_1 : vector<16xf32> to vector<1x16xf32>
    tpu.vector_store %arg11[%swap3A_16, %swap3A_17], %swap3A_20 {strides = array<i32>} : memref<128x128xf32, #tpu.memory_space<vmem>>, vector<1x16xf32>,
    %swap3A_21 = arith.constant 0 : i32
    %swap3A_22 = arith.index_cast %swap3A_21 : i32 to index
    %swap3A_23 = arith.constant 48 : index
    %swap3A_24 = tpu.vector_load %arg11[%swap3A_22, %swap3A_23] {strides = array<i32>} : memref<128x128xf32, #tpu.memory_space<vmem>>, vector<1x16xf32>,
    %swap3A_25 = vector.shape_cast %swap3A_24 : vector<1x16xf32> to vector<16xf32>
    %swap3A_26 = vector.shape_cast %broadcast_in_dim3A_1 : vector<16xf32> to vector<1x16xf32>
    tpu.vector_store %arg11[%swap3A_22, %swap3A_23], %swap3A_26 {strides = array<i32>} : memref<128x128xf32, #tpu.memory_space<vmem>>, vector<1x16xf32>,
    %swap3A_27 = arith.constant 0 : i32
    %swap3A_28 = arith.index_cast %swap3A_27 : i32 to index
    %swap3A_29 = arith.constant 64 : index
    %swap3A_30 = tpu.vector_load %arg11[%swap3A_28, %swap3A_29] {strides = array<i32>} : memref<128x128xf32, #tpu.memory_space<vmem>>, vector<1x16xf32>,
    %swap3A_31 = vector.shape_cast %swap3A_30 : vector<1x16xf32> to vector<16xf32>
    %swap3A_32 = vector.shape_cast %broadcast_in_dim3A_1 : vector<16xf32> to vector<1x16xf32>
    tpu.vector_store %arg11[%swap3A_28, %swap3A_29], %swap3A_32 {strides = array<i32>} : memref<128x128xf32, #tpu.memory_space<vmem>>, vector<1x16xf32>,
    %swap3A_33 = arith.constant 0 : i32
    %swap3A_34 = arith.index_cast %swap3A_33 : i32 to index
    %swap3A_35 = arith.constant 80 : index
    %swap3A_36 = tpu.vector_load %arg11[%swap3A_34, %swap3A_35] {strides = array<i32>} : memref<128x128xf32, #tpu.memory_space<vmem>>, vector<1x16xf32>,
    %swap3A_37 = vector.shape_cast %swap3A_36 : vector<1x16xf32> to vector<16xf32>
    %swap3A_38 = vector.shape_cast %broadcast_in_dim3A_1 : vector<16xf32> to vector<1x16xf32>
    tpu.vector_store %arg11[%swap3A_34, %swap3A_35], %swap3A_38 {strides = array<i32>} : memref<128x128xf32, #tpu.memory_space<vmem>>, vector<1x16xf32>,
    %swap3A_39 = arith.constant 0 : i32
    %swap3A_40 = arith.index_cast %swap3A_39 : i32 to index
    %swap3A_41 = arith.constant 96 : index
    %swap3A_42 = tpu.vector_load %arg11[%swap3A_40, %swap3A_41] {strides = array<i32>} : memref<128x128xf32, #tpu.memory_space<vmem>>, vector<1x16xf32>,
    %swap3A_43 = vector.shape_cast %swap3A_42 : vector<1x16xf32> to vector<16xf32>
    %swap3A_44 = vector.shape_cast %broadcast_in_dim3A_1 : vector<16xf32> to vector<1x16xf32>
    tpu.vector_store %arg11[%swap3A_40, %swap3A_41], %swap3A_44 {strides = array<i32>} : memref<128x128xf32, #tpu.memory_space<vmem>>, vector<1x16xf32>,
    %swap3A_45 = arith.constant 0 : i32
    %swap3A_46 = arith.index_cast %swap3A_45 : i32 to index
    %swap3A_47 = arith.constant 112 : index
    %swap3A_48 = tpu.vector_load %arg11[%swap3A_46, %swap3A_47] {strides = array<i32>} : memref<128x128xf32, #tpu.memory_space<vmem>>, vector<1x16xf32>,
    %swap3A_49 = vector.shape_cast %swap3A_48 : vector<1x16xf32> to vector<16xf32>
    %swap3A_50 = vector.shape_cast %broadcast_in_dim3A_1 : vector<16xf32> to vector<1x16xf32>
    tpu.vector_store %arg11[%swap3A_46, %swap3A_47], %swap3A_50 {strides = array<i32>} : memref<128x128xf32, #tpu.memory_space<vmem>>, vector<1x16xf32>,
    %swap3A_51 = arith.constant 1 : i32
    %swap3A_52 = arith.index_cast %swap3A_51 : i32 to index
    %swap3A_53 = arith.constant 0 : index
    %swap3A_54 = tpu.vector_load %arg11[%swap3A_52, %swap3A_53] {strides = array<i32>} : memref<128x128xf32, #tpu.memory_space<vmem>>, vector<1x16xf32>,
    %swap3A_55 = vector.shape_cast %swap3A_54 : vector<1x16xf32> to vector<16xf32>
    %swap3A_56 = vector.shape_cast %broadcast_in_dim3A_1 : vector<16xf32> to vector<1x16xf32>
    tpu.vector_store %arg11[%swap3A_52, %swap3A_53], %swap3A_56 {strides = array<i32>} : memref<128x128xf32, #tpu.memory_space<vmem>>, vector<1x16xf32>,
    %swap3A_57 = arith.constant 1 : i32
    %swap3A_58 = arith.index_cast %swap3A_57 : i32 to index
    %swap3A_59 = arith.constant 16 : index
    %swap3A_60 = tpu.vector_load %arg11[%swap3A_58, %swap3A_59] {strides = array<i32>} : memref<128x128xf32, #tpu.memory_space<vmem>>, vector<1x16xf32>,
    %swap3A_61 = vector.shape_cast %swap3A_60 : vector<1x16xf32> to vector<16xf32>
    %swap3A_62 = vector.shape_cast %broadcast_in_dim3A_1 : vector<16xf32> to vector<1x16xf32>
    tpu.vector_store %arg11[%swap3A_58, %swap3A_59], %swap3A_62 {strides = array<i32>} : memref<128x128xf32, #tpu.memory_space<vmem>>, vector<1x16xf32>,
    %swap3A_63 = arith.constant 1 : i32
    %swap3A_64 = arith.index_cast %swap3A_63 : i32 to index
    %swap3A_65 = arith.constant 32 : index
    %swap3A_66 = tpu.vector_load %arg11[%swap3A_64, %swap3A_65] {strides = array<i32>} : memref<128x128xf32, #tpu.memory_space<vmem>>, vector<1x16xf32>,
    %swap3A_67 = vector.shape_cast %swap3A_66 : vector<1x16xf32> to vector<16xf32>
    %swap3A_68 = vector.shape_cast %broadcast_in_dim3A_1 : vector<16xf32> to vector<1x16xf32>
    tpu.vector_store %arg11[%swap3A_64, %swap3A_65], %swap3A_68 {strides = array<i32>} : memref<128x128xf32, #tpu.memory_space<vmem>>, vector<1x16xf32>,
    %swap3A_69 = arith.constant 1 : i32
    %swap3A_70 = arith.index_cast %swap3A_69 : i32 to index
    %swap3A_71 = arith.constant 48 : index
    %swap3A_72 = tpu.vector_load %arg11[%swap3A_70, %swap3A_71] {strides = array<i32>} : memref<128x128xf32, #tpu.memory_space<vmem>>, vector<1x16xf32>,
    %swap3A_73 = vector.shape_cast %swap3A_72 : vector<1x16xf32> to vector<16xf32>
    %swap3A_74 = vector.shape_cast %broadcast_in_dim3A_1 : vector<16xf32> to vector<1x16xf32>
    tpu.vector_store %arg11[%swap3A_70, %swap3A_71], %swap3A_74 {strides = array<i32>} : memref<128x128xf32, #tpu.memory_space<vmem>>, vector<1x16xf32>,
    %swap3A_75 = arith.constant 1 : i32
    %swap3A_76 = arith.index_cast %swap3A_75 : i32 to index
    %swap3A_77 = arith.constant 64 : index
    %swap3A_78 = tpu.vector_load %arg11[%swap3A_76, %swap3A_77] {strides = array<i32>} : memref<128x128xf32, #tpu.memory_space<vmem>>, vector<1x16xf32>,
    %swap3A_79 = vector.shape_cast %swap3A_78 : vector<1x16xf32> to vector<16xf32>
    %swap3A_80 = vector.shape_cast %broadcast_in_dim3A_1 : vector<16xf32> to vector<1x16xf32>
    tpu.vector_store %arg11[%swap3A_76, %swap3A_77], %swap3A_80 {strides = array<i32>} : memref<128x128xf32, #tpu.memory_space<vmem>>, vector<1x16xf32>,
    %swap3A_81 = arith.constant 1 : i32
    %swap3A_82 = arith.index_cast %swap3A_81 : i32 to index
    %swap3A_83 = arith.constant 80 : index
    %swap3A_84 = tpu.vector_load %arg11[%swap3A_82, %swap3A_83] {strides = array<i32>} : memref<128x128xf32, #tpu.memory_space<vmem>>, vector<1x16xf32>,
    %swap3A_85 = vector.shape_cast %swap3A_84 : vector<1x16xf32> to vector<16xf32>
    %swap3A_86 = vector.shape_cast %broadcast_in_dim3A_1 : vector<16xf32> to vector<1x16xf32>
    tpu.vector_store %arg11[%swap3A_82, %swap3A_83], %swap3A_86 {strides = array<i32>} : memref<128x128xf32, #tpu.memory_space<vmem>>, vector<1x16xf32>,
    %swap3A_87 = arith.constant 1 : i32
    %swap3A_88 = arith.index_cast %swap3A_87 : i32 to index
    %swap3A_89 = arith.constant 96 : index
    %swap3A_90 = tpu.vector_load %arg11[%swap3A_88, %swap3A_89] {strides = array<i32>} : memref<128x128xf32, #tpu.memory_space<vmem>>, vector<1x16xf32>,
    %swap3A_91 = vector.shape_cast %swap3A_90 : vector<1x16xf32> to vector<16xf32>
    %swap3A_92 = vector.shape_cast %broadcast_in_dim3A_1 : vector<16xf32> to vector<1x16xf32>
    tpu.vector_store %arg11[%swap3A_88, %swap3A_89], %swap3A_92 {strides = array<i32>} : memref<128x128xf32, #tpu.memory_space<vmem>>, vector<1x16xf32>,
    %swap3A_93 = arith.constant 1 : i32
    %swap3A_94 = arith.index_cast %swap3A_93 : i32 to index
    %swap3A_95 = arith.constant 112 : index
    %swap3A_96 = tpu.vector_load %arg11[%swap3A_94, %swap3A_95] {strides = array<i32>} : memref<128x128xf32, #tpu.memory_space<vmem>>, vector<1x16xf32>,
    %swap3A_97 = vector.shape_cast %swap3A_96 : vector<1x16xf32> to vector<16xf32>
    %swap3A_98 = vector.shape_cast %broadcast_in_dim3A_1 : vector<16xf32> to vector<1x16xf32>
    tpu.vector_store %arg11[%swap3A_94, %swap3A_95], %swap3A_98 {strides = array<i32>} : memref<128x128xf32, #tpu.memory_space<vmem>>, vector<1x16xf32>,
    %swap3A_99 = arith.constant 2 : i32
    %swap3A_100 = arith.index_cast %swap3A_99 : i32 to index
    %swap3A_101 = arith.constant 0 : index
    %swap3A_102 = tpu.vector_load %arg11[%swap3A_100, %swap3A_101] {strides = array<i32>} : memref<128x128xf32, #tpu.memory_space<vmem>>, vector<1x16xf32>,
    %swap3A_103 = vector.shape_cast %swap3A_102 : vector<1x16xf32> to vector<16xf32>
    %swap3A_104 = vector.shape_cast %broadcast_in_dim3A_1 : vector<16xf32> to vector<1x16xf32>
    tpu.vector_store %arg11[%swap3A_100, %swap3A_101], %swap3A_104 {strides = array<i32>} : memref<128x128xf32, #tpu.memory_space<vmem>>, vector<1x16xf32>,
    %swap3A_105 = arith.constant 2 : i32
    %swap3A_106 = arith.index_cast %swap3A_105 : i32 to index
    %swap3A_107 = arith.constant 16 : index
    %swap3A_108 = tpu.vector_load %arg11[%swap3A_106, %swap3A_107] {strides = array<i32>} : memref<128x128xf32, #tpu.memory_space<vmem>>, vector<1x16xf32>,
    %swap3A_109 = vector.shape_cast %swap3A_108 : vector<1x16xf32> to vector<16xf32>
    %swap3A_110 = vector.shape_cast %broadcast_in_dim3A_1 : vector<16xf32> to vector<1x16xf32>
    tpu.vector_store %arg11[%swap3A_106, %swap3A_107], %swap3A_110 {strides = array<i32>} : memref<128x128xf32, #tpu.memory_space<vmem>>, vector<1x16xf32>,
    %swap3A_111 = arith.constant 2 : i32
    %swap3A_112 = arith.index_cast %swap3A_111 : i32 to index
    %swap3A_113 = arith.constant 32 : index
    %swap3A_114 = tpu.vector_load %arg11[%swap3A_112, %swap3A_113] {strides = array<i32>} : memref<128x128xf32, #tpu.memory_space<vmem>>, vector<1x16xf32>,
    %swap3A_115 = vector.shape_cast %swap3A_114 : vector<1x16xf32> to vector<16xf32>
    %swap3A_116 = vector.shape_cast %broadcast_in_dim3A_1 : vector<16xf32> to vector<1x16xf32>
    tpu.vector_store %arg11[%swap3A_112, %swap3A_113], %swap3A_116 {strides = array<i32>} : memref<128x128xf32, #tpu.memory_space<vmem>>, vector<1x16xf32>,
    %swap3A_117 = arith.constant 2 : i32
    %swap3A_118 = arith.index_cast %swap3A_117 : i32 to index
    %swap3A_119 = arith.constant 48 : index
    %swap3A_120 = tpu.vector_load %arg11[%swap3A_118, %swap3A_119] {strides = array<i32>} : memref<128x128xf32, #tpu.memory_space<vmem>>, vector<1x16xf32>,
    %swap3A_121 = vector.shape_cast %swap3A_120 : vector<1x16xf32> to vector<16xf32>
    %swap3A_122 = vector.shape_cast %broadcast_in_dim3A_1 : vector<16xf32> to vector<1x16xf32>
    tpu.vector_store %arg11[%swap3A_118, %swap3A_119], %swap3A_122 {strides = array<i32>} : memref<128x128xf32, #tpu.memory_space<vmem>>, vector<1x16xf32>,
    %swap3A_123 = arith.constant 2 : i32
    %swap3A_124 = arith.index_cast %swap3A_123 : i32 to index
    %swap3A_125 = arith.constant 64 : index
    %swap3A_126 = tpu.vector_load %arg11[%swap3A_124, %swap3A_125] {strides = array<i32>} : memref<128x128xf32, #tpu.memory_space<vmem>>, vector<1x16xf32>,
    %swap3A_127 = vector.shape_cast %swap3A_126 : vector<1x16xf32> to vector<16xf32>
    %swap3A_128 = vector.shape_cast %broadcast_in_dim3A_1 : vector<16xf32> to vector<1x16xf32>
    tpu.vector_store %arg11[%swap3A_124, %swap3A_125], %swap3A_128 {strides = array<i32>} : memref<128x128xf32, #tpu.memory_space<vmem>>, vector<1x16xf32>,
    %swap3A_129 = arith.constant 2 : i32
    %swap3A_130 = arith.index_cast %swap3A_129 : i32 to index
    %swap3A_131 = arith.constant 80 : index
    %swap3A_132 = tpu.vector_load %arg11[%swap3A_130, %swap3A_131] {strides = array<i32>} : memref<128x128xf32, #tpu.memory_space<vmem>>, vector<1x16xf32>,
    %swap3A_133 = vector.shape_cast %swap3A_132 : vector<1x16xf32> to vector<16xf32>
    %swap3A_134 = vector.shape_cast %broadcast_in_dim3A_1 : vector<16xf32> to vector<1x16xf32>
    tpu.vector_store %arg11[%swap3A_130, %swap3A_131], %swap3A_134 {strides = array<i32>} : memref<128x128xf32, #tpu.memory_space<vmem>>, vector<1x16xf32>,
    %swap3A_135 = arith.constant 2 : i32
    %swap3A_136 = arith.index_cast %swap3A_135 : i32 to index
    %swap3A_137 = arith.constant 96 : index
    %swap3A_138 = tpu.vector_load %arg11[%swap3A_136, %swap3A_137] {strides = array<i32>} : memref<128x128xf32, #tpu.memory_space<vmem>>, vector<1x16xf32>,
    %swap3A_139 = vector.shape_cast %swap3A_138 : vector<1x16xf32> to vector<16xf32>
    %swap3A_140 = vector.shape_cast %broadcast_in_dim3A_1 : vector<16xf32> to vector<1x16xf32>
    tpu.vector_store %arg11[%swap3A_136, %swap3A_137], %swap3A_140 {strides = array<i32>} : memref<128x128xf32, #tpu.memory_space<vmem>>, vector<1x16xf32>,
    %swap3A_141 = arith.constant 2 : i32
    %swap3A_142 = arith.index_cast %swap3A_141 : i32 to index
    %swap3A_143 = arith.constant 112 : index
    %swap3A_144 = tpu.vector_load %arg11[%swap3A_142, %swap3A_143] {strides = array<i32>} : memref<128x128xf32, #tpu.memory_space<vmem>>, vector<1x16xf32>,
    %swap3A_145 = vector.shape_cast %swap3A_144 : vector<1x16xf32> to vector<16xf32>
    %swap3A_146 = vector.shape_cast %broadcast_in_dim3A_1 : vector<16xf32> to vector<1x16xf32>
    tpu.vector_store %arg11[%swap3A_142, %swap3A_143], %swap3A_146 {strides = array<i32>} : memref<128x128xf32, #tpu.memory_space<vmem>>, vector<1x16xf32>,
    %swap3A_147 = arith.constant 3 : i32
    %swap3A_148 = arith.index_cast %swap3A_147 : i32 to index
    %swap3A_149 = arith.constant 0 : index
    %swap3A_150 = tpu.vector_load %arg11[%swap3A_148, %swap3A_149] {strides = array<i32>} : memref<128x128xf32, #tpu.memory_space<vmem>>, vector<1x16xf32>,
    %swap3A_151 = vector.shape_cast %swap3A_150 : vector<1x16xf32> to vector<16xf32>
    %swap3A_152 = vector.shape_cast %broadcast_in_dim3A_1 : vector<16xf32> to vector<1x16xf32>
    tpu.vector_store %arg11[%swap3A_148, %swap3A_149], %swap3A_152 {strides = array<i32>} : memref<128x128xf32, #tpu.memory_space<vmem>>, vector<1x16xf32>,
    %swap3A_153 = arith.constant 3 : i32
    %swap3A_154 = arith.index_cast %swap3A_153 : i32 to index
    %swap3A_155 = arith.constant 16 : index
    %swap3A_156 = tpu.vector_load %arg11[%swap3A_154, %swap3A_155] {strides = array<i32>} : memref<128x128xf32, #tpu.memory_space<vmem>>, vector<1x16xf32>,
    %swap3A_157 = vector.shape_cast %swap3A_156 : vector<1x16xf32> to vector<16xf32>
    %swap3A_158 = vector.shape_cast %broadcast_in_dim3A_1 : vector<16xf32> to vector<1x16xf32>
    tpu.vector_store %arg11[%swap3A_154, %swap3A_155], %swap3A_158 {strides = array<i32>} : memref<128x128xf32, #tpu.memory_space<vmem>>, vector<1x16xf32>,
    %swap3A_159 = arith.constant 3 : i32
    %swap3A_160 = arith.index_cast %swap3A_159 : i32 to index
    %swap3A_161 = arith.constant 32 : index
    %swap3A_162 = tpu.vector_load %arg11[%swap3A_160, %swap3A_161] {strides = array<i32>} : memref<128x128xf32, #tpu.memory_space<vmem>>, vector<1x16xf32>,
    %swap3A_163 = vector.shape_cast %swap3A_162 : vector<1x16xf32> to vector<16xf32>
    %swap3A_164 = vector.shape_cast %broadcast_in_dim3A_1 : vector<16xf32> to vector<1x16xf32>
    tpu.vector_store %arg11[%swap3A_160, %swap3A_161], %swap3A_164 {strides = array<i32>} : memref<128x128xf32, #tpu.memory_space<vmem>>, vector<1x16xf32>,
    %swap3A_165 = arith.constant 3 : i32
    %swap3A_166 = arith.index_cast %swap3A_165 : i32 to index
    %swap3A_167 = arith.constant 48 : index
    %swap3A_168 = tpu.vector_load %arg11[%swap3A_166, %swap3A_167] {strides = array<i32>} : memref<128x128xf32, #tpu.memory_space<vmem>>, vector<1x16xf32>,
    %swap3A_169 = vector.shape_cast %swap3A_168 : vector<1x16xf32> to vector<16xf32>
    %swap3A_170 = vector.shape_cast %broadcast_in_dim3A_1 : vector<16xf32> to vector<1x16xf32>
    tpu.vector_store %arg11[%swap3A_166, %swap3A_167], %swap3A_170 {strides = array<i32>} : memref<128x128xf32, #tpu.memory_space<vmem>>, vector<1x16xf32>,
    %swap3A_171 = arith.constant 3 : i32
    %swap3A_172 = arith.index_cast %swap3A_171 : i32 to index
    %swap3A_173 = arith.constant 64 : index
    %swap3A_174 = tpu.vector_load %arg11[%swap3A_172, %swap3A_173] {strides = array<i32>} : memref<128x128xf32, #tpu.memory_space<vmem>>, vector<1x16xf32>,
    %swap3A_175 = vector.shape_cast %swap3A_174 : vector<1x16xf32> to vector<16xf32>
    %swap3A_176 = vector.shape_cast %broadcast_in_dim3A_1 : vector<16xf32> to vector<1x16xf32>
    tpu.vector_store %arg11[%swap3A_172, %swap3A_173], %swap3A_176 {strides = array<i32>} : memref<128x128xf32, #tpu.memory_space<vmem>>, vector<1x16xf32>,
    %swap3A_177 = arith.constant 3 : i32
    %swap3A_178 = arith.index_cast %swap3A_177 : i32 to index
    %swap3A_179 = arith.constant 80 : index
    %swap3A_180 = tpu.vector_load %arg11[%swap3A_178, %swap3A_179] {strides = array<i32>} : memref<128x128xf32, #tpu.memory_space<vmem>>, vector<1x16xf32>,
    %swap3A_181 = vector.shape_cast %swap3A_180 : vector<1x16xf32> to vector<16xf32>
    %swap3A_182 = vector.shape_cast %broadcast_in_dim3A_1 : vector<16xf32> to vector<1x16xf32>
    tpu.vector_store %arg11[%swap3A_178, %swap3A_179], %swap3A_182 {strides = array<i32>} : memref<128x128xf32, #tpu.memory_space<vmem>>, vector<1x16xf32>,
    %swap3A_183 = arith.constant 3 : i32
    %swap3A_184 = arith.index_cast %swap3A_183 : i32 to index
    %swap3A_185 = arith.constant 96 : index
    %swap3A_186 = tpu.vector_load %arg11[%swap3A_184, %swap3A_185] {strides = array<i32>} : memref<128x128xf32, #tpu.memory_space<vmem>>, vector<1x16xf32>,
    %swap3A_187 = vector.shape_cast %swap3A_186 : vector<1x16xf32> to vector<16xf32>
    %swap3A_188 = vector.shape_cast %broadcast_in_dim3A_1 : vector<16xf32> to vector<1x16xf32>
    tpu.vector_store %arg11[%swap3A_184, %swap3A_185], %swap3A_188 {strides = array<i32>} : memref<128x128xf32, #tpu.memory_space<vmem>>, vector<1x16xf32>,
    %swap3A_189 = arith.constant 3 : i32
    %swap3A_190 = arith.index_cast %swap3A_189 : i32 to index
    %swap3A_191 = arith.constant 112 : index
    %swap3A_192 = tpu.vector_load %arg11[%swap3A_190, %swap3A_191] {strides = array<i32>} : memref<128x128xf32, #tpu.memory_space<vmem>>, vector<1x16xf32>,
    %swap3A_193 = vector.shape_cast %swap3A_192 : vector<1x16xf32> to vector<16xf32>
    %swap3A_194 = vector.shape_cast %broadcast_in_dim3A_1 : vector<16xf32> to vector<1x16xf32>
    tpu.vector_store %arg11[%swap3A_190, %swap3A_191], %swap3A_194 {strides = array<i32>} : memref<128x128xf32, #tpu.memory_space<vmem>>, vector<1x16xf32>,
    %swap3A_195 = arith.constant 4 : i32
    %swap3A_196 = arith.index_cast %swap3A_195 : i32 to index
    %swap3A_197 = arith.constant 0 : index
    %swap3A_198 = tpu.vector_load %arg11[%swap3A_196, %swap3A_197] {strides = array<i32>} : memref<128x128xf32, #tpu.memory_space<vmem>>, vector<1x16xf32>,
    %swap3A_199 = vector.shape_cast %swap3A_198 : vector<1x16xf32> to vector<16xf32>
    %swap3A_200 = vector.shape_cast %broadcast_in_dim3A_1 : vector<16xf32> to vector<1x16xf32>
    tpu.vector_store %arg11[%swap3A_196, %swap3A_197], %swap3A_200 {strides = array<i32>} : memref<128x128xf32, #tpu.memory_space<vmem>>, vector<1x16xf32>,
    %swap3A_201 = arith.constant 4 : i32
    %swap3A_202 = arith.index_cast %swap3A_201 : i32 to index
    %swap3A_203 = arith.constant 16 : index
    %swap3A_204 = tpu.vector_load %arg11[%swap3A_202, %swap3A_203] {strides = array<i32>} : memref<128x128xf32, #tpu.memory_space<vmem>>, vector<1x16xf32>,
    %swap3A_205 = vector.shape_cast %swap3A_204 : vector<1x16xf32> to vector<16xf32>
    %swap3A_206 = vector.shape_cast %broadcast_in_dim3A_1 : vector<16xf32> to vector<1x16xf32>
    tpu.vector_store %arg11[%swap3A_202, %swap3A_203], %swap3A_206 {strides = array<i32>} : memref<128x128xf32, #tpu.memory_space<vmem>>, vector<1x16xf32>,
    %swap3A_207 = arith.constant 4 : i32
    %swap3A_208 = arith.index_cast %swap3A_207 : i32 to index
    %swap3A_209 = arith.constant 32 : index
    %swap3A_210 = tpu.vector_load %arg11[%swap3A_208, %swap3A_209] {strides = array<i32>} : memref<128x128xf32, #tpu.memory_space<vmem>>, vector<1x16xf32>,
    %swap3A_211 = vector.shape_cast %swap3A_210 : vector<1x16xf32> to vector<16xf32>
    %swap3A_212 = vector.shape_cast %broadcast_in_dim3A_1 : vector<16xf32> to vector<1x16xf32>
    tpu.vector_store %arg11[%swap3A_208, %swap3A_209], %swap3A_212 {strides = array<i32>} : memref<128x128xf32, #tpu.memory_space<vmem>>, vector<1x16xf32>,
    %swap3A_213 = arith.constant 4 : i32
    %swap3A_214 = arith.index_cast %swap3A_213 : i32 to index
    %swap3A_215 = arith.constant 48 : index
    %swap3A_216 = tpu.vector_load %arg11[%swap3A_214, %swap3A_215] {strides = array<i32>} : memref<128x128xf32, #tpu.memory_space<vmem>>, vector<1x16xf32>,
    %swap3A_217 = vector.shape_cast %swap3A_216 : vector<1x16xf32> to vector<16xf32>
    %swap3A_218 = vector.shape_cast %broadcast_in_dim3A_1 : vector<16xf32> to vector<1x16xf32>
    tpu.vector_store %arg11[%swap3A_214, %swap3A_215], %swap3A_218 {strides = array<i32>} : memref<128x128xf32, #tpu.memory_space<vmem>>, vector<1x16xf32>,
    %swap3A_219 = arith.constant 4 : i32
    %swap3A_220 = arith.index_cast %swap3A_219 : i32 to index
    %swap3A_221 = arith.constant 64 : index
    %swap3A_222 = tpu.vector_load %arg11[%swap3A_220, %swap3A_221] {strides = array<i32>} : memref<128x128xf32, #tpu.memory_space<vmem>>, vector<1x16xf32>,
    %swap3A_223 = vector.shape_cast %swap3A_222 : vector<1x16xf32> to vector<16xf32>
    %swap3A_224 = vector.shape_cast %broadcast_in_dim3A_1 : vector<16xf32> to vector<1x16xf32>
    tpu.vector_store %arg11[%swap3A_220, %swap3A_221], %swap3A_224 {strides = array<i32>} : memref<128x128xf32, #tpu.memory_space<vmem>>, vector<1x16xf32>,
    %swap3A_225 = arith.constant 4 : i32
    %swap3A_226 = arith.index_cast %swap3A_225 : i32 to index
    %swap3A_227 = arith.constant 80 : index
    %swap3A_228 = tpu.vector_load %arg11[%swap3A_226, %swap3A_227] {strides = array<i32>} : memref<128x128xf32, #tpu.memory_space<vmem>>, vector<1x16xf32>,
    %swap3A_229 = vector.shape_cast %swap3A_228 : vector<1x16xf32> to vector<16xf32>
    %swap3A_230 = vector.shape_cast %broadcast_in_dim3A_1 : vector<16xf32> to vector<1x16xf32>
    tpu.vector_store %arg11[%swap3A_226, %swap3A_227], %swap3A_230 {strides = array<i32>} : memref<128x128xf32, #tpu.memory_space<vmem>>, vector<1x16xf32>,
    %swap3A_231 = arith.constant 4 : i32
    %swap3A_232 = arith.index_cast %swap3A_231 : i32 to index
    %swap3A_233 = arith.constant 96 : index
    %swap3A_234 = tpu.vector_load %arg11[%swap3A_232, %swap3A_233] {strides = array<i32>} : memref<128x128xf32, #tpu.memory_space<vmem>>, vector<1x16xf32>,
    %swap3A_235 = vector.shape_cast %swap3A_234 : vector<1x16xf32> to vector<16xf32>
    %swap3A_236 = vector.shape_cast %broadcast_in_dim3A_1 : vector<16xf32> to vector<1x16xf32>
    tpu.vector_store %arg11[%swap3A_232, %swap3A_233], %swap3A_236 {strides = array<i32>} : memref<128x128xf32, #tpu.memory_space<vmem>>, vector<1x16xf32>,
    %swap3A_237 = arith.constant 4 : i32
    %swap3A_238 = arith.index_cast %swap3A_237 : i32 to index
    %swap3A_239 = arith.constant 112 : index
    %swap3A_240 = tpu.vector_load %arg11[%swap3A_238, %swap3A_239] {strides = array<i32>} : memref<128x128xf32, #tpu.memory_space<vmem>>, vector<1x16xf32>,
    %swap3A_241 = vector.shape_cast %swap3A_240 : vector<1x16xf32> to vector<16xf32>
    %swap3A_242 = vector.shape_cast %broadcast_in_dim3A_1 : vector<16xf32> to vector<1x16xf32>
    tpu.vector_store %arg11[%swap3A_238, %swap3A_239], %swap3A_242 {strides = array<i32>} : memref<128x128xf32, #tpu.memory_space<vmem>>, vector<1x16xf32>,
    %swap3A_243 = arith.constant 5 : i32
    %swap3A_244 = arith.index_cast %swap3A_243 : i32 to index
    %swap3A_245 = arith.constant 0 : index
    %swap3A_246 = tpu.vector_load %arg11[%swap3A_244, %swap3A_245] {strides = array<i32>} : memref<128x128xf32, #tpu.memory_space<vmem>>, vector<1x16xf32>,
    %swap3A_247 = vector.shape_cast %swap3A_246 : vector<1x16xf32> to vector<16xf32>
    %swap3A_248 = vector.shape_cast %broadcast_in_dim3A_1 : vector<16xf32> to vector<1x16xf32>
    tpu.vector_store %arg11[%swap3A_244, %swap3A_245], %swap3A_248 {strides = array<i32>} : memref<128x128xf32, #tpu.memory_space<vmem>>, vector<1x16xf32>,
    %swap3A_249 = arith.constant 5 : i32
    %swap3A_250 = arith.index_cast %swap3A_249 : i32 to index
    %swap3A_251 = arith.constant 16 : index
    %swap3A_252 = tpu.vector_load %arg11[%swap3A_250, %swap3A_251] {strides = array<i32>} : memref<128x128xf32, #tpu.memory_space<vmem>>, vector<1x16xf32>,
    %swap3A_253 = vector.shape_cast %swap3A_252 : vector<1x16xf32> to vector<16xf32>
    %swap3A_254 = vector.shape_cast %broadcast_in_dim3A_1 : vector<16xf32> to vector<1x16xf32>
    tpu.vector_store %arg11[%swap3A_250, %swap3A_251], %swap3A_254 {strides = array<i32>} : memref<128x128xf32, #tpu.memory_space<vmem>>, vector<1x16xf32>,
    %swap3A_255 = arith.constant 5 : i32
    %swap3A_256 = arith.index_cast %swap3A_255 : i32 to index
    %swap3A_257 = arith.constant 32 : index
    %swap3A_258 = tpu.vector_load %arg11[%swap3A_256, %swap3A_257] {strides = array<i32>} : memref<128x128xf32, #tpu.memory_space<vmem>>, vector<1x16xf32>,
    %swap3A_259 = vector.shape_cast %swap3A_258 : vector<1x16xf32> to vector<16xf32>
    %swap3A_260 = vector.shape_cast %broadcast_in_dim3A_1 : vector<16xf32> to vector<1x16xf32>
    tpu.vector_store %arg11[%swap3A_256, %swap3A_257], %swap3A_260 {strides = array<i32>} : memref<128x128xf32, #tpu.memory_space<vmem>>, vector<1x16xf32>,
    %swap3A_261 = arith.constant 5 : i32
    %swap3A_262 = arith.index_cast %swap3A_261 : i32 to index
    %swap3A_263 = arith.constant 48 : index
    %swap3A_264 = tpu.vector_load %arg11[%swap3A_262, %swap3A_263] {strides = array<i32>} : memref<128x128xf32, #tpu.memory_space<vmem>>, vector<1x16xf32>,
    %swap3A_265 = vector.shape_cast %swap3A_264 : vector<1x16xf32> to vector<16xf32>
    %swap3A_266 = vector.shape_cast %broadcast_in_dim3A_1 : vector<16xf32> to vector<1x16xf32>
    tpu.vector_store %arg11[%swap3A_262, %swap3A_263], %swap3A_266 {strides = array<i32>} : memref<128x128xf32, #tpu.memory_space<vmem>>, vector<1x16xf32>,
    %swap3A_267 = arith.constant 5 : i32
    %swap3A_268 = arith.index_cast %swap3A_267 : i32 to index
    %swap3A_269 = arith.constant 64 : index
    %swap3A_270 = tpu.vector_load %arg11[%swap3A_268, %swap3A_269] {strides = array<i32>} : memref<128x128xf32, #tpu.memory_space<vmem>>, vector<1x16xf32>,
    %swap3A_271 = vector.shape_cast %swap3A_270 : vector<1x16xf32> to vector<16xf32>
    %swap3A_272 = vector.shape_cast %broadcast_in_dim3A_1 : vector<16xf32> to vector<1x16xf32>
    tpu.vector_store %arg11[%swap3A_268, %swap3A_269], %swap3A_272 {strides = array<i32>} : memref<128x128xf32, #tpu.memory_space<vmem>>, vector<1x16xf32>,
    %swap3A_273 = arith.constant 5 : i32
    %swap3A_274 = arith.index_cast %swap3A_273 : i32 to index
    %swap3A_275 = arith.constant 80 : index
    %swap3A_276 = tpu.vector_load %arg11[%swap3A_274, %swap3A_275] {strides = array<i32>} : memref<128x128xf32, #tpu.memory_space<vmem>>, vector<1x16xf32>,
    %swap3A_277 = vector.shape_cast %swap3A_276 : vector<1x16xf32> to vector<16xf32>
    %swap3A_278 = vector.shape_cast %broadcast_in_dim3A_1 : vector<16xf32> to vector<1x16xf32>
    tpu.vector_store %arg11[%swap3A_274, %swap3A_275], %swap3A_278 {strides = array<i32>} : memref<128x128xf32, #tpu.memory_space<vmem>>, vector<1x16xf32>,
    %swap3A_279 = arith.constant 5 : i32
    %swap3A_280 = arith.index_cast %swap3A_279 : i32 to index
    %swap3A_281 = arith.constant 96 : index
    %swap3A_282 = tpu.vector_load %arg11[%swap3A_280, %swap3A_281] {strides = array<i32>} : memref<128x128xf32, #tpu.memory_space<vmem>>, vector<1x16xf32>,
    %swap3A_283 = vector.shape_cast %swap3A_282 : vector<1x16xf32> to vector<16xf32>
    %swap3A_284 = vector.shape_cast %broadcast_in_dim3A_1 : vector<16xf32> to vector<1x16xf32>
    tpu.vector_store %arg11[%swap3A_280, %swap3A_281], %swap3A_284 {strides = array<i32>} : memref<128x128xf32, #tpu.memory_space<vmem>>, vector<1x16xf32>,
    %swap3A_285 = arith.constant 5 : i32
    %swap3A_286 = arith.index_cast %swap3A_285 : i32 to index
    %swap3A_287 = arith.constant 112 : index
    %swap3A_288 = tpu.vector_load %arg11[%swap3A_286, %swap3A_287] {strides = array<i32>} : memref<128x128xf32, #tpu.memory_space<vmem>>, vector<1x16xf32>,
    %swap3A_289 = vector.shape_cast %swap3A_288 : vector<1x16xf32> to vector<16xf32>
    %swap3A_290 = vector.shape_cast %broadcast_in_dim3A_1 : vector<16xf32> to vector<1x16xf32>
    tpu.vector_store %arg11[%swap3A_286, %swap3A_287], %swap3A_290 {strides = array<i32>} : memref<128x128xf32, #tpu.memory_space<vmem>>, vector<1x16xf32>,
    %swap3A_291 = arith.constant 6 : i32
    %swap3A_292 = arith.index_cast %swap3A_291 : i32 to index
    %swap3A_293 = arith.constant 0 : index
    %swap3A_294 = tpu.vector_load %arg11[%swap3A_292, %swap3A_293] {strides = array<i32>} : memref<128x128xf32, #tpu.memory_space<vmem>>, vector<1x16xf32>,
    %swap3A_295 = vector.shape_cast %swap3A_294 : vector<1x16xf32> to vector<16xf32>
    %swap3A_296 = vector.shape_cast %broadcast_in_dim3A_1 : vector<16xf32> to vector<1x16xf32>
    tpu.vector_store %arg11[%swap3A_292, %swap3A_293], %swap3A_296 {strides = array<i32>} : memref<128x128xf32, #tpu.memory_space<vmem>>, vector<1x16xf32>,
    %swap3A_297 = arith.constant 6 : i32
    %swap3A_298 = arith.index_cast %swap3A_297 : i32 to index
    %swap3A_299 = arith.constant 16 : index
    %swap3A_300 = tpu.vector_load %arg11[%swap3A_298, %swap3A_299] {strides = array<i32>} : memref<128x128xf32, #tpu.memory_space<vmem>>, vector<1x16xf32>,
    %swap3A_301 = vector.shape_cast %swap3A_300 : vector<1x16xf32> to vector<16xf32>
    %swap3A_302 = vector.shape_cast %broadcast_in_dim3A_1 : vector<16xf32> to vector<1x16xf32>
    tpu.vector_store %arg11[%swap3A_298, %swap3A_299], %swap3A_302 {strides = array<i32>} : memref<128x128xf32, #tpu.memory_space<vmem>>, vector<1x16xf32>,
    %swap3A_303 = arith.constant 6 : i32
    %swap3A_304 = arith.index_cast %swap3A_303 : i32 to index
    %swap3A_305 = arith.constant 32 : index
    %swap3A_306 = tpu.vector_load %arg11[%swap3A_304, %swap3A_305] {strides = array<i32>} : memref<128x128xf32, #tpu.memory_space<vmem>>, vector<1x16xf32>,
    %swap3A_307 = vector.shape_cast %swap3A_306 : vector<1x16xf32> to vector<16xf32>
    %swap3A_308 = vector.shape_cast %broadcast_in_dim3A_1 : vector<16xf32> to vector<1x16xf32>
    tpu.vector_store %arg11[%swap3A_304, %swap3A_305], %swap3A_308 {strides = array<i32>} : memref<128x128xf32, #tpu.memory_space<vmem>>, vector<1x16xf32>,
    %swap3A_309 = arith.constant 6 : i32
    %swap3A_310 = arith.index_cast %swap3A_309 : i32 to index
    %swap3A_311 = arith.constant 48 : index
    %swap3A_312 = tpu.vector_load %arg11[%swap3A_310, %swap3A_311] {strides = array<i32>} : memref<128x128xf32, #tpu.memory_space<vmem>>, vector<1x16xf32>,
    %swap3A_313 = vector.shape_cast %swap3A_312 : vector<1x16xf32> to vector<16xf32>
    %swap3A_314 = vector.shape_cast %broadcast_in_dim3A_1 : vector<16xf32> to vector<1x16xf32>
    tpu.vector_store %arg11[%swap3A_310, %swap3A_311], %swap3A_314 {strides = array<i32>} : memref<128x128xf32, #tpu.memory_space<vmem>>, vector<1x16xf32>,
    %swap3A_315 = arith.constant 6 : i32
    %swap3A_316 = arith.index_cast %swap3A_315 : i32 to index
    %swap3A_317 = arith.constant 64 : index
    %swap3A_318 = tpu.vector_load %arg11[%swap3A_316, %swap3A_317] {strides = array<i32>} : memref<128x128xf32, #tpu.memory_space<vmem>>, vector<1x16xf32>,
    %swap3A_319 = vector.shape_cast %swap3A_318 : vector<1x16xf32> to vector<16xf32>
    %swap3A_320 = vector.shape_cast %broadcast_in_dim3A_1 : vector<16xf32> to vector<1x16xf32>
    tpu.vector_store %arg11[%swap3A_316, %swap3A_317], %swap3A_320 {strides = array<i32>} : memref<128x128xf32, #tpu.memory_space<vmem>>, vector<1x16xf32>,
    %swap3A_321 = arith.constant 6 : i32
    %swap3A_322 = arith.index_cast %swap3A_321 : i32 to index
    %swap3A_323 = arith.constant 80 : index
    %swap3A_324 = tpu.vector_load %arg11[%swap3A_322, %swap3A_323] {strides = array<i32>} : memref<128x128xf32, #tpu.memory_space<vmem>>, vector<1x16xf32>,
    %swap3A_325 = vector.shape_cast %swap3A_324 : vector<1x16xf32> to vector<16xf32>
    %swap3A_326 = vector.shape_cast %broadcast_in_dim3A_1 : vector<16xf32> to vector<1x16xf32>
    tpu.vector_store %arg11[%swap3A_322, %swap3A_323], %swap3A_326 {strides = array<i32>} : memref<128x128xf32, #tpu.memory_space<vmem>>, vector<1x16xf32>,
    %swap3A_327 = arith.constant 6 : i32
    %swap3A_328 = arith.index_cast %swap3A_327 : i32 to index
    %swap3A_329 = arith.constant 96 : index
    %swap3A_330 = tpu.vector_load %arg11[%swap3A_328, %swap3A_329] {strides = array<i32>} : memref<128x128xf32, #tpu.memory_space<vmem>>, vector<1x16xf32>,
    %swap3A_331 = vector.shape_cast %swap3A_330 : vector<1x16xf32> to vector<16xf32>
    %swap3A_332 = vector.shape_cast %broadcast_in_dim3A_1 : vector<16xf32> to vector<1x16xf32>
    tpu.vector_store %arg11[%swap3A_328, %swap3A_329], %swap3A_332 {strides = array<i32>} : memref<128x128xf32, #tpu.memory_space<vmem>>, vector<1x16xf32>,
    %swap3A_333 = arith.constant 6 : i32
    %swap3A_334 = arith.index_cast %swap3A_333 : i32 to index
    %swap3A_335 = arith.constant 112 : index
    %swap3A_336 = tpu.vector_load %arg11[%swap3A_334, %swap3A_335] {strides = array<i32>} : memref<128x128xf32, #tpu.memory_space<vmem>>, vector<1x16xf32>,
    %swap3A_337 = vector.shape_cast %swap3A_336 : vector<1x16xf32> to vector<16xf32>
    %swap3A_338 = vector.shape_cast %broadcast_in_dim3A_1 : vector<16xf32> to vector<1x16xf32>
    tpu.vector_store %arg11[%swap3A_334, %swap3A_335], %swap3A_338 {strides = array<i32>} : memref<128x128xf32, #tpu.memory_space<vmem>>, vector<1x16xf32>,
    %swap3A_339 = arith.constant 7 : i32
    %swap3A_340 = arith.index_cast %swap3A_339 : i32 to index
    %swap3A_341 = arith.constant 0 : index
    %swap3A_342 = tpu.vector_load %arg11[%swap3A_340, %swap3A_341] {strides = array<i32>} : memref<128x128xf32, #tpu.memory_space<vmem>>, vector<1x16xf32>,
    %swap3A_343 = vector.shape_cast %swap3A_342 : vector<1x16xf32> to vector<16xf32>
    %swap3A_344 = vector.shape_cast %broadcast_in_dim3A_1 : vector<16xf32> to vector<1x16xf32>
    tpu.vector_store %arg11[%swap3A_340, %swap3A_341], %swap3A_344 {strides = array<i32>} : memref<128x128xf32, #tpu.memory_space<vmem>>, vector<1x16xf32>,
    %swap3A_345 = arith.constant 7 : i32
    %swap3A_346 = arith.index_cast %swap3A_345 : i32 to index
    %swap3A_347 = arith.constant 16 : index
    %swap3A_348 = tpu.vector_load %arg11[%swap3A_346, %swap3A_347] {strides = array<i32>} : memref<128x128xf32, #tpu.memory_space<vmem>>, vector<1x16xf32>,
    %swap3A_349 = vector.shape_cast %swap3A_348 : vector<1x16xf32> to vector<16xf32>
    %swap3A_350 = vector.shape_cast %broadcast_in_dim3A_1 : vector<16xf32> to vector<1x16xf32>
    tpu.vector_store %arg11[%swap3A_346, %swap3A_347], %swap3A_350 {strides = array<i32>} : memref<128x128xf32, #tpu.memory_space<vmem>>, vector<1x16xf32>,
    %swap3A_351 = arith.constant 7 : i32
    %swap3A_352 = arith.index_cast %swap3A_351 : i32 to index
    %swap3A_353 = arith.constant 32 : index
    %swap3A_354 = tpu.vector_load %arg11[%swap3A_352, %swap3A_353] {strides = array<i32>} : memref<128x128xf32, #tpu.memory_space<vmem>>, vector<1x16xf32>,
    %swap3A_355 = vector.shape_cast %swap3A_354 : vector<1x16xf32> to vector<16xf32>
    %swap3A_356 = vector.shape_cast %broadcast_in_dim3A_1 : vector<16xf32> to vector<1x16xf32>
    tpu.vector_store %arg11[%swap3A_352, %swap3A_353], %swap3A_356 {strides = array<i32>} : memref<128x128xf32, #tpu.memory_space<vmem>>, vector<1x16xf32>,
    %swap3A_357 = arith.constant 7 : i32
    %swap3A_358 = arith.index_cast %swap3A_357 : i32 to index
    %swap3A_359 = arith.constant 48 : index
    %swap3A_360 = tpu.vector_load %arg11[%swap3A_358, %swap3A_359] {strides = array<i32>} : memref<128x128xf32, #tpu.memory_space<vmem>>, vector<1x16xf32>,
    %swap3A_361 = vector.shape_cast %swap3A_360 : vector<1x16xf32> to vector<16xf32>
    %swap3A_362 = vector.shape_cast %broadcast_in_dim3A_1 : vector<16xf32> to vector<1x16xf32>
    tpu.vector_store %arg11[%swap3A_358, %swap3A_359], %swap3A_362 {strides = array<i32>} : memref<128x128xf32, #tpu.memory_space<vmem>>, vector<1x16xf32>,
    %swap3A_363 = arith.constant 7 : i32
    %swap3A_364 = arith.index_cast %swap3A_363 : i32 to index
    %swap3A_365 = arith.constant 64 : index
    %swap3A_366 = tpu.vector_load %arg11[%swap3A_364, %swap3A_365] {strides = array<i32>} : memref<128x128xf32, #tpu.memory_space<vmem>>, vector<1x16xf32>,
    %swap3A_367 = vector.shape_cast %swap3A_366 : vector<1x16xf32> to vector<16xf32>
    %swap3A_368 = vector.shape_cast %broadcast_in_dim3A_1 : vector<16xf32> to vector<1x16xf32>
    tpu.vector_store %arg11[%swap3A_364, %swap3A_365], %swap3A_368 {strides = array<i32>} : memref<128x128xf32, #tpu.memory_space<vmem>>, vector<1x16xf32>,
    %swap3A_369 = arith.constant 7 : i32
    %swap3A_370 = arith.index_cast %swap3A_369 : i32 to index
    %swap3A_371 = arith.constant 80 : index
    %swap3A_372 = tpu.vector_load %arg11[%swap3A_370, %swap3A_371] {strides = array<i32>} : memref<128x128xf32, #tpu.memory_space<vmem>>, vector<1x16xf32>,
    %swap3A_373 = vector.shape_cast %swap3A_372 : vector<1x16xf32> to vector<16xf32>
    %swap3A_374 = vector.shape_cast %broadcast_in_dim3A_1 : vector<16xf32> to vector<1x16xf32>
    tpu.vector_store %arg11[%swap3A_370, %swap3A_371], %swap3A_374 {strides = array<i32>} : memref<128x128xf32, #tpu.memory_space<vmem>>, vector<1x16xf32>,
    %swap3A_375 = arith.constant 7 : i32
    %swap3A_376 = arith.index_cast %swap3A_375 : i32 to index
    %swap3A_377 = arith.constant 96 : index
    %swap3A_378 = tpu.vector_load %arg11[%swap3A_376, %swap3A_377] {strides = array<i32>} : memref<128x128xf32, #tpu.memory_space<vmem>>, vector<1x16xf32>,
    %swap3A_379 = vector.shape_cast %swap3A_378 : vector<1x16xf32> to vector<16xf32>
    %swap3A_380 = vector.shape_cast %broadcast_in_dim3A_1 : vector<16xf32> to vector<1x16xf32>
    tpu.vector_store %arg11[%swap3A_376, %swap3A_377], %swap3A_380 {strides = array<i32>} : memref<128x128xf32, #tpu.memory_space<vmem>>, vector<1x16xf32>,
    %swap3A_381 = arith.constant 7 : i32
    %swap3A_382 = arith.index_cast %swap3A_381 : i32 to index
    %swap3A_383 = arith.constant 112 : index
    %swap3A_384 = tpu.vector_load %arg11[%swap3A_382, %swap3A_383] {strides = array<i32>} : memref<128x128xf32, #tpu.memory_space<vmem>>, vector<1x16xf32>,
    %swap3A_385 = vector.shape_cast %swap3A_384 : vector<1x16xf32> to vector<16xf32>
    %swap3A_386 = vector.shape_cast %broadcast_in_dim3A_1 : vector<16xf32> to vector<1x16xf32>
    tpu.vector_store %arg11[%swap3A_382, %swap3A_383], %swap3A_386 {strides = array<i32>} : memref<128x128xf32, #tpu.memory_space<vmem>>, vector<1x16xf32>,
    %swap3A_387 = arith.constant 0 : index
    %swap3A_388 = tpu.vector_load %arg14[%swap3A_387] {strides = array<i32>} : memref<128xf32, #tpu.memory_space<vmem>>, vector<16xf32>,
    %swap3A_389 = vector.shape_cast %swap3A_388 : vector<16xf32> to vector<16xf32>
    %swap3A_390 = vector.shape_cast %broadcast_in_dim3A_3 : vector<16xf32> to vector<16xf32>
    tpu.vector_store %arg14[%swap3A_387], %swap3A_390 {strides = array<i32>} : memref<128xf32, #tpu.memory_space<vmem>>, vector<16xf32>,
    %swap3A_391 = arith.constant 16 : index
    %swap3A_392 = tpu.vector_load %arg14[%swap3A_391] {strides = array<i32>} : memref<128xf32, #tpu.memory_space<vmem>>, vector<16xf32>,
    %swap3A_393 = vector.shape_cast %swap3A_392 : vector<16xf32> to vector<16xf32>
    %swap3A_394 = vector.shape_cast %broadcast_in_dim3A_3 : vector<16xf32> to vector<16xf32>
    tpu.vector_store %arg14[%swap3A_391], %swap3A_394 {strides = array<i32>} : memref<128xf32, #tpu.memory_space<vmem>>, vector<16xf32>,
    %swap3A_395 = arith.constant 32 : index
    %swap3A_396 = tpu.vector_load %arg14[%swap3A_395] {strides = array<i32>} : memref<128xf32, #tpu.memory_space<vmem>>, vector<16xf32>,
    %swap3A_397 = vector.shape_cast %swap3A_396 : vector<16xf32> to vector<16xf32>
    %swap3A_398 = vector.shape_cast %broadcast_in_dim3A_3 : vector<16xf32> to vector<16xf32>
    tpu.vector_store %arg14[%swap3A_395], %swap3A_398 {strides = array<i32>} : memref<128xf32, #tpu.memory_space<vmem>>, vector<16xf32>,
    %swap3A_399 = arith.constant 48 : index
    %swap3A_400 = tpu.vector_load %arg14[%swap3A_399] {strides = array<i32>} : memref<128xf32, #tpu.memory_space<vmem>>, vector<16xf32>,
    %swap3A_401 = vector.shape_cast %swap3A_400 : vector<16xf32> to vector<16xf32>
    %swap3A_402 = vector.shape_cast %broadcast_in_dim3A_3 : vector<16xf32> to vector<16xf32>
    tpu.vector_store %arg14[%swap3A_399], %swap3A_402 {strides = array<i32>} : memref<128xf32, #tpu.memory_space<vmem>>, vector<16xf32>,
    %swap3A_403 = arith.constant 64 : index
    %swap3A_404 = tpu.vector_load %arg14[%swap3A_403] {strides = array<i32>} : memref<128xf32, #tpu.memory_space<vmem>>, vector<16xf32>,
    %swap3A_405 = vector.shape_cast %swap3A_404 : vector<16xf32> to vector<16xf32>
    %swap3A_406 = vector.shape_cast %broadcast_in_dim3A_3 : vector<16xf32> to vector<16xf32>
    tpu.vector_store %arg14[%swap3A_403], %swap3A_406 {strides = array<i32>} : memref<128xf32, #tpu.memory_space<vmem>>, vector<16xf32>,
    %swap3A_407 = arith.constant 80 : index
    %swap3A_408 = tpu.vector_load %arg14[%swap3A_407] {strides = array<i32>} : memref<128xf32, #tpu.memory_space<vmem>>, vector<16xf32>,
    %swap3A_409 = vector.shape_cast %swap3A_408 : vector<16xf32> to vector<16xf32>
    %swap3A_410 = vector.shape_cast %broadcast_in_dim3A_3 : vector<16xf32> to vector<16xf32>
    tpu.vector_store %arg14[%swap3A_407], %swap3A_410 {strides = array<i32>} : memref<128xf32, #tpu.memory_space<vmem>>, vector<16xf32>,
    %swap3A_411 = arith.constant 96 : index
    %swap3A_412 = tpu.vector_load %arg14[%swap3A_411] {strides = array<i32>} : memref<128xf32, #tpu.memory_space<vmem>>, vector<16xf32>,
    %swap3A_413 = vector.shape_cast %swap3A_412 : vector<16xf32> to vector<16xf32>
    %swap3A_414 = vector.shape_cast %broadcast_in_dim3A_3 : vector<16xf32> to vector<16xf32>
    tpu.vector_store %arg14[%swap3A_411], %swap3A_414 {strides = array<i32>} : memref<128xf32, #tpu.memory_space<vmem>>, vector<16xf32>,
    %swap3A_415 = arith.constant 112 : index
    %swap3A_416 = tpu.vector_load %arg14[%swap3A_415] {strides = array<i32>} : memref<128xf32, #tpu.memory_space<vmem>>, vector<16xf32>,
    %swap3A_417 = vector.shape_cast %swap3A_416 : vector<16xf32> to vector<16xf32>
    %swap3A_418 = vector.shape_cast %broadcast_in_dim3A_3 : vector<16xf32> to vector<16xf32>
    tpu.vector_store %arg14[%swap3A_415], %swap3A_418 {strides = array<i32>} : memref<128xf32, #tpu.memory_space<vmem>>, vector<16xf32>,
    %swap3A_419 = arith.constant 0 : index
    %swap3A_420 = tpu.vector_load %arg15[%swap3A_419] {strides = array<i32>} : memref<200xf32, #tpu.memory_space<vmem>>, vector<16xf32>,
    %swap3A_421 = vector.shape_cast %swap3A_420 : vector<16xf32> to vector<16xf32>
    %swap3A_422 = vector.shape_cast %broadcast_in_dim3A_1 : vector<16xf32> to vector<16xf32>
    tpu.vector_store %arg15[%swap3A_419], %swap3A_422 {strides = array<i32>} : memref<200xf32, #tpu.memory_space<vmem>>, vector<16xf32>,
    %swap3A_423 = arith.constant 16 : index
    %swap3A_424 = tpu.vector_load %arg15[%swap3A_423] {strides = array<i32>} : memref<200xf32, #tpu.memory_space<vmem>>, vector<16xf32>,
    %swap3A_425 = vector.shape_cast %swap3A_424 : vector<16xf32> to vector<16xf32>
    %swap3A_426 = vector.shape_cast %broadcast_in_dim3A_1 : vector<16xf32> to vector<16xf32>
    tpu.vector_store %arg15[%swap3A_423], %swap3A_426 {strides = array<i32>} : memref<200xf32, #tpu.memory_space<vmem>>, vector<16xf32>,
    %swap3A_427 = arith.constant 32 : index
    %swap3A_428 = tpu.vector_load %arg15[%swap3A_427] {strides = array<i32>} : memref<200xf32, #tpu.memory_space<vmem>>, vector<16xf32>,
    %swap3A_429 = vector.shape_cast %swap3A_428 : vector<16xf32> to vector<16xf32>
    %swap3A_430 = vector.shape_cast %broadcast_in_dim3A_1 : vector<16xf32> to vector<16xf32>
    tpu.vector_store %arg15[%swap3A_427], %swap3A_430 {strides = array<i32>} : memref<200xf32, #tpu.memory_space<vmem>>, vector<16xf32>,
    %swap3A_431 = arith.constant 48 : index
    %swap3A_432 = tpu.vector_load %arg15[%swap3A_431] {strides = array<i32>} : memref<200xf32, #tpu.memory_space<vmem>>, vector<16xf32>,
    %swap3A_433 = vector.shape_cast %swap3A_432 : vector<16xf32> to vector<16xf32>
    %swap3A_434 = vector.shape_cast %broadcast_in_dim3A_1 : vector<16xf32> to vector<16xf32>
    tpu.vector_store %arg15[%swap3A_431], %swap3A_434 {strides = array<i32>} : memref<200xf32, #tpu.memory_space<vmem>>, vector<16xf32>,
    %swap3A_435 = arith.constant 64 : index
    %swap3A_436 = tpu.vector_load %arg15[%swap3A_435] {strides = array<i32>} : memref<200xf32, #tpu.memory_space<vmem>>, vector<16xf32>,
    %swap3A_437 = vector.shape_cast %swap3A_436 : vector<16xf32> to vector<16xf32>
    %swap3A_438 = vector.shape_cast %broadcast_in_dim3A_1 : vector<16xf32> to vector<16xf32>
    tpu.vector_store %arg15[%swap3A_435], %swap3A_438 {strides = array<i32>} : memref<200xf32, #tpu.memory_space<vmem>>, vector<16xf32>,
    %swap3A_439 = arith.constant 80 : index
    %swap3A_440 = tpu.vector_load %arg15[%swap3A_439] {strides = array<i32>} : memref<200xf32, #tpu.memory_space<vmem>>, vector<16xf32>,
    %swap3A_441 = vector.shape_cast %swap3A_440 : vector<16xf32> to vector<16xf32>
    %swap3A_442 = vector.shape_cast %broadcast_in_dim3A_1 : vector<16xf32> to vector<16xf32>
    tpu.vector_store %arg15[%swap3A_439], %swap3A_442 {strides = array<i32>} : memref<200xf32, #tpu.memory_space<vmem>>, vector<16xf32>,
    %swap3A_443 = arith.constant 96 : index
    %swap3A_444 = tpu.vector_load %arg15[%swap3A_443] {strides = array<i32>} : memref<200xf32, #tpu.memory_space<vmem>>, vector<16xf32>,
    %swap3A_445 = vector.shape_cast %swap3A_444 : vector<16xf32> to vector<16xf32>
    %swap3A_446 = vector.shape_cast %broadcast_in_dim3A_1 : vector<16xf32> to vector<16xf32>
    tpu.vector_store %arg15[%swap3A_443], %swap3A_446 {strides = array<i32>} : memref<200xf32, #tpu.memory_space<vmem>>, vector<16xf32>,
    %swap3A_447 = arith.constant 112 : index
    %swap3A_448 = tpu.vector_load %arg15[%swap3A_447] {strides = array<i32>} : memref<200xf32, #tpu.memory_space<vmem>>, vector<16xf32>,
    %swap3A_449 = vector.shape_cast %swap3A_448 : vector<16xf32> to vector<16xf32>
    %swap3A_450 = vector.shape_cast %broadcast_in_dim3A_1 : vector<16xf32> to vector<16xf32>
    tpu.vector_store %arg15[%swap3A_447], %swap3A_450 {strides = array<i32>} : memref<200xf32, #tpu.memory_space<vmem>>, vector<16xf32>,
    %swap3A_451 = arith.constant 128 : index
    %swap3A_452 = tpu.vector_load %arg15[%swap3A_451] {strides = array<i32>} : memref<200xf32, #tpu.memory_space<vmem>>, vector<16xf32>,
    %swap3A_453 = vector.shape_cast %swap3A_452 : vector<16xf32> to vector<16xf32>
    %swap3A_454 = vector.shape_cast %broadcast_in_dim3A_1 : vector<16xf32> to vector<16xf32>
    tpu.vector_store %arg15[%swap3A_451], %swap3A_454 {strides = array<i32>} : memref<200xf32, #tpu.memory_space<vmem>>, vector<16xf32>,
    %swap3A_455 = arith.constant 144 : index
    %swap3A_456 = tpu.vector_load %arg15[%swap3A_455] {strides = array<i32>} : memref<200xf32, #tpu.memory_space<vmem>>, vector<16xf32>,
    %swap3A_457 = vector.shape_cast %swap3A_456 : vector<16xf32> to vector<16xf32>
    %swap3A_458 = vector.shape_cast %broadcast_in_dim3A_1 : vector<16xf32> to vector<16xf32>
    tpu.vector_store %arg15[%swap3A_455], %swap3A_458 {strides = array<i32>} : memref<200xf32, #tpu.memory_space<vmem>>, vector<16xf32>,
    %swap3A_459 = arith.constant 160 : index
    %swap3A_460 = tpu.vector_load %arg15[%swap3A_459] {strides = array<i32>} : memref<200xf32, #tpu.memory_space<vmem>>, vector<16xf32>,
    %swap3A_461 = vector.shape_cast %swap3A_460 : vector<16xf32> to vector<16xf32>
    %swap3A_462 = vector.shape_cast %broadcast_in_dim3A_1 : vector<16xf32> to vector<16xf32>
    tpu.vector_store %arg15[%swap3A_459], %swap3A_462 {strides = array<i32>} : memref<200xf32, #tpu.memory_space<vmem>>, vector<16xf32>,
    %swap3A_463 = arith.constant 176 : index
    %swap3A_464 = tpu.vector_load %arg15[%swap3A_463] {strides = array<i32>} : memref<200xf32, #tpu.memory_space<vmem>>, vector<16xf32>,
    %swap3A_465 = vector.shape_cast %swap3A_464 : vector<16xf32> to vector<16xf32>
    %swap3A_466 = vector.shape_cast %broadcast_in_dim3A_1 : vector<16xf32> to vector<16xf32>
    tpu.vector_store %arg15[%swap3A_463], %swap3A_466 {strides = array<i32>} : memref<200xf32, #tpu.memory_space<vmem>>, vector<16xf32>,
    %mul3A_467 = arith.constant 624 : i32
    %mul3A_468 = arith.muli %arg1, %mul3A_467 : i32
    %add3A_469 = arith.constant 0 : i32
    %add3A_470 = arith.addi %mul3A_468, %add3A_469 : i32
    %dma_start3A = arith.constant 0 : i32
    %dma_start3A_471 = arith.constant 0 : i32
    %dma_start3A_472 = tpu.memref_slice %arg11[%dma_start3A, %dma_start3A_471] : memref<128x128xf32, #tpu.memory_space<vmem>> -> memref<8x128xf32, #tpu.memory_space<vmem>>
    %dma_start3A_473 = arith.constant 0 : i32
    %dma_start3A_474 = tpu.memref_slice %arg16[%add3A_470, %dma_start3A_473] : memref<10000x128xf32, #tpu.memory_space<vmem_shared>> -> memref<8x128xf32, #tpu.memory_space<vmem_shared>>
    %dma_start3A_475 = arith.constant 0 : i32
    %dma_start3A_476 = tpu.memref_slice %arg16[%add3A_470, %dma_start3A_475] : memref<10000x128xf32, #tpu.memory_space<vmem_shared>> -> memref<8x128xf32, #tpu.memory_space<vmem_shared>>
    %dma_start3A_477 = arith.constant 0 : i32
    %dma_start3A_478 = arith.constant 0 : i32
    %dma_start3A_479 = tpu.memref_slice %arg11[%dma_start3A_477, %dma_start3A_478] : memref<128x128xf32, #tpu.memory_space<vmem>> -> memref<8x128xf32, #tpu.memory_space<vmem>>
    tpu.enqueue_dma source(%dma_start3A_479 : memref<8x128xf32, #tpu.memory_space<vmem>>) target(%dma_start3A_476 : memref<8x128xf32, #tpu.memory_space<vmem_shared>>) target_semaphore(%arg24 : memref<!tpu.dma_semaphore, #tpu.memory_space<semaphore_mem>>)
    %mul3A_480 = arith.constant 624 : i32
    %mul3A_481 = arith.muli %arg1, %mul3A_480 : i32
    %add3A_482 = arith.constant 8 : i32
    %add3A_483 = arith.addi %mul3A_481, %add3A_482 : i32
    %dma_start3A_484 = arith.constant 0 : i32
    %dma_start3A_485 = arith.constant 0 : i32
    %dma_start3A_486 = tpu.memref_slice %arg11[%dma_start3A_484, %dma_start3A_485] : memref<128x128xf32, #tpu.memory_space<vmem>> -> memref<8x128xf32, #tpu.memory_space<vmem>>
    %dma_start3A_487 = arith.constant 0 : i32
    %dma_start3A_488 = tpu.memref_slice %arg16[%add3A_483, %dma_start3A_487] : memref<10000x128xf32, #tpu.memory_space<vmem_shared>> -> memref<8x128xf32, #tpu.memory_space<vmem_shared>>
    %dma_start3A_489 = arith.constant 0 : i32
    %dma_start3A_490 = tpu.memref_slice %arg16[%add3A_483, %dma_start3A_489] : memref<10000x128xf32, #tpu.memory_space<vmem_shared>> -> memref<8x128xf32, #tpu.memory_space<vmem_shared>>
    %dma_start3A_491 = arith.constant 0 : i32
    %dma_start3A_492 = arith.constant 0 : i32
    %dma_start3A_493 = tpu.memref_slice %arg11[%dma_start3A_491, %dma_start3A_492] : memref<128x128xf32, #tpu.memory_space<vmem>> -> memref<8x128xf32, #tpu.memory_space<vmem>>
    tpu.enqueue_dma source(%dma_start3A_493 : memref<8x128xf32, #tpu.memory_space<vmem>>) target(%dma_start3A_490 : memref<8x128xf32, #tpu.memory_space<vmem_shared>>) target_semaphore(%arg24 : memref<!tpu.dma_semaphore, #tpu.memory_space<semaphore_mem>>)
    %mul3A_494 = arith.constant 624 : i32
    %mul3A_495 = arith.muli %arg1, %mul3A_494 : i32
    %add3A_496 = arith.constant 16 : i32
    %add3A_497 = arith.addi %mul3A_495, %add3A_496 : i32
    %dma_start3A_498 = arith.constant 0 : i32
    %dma_start3A_499 = arith.constant 0 : i32
    %dma_start3A_500 = tpu.memref_slice %arg11[%dma_start3A_498, %dma_start3A_499] : memref<128x128xf32, #tpu.memory_space<vmem>> -> memref<8x128xf32, #tpu.memory_space<vmem>>
    %dma_start3A_501 = arith.constant 0 : i32
    %dma_start3A_502 = tpu.memref_slice %arg16[%add3A_497, %dma_start3A_501] : memref<10000x128xf32, #tpu.memory_space<vmem_shared>> -> memref<8x128xf32, #tpu.memory_space<vmem_shared>>
    %dma_start3A_503 = arith.constant 0 : i32
    %dma_start3A_504 = tpu.memref_slice %arg16[%add3A_497, %dma_start3A_503] : memref<10000x128xf32, #tpu.memory_space<vmem_shared>> -> memref<8x128xf32, #tpu.memory_space<vmem_shared>>
    %dma_start3A_505 = arith.constant 0 : i32
    %dma_start3A_506 = arith.constant 0 : i32
    %dma_start3A_507 = tpu.memref_slice %arg11[%dma_start3A_505, %dma_start3A_506] : memref<128x128xf32, #tpu.memory_space<vmem>> -> memref<8x128xf32, #tpu.memory_space<vmem>>
    tpu.enqueue_dma source(%dma_start3A_507 : memref<8x128xf32, #tpu.memory_space<vmem>>) target(%dma_start3A_504 : memref<8x128xf32, #tpu.memory_space<vmem_shared>>) target_semaphore(%arg24 : memref<!tpu.dma_semaphore, #tpu.memory_space<semaphore_mem>>)
    %mul3A_508 = arith.constant 624 : i32
    %mul3A_509 = arith.muli %arg1, %mul3A_508 : i32
    %add3A_510 = arith.constant 24 : i32
    %add3A_511 = arith.addi %mul3A_509, %add3A_510 : i32
    %dma_start3A_512 = arith.constant 0 : i32
    %dma_start3A_513 = arith.constant 0 : i32
    %dma_start3A_514 = tpu.memref_slice %arg11[%dma_start3A_512, %dma_start3A_513] : memref<128x128xf32, #tpu.memory_space<vmem>> -> memref<8x128xf32, #tpu.memory_space<vmem>>
    %dma_start3A_515 = arith.constant 0 : i32
    %dma_start3A_516 = tpu.memref_slice %arg16[%add3A_511, %dma_start3A_515] : memref<10000x128xf32, #tpu.memory_space<vmem_shared>> -> memref<8x128xf32, #tpu.memory_space<vmem_shared>>
    %dma_start3A_517 = arith.constant 0 : i32
    %dma_start3A_518 = tpu.memref_slice %arg16[%add3A_511, %dma_start3A_517] : memref<10000x128xf32, #tpu.memory_space<vmem_shared>> -> memref<8x128xf32, #tpu.memory_space<vmem_shared>>
    %dma_start3A_519 = arith.constant 0 : i32
    %dma_start3A_520 = arith.constant 0 : i32
    %dma_start3A_521 = tpu.memref_slice %arg11[%dma_start3A_519, %dma_start3A_520] : memref<128x128xf32, #tpu.memory_space<vmem>> -> memref<8x128xf32, #tpu.memory_space<vmem>>
    tpu.enqueue_dma source(%dma_start3A_521 : memref<8x128xf32, #tpu.memory_space<vmem>>) target(%dma_start3A_518 : memref<8x128xf32, #tpu.memory_space<vmem_shared>>) target_semaphore(%arg24 : memref<!tpu.dma_semaphore, #tpu.memory_space<semaphore_mem>>)
    %mul3A_522 = arith.constant 624 : i32
    %mul3A_523 = arith.muli %arg1, %mul3A_522 : i32
    %add3A_524 = arith.constant 32 : i32
    %add3A_525 = arith.addi %mul3A_523, %add3A_524 : i32
    %dma_start3A_526 = arith.constant 0 : i32
    %dma_start3A_527 = arith.constant 0 : i32
    %dma_start3A_528 = tpu.memref_slice %arg11[%dma_start3A_526, %dma_start3A_527] : memref<128x128xf32, #tpu.memory_space<vmem>> -> memref<8x128xf32, #tpu.memory_space<vmem>>
    %dma_start3A_529 = arith.constant 0 : i32
    %dma_start3A_530 = tpu.memref_slice %arg16[%add3A_525, %dma_start3A_529] : memref<10000x128xf32, #tpu.memory_space<vmem_shared>> -> memref<8x128xf32, #tpu.memory_space<vmem_shared>>
    %dma_start3A_531 = arith.constant 0 : i32
    %dma_start3A_532 = tpu.memref_slice %arg16[%add3A_525, %dma_start3A_531] : memref<10000x128xf32, #tpu.memory_space<vmem_shared>> -> memref<8x128xf32, #tpu.memory_space<vmem_shared>>
    %dma_start3A_533 = arith.constant 0 : i32
    %dma_start3A_534 = arith.constant 0 : i32
    %dma_start3A_535 = tpu.memref_slice %arg11[%dma_start3A_533, %dma_start3A_534] : memref<128x128xf32, #tpu.memory_space<vmem>> -> memref<8x128xf32, #tpu.memory_space<vmem>>
    tpu.enqueue_dma source(%dma_start3A_535 : memref<8x128xf32, #tpu.memory_space<vmem>>) target(%dma_start3A_532 : memref<8x128xf32, #tpu.memory_space<vmem_shared>>) target_semaphore(%arg24 : memref<!tpu.dma_semaphore, #tpu.memory_space<semaphore_mem>>)
    %mul3A_536 = arith.constant 624 : i32
    %mul3A_537 = arith.muli %arg1, %mul3A_536 : i32
    %add3A_538 = arith.constant 40 : i32
    %add3A_539 = arith.addi %mul3A_537, %add3A_538 : i32
    %dma_start3A_540 = arith.constant 0 : i32
    %dma_start3A_541 = arith.constant 0 : i32
    %dma_start3A_542 = tpu.memref_slice %arg11[%dma_start3A_540, %dma_start3A_541] : memref<128x128xf32, #tpu.memory_space<vmem>> -> memref<8x128xf32, #tpu.memory_space<vmem>>
    %dma_start3A_543 = arith.constant 0 : i32
    %dma_start3A_544 = tpu.memref_slice %arg16[%add3A_539, %dma_start3A_543] : memref<10000x128xf32, #tpu.memory_space<vmem_shared>> -> memref<8x128xf32, #tpu.memory_space<vmem_shared>>
    %dma_start3A_545 = arith.constant 0 : i32
    %dma_start3A_546 = tpu.memref_slice %arg16[%add3A_539, %dma_start3A_545] : memref<10000x128xf32, #tpu.memory_space<vmem_shared>> -> memref<8x128xf32, #tpu.memory_space<vmem_shared>>
    %dma_start3A_547 = arith.constant 0 : i32
    %dma_start3A_548 = arith.constant 0 : i32
    %dma_start3A_549 = tpu.memref_slice %arg11[%dma_start3A_547, %dma_start3A_548] : memref<128x128xf32, #tpu.memory_space<vmem>> -> memref<8x128xf32, #tpu.memory_space<vmem>>
    tpu.enqueue_dma source(%dma_start3A_549 : memref<8x128xf32, #tpu.memory_space<vmem>>) target(%dma_start3A_546 : memref<8x128xf32, #tpu.memory_space<vmem_shared>>) target_semaphore(%arg24 : memref<!tpu.dma_semaphore, #tpu.memory_space<semaphore_mem>>)
    %mul3A_550 = arith.constant 624 : i32
    %mul3A_551 = arith.muli %arg1, %mul3A_550 : i32
    %add3A_552 = arith.constant 48 : i32
    %add3A_553 = arith.addi %mul3A_551, %add3A_552 : i32
    %dma_start3A_554 = arith.constant 0 : i32
    %dma_start3A_555 = arith.constant 0 : i32
    %dma_start3A_556 = tpu.memref_slice %arg11[%dma_start3A_554, %dma_start3A_555] : memref<128x128xf32, #tpu.memory_space<vmem>> -> memref<8x128xf32, #tpu.memory_space<vmem>>
    %dma_start3A_557 = arith.constant 0 : i32
    %dma_start3A_558 = tpu.memref_slice %arg16[%add3A_553, %dma_start3A_557] : memref<10000x128xf32, #tpu.memory_space<vmem_shared>> -> memref<8x128xf32, #tpu.memory_space<vmem_shared>>
    %dma_start3A_559 = arith.constant 0 : i32
    %dma_start3A_560 = tpu.memref_slice %arg16[%add3A_553, %dma_start3A_559] : memref<10000x128xf32, #tpu.memory_space<vmem_shared>> -> memref<8x128xf32, #tpu.memory_space<vmem_shared>>
    %dma_start3A_561 = arith.constant 0 : i32
    %dma_start3A_562 = arith.constant 0 : i32
    %dma_start3A_563 = tpu.memref_slice %arg11[%dma_start3A_561, %dma_start3A_562] : memref<128x128xf32, #tpu.memory_space<vmem>> -> memref<8x128xf32, #tpu.memory_space<vmem>>
    tpu.enqueue_dma source(%dma_start3A_563 : memref<8x128xf32, #tpu.memory_space<vmem>>) target(%dma_start3A_560 : memref<8x128xf32, #tpu.memory_space<vmem_shared>>) target_semaphore(%arg24 : memref<!tpu.dma_semaphore, #tpu.memory_space<semaphore_mem>>)
    %mul3A_564 = arith.constant 624 : i32
    %mul3A_565 = arith.muli %arg1, %mul3A_564 : i32
    %add3A_566 = arith.constant 56 : i32
    %add3A_567 = arith.addi %mul3A_565, %add3A_566 : i32
    %dma_start3A_568 = arith.constant 0 : i32
    %dma_start3A_569 = arith.constant 0 : i32
    %dma_start3A_570 = tpu.memref_slice %arg11[%dma_start3A_568, %dma_start3A_569] : memref<128x128xf32, #tpu.memory_space<vmem>> -> memref<8x128xf32, #tpu.memory_space<vmem>>
    %dma_start3A_571 = arith.constant 0 : i32
    %dma_start3A_572 = tpu.memref_slice %arg16[%add3A_567, %dma_start3A_571] : memref<10000x128xf32, #tpu.memory_space<vmem_shared>> -> memref<8x128xf32, #tpu.memory_space<vmem_shared>>
    %dma_start3A_573 = arith.constant 0 : i32
    %dma_start3A_574 = tpu.memref_slice %arg16[%add3A_567, %dma_start3A_573] : memref<10000x128xf32, #tpu.memory_space<vmem_shared>> -> memref<8x128xf32, #tpu.memory_space<vmem_shared>>
    %dma_start3A_575 = arith.constant 0 : i32
    %dma_start3A_576 = arith.constant 0 : i32
    %dma_start3A_577 = tpu.memref_slice %arg11[%dma_start3A_575, %dma_start3A_576] : memref<128x128xf32, #tpu.memory_space<vmem>> -> memref<8x128xf32, #tpu.memory_space<vmem>>
    tpu.enqueue_dma source(%dma_start3A_577 : memref<8x128xf32, #tpu.memory_space<vmem>>) target(%dma_start3A_574 : memref<8x128xf32, #tpu.memory_space<vmem_shared>>) target_semaphore(%arg24 : memref<!tpu.dma_semaphore, #tpu.memory_space<semaphore_mem>>)
    %mul3A_578 = arith.constant 624 : i32
    %mul3A_579 = arith.muli %arg1, %mul3A_578 : i32
    %add3A_580 = arith.constant 64 : i32
    %add3A_581 = arith.addi %mul3A_579, %add3A_580 : i32
    %dma_start3A_582 = arith.constant 0 : i32
    %dma_start3A_583 = arith.constant 0 : i32
    %dma_start3A_584 = tpu.memref_slice %arg11[%dma_start3A_582, %dma_start3A_583] : memref<128x128xf32, #tpu.memory_space<vmem>> -> memref<8x128xf32, #tpu.memory_space<vmem>>
    %dma_start3A_585 = arith.constant 0 : i32
    %dma_start3A_586 = tpu.memref_slice %arg16[%add3A_581, %dma_start3A_585] : memref<10000x128xf32, #tpu.memory_space<vmem_shared>> -> memref<8x128xf32, #tpu.memory_space<vmem_shared>>
    %dma_start3A_587 = arith.constant 0 : i32
    %dma_start3A_588 = tpu.memref_slice %arg16[%add3A_581, %dma_start3A_587] : memref<10000x128xf32, #tpu.memory_space<vmem_shared>> -> memref<8x128xf32, #tpu.memory_space<vmem_shared>>
    %dma_start3A_589 = arith.constant 0 : i32
    %dma_start3A_590 = arith.constant 0 : i32
    %dma_start3A_591 = tpu.memref_slice %arg11[%dma_start3A_589, %dma_start3A_590] : memref<128x128xf32, #tpu.memory_space<vmem>> -> memref<8x128xf32, #tpu.memory_space<vmem>>
    tpu.enqueue_dma source(%dma_start3A_591 : memref<8x128xf32, #tpu.memory_space<vmem>>) target(%dma_start3A_588 : memref<8x128xf32, #tpu.memory_space<vmem_shared>>) target_semaphore(%arg24 : memref<!tpu.dma_semaphore, #tpu.memory_space<semaphore_mem>>)
    %mul3A_592 = arith.constant 624 : i32
    %mul3A_593 = arith.muli %arg1, %mul3A_592 : i32
    %add3A_594 = arith.constant 72 : i32
    %add3A_595 = arith.addi %mul3A_593, %add3A_594 : i32
    %dma_start3A_596 = arith.constant 0 : i32
    %dma_start3A_597 = arith.constant 0 : i32
    %dma_start3A_598 = tpu.memref_slice %arg11[%dma_start3A_596, %dma_start3A_597] : memref<128x128xf32, #tpu.memory_space<vmem>> -> memref<8x128xf32, #tpu.memory_space<vmem>>
    %dma_start3A_599 = arith.constant 0 : i32
    %dma_start3A_600 = tpu.memref_slice %arg16[%add3A_595, %dma_start3A_599] : memref<10000x128xf32, #tpu.memory_space<vmem_shared>> -> memref<8x128xf32, #tpu.memory_space<vmem_shared>>
    %dma_start3A_601 = arith.constant 0 : i32
    %dma_start3A_602 = tpu.memref_slice %arg16[%add3A_595, %dma_start3A_601] : memref<10000x128xf32, #tpu.memory_space<vmem_shared>> -> memref<8x128xf32, #tpu.memory_space<vmem_shared>>
    %dma_start3A_603 = arith.constant 0 : i32
    %dma_start3A_604 = arith.constant 0 : i32
    %dma_start3A_605 = tpu.memref_slice %arg11[%dma_start3A_603, %dma_start3A_604] : memref<128x128xf32, #tpu.memory_space<vmem>> -> memref<8x128xf32, #tpu.memory_space<vmem>>
    tpu.enqueue_dma source(%dma_start3A_605 : memref<8x128xf32, #tpu.memory_space<vmem>>) target(%dma_start3A_602 : memref<8x128xf32, #tpu.memory_space<vmem_shared>>) target_semaphore(%arg24 : memref<!tpu.dma_semaphore, #tpu.memory_space<semaphore_mem>>)
    %mul3A_606 = arith.constant 624 : i32
    %mul3A_607 = arith.muli %arg1, %mul3A_606 : i32
    %add3A_608 = arith.constant 80 : i32
    %add3A_609 = arith.addi %mul3A_607, %add3A_608 : i32
    %dma_start3A_610 = arith.constant 0 : i32
    %dma_start3A_611 = arith.constant 0 : i32
    %dma_start3A_612 = tpu.memref_slice %arg11[%dma_start3A_610, %dma_start3A_611] : memref<128x128xf32, #tpu.memory_space<vmem>> -> memref<8x128xf32, #tpu.memory_space<vmem>>
    %dma_start3A_613 = arith.constant 0 : i32
    %dma_start3A_614 = tpu.memref_slice %arg16[%add3A_609, %dma_start3A_613] : memref<10000x128xf32, #tpu.memory_space<vmem_shared>> -> memref<8x128xf32, #tpu.memory_space<vmem_shared>>
    %dma_start3A_615 = arith.constant 0 : i32
    %dma_start3A_616 = tpu.memref_slice %arg16[%add3A_609, %dma_start3A_615] : memref<10000x128xf32, #tpu.memory_space<vmem_shared>> -> memref<8x128xf32, #tpu.memory_space<vmem_shared>>
    %dma_start3A_617 = arith.constant 0 : i32
    %dma_start3A_618 = arith.constant 0 : i32
    %dma_start3A_619 = tpu.memref_slice %arg11[%dma_start3A_617, %dma_start3A_618] : memref<128x128xf32, #tpu.memory_space<vmem>> -> memref<8x128xf32, #tpu.memory_space<vmem>>
    tpu.enqueue_dma source(%dma_start3A_619 : memref<8x128xf32, #tpu.memory_space<vmem>>) target(%dma_start3A_616 : memref<8x128xf32, #tpu.memory_space<vmem_shared>>) target_semaphore(%arg24 : memref<!tpu.dma_semaphore, #tpu.memory_space<semaphore_mem>>)
    %mul3A_620 = arith.constant 624 : i32
    %mul3A_621 = arith.muli %arg1, %mul3A_620 : i32
    %add3A_622 = arith.constant 88 : i32
    %add3A_623 = arith.addi %mul3A_621, %add3A_622 : i32
    %dma_start3A_624 = arith.constant 0 : i32
    %dma_start3A_625 = arith.constant 0 : i32
    %dma_start3A_626 = tpu.memref_slice %arg11[%dma_start3A_624, %dma_start3A_625] : memref<128x128xf32, #tpu.memory_space<vmem>> -> memref<8x128xf32, #tpu.memory_space<vmem>>
    %dma_start3A_627 = arith.constant 0 : i32
    %dma_start3A_628 = tpu.memref_slice %arg16[%add3A_623, %dma_start3A_627] : memref<10000x128xf32, #tpu.memory_space<vmem_shared>> -> memref<8x128xf32, #tpu.memory_space<vmem_shared>>
    %dma_start3A_629 = arith.constant 0 : i32
    %dma_start3A_630 = tpu.memref_slice %arg16[%add3A_623, %dma_start3A_629] : memref<10000x128xf32, #tpu.memory_space<vmem_shared>> -> memref<8x128xf32, #tpu.memory_space<vmem_shared>>
    %dma_start3A_631 = arith.constant 0 : i32
    %dma_start3A_632 = arith.constant 0 : i32
    %dma_start3A_633 = tpu.memref_slice %arg11[%dma_start3A_631, %dma_start3A_632] : memref<128x128xf32, #tpu.memory_space<vmem>> -> memref<8x128xf32, #tpu.memory_space<vmem>>
    tpu.enqueue_dma source(%dma_start3A_633 : memref<8x128xf32, #tpu.memory_space<vmem>>) target(%dma_start3A_630 : memref<8x128xf32, #tpu.memory_space<vmem_shared>>) target_semaphore(%arg24 : memref<!tpu.dma_semaphore, #tpu.memory_space<semaphore_mem>>)
    %mul3A_634 = arith.constant 624 : i32
    %mul3A_635 = arith.muli %arg1, %mul3A_634 : i32
    %add3A_636 = arith.constant 96 : i32
    %add3A_637 = arith.addi %mul3A_635, %add3A_636 : i32
    %dma_start3A_638 = arith.constant 0 : i32
    %dma_start3A_639 = arith.constant 0 : i32
    %dma_start3A_640 = tpu.memref_slice %arg11[%dma_start3A_638, %dma_start3A_639] : memref<128x128xf32, #tpu.memory_space<vmem>> -> memref<8x128xf32, #tpu.memory_space<vmem>>
    %dma_start3A_641 = arith.constant 0 : i32
    %dma_start3A_642 = tpu.memref_slice %arg16[%add3A_637, %dma_start3A_641] : memref<10000x128xf32, #tpu.memory_space<vmem_shared>> -> memref<8x128xf32, #tpu.memory_space<vmem_shared>>
    %dma_start3A_643 = arith.constant 0 : i32
    %dma_start3A_644 = tpu.memref_slice %arg16[%add3A_637, %dma_start3A_643] : memref<10000x128xf32, #tpu.memory_space<vmem_shared>> -> memref<8x128xf32, #tpu.memory_space<vmem_shared>>
    %dma_start3A_645 = arith.constant 0 : i32
    %dma_start3A_646 = arith.constant 0 : i32
    %dma_start3A_647 = tpu.memref_slice %arg11[%dma_start3A_645, %dma_start3A_646] : memref<128x128xf32, #tpu.memory_space<vmem>> -> memref<8x128xf32, #tpu.memory_space<vmem>>
    tpu.enqueue_dma source(%dma_start3A_647 : memref<8x128xf32, #tpu.memory_space<vmem>>) target(%dma_start3A_644 : memref<8x128xf32, #tpu.memory_space<vmem_shared>>) target_semaphore(%arg24 : memref<!tpu.dma_semaphore, #tpu.memory_space<semaphore_mem>>)
    %mul3A_648 = arith.constant 624 : i32
    %mul3A_649 = arith.muli %arg1, %mul3A_648 : i32
    %add3A_650 = arith.constant 104 : i32
    %add3A_651 = arith.addi %mul3A_649, %add3A_650 : i32
    %dma_start3A_652 = arith.constant 0 : i32
    %dma_start3A_653 = arith.constant 0 : i32
    %dma_start3A_654 = tpu.memref_slice %arg11[%dma_start3A_652, %dma_start3A_653] : memref<128x128xf32, #tpu.memory_space<vmem>> -> memref<8x128xf32, #tpu.memory_space<vmem>>
    %dma_start3A_655 = arith.constant 0 : i32
    %dma_start3A_656 = tpu.memref_slice %arg16[%add3A_651, %dma_start3A_655] : memref<10000x128xf32, #tpu.memory_space<vmem_shared>> -> memref<8x128xf32, #tpu.memory_space<vmem_shared>>
    %dma_start3A_657 = arith.constant 0 : i32
    %dma_start3A_658 = tpu.memref_slice %arg16[%add3A_651, %dma_start3A_657] : memref<10000x128xf32, #tpu.memory_space<vmem_shared>> -> memref<8x128xf32, #tpu.memory_space<vmem_shared>>
    %dma_start3A_659 = arith.constant 0 : i32
    %dma_start3A_660 = arith.constant 0 : i32
    %dma_start3A_661 = tpu.memref_slice %arg11[%dma_start3A_659, %dma_start3A_660] : memref<128x128xf32, #tpu.memory_space<vmem>> -> memref<8x128xf32, #tpu.memory_space<vmem>>
    tpu.enqueue_dma source(%dma_start3A_661 : memref<8x128xf32, #tpu.memory_space<vmem>>) target(%dma_start3A_658 : memref<8x128xf32, #tpu.memory_space<vmem_shared>>) target_semaphore(%arg24 : memref<!tpu.dma_semaphore, #tpu.memory_space<semaphore_mem>>)
    %mul3A_662 = arith.constant 624 : i32
    %mul3A_663 = arith.muli %arg1, %mul3A_662 : i32
    %add3A_664 = arith.constant 112 : i32
    %add3A_665 = arith.addi %mul3A_663, %add3A_664 : i32
    %dma_start3A_666 = arith.constant 0 : i32
    %dma_start3A_667 = arith.constant 0 : i32
    %dma_start3A_668 = tpu.memref_slice %arg11[%dma_start3A_666, %dma_start3A_667] : memref<128x128xf32, #tpu.memory_space<vmem>> -> memref<8x128xf32, #tpu.memory_space<vmem>>
    %dma_start3A_669 = arith.constant 0 : i32
    %dma_start3A_670 = tpu.memref_slice %arg16[%add3A_665, %dma_start3A_669] : memref<10000x128xf32, #tpu.memory_space<vmem_shared>> -> memref<8x128xf32, #tpu.memory_space<vmem_shared>>
    %dma_start3A_671 = arith.constant 0 : i32
    %dma_start3A_672 = tpu.memref_slice %arg16[%add3A_665, %dma_start3A_671] : memref<10000x128xf32, #tpu.memory_space<vmem_shared>> -> memref<8x128xf32, #tpu.memory_space<vmem_shared>>
    %dma_start3A_673 = arith.constant 0 : i32
    %dma_start3A_674 = arith.constant 0 : i32
    %dma_start3A_675 = tpu.memref_slice %arg11[%dma_start3A_673, %dma_start3A_674] : memref<128x128xf32, #tpu.memory_space<vmem>> -> memref<8x128xf32, #tpu.memory_space<vmem>>
    tpu.enqueue_dma source(%dma_start3A_675 : memref<8x128xf32, #tpu.memory_space<vmem>>) target(%dma_start3A_672 : memref<8x128xf32, #tpu.memory_space<vmem_shared>>) target_semaphore(%arg24 : memref<!tpu.dma_semaphore, #tpu.memory_space<semaphore_mem>>)
    %mul3A_676 = arith.constant 624 : i32
    %mul3A_677 = arith.muli %arg1, %mul3A_676 : i32
    %add3A_678 = arith.constant 120 : i32
    %add3A_679 = arith.addi %mul3A_677, %add3A_678 : i32
    %dma_start3A_680 = arith.constant 0 : i32
    %dma_start3A_681 = arith.constant 0 : i32
    %dma_start3A_682 = tpu.memref_slice %arg11[%dma_start3A_680, %dma_start3A_681] : memref<128x128xf32, #tpu.memory_space<vmem>> -> memref<8x128xf32, #tpu.memory_space<vmem>>
    %dma_start3A_683 = arith.constant 0 : i32
    %dma_start3A_684 = tpu.memref_slice %arg16[%add3A_679, %dma_start3A_683] : memref<10000x128xf32, #tpu.memory_space<vmem_shared>> -> memref<8x128xf32, #tpu.memory_space<vmem_shared>>
    %dma_start3A_685 = arith.constant 0 : i32
    %dma_start3A_686 = tpu.memref_slice %arg16[%add3A_679, %dma_start3A_685] : memref<10000x128xf32, #tpu.memory_space<vmem_shared>> -> memref<8x128xf32, #tpu.memory_space<vmem_shared>>
    %dma_start3A_687 = arith.constant 0 : i32
    %dma_start3A_688 = arith.constant 0 : i32
    %dma_start3A_689 = tpu.memref_slice %arg11[%dma_start3A_687, %dma_start3A_688] : memref<128x128xf32, #tpu.memory_space<vmem>> -> memref<8x128xf32, #tpu.memory_space<vmem>>
    tpu.enqueue_dma source(%dma_start3A_689 : memref<8x128xf32, #tpu.memory_space<vmem>>) target(%dma_start3A_686 : memref<8x128xf32, #tpu.memory_space<vmem_shared>>) target_semaphore(%arg24 : memref<!tpu.dma_semaphore, #tpu.memory_space<semaphore_mem>>)
    %mul3A_690 = arith.constant 624 : i32
    %mul3A_691 = arith.muli %arg1, %mul3A_690 : i32
    %add3A_692 = arith.constant 128 : i32
    %add3A_693 = arith.addi %mul3A_691, %add3A_692 : i32
    %dma_start3A_694 = arith.constant 0 : i32
    %dma_start3A_695 = arith.constant 0 : i32
    %dma_start3A_696 = tpu.memref_slice %arg11[%dma_start3A_694, %dma_start3A_695] : memref<128x128xf32, #tpu.memory_space<vmem>> -> memref<8x128xf32, #tpu.memory_space<vmem>>
    %dma_start3A_697 = arith.constant 0 : i32
    %dma_start3A_698 = tpu.memref_slice %arg16[%add3A_693, %dma_start3A_697] : memref<10000x128xf32, #tpu.memory_space<vmem_shared>> -> memref<8x128xf32, #tpu.memory_space<vmem_shared>>
    %dma_start3A_699 = arith.constant 0 : i32
    %dma_start3A_700 = tpu.memref_slice %arg16[%add3A_693, %dma_start3A_699] : memref<10000x128xf32, #tpu.memory_space<vmem_shared>> -> memref<8x128xf32, #tpu.memory_space<vmem_shared>>
    %dma_start3A_701 = arith.constant 0 : i32
    %dma_start3A_702 = arith.constant 0 : i32
    %dma_start3A_703 = tpu.memref_slice %arg11[%dma_start3A_701, %dma_start3A_702] : memref<128x128xf32, #tpu.memory_space<vmem>> -> memref<8x128xf32, #tpu.memory_space<vmem>>
    tpu.enqueue_dma source(%dma_start3A_703 : memref<8x128xf32, #tpu.memory_space<vmem>>) target(%dma_start3A_700 : memref<8x128xf32, #tpu.memory_space<vmem_shared>>) target_semaphore(%arg24 : memref<!tpu.dma_semaphore, #tpu.memory_space<semaphore_mem>>)
    %mul3A_704 = arith.constant 624 : i32
    %mul3A_705 = arith.muli %arg1, %mul3A_704 : i32
    %add3A_706 = arith.constant 136 : i32
    %add3A_707 = arith.addi %mul3A_705, %add3A_706 : i32
    %dma_start3A_708 = arith.constant 0 : i32
    %dma_start3A_709 = arith.constant 0 : i32
    %dma_start3A_710 = tpu.memref_slice %arg11[%dma_start3A_708, %dma_start3A_709] : memref<128x128xf32, #tpu.memory_space<vmem>> -> memref<8x128xf32, #tpu.memory_space<vmem>>
    %dma_start3A_711 = arith.constant 0 : i32
    %dma_start3A_712 = tpu.memref_slice %arg16[%add3A_707, %dma_start3A_711] : memref<10000x128xf32, #tpu.memory_space<vmem_shared>> -> memref<8x128xf32, #tpu.memory_space<vmem_shared>>
    %dma_start3A_713 = arith.constant 0 : i32
    %dma_start3A_714 = tpu.memref_slice %arg16[%add3A_707, %dma_start3A_713] : memref<10000x128xf32, #tpu.memory_space<vmem_shared>> -> memref<8x128xf32, #tpu.memory_space<vmem_shared>>
    %dma_start3A_715 = arith.constant 0 : i32
    %dma_start3A_716 = arith.constant 0 : i32
    %dma_start3A_717 = tpu.memref_slice %arg11[%dma_start3A_715, %dma_start3A_716] : memref<128x128xf32, #tpu.memory_space<vmem>> -> memref<8x128xf32, #tpu.memory_space<vmem>>
    tpu.enqueue_dma source(%dma_start3A_717 : memref<8x128xf32, #tpu.memory_space<vmem>>) target(%dma_start3A_714 : memref<8x128xf32, #tpu.memory_space<vmem_shared>>) target_semaphore(%arg24 : memref<!tpu.dma_semaphore, #tpu.memory_space<semaphore_mem>>)
    %mul3A_718 = arith.constant 624 : i32
    %mul3A_719 = arith.muli %arg1, %mul3A_718 : i32
    %add3A_720 = arith.constant 144 : i32
    %add3A_721 = arith.addi %mul3A_719, %add3A_720 : i32
    %dma_start3A_722 = arith.constant 0 : i32
    %dma_start3A_723 = arith.constant 0 : i32
    %dma_start3A_724 = tpu.memref_slice %arg11[%dma_start3A_722, %dma_start3A_723] : memref<128x128xf32, #tpu.memory_space<vmem>> -> memref<8x128xf32, #tpu.memory_space<vmem>>
    %dma_start3A_725 = arith.constant 0 : i32
    %dma_start3A_726 = tpu.memref_slice %arg16[%add3A_721, %dma_start3A_725] : memref<10000x128xf32, #tpu.memory_space<vmem_shared>> -> memref<8x128xf32, #tpu.memory_space<vmem_shared>>
    %dma_start3A_727 = arith.constant 0 : i32
    %dma_start3A_728 = tpu.memref_slice %arg16[%add3A_721, %dma_start3A_727] : memref<10000x128xf32, #tpu.memory_space<vmem_shared>> -> memref<8x128xf32, #tpu.memory_space<vmem_shared>>
    %dma_start3A_729 = arith.constant 0 : i32
    %dma_start3A_730 = arith.constant 0 : i32
    %dma_start3A_731 = tpu.memref_slice %arg11[%dma_start3A_729, %dma_start3A_730] : memref<128x128xf32, #tpu.memory_space<vmem>> -> memref<8x128xf32, #tpu.memory_space<vmem>>
    tpu.enqueue_dma source(%dma_start3A_731 : memref<8x128xf32, #tpu.memory_space<vmem>>) target(%dma_start3A_728 : memref<8x128xf32, #tpu.memory_space<vmem_shared>>) target_semaphore(%arg24 : memref<!tpu.dma_semaphore, #tpu.memory_space<semaphore_mem>>)
    %mul3A_732 = arith.constant 624 : i32
    %mul3A_733 = arith.muli %arg1, %mul3A_732 : i32
    %add3A_734 = arith.constant 152 : i32
    %add3A_735 = arith.addi %mul3A_733, %add3A_734 : i32
    %dma_start3A_736 = arith.constant 0 : i32
    %dma_start3A_737 = arith.constant 0 : i32
    %dma_start3A_738 = tpu.memref_slice %arg11[%dma_start3A_736, %dma_start3A_737] : memref<128x128xf32, #tpu.memory_space<vmem>> -> memref<8x128xf32, #tpu.memory_space<vmem>>
    %dma_start3A_739 = arith.constant 0 : i32
    %dma_start3A_740 = tpu.memref_slice %arg16[%add3A_735, %dma_start3A_739] : memref<10000x128xf32, #tpu.memory_space<vmem_shared>> -> memref<8x128xf32, #tpu.memory_space<vmem_shared>>
    %dma_start3A_741 = arith.constant 0 : i32
    %dma_start3A_742 = tpu.memref_slice %arg16[%add3A_735, %dma_start3A_741] : memref<10000x128xf32, #tpu.memory_space<vmem_shared>> -> memref<8x128xf32, #tpu.memory_space<vmem_shared>>
    %dma_start3A_743 = arith.constant 0 : i32
    %dma_start3A_744 = arith.constant 0 : i32
    %dma_start3A_745 = tpu.memref_slice %arg11[%dma_start3A_743, %dma_start3A_744] : memref<128x128xf32, #tpu.memory_space<vmem>> -> memref<8x128xf32, #tpu.memory_space<vmem>>
    tpu.enqueue_dma source(%dma_start3A_745 : memref<8x128xf32, #tpu.memory_space<vmem>>) target(%dma_start3A_742 : memref<8x128xf32, #tpu.memory_space<vmem_shared>>) target_semaphore(%arg24 : memref<!tpu.dma_semaphore, #tpu.memory_space<semaphore_mem>>)
    %mul3A_746 = arith.constant 624 : i32
    %mul3A_747 = arith.muli %arg1, %mul3A_746 : i32
    %add3A_748 = arith.constant 160 : i32
    %add3A_749 = arith.addi %mul3A_747, %add3A_748 : i32
    %dma_start3A_750 = arith.constant 0 : i32
    %dma_start3A_751 = arith.constant 0 : i32
    %dma_start3A_752 = tpu.memref_slice %arg11[%dma_start3A_750, %dma_start3A_751] : memref<128x128xf32, #tpu.memory_space<vmem>> -> memref<8x128xf32, #tpu.memory_space<vmem>>
    %dma_start3A_753 = arith.constant 0 : i32
    %dma_start3A_754 = tpu.memref_slice %arg16[%add3A_749, %dma_start3A_753] : memref<10000x128xf32, #tpu.memory_space<vmem_shared>> -> memref<8x128xf32, #tpu.memory_space<vmem_shared>>
    %dma_start3A_755 = arith.constant 0 : i32
    %dma_start3A_756 = tpu.memref_slice %arg16[%add3A_749, %dma_start3A_755] : memref<10000x128xf32, #tpu.memory_space<vmem_shared>> -> memref<8x128xf32, #tpu.memory_space<vmem_shared>>
    %dma_start3A_757 = arith.constant 0 : i32
    %dma_start3A_758 = arith.constant 0 : i32
    %dma_start3A_759 = tpu.memref_slice %arg11[%dma_start3A_757, %dma_start3A_758] : memref<128x128xf32, #tpu.memory_space<vmem>> -> memref<8x128xf32, #tpu.memory_space<vmem>>
    tpu.enqueue_dma source(%dma_start3A_759 : memref<8x128xf32, #tpu.memory_space<vmem>>) target(%dma_start3A_756 : memref<8x128xf32, #tpu.memory_space<vmem_shared>>) target_semaphore(%arg24 : memref<!tpu.dma_semaphore, #tpu.memory_space<semaphore_mem>>)
    %mul3A_760 = arith.constant 624 : i32
    %mul3A_761 = arith.muli %arg1, %mul3A_760 : i32
    %add3A_762 = arith.constant 168 : i32
    %add3A_763 = arith.addi %mul3A_761, %add3A_762 : i32
    %dma_start3A_764 = arith.constant 0 : i32
    %dma_start3A_765 = arith.constant 0 : i32
    %dma_start3A_766 = tpu.memref_slice %arg11[%dma_start3A_764, %dma_start3A_765] : memref<128x128xf32, #tpu.memory_space<vmem>> -> memref<8x128xf32, #tpu.memory_space<vmem>>
    %dma_start3A_767 = arith.constant 0 : i32
    %dma_start3A_768 = tpu.memref_slice %arg16[%add3A_763, %dma_start3A_767] : memref<10000x128xf32, #tpu.memory_space<vmem_shared>> -> memref<8x128xf32, #tpu.memory_space<vmem_shared>>
    %dma_start3A_769 = arith.constant 0 : i32
    %dma_start3A_770 = tpu.memref_slice %arg16[%add3A_763, %dma_start3A_769] : memref<10000x128xf32, #tpu.memory_space<vmem_shared>> -> memref<8x128xf32, #tpu.memory_space<vmem_shared>>
    %dma_start3A_771 = arith.constant 0 : i32
    %dma_start3A_772 = arith.constant 0 : i32
    %dma_start3A_773 = tpu.memref_slice %arg11[%dma_start3A_771, %dma_start3A_772] : memref<128x128xf32, #tpu.memory_space<vmem>> -> memref<8x128xf32, #tpu.memory_space<vmem>>
    tpu.enqueue_dma source(%dma_start3A_773 : memref<8x128xf32, #tpu.memory_space<vmem>>) target(%dma_start3A_770 : memref<8x128xf32, #tpu.memory_space<vmem_shared>>) target_semaphore(%arg24 : memref<!tpu.dma_semaphore, #tpu.memory_space<semaphore_mem>>)
    %mul3A_774 = arith.constant 624 : i32
    %mul3A_775 = arith.muli %arg1, %mul3A_774 : i32
    %add3A_776 = arith.constant 176 : i32
    %add3A_777 = arith.addi %mul3A_775, %add3A_776 : i32
    %dma_start3A_778 = arith.constant 0 : i32
    %dma_start3A_779 = arith.constant 0 : i32
    %dma_start3A_780 = tpu.memref_slice %arg11[%dma_start3A_778, %dma_start3A_779] : memref<128x128xf32, #tpu.memory_space<vmem>> -> memref<8x128xf32, #tpu.memory_space<vmem>>
    %dma_start3A_781 = arith.constant 0 : i32
    %dma_start3A_782 = tpu.memref_slice %arg16[%add3A_777, %dma_start3A_781] : memref<10000x128xf32, #tpu.memory_space<vmem_shared>> -> memref<8x128xf32, #tpu.memory_space<vmem_shared>>
    %dma_start3A_783 = arith.constant 0 : i32
    %dma_start3A_784 = tpu.memref_slice %arg16[%add3A_777, %dma_start3A_783] : memref<10000x128xf32, #tpu.memory_space<vmem_shared>> -> memref<8x128xf32, #tpu.memory_space<vmem_shared>>
    %dma_start3A_785 = arith.constant 0 : i32
    %dma_start3A_786 = arith.constant 0 : i32
    %dma_start3A_787 = tpu.memref_slice %arg11[%dma_start3A_785, %dma_start3A_786] : memref<128x128xf32, #tpu.memory_space<vmem>> -> memref<8x128xf32, #tpu.memory_space<vmem>>
    tpu.enqueue_dma source(%dma_start3A_787 : memref<8x128xf32, #tpu.memory_space<vmem>>) target(%dma_start3A_784 : memref<8x128xf32, #tpu.memory_space<vmem_shared>>) target_semaphore(%arg24 : memref<!tpu.dma_semaphore, #tpu.memory_space<semaphore_mem>>)
    %mul3A_788 = arith.constant 624 : i32
    %mul3A_789 = arith.muli %arg1, %mul3A_788 : i32
    %add3A_790 = arith.constant 184 : i32
    %add3A_791 = arith.addi %mul3A_789, %add3A_790 : i32
    %dma_start3A_792 = arith.constant 0 : i32
    %dma_start3A_793 = arith.constant 0 : i32
    %dma_start3A_794 = tpu.memref_slice %arg11[%dma_start3A_792, %dma_start3A_793] : memref<128x128xf32, #tpu.memory_space<vmem>> -> memref<8x128xf32, #tpu.memory_space<vmem>>
    %dma_start3A_795 = arith.constant 0 : i32
    %dma_start3A_796 = tpu.memref_slice %arg16[%add3A_791, %dma_start3A_795] : memref<10000x128xf32, #tpu.memory_space<vmem_shared>> -> memref<8x128xf32, #tpu.memory_space<vmem_shared>>
    %dma_start3A_797 = arith.constant 0 : i32
    %dma_start3A_798 = tpu.memref_slice %arg16[%add3A_791, %dma_start3A_797] : memref<10000x128xf32, #tpu.memory_space<vmem_shared>> -> memref<8x128xf32, #tpu.memory_space<vmem_shared>>
    %dma_start3A_799 = arith.constant 0 : i32
    %dma_start3A_800 = arith.constant 0 : i32
    %dma_start3A_801 = tpu.memref_slice %arg11[%dma_start3A_799, %dma_start3A_800] : memref<128x128xf32, #tpu.memory_space<vmem>> -> memref<8x128xf32, #tpu.memory_space<vmem>>
    tpu.enqueue_dma source(%dma_start3A_801 : memref<8x128xf32, #tpu.memory_space<vmem>>) target(%dma_start3A_798 : memref<8x128xf32, #tpu.memory_space<vmem_shared>>) target_semaphore(%arg24 : memref<!tpu.dma_semaphore, #tpu.memory_space<semaphore_mem>>)
    %mul3A_802 = arith.constant 624 : i32
    %mul3A_803 = arith.muli %arg1, %mul3A_802 : i32
    %add3A_804 = arith.constant 192 : i32
    %add3A_805 = arith.addi %mul3A_803, %add3A_804 : i32
    %dma_start3A_806 = arith.constant 0 : i32
    %dma_start3A_807 = arith.constant 0 : i32
    %dma_start3A_808 = tpu.memref_slice %arg11[%dma_start3A_806, %dma_start3A_807] : memref<128x128xf32, #tpu.memory_space<vmem>> -> memref<8x128xf32, #tpu.memory_space<vmem>>
    %dma_start3A_809 = arith.constant 0 : i32
    %dma_start3A_810 = tpu.memref_slice %arg16[%add3A_805, %dma_start3A_809] : memref<10000x128xf32, #tpu.memory_space<vmem_shared>> -> memref<8x128xf32, #tpu.memory_space<vmem_shared>>
    %dma_start3A_811 = arith.constant 0 : i32
    %dma_start3A_812 = tpu.memref_slice %arg16[%add3A_805, %dma_start3A_811] : memref<10000x128xf32, #tpu.memory_space<vmem_shared>> -> memref<8x128xf32, #tpu.memory_space<vmem_shared>>
    %dma_start3A_813 = arith.constant 0 : i32
    %dma_start3A_814 = arith.constant 0 : i32
    %dma_start3A_815 = tpu.memref_slice %arg11[%dma_start3A_813, %dma_start3A_814] : memref<128x128xf32, #tpu.memory_space<vmem>> -> memref<8x128xf32, #tpu.memory_space<vmem>>
    tpu.enqueue_dma source(%dma_start3A_815 : memref<8x128xf32, #tpu.memory_space<vmem>>) target(%dma_start3A_812 : memref<8x128xf32, #tpu.memory_space<vmem_shared>>) target_semaphore(%arg24 : memref<!tpu.dma_semaphore, #tpu.memory_space<semaphore_mem>>)
    %mul3A_816 = arith.constant 624 : i32
    %mul3A_817 = arith.muli %arg1, %mul3A_816 : i32
    %add3A_818 = arith.constant 200 : i32
    %add3A_819 = arith.addi %mul3A_817, %add3A_818 : i32
    %dma_start3A_820 = arith.constant 0 : i32
    %dma_start3A_821 = arith.constant 0 : i32
    %dma_start3A_822 = tpu.memref_slice %arg11[%dma_start3A_820, %dma_start3A_821] : memref<128x128xf32, #tpu.memory_space<vmem>> -> memref<8x128xf32, #tpu.memory_space<vmem>>
    %dma_start3A_823 = arith.constant 0 : i32
    %dma_start3A_824 = tpu.memref_slice %arg16[%add3A_819, %dma_start3A_823] : memref<10000x128xf32, #tpu.memory_space<vmem_shared>> -> memref<8x128xf32, #tpu.memory_space<vmem_shared>>
    %dma_start3A_825 = arith.constant 0 : i32
    %dma_start3A_826 = tpu.memref_slice %arg16[%add3A_819, %dma_start3A_825] : memref<10000x128xf32, #tpu.memory_space<vmem_shared>> -> memref<8x128xf32, #tpu.memory_space<vmem_shared>>
    %dma_start3A_827 = arith.constant 0 : i32
    %dma_start3A_828 = arith.constant 0 : i32
    %dma_start3A_829 = tpu.memref_slice %arg11[%dma_start3A_827, %dma_start3A_828] : memref<128x128xf32, #tpu.memory_space<vmem>> -> memref<8x128xf32, #tpu.memory_space<vmem>>
    tpu.enqueue_dma source(%dma_start3A_829 : memref<8x128xf32, #tpu.memory_space<vmem>>) target(%dma_start3A_826 : memref<8x128xf32, #tpu.memory_space<vmem_shared>>) target_semaphore(%arg24 : memref<!tpu.dma_semaphore, #tpu.memory_space<semaphore_mem>>)
    %mul3A_830 = arith.constant 624 : i32
    %mul3A_831 = arith.muli %arg1, %mul3A_830 : i32
    %add3A_832 = arith.constant 208 : i32
    %add3A_833 = arith.addi %mul3A_831, %add3A_832 : i32
    %dma_start3A_834 = arith.constant 0 : i32
    %dma_start3A_835 = arith.constant 0 : i32
    %dma_start3A_836 = tpu.memref_slice %arg11[%dma_start3A_834, %dma_start3A_835] : memref<128x128xf32, #tpu.memory_space<vmem>> -> memref<8x128xf32, #tpu.memory_space<vmem>>
    %dma_start3A_837 = arith.constant 0 : i32
    %dma_start3A_838 = tpu.memref_slice %arg16[%add3A_833, %dma_start3A_837] : memref<10000x128xf32, #tpu.memory_space<vmem_shared>> -> memref<8x128xf32, #tpu.memory_space<vmem_shared>>
    %dma_start3A_839 = arith.constant 0 : i32
    %dma_start3A_840 = tpu.memref_slice %arg16[%add3A_833, %dma_start3A_839] : memref<10000x128xf32, #tpu.memory_space<vmem_shared>> -> memref<8x128xf32, #tpu.memory_space<vmem_shared>>
    %dma_start3A_841 = arith.constant 0 : i32
    %dma_start3A_842 = arith.constant 0 : i32
    %dma_start3A_843 = tpu.memref_slice %arg11[%dma_start3A_841, %dma_start3A_842] : memref<128x128xf32, #tpu.memory_space<vmem>> -> memref<8x128xf32, #tpu.memory_space<vmem>>
    tpu.enqueue_dma source(%dma_start3A_843 : memref<8x128xf32, #tpu.memory_space<vmem>>) target(%dma_start3A_840 : memref<8x128xf32, #tpu.memory_space<vmem_shared>>) target_semaphore(%arg24 : memref<!tpu.dma_semaphore, #tpu.memory_space<semaphore_mem>>)
    %mul3A_844 = arith.constant 624 : i32
    %mul3A_845 = arith.muli %arg1, %mul3A_844 : i32
    %add3A_846 = arith.constant 216 : i32
    %add3A_847 = arith.addi %mul3A_845, %add3A_846 : i32
    %dma_start3A_848 = arith.constant 0 : i32
    %dma_start3A_849 = arith.constant 0 : i32
    %dma_start3A_850 = tpu.memref_slice %arg11[%dma_start3A_848, %dma_start3A_849] : memref<128x128xf32, #tpu.memory_space<vmem>> -> memref<8x128xf32, #tpu.memory_space<vmem>>
    %dma_start3A_851 = arith.constant 0 : i32
    %dma_start3A_852 = tpu.memref_slice %arg16[%add3A_847, %dma_start3A_851] : memref<10000x128xf32, #tpu.memory_space<vmem_shared>> -> memref<8x128xf32, #tpu.memory_space<vmem_shared>>
    %dma_start3A_853 = arith.constant 0 : i32
    %dma_start3A_854 = tpu.memref_slice %arg16[%add3A_847, %dma_start3A_853] : memref<10000x128xf32, #tpu.memory_space<vmem_shared>> -> memref<8x128xf32, #tpu.memory_space<vmem_shared>>
    %dma_start3A_855 = arith.constant 0 : i32
    %dma_start3A_856 = arith.constant 0 : i32
    %dma_start3A_857 = tpu.memref_slice %arg11[%dma_start3A_855, %dma_start3A_856] : memref<128x128xf32, #tpu.memory_space<vmem>> -> memref<8x128xf32, #tpu.memory_space<vmem>>
    tpu.enqueue_dma source(%dma_start3A_857 : memref<8x128xf32, #tpu.memory_space<vmem>>) target(%dma_start3A_854 : memref<8x128xf32, #tpu.memory_space<vmem_shared>>) target_semaphore(%arg24 : memref<!tpu.dma_semaphore, #tpu.memory_space<semaphore_mem>>)
    %mul3A_858 = arith.constant 624 : i32
    %mul3A_859 = arith.muli %arg1, %mul3A_858 : i32
    %add3A_860 = arith.constant 224 : i32
    %add3A_861 = arith.addi %mul3A_859, %add3A_860 : i32
    %dma_start3A_862 = arith.constant 0 : i32
    %dma_start3A_863 = arith.constant 0 : i32
    %dma_start3A_864 = tpu.memref_slice %arg11[%dma_start3A_862, %dma_start3A_863] : memref<128x128xf32, #tpu.memory_space<vmem>> -> memref<8x128xf32, #tpu.memory_space<vmem>>
    %dma_start3A_865 = arith.constant 0 : i32
    %dma_start3A_866 = tpu.memref_slice %arg16[%add3A_861, %dma_start3A_865] : memref<10000x128xf32, #tpu.memory_space<vmem_shared>> -> memref<8x128xf32, #tpu.memory_space<vmem_shared>>
    %dma_start3A_867 = arith.constant 0 : i32
    %dma_start3A_868 = tpu.memref_slice %arg16[%add3A_861, %dma_start3A_867] : memref<10000x128xf32, #tpu.memory_space<vmem_shared>> -> memref<8x128xf32, #tpu.memory_space<vmem_shared>>
    %dma_start3A_869 = arith.constant 0 : i32
    %dma_start3A_870 = arith.constant 0 : i32
    %dma_start3A_871 = tpu.memref_slice %arg11[%dma_start3A_869, %dma_start3A_870] : memref<128x128xf32, #tpu.memory_space<vmem>> -> memref<8x128xf32, #tpu.memory_space<vmem>>
    tpu.enqueue_dma source(%dma_start3A_871 : memref<8x128xf32, #tpu.memory_space<vmem>>) target(%dma_start3A_868 : memref<8x128xf32, #tpu.memory_space<vmem_shared>>) target_semaphore(%arg24 : memref<!tpu.dma_semaphore, #tpu.memory_space<semaphore_mem>>)
    %mul3A_872 = arith.constant 624 : i32
    %mul3A_873 = arith.muli %arg1, %mul3A_872 : i32
    %add3A_874 = arith.constant 232 : i32
    %add3A_875 = arith.addi %mul3A_873, %add3A_874 : i32
    %dma_start3A_876 = arith.constant 0 : i32
    %dma_start3A_877 = arith.constant 0 : i32
    %dma_start3A_878 = tpu.memref_slice %arg11[%dma_start3A_876, %dma_start3A_877] : memref<128x128xf32, #tpu.memory_space<vmem>> -> memref<8x128xf32, #tpu.memory_space<vmem>>
    %dma_start3A_879 = arith.constant 0 : i32
    %dma_start3A_880 = tpu.memref_slice %arg16[%add3A_875, %dma_start3A_879] : memref<10000x128xf32, #tpu.memory_space<vmem_shared>> -> memref<8x128xf32, #tpu.memory_space<vmem_shared>>
    %dma_start3A_881 = arith.constant 0 : i32
    %dma_start3A_882 = tpu.memref_slice %arg16[%add3A_875, %dma_start3A_881] : memref<10000x128xf32, #tpu.memory_space<vmem_shared>> -> memref<8x128xf32, #tpu.memory_space<vmem_shared>>
    %dma_start3A_883 = arith.constant 0 : i32
    %dma_start3A_884 = arith.constant 0 : i32
    %dma_start3A_885 = tpu.memref_slice %arg11[%dma_start3A_883, %dma_start3A_884] : memref<128x128xf32, #tpu.memory_space<vmem>> -> memref<8x128xf32, #tpu.memory_space<vmem>>
    tpu.enqueue_dma source(%dma_start3A_885 : memref<8x128xf32, #tpu.memory_space<vmem>>) target(%dma_start3A_882 : memref<8x128xf32, #tpu.memory_space<vmem_shared>>) target_semaphore(%arg24 : memref<!tpu.dma_semaphore, #tpu.memory_space<semaphore_mem>>)
    %mul3A_886 = arith.constant 624 : i32
    %mul3A_887 = arith.muli %arg1, %mul3A_886 : i32
    %add3A_888 = arith.constant 240 : i32
    %add3A_889 = arith.addi %mul3A_887, %add3A_888 : i32
    %dma_start3A_890 = arith.constant 0 : i32
    %dma_start3A_891 = arith.constant 0 : i32
    %dma_start3A_892 = tpu.memref_slice %arg11[%dma_start3A_890, %dma_start3A_891] : memref<128x128xf32, #tpu.memory_space<vmem>> -> memref<8x128xf32, #tpu.memory_space<vmem>>
    %dma_start3A_893 = arith.constant 0 : i32
    %dma_start3A_894 = tpu.memref_slice %arg16[%add3A_889, %dma_start3A_893] : memref<10000x128xf32, #tpu.memory_space<vmem_shared>> -> memref<8x128xf32, #tpu.memory_space<vmem_shared>>
    %dma_start3A_895 = arith.constant 0 : i32
    %dma_start3A_896 = tpu.memref_slice %arg16[%add3A_889, %dma_start3A_895] : memref<10000x128xf32, #tpu.memory_space<vmem_shared>> -> memref<8x128xf32, #tpu.memory_space<vmem_shared>>
    %dma_start3A_897 = arith.constant 0 : i32
    %dma_start3A_898 = arith.constant 0 : i32
    %dma_start3A_899 = tpu.memref_slice %arg11[%dma_start3A_897, %dma_start3A_898] : memref<128x128xf32, #tpu.memory_space<vmem>> -> memref<8x128xf32, #tpu.memory_space<vmem>>
    tpu.enqueue_dma source(%dma_start3A_899 : memref<8x128xf32, #tpu.memory_space<vmem>>) target(%dma_start3A_896 : memref<8x128xf32, #tpu.memory_space<vmem_shared>>) target_semaphore(%arg24 : memref<!tpu.dma_semaphore, #tpu.memory_space<semaphore_mem>>)
    %mul3A_900 = arith.constant 624 : i32
    %mul3A_901 = arith.muli %arg1, %mul3A_900 : i32
    %add3A_902 = arith.constant 248 : i32
    %add3A_903 = arith.addi %mul3A_901, %add3A_902 : i32
    %dma_start3A_904 = arith.constant 0 : i32
    %dma_start3A_905 = arith.constant 0 : i32
    %dma_start3A_906 = tpu.memref_slice %arg11[%dma_start3A_904, %dma_start3A_905] : memref<128x128xf32, #tpu.memory_space<vmem>> -> memref<8x128xf32, #tpu.memory_space<vmem>>
    %dma_start3A_907 = arith.constant 0 : i32
    %dma_start3A_908 = tpu.memref_slice %arg16[%add3A_903, %dma_start3A_907] : memref<10000x128xf32, #tpu.memory_space<vmem_shared>> -> memref<8x128xf32, #tpu.memory_space<vmem_shared>>
    %dma_start3A_909 = arith.constant 0 : i32
    %dma_start3A_910 = tpu.memref_slice %arg16[%add3A_903, %dma_start3A_909] : memref<10000x128xf32, #tpu.memory_space<vmem_shared>> -> memref<8x128xf32, #tpu.memory_space<vmem_shared>>
    %dma_start3A_911 = arith.constant 0 : i32
    %dma_start3A_912 = arith.constant 0 : i32
    %dma_start3A_913 = tpu.memref_slice %arg11[%dma_start3A_911, %dma_start3A_912] : memref<128x128xf32, #tpu.memory_space<vmem>> -> memref<8x128xf32, #tpu.memory_space<vmem>>
    tpu.enqueue_dma source(%dma_start3A_913 : memref<8x128xf32, #tpu.memory_space<vmem>>) target(%dma_start3A_910 : memref<8x128xf32, #tpu.memory_space<vmem_shared>>) target_semaphore(%arg24 : memref<!tpu.dma_semaphore, #tpu.memory_space<semaphore_mem>>)
    %mul3A_914 = arith.constant 624 : i32
    %mul3A_915 = arith.muli %arg1, %mul3A_914 : i32
    %add3A_916 = arith.constant 256 : i32
    %add3A_917 = arith.addi %mul3A_915, %add3A_916 : i32
    %dma_start3A_918 = arith.constant 0 : i32
    %dma_start3A_919 = arith.constant 0 : i32
    %dma_start3A_920 = tpu.memref_slice %arg11[%dma_start3A_918, %dma_start3A_919] : memref<128x128xf32, #tpu.memory_space<vmem>> -> memref<8x128xf32, #tpu.memory_space<vmem>>
    %dma_start3A_921 = arith.constant 0 : i32
    %dma_start3A_922 = tpu.memref_slice %arg16[%add3A_917, %dma_start3A_921] : memref<10000x128xf32, #tpu.memory_space<vmem_shared>> -> memref<8x128xf32, #tpu.memory_space<vmem_shared>>
    %dma_start3A_923 = arith.constant 0 : i32
    %dma_start3A_924 = tpu.memref_slice %arg16[%add3A_917, %dma_start3A_923] : memref<10000x128xf32, #tpu.memory_space<vmem_shared>> -> memref<8x128xf32, #tpu.memory_space<vmem_shared>>
    %dma_start3A_925 = arith.constant 0 : i32
    %dma_start3A_926 = arith.constant 0 : i32
    %dma_start3A_927 = tpu.memref_slice %arg11[%dma_start3A_925, %dma_start3A_926] : memref<128x128xf32, #tpu.memory_space<vmem>> -> memref<8x128xf32, #tpu.memory_space<vmem>>
    tpu.enqueue_dma source(%dma_start3A_927 : memref<8x128xf32, #tpu.memory_space<vmem>>) target(%dma_start3A_924 : memref<8x128xf32, #tpu.memory_space<vmem_shared>>) target_semaphore(%arg24 : memref<!tpu.dma_semaphore, #tpu.memory_space<semaphore_mem>>)
    %mul3A_928 = arith.constant 624 : i32
    %mul3A_929 = arith.muli %arg1, %mul3A_928 : i32
    %add3A_930 = arith.constant 264 : i32
    %add3A_931 = arith.addi %mul3A_929, %add3A_930 : i32
    %dma_start3A_932 = arith.constant 0 : i32
    %dma_start3A_933 = arith.constant 0 : i32
    %dma_start3A_934 = tpu.memref_slice %arg11[%dma_start3A_932, %dma_start3A_933] : memref<128x128xf32, #tpu.memory_space<vmem>> -> memref<8x128xf32, #tpu.memory_space<vmem>>
    %dma_start3A_935 = arith.constant 0 : i32
    %dma_start3A_936 = tpu.memref_slice %arg16[%add3A_931, %dma_start3A_935] : memref<10000x128xf32, #tpu.memory_space<vmem_shared>> -> memref<8x128xf32, #tpu.memory_space<vmem_shared>>
    %dma_start3A_937 = arith.constant 0 : i32
    %dma_start3A_938 = tpu.memref_slice %arg16[%add3A_931, %dma_start3A_937] : memref<10000x128xf32, #tpu.memory_space<vmem_shared>> -> memref<8x128xf32, #tpu.memory_space<vmem_shared>>
    %dma_start3A_939 = arith.constant 0 : i32
    %dma_start3A_940 = arith.constant 0 : i32
    %dma_start3A_941 = tpu.memref_slice %arg11[%dma_start3A_939, %dma_start3A_940] : memref<128x128xf32, #tpu.memory_space<vmem>> -> memref<8x128xf32, #tpu.memory_space<vmem>>
    tpu.enqueue_dma source(%dma_start3A_941 : memref<8x128xf32, #tpu.memory_space<vmem>>) target(%dma_start3A_938 : memref<8x128xf32, #tpu.memory_space<vmem_shared>>) target_semaphore(%arg24 : memref<!tpu.dma_semaphore, #tpu.memory_space<semaphore_mem>>)
    %mul3A_942 = arith.constant 624 : i32
    %mul3A_943 = arith.muli %arg1, %mul3A_942 : i32
    %add3A_944 = arith.constant 272 : i32
    %add3A_945 = arith.addi %mul3A_943, %add3A_944 : i32
    %dma_start3A_946 = arith.constant 0 : i32
    %dma_start3A_947 = arith.constant 0 : i32
    %dma_start3A_948 = tpu.memref_slice %arg11[%dma_start3A_946, %dma_start3A_947] : memref<128x128xf32, #tpu.memory_space<vmem>> -> memref<8x128xf32, #tpu.memory_space<vmem>>
    %dma_start3A_949 = arith.constant 0 : i32
    %dma_start3A_950 = tpu.memref_slice %arg16[%add3A_945, %dma_start3A_949] : memref<10000x128xf32, #tpu.memory_space<vmem_shared>> -> memref<8x128xf32, #tpu.memory_space<vmem_shared>>
    %dma_start3A_951 = arith.constant 0 : i32
    %dma_start3A_952 = tpu.memref_slice %arg16[%add3A_945, %dma_start3A_951] : memref<10000x128xf32, #tpu.memory_space<vmem_shared>> -> memref<8x128xf32, #tpu.memory_space<vmem_shared>>
    %dma_start3A_953 = arith.constant 0 : i32
    %dma_start3A_954 = arith.constant 0 : i32
    %dma_start3A_955 = tpu.memref_slice %arg11[%dma_start3A_953, %dma_start3A_954] : memref<128x128xf32, #tpu.memory_space<vmem>> -> memref<8x128xf32, #tpu.memory_space<vmem>>
    tpu.enqueue_dma source(%dma_start3A_955 : memref<8x128xf32, #tpu.memory_space<vmem>>) target(%dma_start3A_952 : memref<8x128xf32, #tpu.memory_space<vmem_shared>>) target_semaphore(%arg24 : memref<!tpu.dma_semaphore, #tpu.memory_space<semaphore_mem>>)
    %mul3A_956 = arith.constant 624 : i32
    %mul3A_957 = arith.muli %arg1, %mul3A_956 : i32
    %add3A_958 = arith.constant 280 : i32
    %add3A_959 = arith.addi %mul3A_957, %add3A_958 : i32
    %dma_start3A_960 = arith.constant 0 : i32
    %dma_start3A_961 = arith.constant 0 : i32
    %dma_start3A_962 = tpu.memref_slice %arg11[%dma_start3A_960, %dma_start3A_961] : memref<128x128xf32, #tpu.memory_space<vmem>> -> memref<8x128xf32, #tpu.memory_space<vmem>>
    %dma_start3A_963 = arith.constant 0 : i32
    %dma_start3A_964 = tpu.memref_slice %arg16[%add3A_959, %dma_start3A_963] : memref<10000x128xf32, #tpu.memory_space<vmem_shared>> -> memref<8x128xf32, #tpu.memory_space<vmem_shared>>
    %dma_start3A_965 = arith.constant 0 : i32
    %dma_start3A_966 = tpu.memref_slice %arg16[%add3A_959, %dma_start3A_965] : memref<10000x128xf32, #tpu.memory_space<vmem_shared>> -> memref<8x128xf32, #tpu.memory_space<vmem_shared>>
    %dma_start3A_967 = arith.constant 0 : i32
    %dma_start3A_968 = arith.constant 0 : i32
    %dma_start3A_969 = tpu.memref_slice %arg11[%dma_start3A_967, %dma_start3A_968] : memref<128x128xf32, #tpu.memory_space<vmem>> -> memref<8x128xf32, #tpu.memory_space<vmem>>
    tpu.enqueue_dma source(%dma_start3A_969 : memref<8x128xf32, #tpu.memory_space<vmem>>) target(%dma_start3A_966 : memref<8x128xf32, #tpu.memory_space<vmem_shared>>) target_semaphore(%arg24 : memref<!tpu.dma_semaphore, #tpu.memory_space<semaphore_mem>>)
    %mul3A_970 = arith.constant 624 : i32
    %mul3A_971 = arith.muli %arg1, %mul3A_970 : i32
    %add3A_972 = arith.constant 288 : i32
    %add3A_973 = arith.addi %mul3A_971, %add3A_972 : i32
    %dma_start3A_974 = arith.constant 0 : i32
    %dma_start3A_975 = arith.constant 0 : i32
    %dma_start3A_976 = tpu.memref_slice %arg11[%dma_start3A_974, %dma_start3A_975] : memref<128x128xf32, #tpu.memory_space<vmem>> -> memref<8x128xf32, #tpu.memory_space<vmem>>
    %dma_start3A_977 = arith.constant 0 : i32
    %dma_start3A_978 = tpu.memref_slice %arg16[%add3A_973, %dma_start3A_977] : memref<10000x128xf32, #tpu.memory_space<vmem_shared>> -> memref<8x128xf32, #tpu.memory_space<vmem_shared>>
    %dma_start3A_979 = arith.constant 0 : i32
    %dma_start3A_980 = tpu.memref_slice %arg16[%add3A_973, %dma_start3A_979] : memref<10000x128xf32, #tpu.memory_space<vmem_shared>> -> memref<8x128xf32, #tpu.memory_space<vmem_shared>>
    %dma_start3A_981 = arith.constant 0 : i32
    %dma_start3A_982 = arith.constant 0 : i32
    %dma_start3A_983 = tpu.memref_slice %arg11[%dma_start3A_981, %dma_start3A_982] : memref<128x128xf32, #tpu.memory_space<vmem>> -> memref<8x128xf32, #tpu.memory_space<vmem>>
    tpu.enqueue_dma source(%dma_start3A_983 : memref<8x128xf32, #tpu.memory_space<vmem>>) target(%dma_start3A_980 : memref<8x128xf32, #tpu.memory_space<vmem_shared>>) target_semaphore(%arg24 : memref<!tpu.dma_semaphore, #tpu.memory_space<semaphore_mem>>)
    %mul3A_984 = arith.constant 624 : i32
    %mul3A_985 = arith.muli %arg1, %mul3A_984 : i32
    %add3A_986 = arith.constant 296 : i32
    %add3A_987 = arith.addi %mul3A_985, %add3A_986 : i32
    %dma_start3A_988 = arith.constant 0 : i32
    %dma_start3A_989 = arith.constant 0 : i32
    %dma_start3A_990 = tpu.memref_slice %arg11[%dma_start3A_988, %dma_start3A_989] : memref<128x128xf32, #tpu.memory_space<vmem>> -> memref<8x128xf32, #tpu.memory_space<vmem>>
    %dma_start3A_991 = arith.constant 0 : i32
    %dma_start3A_992 = tpu.memref_slice %arg16[%add3A_987, %dma_start3A_991] : memref<10000x128xf32, #tpu.memory_space<vmem_shared>> -> memref<8x128xf32, #tpu.memory_space<vmem_shared>>
    %dma_start3A_993 = arith.constant 0 : i32
    %dma_start3A_994 = tpu.memref_slice %arg16[%add3A_987, %dma_start3A_993] : memref<10000x128xf32, #tpu.memory_space<vmem_shared>> -> memref<8x128xf32, #tpu.memory_space<vmem_shared>>
    %dma_start3A_995 = arith.constant 0 : i32
    %dma_start3A_996 = arith.constant 0 : i32
    %dma_start3A_997 = tpu.memref_slice %arg11[%dma_start3A_995, %dma_start3A_996] : memref<128x128xf32, #tpu.memory_space<vmem>> -> memref<8x128xf32, #tpu.memory_space<vmem>>
    tpu.enqueue_dma source(%dma_start3A_997 : memref<8x128xf32, #tpu.memory_space<vmem>>) target(%dma_start3A_994 : memref<8x128xf32, #tpu.memory_space<vmem_shared>>) target_semaphore(%arg24 : memref<!tpu.dma_semaphore, #tpu.memory_space<semaphore_mem>>)
    %mul3A_998 = arith.constant 624 : i32
    %mul3A_999 = arith.muli %arg1, %mul3A_998 : i32
    %add3A_1000 = arith.constant 304 : i32
    %add3A_1001 = arith.addi %mul3A_999, %add3A_1000 : i32
    %dma_start3A_1002 = arith.constant 0 : i32
    %dma_start3A_1003 = arith.constant 0 : i32
    %dma_start3A_1004 = tpu.memref_slice %arg11[%dma_start3A_1002, %dma_start3A_1003] : memref<128x128xf32, #tpu.memory_space<vmem>> -> memref<8x128xf32, #tpu.memory_space<vmem>>
    %dma_start3A_1005 = arith.constant 0 : i32
    %dma_start3A_1006 = tpu.memref_slice %arg16[%add3A_1001, %dma_start3A_1005] : memref<10000x128xf32, #tpu.memory_space<vmem_shared>> -> memref<8x128xf32, #tpu.memory_space<vmem_shared>>
    %dma_start3A_1007 = arith.constant 0 : i32
    %dma_start3A_1008 = tpu.memref_slice %arg16[%add3A_1001, %dma_start3A_1007] : memref<10000x128xf32, #tpu.memory_space<vmem_shared>> -> memref<8x128xf32, #tpu.memory_space<vmem_shared>>
    %dma_start3A_1009 = arith.constant 0 : i32
    %dma_start3A_1010 = arith.constant 0 : i32
    %dma_start3A_1011 = tpu.memref_slice %arg11[%dma_start3A_1009, %dma_start3A_1010] : memref<128x128xf32, #tpu.memory_space<vmem>> -> memref<8x128xf32, #tpu.memory_space<vmem>>
    tpu.enqueue_dma source(%dma_start3A_1011 : memref<8x128xf32, #tpu.memory_space<vmem>>) target(%dma_start3A_1008 : memref<8x128xf32, #tpu.memory_space<vmem_shared>>) target_semaphore(%arg24 : memref<!tpu.dma_semaphore, #tpu.memory_space<semaphore_mem>>)
    %mul3A_1012 = arith.constant 624 : i32
    %mul3A_1013 = arith.muli %arg1, %mul3A_1012 : i32
    %add3A_1014 = arith.constant 312 : i32
    %add3A_1015 = arith.addi %mul3A_1013, %add3A_1014 : i32
    %dma_start3A_1016 = arith.constant 0 : i32
    %dma_start3A_1017 = arith.constant 0 : i32
    %dma_start3A_1018 = tpu.memref_slice %arg11[%dma_start3A_1016, %dma_start3A_1017] : memref<128x128xf32, #tpu.memory_space<vmem>> -> memref<8x128xf32, #tpu.memory_space<vmem>>
    %dma_start3A_1019 = arith.constant 0 : i32
    %dma_start3A_1020 = tpu.memref_slice %arg16[%add3A_1015, %dma_start3A_1019] : memref<10000x128xf32, #tpu.memory_space<vmem_shared>> -> memref<8x128xf32, #tpu.memory_space<vmem_shared>>
    %dma_start3A_1021 = arith.constant 0 : i32
    %dma_start3A_1022 = tpu.memref_slice %arg16[%add3A_1015, %dma_start3A_1021] : memref<10000x128xf32, #tpu.memory_space<vmem_shared>> -> memref<8x128xf32, #tpu.memory_space<vmem_shared>>
    %dma_start3A_1023 = arith.constant 0 : i32
    %dma_start3A_1024 = arith.constant 0 : i32
    %dma_start3A_1025 = tpu.memref_slice %arg11[%dma_start3A_1023, %dma_start3A_1024] : memref<128x128xf32, #tpu.memory_space<vmem>> -> memref<8x128xf32, #tpu.memory_space<vmem>>
    tpu.enqueue_dma source(%dma_start3A_1025 : memref<8x128xf32, #tpu.memory_space<vmem>>) target(%dma_start3A_1022 : memref<8x128xf32, #tpu.memory_space<vmem_shared>>) target_semaphore(%arg24 : memref<!tpu.dma_semaphore, #tpu.memory_space<semaphore_mem>>)
    %mul3A_1026 = arith.constant 624 : i32
    %mul3A_1027 = arith.muli %arg1, %mul3A_1026 : i32
    %add3A_1028 = arith.constant 320 : i32
    %add3A_1029 = arith.addi %mul3A_1027, %add3A_1028 : i32
    %dma_start3A_1030 = arith.constant 0 : i32
    %dma_start3A_1031 = arith.constant 0 : i32
    %dma_start3A_1032 = tpu.memref_slice %arg11[%dma_start3A_1030, %dma_start3A_1031] : memref<128x128xf32, #tpu.memory_space<vmem>> -> memref<8x128xf32, #tpu.memory_space<vmem>>
    %dma_start3A_1033 = arith.constant 0 : i32
    %dma_start3A_1034 = tpu.memref_slice %arg16[%add3A_1029, %dma_start3A_1033] : memref<10000x128xf32, #tpu.memory_space<vmem_shared>> -> memref<8x128xf32, #tpu.memory_space<vmem_shared>>
    %dma_start3A_1035 = arith.constant 0 : i32
    %dma_start3A_1036 = tpu.memref_slice %arg16[%add3A_1029, %dma_start3A_1035] : memref<10000x128xf32, #tpu.memory_space<vmem_shared>> -> memref<8x128xf32, #tpu.memory_space<vmem_shared>>
    %dma_start3A_1037 = arith.constant 0 : i32
    %dma_start3A_1038 = arith.constant 0 : i32
    %dma_start3A_1039 = tpu.memref_slice %arg11[%dma_start3A_1037, %dma_start3A_1038] : memref<128x128xf32, #tpu.memory_space<vmem>> -> memref<8x128xf32, #tpu.memory_space<vmem>>
    tpu.enqueue_dma source(%dma_start3A_1039 : memref<8x128xf32, #tpu.memory_space<vmem>>) target(%dma_start3A_1036 : memref<8x128xf32, #tpu.memory_space<vmem_shared>>) target_semaphore(%arg24 : memref<!tpu.dma_semaphore, #tpu.memory_space<semaphore_mem>>)
    %mul3A_1040 = arith.constant 624 : i32
    %mul3A_1041 = arith.muli %arg1, %mul3A_1040 : i32
    %add3A_1042 = arith.constant 328 : i32
    %add3A_1043 = arith.addi %mul3A_1041, %add3A_1042 : i32
    %dma_start3A_1044 = arith.constant 0 : i32
    %dma_start3A_1045 = arith.constant 0 : i32
    %dma_start3A_1046 = tpu.memref_slice %arg11[%dma_start3A_1044, %dma_start3A_1045] : memref<128x128xf32, #tpu.memory_space<vmem>> -> memref<8x128xf32, #tpu.memory_space<vmem>>
    %dma_start3A_1047 = arith.constant 0 : i32
    %dma_start3A_1048 = tpu.memref_slice %arg16[%add3A_1043, %dma_start3A_1047] : memref<10000x128xf32, #tpu.memory_space<vmem_shared>> -> memref<8x128xf32, #tpu.memory_space<vmem_shared>>
    %dma_start3A_1049 = arith.constant 0 : i32
    %dma_start3A_1050 = tpu.memref_slice %arg16[%add3A_1043, %dma_start3A_1049] : memref<10000x128xf32, #tpu.memory_space<vmem_shared>> -> memref<8x128xf32, #tpu.memory_space<vmem_shared>>
    %dma_start3A_1051 = arith.constant 0 : i32
    %dma_start3A_1052 = arith.constant 0 : i32
    %dma_start3A_1053 = tpu.memref_slice %arg11[%dma_start3A_1051, %dma_start3A_1052] : memref<128x128xf32, #tpu.memory_space<vmem>> -> memref<8x128xf32, #tpu.memory_space<vmem>>
    tpu.enqueue_dma source(%dma_start3A_1053 : memref<8x128xf32, #tpu.memory_space<vmem>>) target(%dma_start3A_1050 : memref<8x128xf32, #tpu.memory_space<vmem_shared>>) target_semaphore(%arg24 : memref<!tpu.dma_semaphore, #tpu.memory_space<semaphore_mem>>)
    %mul3A_1054 = arith.constant 624 : i32
    %mul3A_1055 = arith.muli %arg1, %mul3A_1054 : i32
    %add3A_1056 = arith.constant 336 : i32
    %add3A_1057 = arith.addi %mul3A_1055, %add3A_1056 : i32
    %dma_start3A_1058 = arith.constant 0 : i32
    %dma_start3A_1059 = arith.constant 0 : i32
    %dma_start3A_1060 = tpu.memref_slice %arg11[%dma_start3A_1058, %dma_start3A_1059] : memref<128x128xf32, #tpu.memory_space<vmem>> -> memref<8x128xf32, #tpu.memory_space<vmem>>
    %dma_start3A_1061 = arith.constant 0 : i32
    %dma_start3A_1062 = tpu.memref_slice %arg16[%add3A_1057, %dma_start3A_1061] : memref<10000x128xf32, #tpu.memory_space<vmem_shared>> -> memref<8x128xf32, #tpu.memory_space<vmem_shared>>
    %dma_start3A_1063 = arith.constant 0 : i32
    %dma_start3A_1064 = tpu.memref_slice %arg16[%add3A_1057, %dma_start3A_1063] : memref<10000x128xf32, #tpu.memory_space<vmem_shared>> -> memref<8x128xf32, #tpu.memory_space<vmem_shared>>
    %dma_start3A_1065 = arith.constant 0 : i32
    %dma_start3A_1066 = arith.constant 0 : i32
    %dma_start3A_1067 = tpu.memref_slice %arg11[%dma_start3A_1065, %dma_start3A_1066] : memref<128x128xf32, #tpu.memory_space<vmem>> -> memref<8x128xf32, #tpu.memory_space<vmem>>
    tpu.enqueue_dma source(%dma_start3A_1067 : memref<8x128xf32, #tpu.memory_space<vmem>>) target(%dma_start3A_1064 : memref<8x128xf32, #tpu.memory_space<vmem_shared>>) target_semaphore(%arg24 : memref<!tpu.dma_semaphore, #tpu.memory_space<semaphore_mem>>)
    %mul3A_1068 = arith.constant 624 : i32
    %mul3A_1069 = arith.muli %arg1, %mul3A_1068 : i32
    %add3A_1070 = arith.constant 344 : i32
    %add3A_1071 = arith.addi %mul3A_1069, %add3A_1070 : i32
    %dma_start3A_1072 = arith.constant 0 : i32
    %dma_start3A_1073 = arith.constant 0 : i32
    %dma_start3A_1074 = tpu.memref_slice %arg11[%dma_start3A_1072, %dma_start3A_1073] : memref<128x128xf32, #tpu.memory_space<vmem>> -> memref<8x128xf32, #tpu.memory_space<vmem>>
    %dma_start3A_1075 = arith.constant 0 : i32
    %dma_start3A_1076 = tpu.memref_slice %arg16[%add3A_1071, %dma_start3A_1075] : memref<10000x128xf32, #tpu.memory_space<vmem_shared>> -> memref<8x128xf32, #tpu.memory_space<vmem_shared>>
    %dma_start3A_1077 = arith.constant 0 : i32
    %dma_start3A_1078 = tpu.memref_slice %arg16[%add3A_1071, %dma_start3A_1077] : memref<10000x128xf32, #tpu.memory_space<vmem_shared>> -> memref<8x128xf32, #tpu.memory_space<vmem_shared>>
    %dma_start3A_1079 = arith.constant 0 : i32
    %dma_start3A_1080 = arith.constant 0 : i32
    %dma_start3A_1081 = tpu.memref_slice %arg11[%dma_start3A_1079, %dma_start3A_1080] : memref<128x128xf32, #tpu.memory_space<vmem>> -> memref<8x128xf32, #tpu.memory_space<vmem>>
    tpu.enqueue_dma source(%dma_start3A_1081 : memref<8x128xf32, #tpu.memory_space<vmem>>) target(%dma_start3A_1078 : memref<8x128xf32, #tpu.memory_space<vmem_shared>>) target_semaphore(%arg24 : memref<!tpu.dma_semaphore, #tpu.memory_space<semaphore_mem>>)
    %mul3A_1082 = arith.constant 624 : i32
    %mul3A_1083 = arith.muli %arg1, %mul3A_1082 : i32
    %add3A_1084 = arith.constant 352 : i32
    %add3A_1085 = arith.addi %mul3A_1083, %add3A_1084 : i32
    %dma_start3A_1086 = arith.constant 0 : i32
    %dma_start3A_1087 = arith.constant 0 : i32
    %dma_start3A_1088 = tpu.memref_slice %arg11[%dma_start3A_1086, %dma_start3A_1087] : memref<128x128xf32, #tpu.memory_space<vmem>> -> memref<8x128xf32, #tpu.memory_space<vmem>>
    %dma_start3A_1089 = arith.constant 0 : i32
    %dma_start3A_1090 = tpu.memref_slice %arg16[%add3A_1085, %dma_start3A_1089] : memref<10000x128xf32, #tpu.memory_space<vmem_shared>> -> memref<8x128xf32, #tpu.memory_space<vmem_shared>>
    %dma_start3A_1091 = arith.constant 0 : i32
    %dma_start3A_1092 = tpu.memref_slice %arg16[%add3A_1085, %dma_start3A_1091] : memref<10000x128xf32, #tpu.memory_space<vmem_shared>> -> memref<8x128xf32, #tpu.memory_space<vmem_shared>>
    %dma_start3A_1093 = arith.constant 0 : i32
    %dma_start3A_1094 = arith.constant 0 : i32
    %dma_start3A_1095 = tpu.memref_slice %arg11[%dma_start3A_1093, %dma_start3A_1094] : memref<128x128xf32, #tpu.memory_space<vmem>> -> memref<8x128xf32, #tpu.memory_space<vmem>>
    tpu.enqueue_dma source(%dma_start3A_1095 : memref<8x128xf32, #tpu.memory_space<vmem>>) target(%dma_start3A_1092 : memref<8x128xf32, #tpu.memory_space<vmem_shared>>) target_semaphore(%arg24 : memref<!tpu.dma_semaphore, #tpu.memory_space<semaphore_mem>>)
    %mul3A_1096 = arith.constant 624 : i32
    %mul3A_1097 = arith.muli %arg1, %mul3A_1096 : i32
    %add3A_1098 = arith.constant 360 : i32
    %add3A_1099 = arith.addi %mul3A_1097, %add3A_1098 : i32
    %dma_start3A_1100 = arith.constant 0 : i32
    %dma_start3A_1101 = arith.constant 0 : i32
    %dma_start3A_1102 = tpu.memref_slice %arg11[%dma_start3A_1100, %dma_start3A_1101] : memref<128x128xf32, #tpu.memory_space<vmem>> -> memref<8x128xf32, #tpu.memory_space<vmem>>
    %dma_start3A_1103 = arith.constant 0 : i32
    %dma_start3A_1104 = tpu.memref_slice %arg16[%add3A_1099, %dma_start3A_1103] : memref<10000x128xf32, #tpu.memory_space<vmem_shared>> -> memref<8x128xf32, #tpu.memory_space<vmem_shared>>
    %dma_start3A_1105 = arith.constant 0 : i32
    %dma_start3A_1106 = tpu.memref_slice %arg16[%add3A_1099, %dma_start3A_1105] : memref<10000x128xf32, #tpu.memory_space<vmem_shared>> -> memref<8x128xf32, #tpu.memory_space<vmem_shared>>
    %dma_start3A_1107 = arith.constant 0 : i32
    %dma_start3A_1108 = arith.constant 0 : i32
    %dma_start3A_1109 = tpu.memref_slice %arg11[%dma_start3A_1107, %dma_start3A_1108] : memref<128x128xf32, #tpu.memory_space<vmem>> -> memref<8x128xf32, #tpu.memory_space<vmem>>
    tpu.enqueue_dma source(%dma_start3A_1109 : memref<8x128xf32, #tpu.memory_space<vmem>>) target(%dma_start3A_1106 : memref<8x128xf32, #tpu.memory_space<vmem_shared>>) target_semaphore(%arg24 : memref<!tpu.dma_semaphore, #tpu.memory_space<semaphore_mem>>)
    %mul3A_1110 = arith.constant 624 : i32
    %mul3A_1111 = arith.muli %arg1, %mul3A_1110 : i32
    %add3A_1112 = arith.constant 368 : i32
    %add3A_1113 = arith.addi %mul3A_1111, %add3A_1112 : i32
    %dma_start3A_1114 = arith.constant 0 : i32
    %dma_start3A_1115 = arith.constant 0 : i32
    %dma_start3A_1116 = tpu.memref_slice %arg11[%dma_start3A_1114, %dma_start3A_1115] : memref<128x128xf32, #tpu.memory_space<vmem>> -> memref<8x128xf32, #tpu.memory_space<vmem>>
    %dma_start3A_1117 = arith.constant 0 : i32
    %dma_start3A_1118 = tpu.memref_slice %arg16[%add3A_1113, %dma_start3A_1117] : memref<10000x128xf32, #tpu.memory_space<vmem_shared>> -> memref<8x128xf32, #tpu.memory_space<vmem_shared>>
    %dma_start3A_1119 = arith.constant 0 : i32
    %dma_start3A_1120 = tpu.memref_slice %arg16[%add3A_1113, %dma_start3A_1119] : memref<10000x128xf32, #tpu.memory_space<vmem_shared>> -> memref<8x128xf32, #tpu.memory_space<vmem_shared>>
    %dma_start3A_1121 = arith.constant 0 : i32
    %dma_start3A_1122 = arith.constant 0 : i32
    %dma_start3A_1123 = tpu.memref_slice %arg11[%dma_start3A_1121, %dma_start3A_1122] : memref<128x128xf32, #tpu.memory_space<vmem>> -> memref<8x128xf32, #tpu.memory_space<vmem>>
    tpu.enqueue_dma source(%dma_start3A_1123 : memref<8x128xf32, #tpu.memory_space<vmem>>) target(%dma_start3A_1120 : memref<8x128xf32, #tpu.memory_space<vmem_shared>>) target_semaphore(%arg24 : memref<!tpu.dma_semaphore, #tpu.memory_space<semaphore_mem>>)
    %mul3A_1124 = arith.constant 624 : i32
    %mul3A_1125 = arith.muli %arg1, %mul3A_1124 : i32
    %add3A_1126 = arith.constant 376 : i32
    %add3A_1127 = arith.addi %mul3A_1125, %add3A_1126 : i32
    %dma_start3A_1128 = arith.constant 0 : i32
    %dma_start3A_1129 = arith.constant 0 : i32
    %dma_start3A_1130 = tpu.memref_slice %arg11[%dma_start3A_1128, %dma_start3A_1129] : memref<128x128xf32, #tpu.memory_space<vmem>> -> memref<8x128xf32, #tpu.memory_space<vmem>>
    %dma_start3A_1131 = arith.constant 0 : i32
    %dma_start3A_1132 = tpu.memref_slice %arg16[%add3A_1127, %dma_start3A_1131] : memref<10000x128xf32, #tpu.memory_space<vmem_shared>> -> memref<8x128xf32, #tpu.memory_space<vmem_shared>>
    %dma_start3A_1133 = arith.constant 0 : i32
    %dma_start3A_1134 = tpu.memref_slice %arg16[%add3A_1127, %dma_start3A_1133] : memref<10000x128xf32, #tpu.memory_space<vmem_shared>> -> memref<8x128xf32, #tpu.memory_space<vmem_shared>>
    %dma_start3A_1135 = arith.constant 0 : i32
    %dma_start3A_1136 = arith.constant 0 : i32
    %dma_start3A_1137 = tpu.memref_slice %arg11[%dma_start3A_1135, %dma_start3A_1136] : memref<128x128xf32, #tpu.memory_space<vmem>> -> memref<8x128xf32, #tpu.memory_space<vmem>>
    tpu.enqueue_dma source(%dma_start3A_1137 : memref<8x128xf32, #tpu.memory_space<vmem>>) target(%dma_start3A_1134 : memref<8x128xf32, #tpu.memory_space<vmem_shared>>) target_semaphore(%arg24 : memref<!tpu.dma_semaphore, #tpu.memory_space<semaphore_mem>>)
    %mul3A_1138 = arith.constant 624 : i32
    %mul3A_1139 = arith.muli %arg1, %mul3A_1138 : i32
    %add3A_1140 = arith.constant 384 : i32
    %add3A_1141 = arith.addi %mul3A_1139, %add3A_1140 : i32
    %dma_start3A_1142 = arith.constant 0 : i32
    %dma_start3A_1143 = arith.constant 0 : i32
    %dma_start3A_1144 = tpu.memref_slice %arg11[%dma_start3A_1142, %dma_start3A_1143] : memref<128x128xf32, #tpu.memory_space<vmem>> -> memref<8x128xf32, #tpu.memory_space<vmem>>
    %dma_start3A_1145 = arith.constant 0 : i32
    %dma_start3A_1146 = tpu.memref_slice %arg16[%add3A_1141, %dma_start3A_1145] : memref<10000x128xf32, #tpu.memory_space<vmem_shared>> -> memref<8x128xf32, #tpu.memory_space<vmem_shared>>
    %dma_start3A_1147 = arith.constant 0 : i32
    %dma_start3A_1148 = tpu.memref_slice %arg16[%add3A_1141, %dma_start3A_1147] : memref<10000x128xf32, #tpu.memory_space<vmem_shared>> -> memref<8x128xf32, #tpu.memory_space<vmem_shared>>
    %dma_start3A_1149 = arith.constant 0 : i32
    %dma_start3A_1150 = arith.constant 0 : i32
    %dma_start3A_1151 = tpu.memref_slice %arg11[%dma_start3A_1149, %dma_start3A_1150] : memref<128x128xf32, #tpu.memory_space<vmem>> -> memref<8x128xf32, #tpu.memory_space<vmem>>
    tpu.enqueue_dma source(%dma_start3A_1151 : memref<8x128xf32, #tpu.memory_space<vmem>>) target(%dma_start3A_1148 : memref<8x128xf32, #tpu.memory_space<vmem_shared>>) target_semaphore(%arg24 : memref<!tpu.dma_semaphore, #tpu.memory_space<semaphore_mem>>)
    %mul3A_1152 = arith.constant 624 : i32
    %mul3A_1153 = arith.muli %arg1, %mul3A_1152 : i32
    %add3A_1154 = arith.constant 392 : i32
    %add3A_1155 = arith.addi %mul3A_1153, %add3A_1154 : i32
    %dma_start3A_1156 = arith.constant 0 : i32
    %dma_start3A_1157 = arith.constant 0 : i32
    %dma_start3A_1158 = tpu.memref_slice %arg11[%dma_start3A_1156, %dma_start3A_1157] : memref<128x128xf32, #tpu.memory_space<vmem>> -> memref<8x128xf32, #tpu.memory_space<vmem>>
    %dma_start3A_1159 = arith.constant 0 : i32
    %dma_start3A_1160 = tpu.memref_slice %arg16[%add3A_1155, %dma_start3A_1159] : memref<10000x128xf32, #tpu.memory_space<vmem_shared>> -> memref<8x128xf32, #tpu.memory_space<vmem_shared>>
    %dma_start3A_1161 = arith.constant 0 : i32
    %dma_start3A_1162 = tpu.memref_slice %arg16[%add3A_1155, %dma_start3A_1161] : memref<10000x128xf32, #tpu.memory_space<vmem_shared>> -> memref<8x128xf32, #tpu.memory_space<vmem_shared>>
    %dma_start3A_1163 = arith.constant 0 : i32
    %dma_start3A_1164 = arith.constant 0 : i32
    %dma_start3A_1165 = tpu.memref_slice %arg11[%dma_start3A_1163, %dma_start3A_1164] : memref<128x128xf32, #tpu.memory_space<vmem>> -> memref<8x128xf32, #tpu.memory_space<vmem>>
    tpu.enqueue_dma source(%dma_start3A_1165 : memref<8x128xf32, #tpu.memory_space<vmem>>) target(%dma_start3A_1162 : memref<8x128xf32, #tpu.memory_space<vmem_shared>>) target_semaphore(%arg24 : memref<!tpu.dma_semaphore, #tpu.memory_space<semaphore_mem>>)
    %mul3A_1166 = arith.constant 624 : i32
    %mul3A_1167 = arith.muli %arg1, %mul3A_1166 : i32
    %add3A_1168 = arith.constant 400 : i32
    %add3A_1169 = arith.addi %mul3A_1167, %add3A_1168 : i32
    %dma_start3A_1170 = arith.constant 0 : i32
    %dma_start3A_1171 = arith.constant 0 : i32
    %dma_start3A_1172 = tpu.memref_slice %arg11[%dma_start3A_1170, %dma_start3A_1171] : memref<128x128xf32, #tpu.memory_space<vmem>> -> memref<8x128xf32, #tpu.memory_space<vmem>>
    %dma_start3A_1173 = arith.constant 0 : i32
    %dma_start3A_1174 = tpu.memref_slice %arg16[%add3A_1169, %dma_start3A_1173] : memref<10000x128xf32, #tpu.memory_space<vmem_shared>> -> memref<8x128xf32, #tpu.memory_space<vmem_shared>>
    %dma_start3A_1175 = arith.constant 0 : i32
    %dma_start3A_1176 = tpu.memref_slice %arg16[%add3A_1169, %dma_start3A_1175] : memref<10000x128xf32, #tpu.memory_space<vmem_shared>> -> memref<8x128xf32, #tpu.memory_space<vmem_shared>>
    %dma_start3A_1177 = arith.constant 0 : i32
    %dma_start3A_1178 = arith.constant 0 : i32
    %dma_start3A_1179 = tpu.memref_slice %arg11[%dma_start3A_1177, %dma_start3A_1178] : memref<128x128xf32, #tpu.memory_space<vmem>> -> memref<8x128xf32, #tpu.memory_space<vmem>>
    tpu.enqueue_dma source(%dma_start3A_1179 : memref<8x128xf32, #tpu.memory_space<vmem>>) target(%dma_start3A_1176 : memref<8x128xf32, #tpu.memory_space<vmem_shared>>) target_semaphore(%arg24 : memref<!tpu.dma_semaphore, #tpu.memory_space<semaphore_mem>>)
    %mul3A_1180 = arith.constant 624 : i32
    %mul3A_1181 = arith.muli %arg1, %mul3A_1180 : i32
    %add3A_1182 = arith.constant 408 : i32
    %add3A_1183 = arith.addi %mul3A_1181, %add3A_1182 : i32
    %dma_start3A_1184 = arith.constant 0 : i32
    %dma_start3A_1185 = arith.constant 0 : i32
    %dma_start3A_1186 = tpu.memref_slice %arg11[%dma_start3A_1184, %dma_start3A_1185] : memref<128x128xf32, #tpu.memory_space<vmem>> -> memref<8x128xf32, #tpu.memory_space<vmem>>
    %dma_start3A_1187 = arith.constant 0 : i32
    %dma_start3A_1188 = tpu.memref_slice %arg16[%add3A_1183, %dma_start3A_1187] : memref<10000x128xf32, #tpu.memory_space<vmem_shared>> -> memref<8x128xf32, #tpu.memory_space<vmem_shared>>
    %dma_start3A_1189 = arith.constant 0 : i32
    %dma_start3A_1190 = tpu.memref_slice %arg16[%add3A_1183, %dma_start3A_1189] : memref<10000x128xf32, #tpu.memory_space<vmem_shared>> -> memref<8x128xf32, #tpu.memory_space<vmem_shared>>
    %dma_start3A_1191 = arith.constant 0 : i32
    %dma_start3A_1192 = arith.constant 0 : i32
    %dma_start3A_1193 = tpu.memref_slice %arg11[%dma_start3A_1191, %dma_start3A_1192] : memref<128x128xf32, #tpu.memory_space<vmem>> -> memref<8x128xf32, #tpu.memory_space<vmem>>
    tpu.enqueue_dma source(%dma_start3A_1193 : memref<8x128xf32, #tpu.memory_space<vmem>>) target(%dma_start3A_1190 : memref<8x128xf32, #tpu.memory_space<vmem_shared>>) target_semaphore(%arg24 : memref<!tpu.dma_semaphore, #tpu.memory_space<semaphore_mem>>)
    %mul3A_1194 = arith.constant 624 : i32
    %mul3A_1195 = arith.muli %arg1, %mul3A_1194 : i32
    %add3A_1196 = arith.constant 416 : i32
    %add3A_1197 = arith.addi %mul3A_1195, %add3A_1196 : i32
    %dma_start3A_1198 = arith.constant 0 : i32
    %dma_start3A_1199 = arith.constant 0 : i32
    %dma_start3A_1200 = tpu.memref_slice %arg11[%dma_start3A_1198, %dma_start3A_1199] : memref<128x128xf32, #tpu.memory_space<vmem>> -> memref<8x128xf32, #tpu.memory_space<vmem>>
    %dma_start3A_1201 = arith.constant 0 : i32
    %dma_start3A_1202 = tpu.memref_slice %arg16[%add3A_1197, %dma_start3A_1201] : memref<10000x128xf32, #tpu.memory_space<vmem_shared>> -> memref<8x128xf32, #tpu.memory_space<vmem_shared>>
    %dma_start3A_1203 = arith.constant 0 : i32
    %dma_start3A_1204 = tpu.memref_slice %arg16[%add3A_1197, %dma_start3A_1203] : memref<10000x128xf32, #tpu.memory_space<vmem_shared>> -> memref<8x128xf32, #tpu.memory_space<vmem_shared>>
    %dma_start3A_1205 = arith.constant 0 : i32
    %dma_start3A_1206 = arith.constant 0 : i32
    %dma_start3A_1207 = tpu.memref_slice %arg11[%dma_start3A_1205, %dma_start3A_1206] : memref<128x128xf32, #tpu.memory_space<vmem>> -> memref<8x128xf32, #tpu.memory_space<vmem>>
    tpu.enqueue_dma source(%dma_start3A_1207 : memref<8x128xf32, #tpu.memory_space<vmem>>) target(%dma_start3A_1204 : memref<8x128xf32, #tpu.memory_space<vmem_shared>>) target_semaphore(%arg24 : memref<!tpu.dma_semaphore, #tpu.memory_space<semaphore_mem>>)
    %mul3A_1208 = arith.constant 624 : i32
    %mul3A_1209 = arith.muli %arg1, %mul3A_1208 : i32
    %add3A_1210 = arith.constant 424 : i32
    %add3A_1211 = arith.addi %mul3A_1209, %add3A_1210 : i32
    %dma_start3A_1212 = arith.constant 0 : i32
    %dma_start3A_1213 = arith.constant 0 : i32
    %dma_start3A_1214 = tpu.memref_slice %arg11[%dma_start3A_1212, %dma_start3A_1213] : memref<128x128xf32, #tpu.memory_space<vmem>> -> memref<8x128xf32, #tpu.memory_space<vmem>>
    %dma_start3A_1215 = arith.constant 0 : i32
    %dma_start3A_1216 = tpu.memref_slice %arg16[%add3A_1211, %dma_start3A_1215] : memref<10000x128xf32, #tpu.memory_space<vmem_shared>> -> memref<8x128xf32, #tpu.memory_space<vmem_shared>>
    %dma_start3A_1217 = arith.constant 0 : i32
    %dma_start3A_1218 = tpu.memref_slice %arg16[%add3A_1211, %dma_start3A_1217] : memref<10000x128xf32, #tpu.memory_space<vmem_shared>> -> memref<8x128xf32, #tpu.memory_space<vmem_shared>>
    %dma_start3A_1219 = arith.constant 0 : i32
    %dma_start3A_1220 = arith.constant 0 : i32
    %dma_start3A_1221 = tpu.memref_slice %arg11[%dma_start3A_1219, %dma_start3A_1220] : memref<128x128xf32, #tpu.memory_space<vmem>> -> memref<8x128xf32, #tpu.memory_space<vmem>>
    tpu.enqueue_dma source(%dma_start3A_1221 : memref<8x128xf32, #tpu.memory_space<vmem>>) target(%dma_start3A_1218 : memref<8x128xf32, #tpu.memory_space<vmem_shared>>) target_semaphore(%arg24 : memref<!tpu.dma_semaphore, #tpu.memory_space<semaphore_mem>>)
    %mul3A_1222 = arith.constant 624 : i32
    %mul3A_1223 = arith.muli %arg1, %mul3A_1222 : i32
    %add3A_1224 = arith.constant 432 : i32
    %add3A_1225 = arith.addi %mul3A_1223, %add3A_1224 : i32
    %dma_start3A_1226 = arith.constant 0 : i32
    %dma_start3A_1227 = arith.constant 0 : i32
    %dma_start3A_1228 = tpu.memref_slice %arg11[%dma_start3A_1226, %dma_start3A_1227] : memref<128x128xf32, #tpu.memory_space<vmem>> -> memref<8x128xf32, #tpu.memory_space<vmem>>
    %dma_start3A_1229 = arith.constant 0 : i32
    %dma_start3A_1230 = tpu.memref_slice %arg16[%add3A_1225, %dma_start3A_1229] : memref<10000x128xf32, #tpu.memory_space<vmem_shared>> -> memref<8x128xf32, #tpu.memory_space<vmem_shared>>
    %dma_start3A_1231 = arith.constant 0 : i32
    %dma_start3A_1232 = tpu.memref_slice %arg16[%add3A_1225, %dma_start3A_1231] : memref<10000x128xf32, #tpu.memory_space<vmem_shared>> -> memref<8x128xf32, #tpu.memory_space<vmem_shared>>
    %dma_start3A_1233 = arith.constant 0 : i32
    %dma_start3A_1234 = arith.constant 0 : i32
    %dma_start3A_1235 = tpu.memref_slice %arg11[%dma_start3A_1233, %dma_start3A_1234] : memref<128x128xf32, #tpu.memory_space<vmem>> -> memref<8x128xf32, #tpu.memory_space<vmem>>
    tpu.enqueue_dma source(%dma_start3A_1235 : memref<8x128xf32, #tpu.memory_space<vmem>>) target(%dma_start3A_1232 : memref<8x128xf32, #tpu.memory_space<vmem_shared>>) target_semaphore(%arg24 : memref<!tpu.dma_semaphore, #tpu.memory_space<semaphore_mem>>)
    %mul3A_1236 = arith.constant 624 : i32
    %mul3A_1237 = arith.muli %arg1, %mul3A_1236 : i32
    %add3A_1238 = arith.constant 440 : i32
    %add3A_1239 = arith.addi %mul3A_1237, %add3A_1238 : i32
    %dma_start3A_1240 = arith.constant 0 : i32
    %dma_start3A_1241 = arith.constant 0 : i32
    %dma_start3A_1242 = tpu.memref_slice %arg11[%dma_start3A_1240, %dma_start3A_1241] : memref<128x128xf32, #tpu.memory_space<vmem>> -> memref<8x128xf32, #tpu.memory_space<vmem>>
    %dma_start3A_1243 = arith.constant 0 : i32
    %dma_start3A_1244 = tpu.memref_slice %arg16[%add3A_1239, %dma_start3A_1243] : memref<10000x128xf32, #tpu.memory_space<vmem_shared>> -> memref<8x128xf32, #tpu.memory_space<vmem_shared>>
    %dma_start3A_1245 = arith.constant 0 : i32
    %dma_start3A_1246 = tpu.memref_slice %arg16[%add3A_1239, %dma_start3A_1245] : memref<10000x128xf32, #tpu.memory_space<vmem_shared>> -> memref<8x128xf32, #tpu.memory_space<vmem_shared>>
    %dma_start3A_1247 = arith.constant 0 : i32
    %dma_start3A_1248 = arith.constant 0 : i32
    %dma_start3A_1249 = tpu.memref_slice %arg11[%dma_start3A_1247, %dma_start3A_1248] : memref<128x128xf32, #tpu.memory_space<vmem>> -> memref<8x128xf32, #tpu.memory_space<vmem>>
    tpu.enqueue_dma source(%dma_start3A_1249 : memref<8x128xf32, #tpu.memory_space<vmem>>) target(%dma_start3A_1246 : memref<8x128xf32, #tpu.memory_space<vmem_shared>>) target_semaphore(%arg24 : memref<!tpu.dma_semaphore, #tpu.memory_space<semaphore_mem>>)
    %mul3A_1250 = arith.constant 624 : i32
    %mul3A_1251 = arith.muli %arg1, %mul3A_1250 : i32
    %add3A_1252 = arith.constant 448 : i32
    %add3A_1253 = arith.addi %mul3A_1251, %add3A_1252 : i32
    %dma_start3A_1254 = arith.constant 0 : i32
    %dma_start3A_1255 = arith.constant 0 : i32
    %dma_start3A_1256 = tpu.memref_slice %arg11[%dma_start3A_1254, %dma_start3A_1255] : memref<128x128xf32, #tpu.memory_space<vmem>> -> memref<8x128xf32, #tpu.memory_space<vmem>>
    %dma_start3A_1257 = arith.constant 0 : i32
    %dma_start3A_1258 = tpu.memref_slice %arg16[%add3A_1253, %dma_start3A_1257] : memref<10000x128xf32, #tpu.memory_space<vmem_shared>> -> memref<8x128xf32, #tpu.memory_space<vmem_shared>>
    %dma_start3A_1259 = arith.constant 0 : i32
    %dma_start3A_1260 = tpu.memref_slice %arg16[%add3A_1253, %dma_start3A_1259] : memref<10000x128xf32, #tpu.memory_space<vmem_shared>> -> memref<8x128xf32, #tpu.memory_space<vmem_shared>>
    %dma_start3A_1261 = arith.constant 0 : i32
    %dma_start3A_1262 = arith.constant 0 : i32
    %dma_start3A_1263 = tpu.memref_slice %arg11[%dma_start3A_1261, %dma_start3A_1262] : memref<128x128xf32, #tpu.memory_space<vmem>> -> memref<8x128xf32, #tpu.memory_space<vmem>>
    tpu.enqueue_dma source(%dma_start3A_1263 : memref<8x128xf32, #tpu.memory_space<vmem>>) target(%dma_start3A_1260 : memref<8x128xf32, #tpu.memory_space<vmem_shared>>) target_semaphore(%arg24 : memref<!tpu.dma_semaphore, #tpu.memory_space<semaphore_mem>>)
    %mul3A_1264 = arith.constant 624 : i32
    %mul3A_1265 = arith.muli %arg1, %mul3A_1264 : i32
    %add3A_1266 = arith.constant 456 : i32
    %add3A_1267 = arith.addi %mul3A_1265, %add3A_1266 : i32
    %dma_start3A_1268 = arith.constant 0 : i32
    %dma_start3A_1269 = arith.constant 0 : i32
    %dma_start3A_1270 = tpu.memref_slice %arg11[%dma_start3A_1268, %dma_start3A_1269] : memref<128x128xf32, #tpu.memory_space<vmem>> -> memref<8x128xf32, #tpu.memory_space<vmem>>
    %dma_start3A_1271 = arith.constant 0 : i32
    %dma_start3A_1272 = tpu.memref_slice %arg16[%add3A_1267, %dma_start3A_1271] : memref<10000x128xf32, #tpu.memory_space<vmem_shared>> -> memref<8x128xf32, #tpu.memory_space<vmem_shared>>
    %dma_start3A_1273 = arith.constant 0 : i32
    %dma_start3A_1274 = tpu.memref_slice %arg16[%add3A_1267, %dma_start3A_1273] : memref<10000x128xf32, #tpu.memory_space<vmem_shared>> -> memref<8x128xf32, #tpu.memory_space<vmem_shared>>
    %dma_start3A_1275 = arith.constant 0 : i32
    %dma_start3A_1276 = arith.constant 0 : i32
    %dma_start3A_1277 = tpu.memref_slice %arg11[%dma_start3A_1275, %dma_start3A_1276] : memref<128x128xf32, #tpu.memory_space<vmem>> -> memref<8x128xf32, #tpu.memory_space<vmem>>
    tpu.enqueue_dma source(%dma_start3A_1277 : memref<8x128xf32, #tpu.memory_space<vmem>>) target(%dma_start3A_1274 : memref<8x128xf32, #tpu.memory_space<vmem_shared>>) target_semaphore(%arg24 : memref<!tpu.dma_semaphore, #tpu.memory_space<semaphore_mem>>)
    %mul3A_1278 = arith.constant 624 : i32
    %mul3A_1279 = arith.muli %arg1, %mul3A_1278 : i32
    %add3A_1280 = arith.constant 464 : i32
    %add3A_1281 = arith.addi %mul3A_1279, %add3A_1280 : i32
    %dma_start3A_1282 = arith.constant 0 : i32
    %dma_start3A_1283 = arith.constant 0 : i32
    %dma_start3A_1284 = tpu.memref_slice %arg11[%dma_start3A_1282, %dma_start3A_1283] : memref<128x128xf32, #tpu.memory_space<vmem>> -> memref<8x128xf32, #tpu.memory_space<vmem>>
    %dma_start3A_1285 = arith.constant 0 : i32
    %dma_start3A_1286 = tpu.memref_slice %arg16[%add3A_1281, %dma_start3A_1285] : memref<10000x128xf32, #tpu.memory_space<vmem_shared>> -> memref<8x128xf32, #tpu.memory_space<vmem_shared>>
    %dma_start3A_1287 = arith.constant 0 : i32
    %dma_start3A_1288 = tpu.memref_slice %arg16[%add3A_1281, %dma_start3A_1287] : memref<10000x128xf32, #tpu.memory_space<vmem_shared>> -> memref<8x128xf32, #tpu.memory_space<vmem_shared>>
    %dma_start3A_1289 = arith.constant 0 : i32
    %dma_start3A_1290 = arith.constant 0 : i32
    %dma_start3A_1291 = tpu.memref_slice %arg11[%dma_start3A_1289, %dma_start3A_1290] : memref<128x128xf32, #tpu.memory_space<vmem>> -> memref<8x128xf32, #tpu.memory_space<vmem>>
    tpu.enqueue_dma source(%dma_start3A_1291 : memref<8x128xf32, #tpu.memory_space<vmem>>) target(%dma_start3A_1288 : memref<8x128xf32, #tpu.memory_space<vmem_shared>>) target_semaphore(%arg24 : memref<!tpu.dma_semaphore, #tpu.memory_space<semaphore_mem>>)
    %mul3A_1292 = arith.constant 624 : i32
    %mul3A_1293 = arith.muli %arg1, %mul3A_1292 : i32
    %add3A_1294 = arith.constant 472 : i32
    %add3A_1295 = arith.addi %mul3A_1293, %add3A_1294 : i32
    %dma_start3A_1296 = arith.constant 0 : i32
    %dma_start3A_1297 = arith.constant 0 : i32
    %dma_start3A_1298 = tpu.memref_slice %arg11[%dma_start3A_1296, %dma_start3A_1297] : memref<128x128xf32, #tpu.memory_space<vmem>> -> memref<8x128xf32, #tpu.memory_space<vmem>>
    %dma_start3A_1299 = arith.constant 0 : i32
    %dma_start3A_1300 = tpu.memref_slice %arg16[%add3A_1295, %dma_start3A_1299] : memref<10000x128xf32, #tpu.memory_space<vmem_shared>> -> memref<8x128xf32, #tpu.memory_space<vmem_shared>>
    %dma_start3A_1301 = arith.constant 0 : i32
    %dma_start3A_1302 = tpu.memref_slice %arg16[%add3A_1295, %dma_start3A_1301] : memref<10000x128xf32, #tpu.memory_space<vmem_shared>> -> memref<8x128xf32, #tpu.memory_space<vmem_shared>>
    %dma_start3A_1303 = arith.constant 0 : i32
    %dma_start3A_1304 = arith.constant 0 : i32
    %dma_start3A_1305 = tpu.memref_slice %arg11[%dma_start3A_1303, %dma_start3A_1304] : memref<128x128xf32, #tpu.memory_space<vmem>> -> memref<8x128xf32, #tpu.memory_space<vmem>>
    tpu.enqueue_dma source(%dma_start3A_1305 : memref<8x128xf32, #tpu.memory_space<vmem>>) target(%dma_start3A_1302 : memref<8x128xf32, #tpu.memory_space<vmem_shared>>) target_semaphore(%arg24 : memref<!tpu.dma_semaphore, #tpu.memory_space<semaphore_mem>>)
    %mul3A_1306 = arith.constant 624 : i32
    %mul3A_1307 = arith.muli %arg1, %mul3A_1306 : i32
    %add3A_1308 = arith.constant 480 : i32
    %add3A_1309 = arith.addi %mul3A_1307, %add3A_1308 : i32
    %dma_start3A_1310 = arith.constant 0 : i32
    %dma_start3A_1311 = arith.constant 0 : i32
    %dma_start3A_1312 = tpu.memref_slice %arg11[%dma_start3A_1310, %dma_start3A_1311] : memref<128x128xf32, #tpu.memory_space<vmem>> -> memref<8x128xf32, #tpu.memory_space<vmem>>
    %dma_start3A_1313 = arith.constant 0 : i32
    %dma_start3A_1314 = tpu.memref_slice %arg16[%add3A_1309, %dma_start3A_1313] : memref<10000x128xf32, #tpu.memory_space<vmem_shared>> -> memref<8x128xf32, #tpu.memory_space<vmem_shared>>
    %dma_start3A_1315 = arith.constant 0 : i32
    %dma_start3A_1316 = tpu.memref_slice %arg16[%add3A_1309, %dma_start3A_1315] : memref<10000x128xf32, #tpu.memory_space<vmem_shared>> -> memref<8x128xf32, #tpu.memory_space<vmem_shared>>
    %dma_start3A_1317 = arith.constant 0 : i32
    %dma_start3A_1318 = arith.constant 0 : i32
    %dma_start3A_1319 = tpu.memref_slice %arg11[%dma_start3A_1317, %dma_start3A_1318] : memref<128x128xf32, #tpu.memory_space<vmem>> -> memref<8x128xf32, #tpu.memory_space<vmem>>
    tpu.enqueue_dma source(%dma_start3A_1319 : memref<8x128xf32, #tpu.memory_space<vmem>>) target(%dma_start3A_1316 : memref<8x128xf32, #tpu.memory_space<vmem_shared>>) target_semaphore(%arg24 : memref<!tpu.dma_semaphore, #tpu.memory_space<semaphore_mem>>)
    %mul3A_1320 = arith.constant 624 : i32
    %mul3A_1321 = arith.muli %arg1, %mul3A_1320 : i32
    %add3A_1322 = arith.constant 488 : i32
    %add3A_1323 = arith.addi %mul3A_1321, %add3A_1322 : i32
    %dma_start3A_1324 = arith.constant 0 : i32
    %dma_start3A_1325 = arith.constant 0 : i32
    %dma_start3A_1326 = tpu.memref_slice %arg11[%dma_start3A_1324, %dma_start3A_1325] : memref<128x128xf32, #tpu.memory_space<vmem>> -> memref<8x128xf32, #tpu.memory_space<vmem>>
    %dma_start3A_1327 = arith.constant 0 : i32
    %dma_start3A_1328 = tpu.memref_slice %arg16[%add3A_1323, %dma_start3A_1327] : memref<10000x128xf32, #tpu.memory_space<vmem_shared>> -> memref<8x128xf32, #tpu.memory_space<vmem_shared>>
    %dma_start3A_1329 = arith.constant 0 : i32
    %dma_start3A_1330 = tpu.memref_slice %arg16[%add3A_1323, %dma_start3A_1329] : memref<10000x128xf32, #tpu.memory_space<vmem_shared>> -> memref<8x128xf32, #tpu.memory_space<vmem_shared>>
    %dma_start3A_1331 = arith.constant 0 : i32
    %dma_start3A_1332 = arith.constant 0 : i32
    %dma_start3A_1333 = tpu.memref_slice %arg11[%dma_start3A_1331, %dma_start3A_1332] : memref<128x128xf32, #tpu.memory_space<vmem>> -> memref<8x128xf32, #tpu.memory_space<vmem>>
    tpu.enqueue_dma source(%dma_start3A_1333 : memref<8x128xf32, #tpu.memory_space<vmem>>) target(%dma_start3A_1330 : memref<8x128xf32, #tpu.memory_space<vmem_shared>>) target_semaphore(%arg24 : memref<!tpu.dma_semaphore, #tpu.memory_space<semaphore_mem>>)
    %mul3A_1334 = arith.constant 624 : i32
    %mul3A_1335 = arith.muli %arg1, %mul3A_1334 : i32
    %add3A_1336 = arith.constant 496 : i32
    %add3A_1337 = arith.addi %mul3A_1335, %add3A_1336 : i32
    %dma_start3A_1338 = arith.constant 0 : i32
    %dma_start3A_1339 = arith.constant 0 : i32
    %dma_start3A_1340 = tpu.memref_slice %arg11[%dma_start3A_1338, %dma_start3A_1339] : memref<128x128xf32, #tpu.memory_space<vmem>> -> memref<8x128xf32, #tpu.memory_space<vmem>>
    %dma_start3A_1341 = arith.constant 0 : i32
    %dma_start3A_1342 = tpu.memref_slice %arg16[%add3A_1337, %dma_start3A_1341] : memref<10000x128xf32, #tpu.memory_space<vmem_shared>> -> memref<8x128xf32, #tpu.memory_space<vmem_shared>>
    %dma_start3A_1343 = arith.constant 0 : i32
    %dma_start3A_1344 = tpu.memref_slice %arg16[%add3A_1337, %dma_start3A_1343] : memref<10000x128xf32, #tpu.memory_space<vmem_shared>> -> memref<8x128xf32, #tpu.memory_space<vmem_shared>>
    %dma_start3A_1345 = arith.constant 0 : i32
    %dma_start3A_1346 = arith.constant 0 : i32
    %dma_start3A_1347 = tpu.memref_slice %arg11[%dma_start3A_1345, %dma_start3A_1346] : memref<128x128xf32, #tpu.memory_space<vmem>> -> memref<8x128xf32, #tpu.memory_space<vmem>>
    tpu.enqueue_dma source(%dma_start3A_1347 : memref<8x128xf32, #tpu.memory_space<vmem>>) target(%dma_start3A_1344 : memref<8x128xf32, #tpu.memory_space<vmem_shared>>) target_semaphore(%arg24 : memref<!tpu.dma_semaphore, #tpu.memory_space<semaphore_mem>>)
    %mul3A_1348 = arith.constant 624 : i32
    %mul3A_1349 = arith.muli %arg1, %mul3A_1348 : i32
    %add3A_1350 = arith.constant 504 : i32
    %add3A_1351 = arith.addi %mul3A_1349, %add3A_1350 : i32
    %dma_start3A_1352 = arith.constant 0 : i32
    %dma_start3A_1353 = arith.constant 0 : i32
    %dma_start3A_1354 = tpu.memref_slice %arg11[%dma_start3A_1352, %dma_start3A_1353] : memref<128x128xf32, #tpu.memory_space<vmem>> -> memref<8x128xf32, #tpu.memory_space<vmem>>
    %dma_start3A_1355 = arith.constant 0 : i32
    %dma_start3A_1356 = tpu.memref_slice %arg16[%add3A_1351, %dma_start3A_1355] : memref<10000x128xf32, #tpu.memory_space<vmem_shared>> -> memref<8x128xf32, #tpu.memory_space<vmem_shared>>
    %dma_start3A_1357 = arith.constant 0 : i32
    %dma_start3A_1358 = tpu.memref_slice %arg16[%add3A_1351, %dma_start3A_1357] : memref<10000x128xf32, #tpu.memory_space<vmem_shared>> -> memref<8x128xf32, #tpu.memory_space<vmem_shared>>
    %dma_start3A_1359 = arith.constant 0 : i32
    %dma_start3A_1360 = arith.constant 0 : i32
    %dma_start3A_1361 = tpu.memref_slice %arg11[%dma_start3A_1359, %dma_start3A_1360] : memref<128x128xf32, #tpu.memory_space<vmem>> -> memref<8x128xf32, #tpu.memory_space<vmem>>
    tpu.enqueue_dma source(%dma_start3A_1361 : memref<8x128xf32, #tpu.memory_space<vmem>>) target(%dma_start3A_1358 : memref<8x128xf32, #tpu.memory_space<vmem_shared>>) target_semaphore(%arg24 : memref<!tpu.dma_semaphore, #tpu.memory_space<semaphore_mem>>)
    %mul3A_1362 = arith.constant 624 : i32
    %mul3A_1363 = arith.muli %arg1, %mul3A_1362 : i32
    %add3A_1364 = arith.constant 512 : i32
    %add3A_1365 = arith.addi %mul3A_1363, %add3A_1364 : i32
    %dma_start3A_1366 = arith.constant 0 : i32
    %dma_start3A_1367 = arith.constant 0 : i32
    %dma_start3A_1368 = tpu.memref_slice %arg11[%dma_start3A_1366, %dma_start3A_1367] : memref<128x128xf32, #tpu.memory_space<vmem>> -> memref<8x128xf32, #tpu.memory_space<vmem>>
    %dma_start3A_1369 = arith.constant 0 : i32
    %dma_start3A_1370 = tpu.memref_slice %arg16[%add3A_1365, %dma_start3A_1369] : memref<10000x128xf32, #tpu.memory_space<vmem_shared>> -> memref<8x128xf32, #tpu.memory_space<vmem_shared>>
    %dma_start3A_1371 = arith.constant 0 : i32
    %dma_start3A_1372 = tpu.memref_slice %arg16[%add3A_1365, %dma_start3A_1371] : memref<10000x128xf32, #tpu.memory_space<vmem_shared>> -> memref<8x128xf32, #tpu.memory_space<vmem_shared>>
    %dma_start3A_1373 = arith.constant 0 : i32
    %dma_start3A_1374 = arith.constant 0 : i32
    %dma_start3A_1375 = tpu.memref_slice %arg11[%dma_start3A_1373, %dma_start3A_1374] : memref<128x128xf32, #tpu.memory_space<vmem>> -> memref<8x128xf32, #tpu.memory_space<vmem>>
    tpu.enqueue_dma source(%dma_start3A_1375 : memref<8x128xf32, #tpu.memory_space<vmem>>) target(%dma_start3A_1372 : memref<8x128xf32, #tpu.memory_space<vmem_shared>>) target_semaphore(%arg24 : memref<!tpu.dma_semaphore, #tpu.memory_space<semaphore_mem>>)
    %mul3A_1376 = arith.constant 624 : i32
    %mul3A_1377 = arith.muli %arg1, %mul3A_1376 : i32
    %add3A_1378 = arith.constant 520 : i32
    %add3A_1379 = arith.addi %mul3A_1377, %add3A_1378 : i32
    %dma_start3A_1380 = arith.constant 0 : i32
    %dma_start3A_1381 = arith.constant 0 : i32
    %dma_start3A_1382 = tpu.memref_slice %arg11[%dma_start3A_1380, %dma_start3A_1381] : memref<128x128xf32, #tpu.memory_space<vmem>> -> memref<8x128xf32, #tpu.memory_space<vmem>>
    %dma_start3A_1383 = arith.constant 0 : i32
    %dma_start3A_1384 = tpu.memref_slice %arg16[%add3A_1379, %dma_start3A_1383] : memref<10000x128xf32, #tpu.memory_space<vmem_shared>> -> memref<8x128xf32, #tpu.memory_space<vmem_shared>>
    %dma_start3A_1385 = arith.constant 0 : i32
    %dma_start3A_1386 = tpu.memref_slice %arg16[%add3A_1379, %dma_start3A_1385] : memref<10000x128xf32, #tpu.memory_space<vmem_shared>> -> memref<8x128xf32, #tpu.memory_space<vmem_shared>>
    %dma_start3A_1387 = arith.constant 0 : i32
    %dma_start3A_1388 = arith.constant 0 : i32
    %dma_start3A_1389 = tpu.memref_slice %arg11[%dma_start3A_1387, %dma_start3A_1388] : memref<128x128xf32, #tpu.memory_space<vmem>> -> memref<8x128xf32, #tpu.memory_space<vmem>>
    tpu.enqueue_dma source(%dma_start3A_1389 : memref<8x128xf32, #tpu.memory_space<vmem>>) target(%dma_start3A_1386 : memref<8x128xf32, #tpu.memory_space<vmem_shared>>) target_semaphore(%arg24 : memref<!tpu.dma_semaphore, #tpu.memory_space<semaphore_mem>>)
    %mul3A_1390 = arith.constant 624 : i32
    %mul3A_1391 = arith.muli %arg1, %mul3A_1390 : i32
    %add3A_1392 = arith.constant 528 : i32
    %add3A_1393 = arith.addi %mul3A_1391, %add3A_1392 : i32
    %dma_start3A_1394 = arith.constant 0 : i32
    %dma_start3A_1395 = arith.constant 0 : i32
    %dma_start3A_1396 = tpu.memref_slice %arg11[%dma_start3A_1394, %dma_start3A_1395] : memref<128x128xf32, #tpu.memory_space<vmem>> -> memref<8x128xf32, #tpu.memory_space<vmem>>
    %dma_start3A_1397 = arith.constant 0 : i32
    %dma_start3A_1398 = tpu.memref_slice %arg16[%add3A_1393, %dma_start3A_1397] : memref<10000x128xf32, #tpu.memory_space<vmem_shared>> -> memref<8x128xf32, #tpu.memory_space<vmem_shared>>
    %dma_start3A_1399 = arith.constant 0 : i32
    %dma_start3A_1400 = tpu.memref_slice %arg16[%add3A_1393, %dma_start3A_1399] : memref<10000x128xf32, #tpu.memory_space<vmem_shared>> -> memref<8x128xf32, #tpu.memory_space<vmem_shared>>
    %dma_start3A_1401 = arith.constant 0 : i32
    %dma_start3A_1402 = arith.constant 0 : i32
    %dma_start3A_1403 = tpu.memref_slice %arg11[%dma_start3A_1401, %dma_start3A_1402] : memref<128x128xf32, #tpu.memory_space<vmem>> -> memref<8x128xf32, #tpu.memory_space<vmem>>
    tpu.enqueue_dma source(%dma_start3A_1403 : memref<8x128xf32, #tpu.memory_space<vmem>>) target(%dma_start3A_1400 : memref<8x128xf32, #tpu.memory_space<vmem_shared>>) target_semaphore(%arg24 : memref<!tpu.dma_semaphore, #tpu.memory_space<semaphore_mem>>)
    %mul3A_1404 = arith.constant 624 : i32
    %mul3A_1405 = arith.muli %arg1, %mul3A_1404 : i32
    %add3A_1406 = arith.constant 536 : i32
    %add3A_1407 = arith.addi %mul3A_1405, %add3A_1406 : i32
    %dma_start3A_1408 = arith.constant 0 : i32
    %dma_start3A_1409 = arith.constant 0 : i32
    %dma_start3A_1410 = tpu.memref_slice %arg11[%dma_start3A_1408, %dma_start3A_1409] : memref<128x128xf32, #tpu.memory_space<vmem>> -> memref<8x128xf32, #tpu.memory_space<vmem>>
    %dma_start3A_1411 = arith.constant 0 : i32
    %dma_start3A_1412 = tpu.memref_slice %arg16[%add3A_1407, %dma_start3A_1411] : memref<10000x128xf32, #tpu.memory_space<vmem_shared>> -> memref<8x128xf32, #tpu.memory_space<vmem_shared>>
    %dma_start3A_1413 = arith.constant 0 : i32
    %dma_start3A_1414 = tpu.memref_slice %arg16[%add3A_1407, %dma_start3A_1413] : memref<10000x128xf32, #tpu.memory_space<vmem_shared>> -> memref<8x128xf32, #tpu.memory_space<vmem_shared>>
    %dma_start3A_1415 = arith.constant 0 : i32
    %dma_start3A_1416 = arith.constant 0 : i32
    %dma_start3A_1417 = tpu.memref_slice %arg11[%dma_start3A_1415, %dma_start3A_1416] : memref<128x128xf32, #tpu.memory_space<vmem>> -> memref<8x128xf32, #tpu.memory_space<vmem>>
    tpu.enqueue_dma source(%dma_start3A_1417 : memref<8x128xf32, #tpu.memory_space<vmem>>) target(%dma_start3A_1414 : memref<8x128xf32, #tpu.memory_space<vmem_shared>>) target_semaphore(%arg24 : memref<!tpu.dma_semaphore, #tpu.memory_space<semaphore_mem>>)
    %mul3A_1418 = arith.constant 624 : i32
    %mul3A_1419 = arith.muli %arg1, %mul3A_1418 : i32
    %add3A_1420 = arith.constant 544 : i32
    %add3A_1421 = arith.addi %mul3A_1419, %add3A_1420 : i32
    %dma_start3A_1422 = arith.constant 0 : i32
    %dma_start3A_1423 = arith.constant 0 : i32
    %dma_start3A_1424 = tpu.memref_slice %arg11[%dma_start3A_1422, %dma_start3A_1423] : memref<128x128xf32, #tpu.memory_space<vmem>> -> memref<8x128xf32, #tpu.memory_space<vmem>>
    %dma_start3A_1425 = arith.constant 0 : i32
    %dma_start3A_1426 = tpu.memref_slice %arg16[%add3A_1421, %dma_start3A_1425] : memref<10000x128xf32, #tpu.memory_space<vmem_shared>> -> memref<8x128xf32, #tpu.memory_space<vmem_shared>>
    %dma_start3A_1427 = arith.constant 0 : i32
    %dma_start3A_1428 = tpu.memref_slice %arg16[%add3A_1421, %dma_start3A_1427] : memref<10000x128xf32, #tpu.memory_space<vmem_shared>> -> memref<8x128xf32, #tpu.memory_space<vmem_shared>>
    %dma_start3A_1429 = arith.constant 0 : i32
    %dma_start3A_1430 = arith.constant 0 : i32
    %dma_start3A_1431 = tpu.memref_slice %arg11[%dma_start3A_1429, %dma_start3A_1430] : memref<128x128xf32, #tpu.memory_space<vmem>> -> memref<8x128xf32, #tpu.memory_space<vmem>>
    tpu.enqueue_dma source(%dma_start3A_1431 : memref<8x128xf32, #tpu.memory_space<vmem>>) target(%dma_start3A_1428 : memref<8x128xf32, #tpu.memory_space<vmem_shared>>) target_semaphore(%arg24 : memref<!tpu.dma_semaphore, #tpu.memory_space<semaphore_mem>>)
    %mul3A_1432 = arith.constant 624 : i32
    %mul3A_1433 = arith.muli %arg1, %mul3A_1432 : i32
    %add3A_1434 = arith.constant 552 : i32
    %add3A_1435 = arith.addi %mul3A_1433, %add3A_1434 : i32
    %dma_start3A_1436 = arith.constant 0 : i32
    %dma_start3A_1437 = arith.constant 0 : i32
    %dma_start3A_1438 = tpu.memref_slice %arg11[%dma_start3A_1436, %dma_start3A_1437] : memref<128x128xf32, #tpu.memory_space<vmem>> -> memref<8x128xf32, #tpu.memory_space<vmem>>
    %dma_start3A_1439 = arith.constant 0 : i32
    %dma_start3A_1440 = tpu.memref_slice %arg16[%add3A_1435, %dma_start3A_1439] : memref<10000x128xf32, #tpu.memory_space<vmem_shared>> -> memref<8x128xf32, #tpu.memory_space<vmem_shared>>
    %dma_start3A_1441 = arith.constant 0 : i32
    %dma_start3A_1442 = tpu.memref_slice %arg16[%add3A_1435, %dma_start3A_1441] : memref<10000x128xf32, #tpu.memory_space<vmem_shared>> -> memref<8x128xf32, #tpu.memory_space<vmem_shared>>
    %dma_start3A_1443 = arith.constant 0 : i32
    %dma_start3A_1444 = arith.constant 0 : i32
    %dma_start3A_1445 = tpu.memref_slice %arg11[%dma_start3A_1443, %dma_start3A_1444] : memref<128x128xf32, #tpu.memory_space<vmem>> -> memref<8x128xf32, #tpu.memory_space<vmem>>
    tpu.enqueue_dma source(%dma_start3A_1445 : memref<8x128xf32, #tpu.memory_space<vmem>>) target(%dma_start3A_1442 : memref<8x128xf32, #tpu.memory_space<vmem_shared>>) target_semaphore(%arg24 : memref<!tpu.dma_semaphore, #tpu.memory_space<semaphore_mem>>)
    %mul3A_1446 = arith.constant 624 : i32
    %mul3A_1447 = arith.muli %arg1, %mul3A_1446 : i32
    %add3A_1448 = arith.constant 560 : i32
    %add3A_1449 = arith.addi %mul3A_1447, %add3A_1448 : i32
    %dma_start3A_1450 = arith.constant 0 : i32
    %dma_start3A_1451 = arith.constant 0 : i32
    %dma_start3A_1452 = tpu.memref_slice %arg11[%dma_start3A_1450, %dma_start3A_1451] : memref<128x128xf32, #tpu.memory_space<vmem>> -> memref<8x128xf32, #tpu.memory_space<vmem>>
    %dma_start3A_1453 = arith.constant 0 : i32
    %dma_start3A_1454 = tpu.memref_slice %arg16[%add3A_1449, %dma_start3A_1453] : memref<10000x128xf32, #tpu.memory_space<vmem_shared>> -> memref<8x128xf32, #tpu.memory_space<vmem_shared>>
    %dma_start3A_1455 = arith.constant 0 : i32
    %dma_start3A_1456 = tpu.memref_slice %arg16[%add3A_1449, %dma_start3A_1455] : memref<10000x128xf32, #tpu.memory_space<vmem_shared>> -> memref<8x128xf32, #tpu.memory_space<vmem_shared>>
    %dma_start3A_1457 = arith.constant 0 : i32
    %dma_start3A_1458 = arith.constant 0 : i32
    %dma_start3A_1459 = tpu.memref_slice %arg11[%dma_start3A_1457, %dma_start3A_1458] : memref<128x128xf32, #tpu.memory_space<vmem>> -> memref<8x128xf32, #tpu.memory_space<vmem>>
    tpu.enqueue_dma source(%dma_start3A_1459 : memref<8x128xf32, #tpu.memory_space<vmem>>) target(%dma_start3A_1456 : memref<8x128xf32, #tpu.memory_space<vmem_shared>>) target_semaphore(%arg24 : memref<!tpu.dma_semaphore, #tpu.memory_space<semaphore_mem>>)
    %mul3A_1460 = arith.constant 624 : i32
    %mul3A_1461 = arith.muli %arg1, %mul3A_1460 : i32
    %add3A_1462 = arith.constant 568 : i32
    %add3A_1463 = arith.addi %mul3A_1461, %add3A_1462 : i32
    %dma_start3A_1464 = arith.constant 0 : i32
    %dma_start3A_1465 = arith.constant 0 : i32
    %dma_start3A_1466 = tpu.memref_slice %arg11[%dma_start3A_1464, %dma_start3A_1465] : memref<128x128xf32, #tpu.memory_space<vmem>> -> memref<8x128xf32, #tpu.memory_space<vmem>>
    %dma_start3A_1467 = arith.constant 0 : i32
    %dma_start3A_1468 = tpu.memref_slice %arg16[%add3A_1463, %dma_start3A_1467] : memref<10000x128xf32, #tpu.memory_space<vmem_shared>> -> memref<8x128xf32, #tpu.memory_space<vmem_shared>>
    %dma_start3A_1469 = arith.constant 0 : i32
    %dma_start3A_1470 = tpu.memref_slice %arg16[%add3A_1463, %dma_start3A_1469] : memref<10000x128xf32, #tpu.memory_space<vmem_shared>> -> memref<8x128xf32, #tpu.memory_space<vmem_shared>>
    %dma_start3A_1471 = arith.constant 0 : i32
    %dma_start3A_1472 = arith.constant 0 : i32
    %dma_start3A_1473 = tpu.memref_slice %arg11[%dma_start3A_1471, %dma_start3A_1472] : memref<128x128xf32, #tpu.memory_space<vmem>> -> memref<8x128xf32, #tpu.memory_space<vmem>>
    tpu.enqueue_dma source(%dma_start3A_1473 : memref<8x128xf32, #tpu.memory_space<vmem>>) target(%dma_start3A_1470 : memref<8x128xf32, #tpu.memory_space<vmem_shared>>) target_semaphore(%arg24 : memref<!tpu.dma_semaphore, #tpu.memory_space<semaphore_mem>>)
    %mul3A_1474 = arith.constant 624 : i32
    %mul3A_1475 = arith.muli %arg1, %mul3A_1474 : i32
    %add3A_1476 = arith.constant 576 : i32
    %add3A_1477 = arith.addi %mul3A_1475, %add3A_1476 : i32
    %dma_start3A_1478 = arith.constant 0 : i32
    %dma_start3A_1479 = arith.constant 0 : i32
    %dma_start3A_1480 = tpu.memref_slice %arg11[%dma_start3A_1478, %dma_start3A_1479] : memref<128x128xf32, #tpu.memory_space<vmem>> -> memref<8x128xf32, #tpu.memory_space<vmem>>
    %dma_start3A_1481 = arith.constant 0 : i32
    %dma_start3A_1482 = tpu.memref_slice %arg16[%add3A_1477, %dma_start3A_1481] : memref<10000x128xf32, #tpu.memory_space<vmem_shared>> -> memref<8x128xf32, #tpu.memory_space<vmem_shared>>
    %dma_start3A_1483 = arith.constant 0 : i32
    %dma_start3A_1484 = tpu.memref_slice %arg16[%add3A_1477, %dma_start3A_1483] : memref<10000x128xf32, #tpu.memory_space<vmem_shared>> -> memref<8x128xf32, #tpu.memory_space<vmem_shared>>
    %dma_start3A_1485 = arith.constant 0 : i32
    %dma_start3A_1486 = arith.constant 0 : i32
    %dma_start3A_1487 = tpu.memref_slice %arg11[%dma_start3A_1485, %dma_start3A_1486] : memref<128x128xf32, #tpu.memory_space<vmem>> -> memref<8x128xf32, #tpu.memory_space<vmem>>
    tpu.enqueue_dma source(%dma_start3A_1487 : memref<8x128xf32, #tpu.memory_space<vmem>>) target(%dma_start3A_1484 : memref<8x128xf32, #tpu.memory_space<vmem_shared>>) target_semaphore(%arg24 : memref<!tpu.dma_semaphore, #tpu.memory_space<semaphore_mem>>)
    %mul3A_1488 = arith.constant 624 : i32
    %mul3A_1489 = arith.muli %arg1, %mul3A_1488 : i32
    %add3A_1490 = arith.constant 584 : i32
    %add3A_1491 = arith.addi %mul3A_1489, %add3A_1490 : i32
    %dma_start3A_1492 = arith.constant 0 : i32
    %dma_start3A_1493 = arith.constant 0 : i32
    %dma_start3A_1494 = tpu.memref_slice %arg11[%dma_start3A_1492, %dma_start3A_1493] : memref<128x128xf32, #tpu.memory_space<vmem>> -> memref<8x128xf32, #tpu.memory_space<vmem>>
    %dma_start3A_1495 = arith.constant 0 : i32
    %dma_start3A_1496 = tpu.memref_slice %arg16[%add3A_1491, %dma_start3A_1495] : memref<10000x128xf32, #tpu.memory_space<vmem_shared>> -> memref<8x128xf32, #tpu.memory_space<vmem_shared>>
    %dma_start3A_1497 = arith.constant 0 : i32
    %dma_start3A_1498 = tpu.memref_slice %arg16[%add3A_1491, %dma_start3A_1497] : memref<10000x128xf32, #tpu.memory_space<vmem_shared>> -> memref<8x128xf32, #tpu.memory_space<vmem_shared>>
    %dma_start3A_1499 = arith.constant 0 : i32
    %dma_start3A_1500 = arith.constant 0 : i32
    %dma_start3A_1501 = tpu.memref_slice %arg11[%dma_start3A_1499, %dma_start3A_1500] : memref<128x128xf32, #tpu.memory_space<vmem>> -> memref<8x128xf32, #tpu.memory_space<vmem>>
    tpu.enqueue_dma source(%dma_start3A_1501 : memref<8x128xf32, #tpu.memory_space<vmem>>) target(%dma_start3A_1498 : memref<8x128xf32, #tpu.memory_space<vmem_shared>>) target_semaphore(%arg24 : memref<!tpu.dma_semaphore, #tpu.memory_space<semaphore_mem>>)
    %mul3A_1502 = arith.constant 624 : i32
    %mul3A_1503 = arith.muli %arg1, %mul3A_1502 : i32
    %add3A_1504 = arith.constant 592 : i32
    %add3A_1505 = arith.addi %mul3A_1503, %add3A_1504 : i32
    %dma_start3A_1506 = arith.constant 0 : i32
    %dma_start3A_1507 = arith.constant 0 : i32
    %dma_start3A_1508 = tpu.memref_slice %arg11[%dma_start3A_1506, %dma_start3A_1507] : memref<128x128xf32, #tpu.memory_space<vmem>> -> memref<8x128xf32, #tpu.memory_space<vmem>>
    %dma_start3A_1509 = arith.constant 0 : i32
    %dma_start3A_1510 = tpu.memref_slice %arg16[%add3A_1505, %dma_start3A_1509] : memref<10000x128xf32, #tpu.memory_space<vmem_shared>> -> memref<8x128xf32, #tpu.memory_space<vmem_shared>>
    %dma_start3A_1511 = arith.constant 0 : i32
    %dma_start3A_1512 = tpu.memref_slice %arg16[%add3A_1505, %dma_start3A_1511] : memref<10000x128xf32, #tpu.memory_space<vmem_shared>> -> memref<8x128xf32, #tpu.memory_space<vmem_shared>>
    %dma_start3A_1513 = arith.constant 0 : i32
    %dma_start3A_1514 = arith.constant 0 : i32
    %dma_start3A_1515 = tpu.memref_slice %arg11[%dma_start3A_1513, %dma_start3A_1514] : memref<128x128xf32, #tpu.memory_space<vmem>> -> memref<8x128xf32, #tpu.memory_space<vmem>>
    tpu.enqueue_dma source(%dma_start3A_1515 : memref<8x128xf32, #tpu.memory_space<vmem>>) target(%dma_start3A_1512 : memref<8x128xf32, #tpu.memory_space<vmem_shared>>) target_semaphore(%arg24 : memref<!tpu.dma_semaphore, #tpu.memory_space<semaphore_mem>>)
    %mul3A_1516 = arith.constant 624 : i32
    %mul3A_1517 = arith.muli %arg1, %mul3A_1516 : i32
    %add3A_1518 = arith.constant 600 : i32
    %add3A_1519 = arith.addi %mul3A_1517, %add3A_1518 : i32
    %dma_start3A_1520 = arith.constant 0 : i32
    %dma_start3A_1521 = arith.constant 0 : i32
    %dma_start3A_1522 = tpu.memref_slice %arg11[%dma_start3A_1520, %dma_start3A_1521] : memref<128x128xf32, #tpu.memory_space<vmem>> -> memref<8x128xf32, #tpu.memory_space<vmem>>
    %dma_start3A_1523 = arith.constant 0 : i32
    %dma_start3A_1524 = tpu.memref_slice %arg16[%add3A_1519, %dma_start3A_1523] : memref<10000x128xf32, #tpu.memory_space<vmem_shared>> -> memref<8x128xf32, #tpu.memory_space<vmem_shared>>
    %dma_start3A_1525 = arith.constant 0 : i32
    %dma_start3A_1526 = tpu.memref_slice %arg16[%add3A_1519, %dma_start3A_1525] : memref<10000x128xf32, #tpu.memory_space<vmem_shared>> -> memref<8x128xf32, #tpu.memory_space<vmem_shared>>
    %dma_start3A_1527 = arith.constant 0 : i32
    %dma_start3A_1528 = arith.constant 0 : i32
    %dma_start3A_1529 = tpu.memref_slice %arg11[%dma_start3A_1527, %dma_start3A_1528] : memref<128x128xf32, #tpu.memory_space<vmem>> -> memref<8x128xf32, #tpu.memory_space<vmem>>
    tpu.enqueue_dma source(%dma_start3A_1529 : memref<8x128xf32, #tpu.memory_space<vmem>>) target(%dma_start3A_1526 : memref<8x128xf32, #tpu.memory_space<vmem_shared>>) target_semaphore(%arg24 : memref<!tpu.dma_semaphore, #tpu.memory_space<semaphore_mem>>)
    %mul3A_1530 = arith.constant 624 : i32
    %mul3A_1531 = arith.muli %arg1, %mul3A_1530 : i32
    %add3A_1532 = arith.constant 608 : i32
    %add3A_1533 = arith.addi %mul3A_1531, %add3A_1532 : i32
    %dma_start3A_1534 = arith.constant 0 : i32
    %dma_start3A_1535 = arith.constant 0 : i32
    %dma_start3A_1536 = tpu.memref_slice %arg11[%dma_start3A_1534, %dma_start3A_1535] : memref<128x128xf32, #tpu.memory_space<vmem>> -> memref<8x128xf32, #tpu.memory_space<vmem>>
    %dma_start3A_1537 = arith.constant 0 : i32
    %dma_start3A_1538 = tpu.memref_slice %arg16[%add3A_1533, %dma_start3A_1537] : memref<10000x128xf32, #tpu.memory_space<vmem_shared>> -> memref<8x128xf32, #tpu.memory_space<vmem_shared>>
    %dma_start3A_1539 = arith.constant 0 : i32
    %dma_start3A_1540 = tpu.memref_slice %arg16[%add3A_1533, %dma_start3A_1539] : memref<10000x128xf32, #tpu.memory_space<vmem_shared>> -> memref<8x128xf32, #tpu.memory_space<vmem_shared>>
    %dma_start3A_1541 = arith.constant 0 : i32
    %dma_start3A_1542 = arith.constant 0 : i32
    %dma_start3A_1543 = tpu.memref_slice %arg11[%dma_start3A_1541, %dma_start3A_1542] : memref<128x128xf32, #tpu.memory_space<vmem>> -> memref<8x128xf32, #tpu.memory_space<vmem>>
    tpu.enqueue_dma source(%dma_start3A_1543 : memref<8x128xf32, #tpu.memory_space<vmem>>) target(%dma_start3A_1540 : memref<8x128xf32, #tpu.memory_space<vmem_shared>>) target_semaphore(%arg24 : memref<!tpu.dma_semaphore, #tpu.memory_space<semaphore_mem>>)
    %mul3A_1544 = arith.constant 624 : i32
    %mul3A_1545 = arith.muli %arg1, %mul3A_1544 : i32
    %add3A_1546 = arith.constant 616 : i32
    %add3A_1547 = arith.addi %mul3A_1545, %add3A_1546 : i32
    %dma_start3A_1548 = arith.constant 0 : i32
    %dma_start3A_1549 = arith.constant 0 : i32
    %dma_start3A_1550 = tpu.memref_slice %arg11[%dma_start3A_1548, %dma_start3A_1549] : memref<128x128xf32, #tpu.memory_space<vmem>> -> memref<8x128xf32, #tpu.memory_space<vmem>>
    %dma_start3A_1551 = arith.constant 0 : i32
    %dma_start3A_1552 = tpu.memref_slice %arg16[%add3A_1547, %dma_start3A_1551] : memref<10000x128xf32, #tpu.memory_space<vmem_shared>> -> memref<8x128xf32, #tpu.memory_space<vmem_shared>>
    %dma_start3A_1553 = arith.constant 0 : i32
    %dma_start3A_1554 = tpu.memref_slice %arg16[%add3A_1547, %dma_start3A_1553] : memref<10000x128xf32, #tpu.memory_space<vmem_shared>> -> memref<8x128xf32, #tpu.memory_space<vmem_shared>>
    %dma_start3A_1555 = arith.constant 0 : i32
    %dma_start3A_1556 = arith.constant 0 : i32
    %dma_start3A_1557 = tpu.memref_slice %arg11[%dma_start3A_1555, %dma_start3A_1556] : memref<128x128xf32, #tpu.memory_space<vmem>> -> memref<8x128xf32, #tpu.memory_space<vmem>>
    tpu.enqueue_dma source(%dma_start3A_1557 : memref<8x128xf32, #tpu.memory_space<vmem>>) target(%dma_start3A_1554 : memref<8x128xf32, #tpu.memory_space<vmem_shared>>) target_semaphore(%arg24 : memref<!tpu.dma_semaphore, #tpu.memory_space<semaphore_mem>>)
    %eq3A = arith.constant 0 : i32
    %eq3A_1558 = arith.cmpi eq, %arg1, %eq3A : i32
    %convert_element_type3A = arith.extui %eq3A_1558 : i1 to i32
    %cond3A = arith.constant 0 : i32
    %cond3A_1559 = arith.cmpi ne, %convert_element_type3A, %cond3A : i32
    scf.if %cond3A_1559 {
      %dma_start3A_2737 = arith.constant 0 : i32
      %dma_start3A_2738 = arith.constant 0 : i32
      %dma_start3A_2739 = tpu.memref_slice %arg11[%dma_start3A_2737, %dma_start3A_2738] : memref<128x128xf32, #tpu.memory_space<vmem>> -> memref<8x128xf32, #tpu.memory_space<vmem>>
      %dma_start3A_2740 = arith.constant 9984 : i32
      %dma_start3A_2741 = arith.constant 0 : i32
      %dma_start3A_2742 = tpu.memref_slice %arg16[%dma_start3A_2740, %dma_start3A_2741] : memref<10000x128xf32, #tpu.memory_space<vmem_shared>> -> memref<8x128xf32, #tpu.memory_space<vmem_shared>>
      %dma_start3A_2743 = arith.constant 9984 : i32
      %dma_start3A_2744 = arith.constant 0 : i32
      %dma_start3A_2745 = tpu.memref_slice %arg16[%dma_start3A_2743, %dma_start3A_2744] : memref<10000x128xf32, #tpu.memory_space<vmem_shared>> -> memref<8x128xf32, #tpu.memory_space<vmem_shared>>
      %dma_start3A_2746 = arith.constant 0 : i32
      %dma_start3A_2747 = arith.constant 0 : i32
      %dma_start3A_2748 = tpu.memref_slice %arg11[%dma_start3A_2746, %dma_start3A_2747] : memref<128x128xf32, #tpu.memory_space<vmem>> -> memref<8x128xf32, #tpu.memory_space<vmem>>
      tpu.enqueue_dma source(%dma_start3A_2748 : memref<8x128xf32, #tpu.memory_space<vmem>>) target(%dma_start3A_2745 : memref<8x128xf32, #tpu.memory_space<vmem_shared>>) target_semaphore(%arg24 : memref<!tpu.dma_semaphore, #tpu.memory_space<semaphore_mem>>)
      %dma_start3A_2749 = arith.constant 0 : i32
      %dma_start3A_2750 = arith.constant 0 : i32
      %dma_start3A_2751 = tpu.memref_slice %arg11[%dma_start3A_2749, %dma_start3A_2750] : memref<128x128xf32, #tpu.memory_space<vmem>> -> memref<8x128xf32, #tpu.memory_space<vmem>>
      %dma_start3A_2752 = arith.constant 9992 : i32
      %dma_start3A_2753 = arith.constant 0 : i32
      %dma_start3A_2754 = tpu.memref_slice %arg16[%dma_start3A_2752, %dma_start3A_2753] : memref<10000x128xf32, #tpu.memory_space<vmem_shared>> -> memref<8x128xf32, #tpu.memory_space<vmem_shared>>
      %dma_start3A_2755 = arith.constant 9992 : i32
      %dma_start3A_2756 = arith.constant 0 : i32
      %dma_start3A_2757 = tpu.memref_slice %arg16[%dma_start3A_2755, %dma_start3A_2756] : memref<10000x128xf32, #tpu.memory_space<vmem_shared>> -> memref<8x128xf32, #tpu.memory_space<vmem_shared>>
      %dma_start3A_2758 = arith.constant 0 : i32
      %dma_start3A_2759 = arith.constant 0 : i32
      %dma_start3A_2760 = tpu.memref_slice %arg11[%dma_start3A_2758, %dma_start3A_2759] : memref<128x128xf32, #tpu.memory_space<vmem>> -> memref<8x128xf32, #tpu.memory_space<vmem>>
      tpu.enqueue_dma source(%dma_start3A_2760 : memref<8x128xf32, #tpu.memory_space<vmem>>) target(%dma_start3A_2757 : memref<8x128xf32, #tpu.memory_space<vmem_shared>>) target_semaphore(%arg24 : memref<!tpu.dma_semaphore, #tpu.memory_space<semaphore_mem>>)
      %dma_start3A_2761 = arith.constant 0 : i32
      %dma_start3A_2762 = tpu.memref_slice %arg17[%dma_start3A_2761] : memref<10000xf32, #tpu.memory_space<vmem_shared>> -> memref<200xf32, #tpu.memory_space<vmem_shared>>
      %dma_start3A_2763 = arith.constant 0 : i32
      %dma_start3A_2764 = tpu.memref_slice %arg17[%dma_start3A_2763] : memref<10000xf32, #tpu.memory_space<vmem_shared>> -> memref<200xf32, #tpu.memory_space<vmem_shared>>
      tpu.enqueue_dma source(%arg15 : memref<200xf32, #tpu.memory_space<vmem>>) target(%dma_start3A_2764 : memref<200xf32, #tpu.memory_space<vmem_shared>>) target_semaphore(%arg24 : memref<!tpu.dma_semaphore, #tpu.memory_space<semaphore_mem>>)
      %dma_start3A_2765 = arith.constant 200 : i32
      %dma_start3A_2766 = tpu.memref_slice %arg17[%dma_start3A_2765] : memref<10000xf32, #tpu.memory_space<vmem_shared>> -> memref<200xf32, #tpu.memory_space<vmem_shared>>
      %dma_start3A_2767 = arith.constant 200 : i32
      %dma_start3A_2768 = tpu.memref_slice %arg17[%dma_start3A_2767] : memref<10000xf32, #tpu.memory_space<vmem_shared>> -> memref<200xf32, #tpu.memory_space<vmem_shared>>
      tpu.enqueue_dma source(%arg15 : memref<200xf32, #tpu.memory_space<vmem>>) target(%dma_start3A_2768 : memref<200xf32, #tpu.memory_space<vmem_shared>>) target_semaphore(%arg24 : memref<!tpu.dma_semaphore, #tpu.memory_space<semaphore_mem>>)
      %dma_start3A_2769 = arith.constant 400 : i32
      %dma_start3A_2770 = tpu.memref_slice %arg17[%dma_start3A_2769] : memref<10000xf32, #tpu.memory_space<vmem_shared>> -> memref<200xf32, #tpu.memory_space<vmem_shared>>
      %dma_start3A_2771 = arith.constant 400 : i32
      %dma_start3A_2772 = tpu.memref_slice %arg17[%dma_start3A_2771] : memref<10000xf32, #tpu.memory_space<vmem_shared>> -> memref<200xf32, #tpu.memory_space<vmem_shared>>
      tpu.enqueue_dma source(%arg15 : memref<200xf32, #tpu.memory_space<vmem>>) target(%dma_start3A_2772 : memref<200xf32, #tpu.memory_space<vmem_shared>>) target_semaphore(%arg24 : memref<!tpu.dma_semaphore, #tpu.memory_space<semaphore_mem>>)
      %dma_start3A_2773 = arith.constant 600 : i32
      %dma_start3A_2774 = tpu.memref_slice %arg17[%dma_start3A_2773] : memref<10000xf32, #tpu.memory_space<vmem_shared>> -> memref<200xf32, #tpu.memory_space<vmem_shared>>
      %dma_start3A_2775 = arith.constant 600 : i32
      %dma_start3A_2776 = tpu.memref_slice %arg17[%dma_start3A_2775] : memref<10000xf32, #tpu.memory_space<vmem_shared>> -> memref<200xf32, #tpu.memory_space<vmem_shared>>
      tpu.enqueue_dma source(%arg15 : memref<200xf32, #tpu.memory_space<vmem>>) target(%dma_start3A_2776 : memref<200xf32, #tpu.memory_space<vmem_shared>>) target_semaphore(%arg24 : memref<!tpu.dma_semaphore, #tpu.memory_space<semaphore_mem>>)
      %dma_start3A_2777 = arith.constant 800 : i32
      %dma_start3A_2778 = tpu.memref_slice %arg17[%dma_start3A_2777] : memref<10000xf32, #tpu.memory_space<vmem_shared>> -> memref<200xf32, #tpu.memory_space<vmem_shared>>
      %dma_start3A_2779 = arith.constant 800 : i32
      %dma_start3A_2780 = tpu.memref_slice %arg17[%dma_start3A_2779] : memref<10000xf32, #tpu.memory_space<vmem_shared>> -> memref<200xf32, #tpu.memory_space<vmem_shared>>
      tpu.enqueue_dma source(%arg15 : memref<200xf32, #tpu.memory_space<vmem>>) target(%dma_start3A_2780 : memref<200xf32, #tpu.memory_space<vmem_shared>>) target_semaphore(%arg24 : memref<!tpu.dma_semaphore, #tpu.memory_space<semaphore_mem>>)
      %dma_start3A_2781 = arith.constant 1000 : i32
      %dma_start3A_2782 = tpu.memref_slice %arg17[%dma_start3A_2781] : memref<10000xf32, #tpu.memory_space<vmem_shared>> -> memref<200xf32, #tpu.memory_space<vmem_shared>>
      %dma_start3A_2783 = arith.constant 1000 : i32
      %dma_start3A_2784 = tpu.memref_slice %arg17[%dma_start3A_2783] : memref<10000xf32, #tpu.memory_space<vmem_shared>> -> memref<200xf32, #tpu.memory_space<vmem_shared>>
      tpu.enqueue_dma source(%arg15 : memref<200xf32, #tpu.memory_space<vmem>>) target(%dma_start3A_2784 : memref<200xf32, #tpu.memory_space<vmem_shared>>) target_semaphore(%arg24 : memref<!tpu.dma_semaphore, #tpu.memory_space<semaphore_mem>>)
      %dma_start3A_2785 = arith.constant 1200 : i32
      %dma_start3A_2786 = tpu.memref_slice %arg17[%dma_start3A_2785] : memref<10000xf32, #tpu.memory_space<vmem_shared>> -> memref<200xf32, #tpu.memory_space<vmem_shared>>
      %dma_start3A_2787 = arith.constant 1200 : i32
      %dma_start3A_2788 = tpu.memref_slice %arg17[%dma_start3A_2787] : memref<10000xf32, #tpu.memory_space<vmem_shared>> -> memref<200xf32, #tpu.memory_space<vmem_shared>>
      tpu.enqueue_dma source(%arg15 : memref<200xf32, #tpu.memory_space<vmem>>) target(%dma_start3A_2788 : memref<200xf32, #tpu.memory_space<vmem_shared>>) target_semaphore(%arg24 : memref<!tpu.dma_semaphore, #tpu.memory_space<semaphore_mem>>)
      %dma_start3A_2789 = arith.constant 1400 : i32
      %dma_start3A_2790 = tpu.memref_slice %arg17[%dma_start3A_2789] : memref<10000xf32, #tpu.memory_space<vmem_shared>> -> memref<200xf32, #tpu.memory_space<vmem_shared>>
      %dma_start3A_2791 = arith.constant 1400 : i32
      %dma_start3A_2792 = tpu.memref_slice %arg17[%dma_start3A_2791] : memref<10000xf32, #tpu.memory_space<vmem_shared>> -> memref<200xf32, #tpu.memory_space<vmem_shared>>
      tpu.enqueue_dma source(%arg15 : memref<200xf32, #tpu.memory_space<vmem>>) target(%dma_start3A_2792 : memref<200xf32, #tpu.memory_space<vmem_shared>>) target_semaphore(%arg24 : memref<!tpu.dma_semaphore, #tpu.memory_space<semaphore_mem>>)
      %dma_start3A_2793 = arith.constant 1600 : i32
      %dma_start3A_2794 = tpu.memref_slice %arg17[%dma_start3A_2793] : memref<10000xf32, #tpu.memory_space<vmem_shared>> -> memref<200xf32, #tpu.memory_space<vmem_shared>>
      %dma_start3A_2795 = arith.constant 1600 : i32
      %dma_start3A_2796 = tpu.memref_slice %arg17[%dma_start3A_2795] : memref<10000xf32, #tpu.memory_space<vmem_shared>> -> memref<200xf32, #tpu.memory_space<vmem_shared>>
      tpu.enqueue_dma source(%arg15 : memref<200xf32, #tpu.memory_space<vmem>>) target(%dma_start3A_2796 : memref<200xf32, #tpu.memory_space<vmem_shared>>) target_semaphore(%arg24 : memref<!tpu.dma_semaphore, #tpu.memory_space<semaphore_mem>>)
      %dma_start3A_2797 = arith.constant 1800 : i32
      %dma_start3A_2798 = tpu.memref_slice %arg17[%dma_start3A_2797] : memref<10000xf32, #tpu.memory_space<vmem_shared>> -> memref<200xf32, #tpu.memory_space<vmem_shared>>
      %dma_start3A_2799 = arith.constant 1800 : i32
      %dma_start3A_2800 = tpu.memref_slice %arg17[%dma_start3A_2799] : memref<10000xf32, #tpu.memory_space<vmem_shared>> -> memref<200xf32, #tpu.memory_space<vmem_shared>>
      tpu.enqueue_dma source(%arg15 : memref<200xf32, #tpu.memory_space<vmem>>) target(%dma_start3A_2800 : memref<200xf32, #tpu.memory_space<vmem_shared>>) target_semaphore(%arg24 : memref<!tpu.dma_semaphore, #tpu.memory_space<semaphore_mem>>)
      %dma_start3A_2801 = arith.constant 2000 : i32
      %dma_start3A_2802 = tpu.memref_slice %arg17[%dma_start3A_2801] : memref<10000xf32, #tpu.memory_space<vmem_shared>> -> memref<200xf32, #tpu.memory_space<vmem_shared>>
      %dma_start3A_2803 = arith.constant 2000 : i32
      %dma_start3A_2804 = tpu.memref_slice %arg17[%dma_start3A_2803] : memref<10000xf32, #tpu.memory_space<vmem_shared>> -> memref<200xf32, #tpu.memory_space<vmem_shared>>
      tpu.enqueue_dma source(%arg15 : memref<200xf32, #tpu.memory_space<vmem>>) target(%dma_start3A_2804 : memref<200xf32, #tpu.memory_space<vmem_shared>>) target_semaphore(%arg24 : memref<!tpu.dma_semaphore, #tpu.memory_space<semaphore_mem>>)
      %dma_start3A_2805 = arith.constant 2200 : i32
      %dma_start3A_2806 = tpu.memref_slice %arg17[%dma_start3A_2805] : memref<10000xf32, #tpu.memory_space<vmem_shared>> -> memref<200xf32, #tpu.memory_space<vmem_shared>>
      %dma_start3A_2807 = arith.constant 2200 : i32
      %dma_start3A_2808 = tpu.memref_slice %arg17[%dma_start3A_2807] : memref<10000xf32, #tpu.memory_space<vmem_shared>> -> memref<200xf32, #tpu.memory_space<vmem_shared>>
      tpu.enqueue_dma source(%arg15 : memref<200xf32, #tpu.memory_space<vmem>>) target(%dma_start3A_2808 : memref<200xf32, #tpu.memory_space<vmem_shared>>) target_semaphore(%arg24 : memref<!tpu.dma_semaphore, #tpu.memory_space<semaphore_mem>>)
      %dma_start3A_2809 = arith.constant 2400 : i32
      %dma_start3A_2810 = tpu.memref_slice %arg17[%dma_start3A_2809] : memref<10000xf32, #tpu.memory_space<vmem_shared>> -> memref<200xf32, #tpu.memory_space<vmem_shared>>
      %dma_start3A_2811 = arith.constant 2400 : i32
      %dma_start3A_2812 = tpu.memref_slice %arg17[%dma_start3A_2811] : memref<10000xf32, #tpu.memory_space<vmem_shared>> -> memref<200xf32, #tpu.memory_space<vmem_shared>>
      tpu.enqueue_dma source(%arg15 : memref<200xf32, #tpu.memory_space<vmem>>) target(%dma_start3A_2812 : memref<200xf32, #tpu.memory_space<vmem_shared>>) target_semaphore(%arg24 : memref<!tpu.dma_semaphore, #tpu.memory_space<semaphore_mem>>)
      %dma_start3A_2813 = arith.constant 2600 : i32
      %dma_start3A_2814 = tpu.memref_slice %arg17[%dma_start3A_2813] : memref<10000xf32, #tpu.memory_space<vmem_shared>> -> memref<200xf32, #tpu.memory_space<vmem_shared>>
      %dma_start3A_2815 = arith.constant 2600 : i32
      %dma_start3A_2816 = tpu.memref_slice %arg17[%dma_start3A_2815] : memref<10000xf32, #tpu.memory_space<vmem_shared>> -> memref<200xf32, #tpu.memory_space<vmem_shared>>
      tpu.enqueue_dma source(%arg15 : memref<200xf32, #tpu.memory_space<vmem>>) target(%dma_start3A_2816 : memref<200xf32, #tpu.memory_space<vmem_shared>>) target_semaphore(%arg24 : memref<!tpu.dma_semaphore, #tpu.memory_space<semaphore_mem>>)
      %dma_start3A_2817 = arith.constant 2800 : i32
      %dma_start3A_2818 = tpu.memref_slice %arg17[%dma_start3A_2817] : memref<10000xf32, #tpu.memory_space<vmem_shared>> -> memref<200xf32, #tpu.memory_space<vmem_shared>>
      %dma_start3A_2819 = arith.constant 2800 : i32
      %dma_start3A_2820 = tpu.memref_slice %arg17[%dma_start3A_2819] : memref<10000xf32, #tpu.memory_space<vmem_shared>> -> memref<200xf32, #tpu.memory_space<vmem_shared>>
      tpu.enqueue_dma source(%arg15 : memref<200xf32, #tpu.memory_space<vmem>>) target(%dma_start3A_2820 : memref<200xf32, #tpu.memory_space<vmem_shared>>) target_semaphore(%arg24 : memref<!tpu.dma_semaphore, #tpu.memory_space<semaphore_mem>>)
      %dma_start3A_2821 = arith.constant 3000 : i32
      %dma_start3A_2822 = tpu.memref_slice %arg17[%dma_start3A_2821] : memref<10000xf32, #tpu.memory_space<vmem_shared>> -> memref<200xf32, #tpu.memory_space<vmem_shared>>
      %dma_start3A_2823 = arith.constant 3000 : i32
      %dma_start3A_2824 = tpu.memref_slice %arg17[%dma_start3A_2823] : memref<10000xf32, #tpu.memory_space<vmem_shared>> -> memref<200xf32, #tpu.memory_space<vmem_shared>>
      tpu.enqueue_dma source(%arg15 : memref<200xf32, #tpu.memory_space<vmem>>) target(%dma_start3A_2824 : memref<200xf32, #tpu.memory_space<vmem_shared>>) target_semaphore(%arg24 : memref<!tpu.dma_semaphore, #tpu.memory_space<semaphore_mem>>)
      %dma_start3A_2825 = arith.constant 3200 : i32
      %dma_start3A_2826 = tpu.memref_slice %arg17[%dma_start3A_2825] : memref<10000xf32, #tpu.memory_space<vmem_shared>> -> memref<200xf32, #tpu.memory_space<vmem_shared>>
      %dma_start3A_2827 = arith.constant 3200 : i32
      %dma_start3A_2828 = tpu.memref_slice %arg17[%dma_start3A_2827] : memref<10000xf32, #tpu.memory_space<vmem_shared>> -> memref<200xf32, #tpu.memory_space<vmem_shared>>
      tpu.enqueue_dma source(%arg15 : memref<200xf32, #tpu.memory_space<vmem>>) target(%dma_start3A_2828 : memref<200xf32, #tpu.memory_space<vmem_shared>>) target_semaphore(%arg24 : memref<!tpu.dma_semaphore, #tpu.memory_space<semaphore_mem>>)
      %dma_start3A_2829 = arith.constant 3400 : i32
      %dma_start3A_2830 = tpu.memref_slice %arg17[%dma_start3A_2829] : memref<10000xf32, #tpu.memory_space<vmem_shared>> -> memref<200xf32, #tpu.memory_space<vmem_shared>>
      %dma_start3A_2831 = arith.constant 3400 : i32
      %dma_start3A_2832 = tpu.memref_slice %arg17[%dma_start3A_2831] : memref<10000xf32, #tpu.memory_space<vmem_shared>> -> memref<200xf32, #tpu.memory_space<vmem_shared>>
      tpu.enqueue_dma source(%arg15 : memref<200xf32, #tpu.memory_space<vmem>>) target(%dma_start3A_2832 : memref<200xf32, #tpu.memory_space<vmem_shared>>) target_semaphore(%arg24 : memref<!tpu.dma_semaphore, #tpu.memory_space<semaphore_mem>>)
      %dma_start3A_2833 = arith.constant 3600 : i32
      %dma_start3A_2834 = tpu.memref_slice %arg17[%dma_start3A_2833] : memref<10000xf32, #tpu.memory_space<vmem_shared>> -> memref<200xf32, #tpu.memory_space<vmem_shared>>
      %dma_start3A_2835 = arith.constant 3600 : i32
      %dma_start3A_2836 = tpu.memref_slice %arg17[%dma_start3A_2835] : memref<10000xf32, #tpu.memory_space<vmem_shared>> -> memref<200xf32, #tpu.memory_space<vmem_shared>>
      tpu.enqueue_dma source(%arg15 : memref<200xf32, #tpu.memory_space<vmem>>) target(%dma_start3A_2836 : memref<200xf32, #tpu.memory_space<vmem_shared>>) target_semaphore(%arg24 : memref<!tpu.dma_semaphore, #tpu.memory_space<semaphore_mem>>)
      %dma_start3A_2837 = arith.constant 3800 : i32
      %dma_start3A_2838 = tpu.memref_slice %arg17[%dma_start3A_2837] : memref<10000xf32, #tpu.memory_space<vmem_shared>> -> memref<200xf32, #tpu.memory_space<vmem_shared>>
      %dma_start3A_2839 = arith.constant 3800 : i32
      %dma_start3A_2840 = tpu.memref_slice %arg17[%dma_start3A_2839] : memref<10000xf32, #tpu.memory_space<vmem_shared>> -> memref<200xf32, #tpu.memory_space<vmem_shared>>
      tpu.enqueue_dma source(%arg15 : memref<200xf32, #tpu.memory_space<vmem>>) target(%dma_start3A_2840 : memref<200xf32, #tpu.memory_space<vmem_shared>>) target_semaphore(%arg24 : memref<!tpu.dma_semaphore, #tpu.memory_space<semaphore_mem>>)
      %dma_start3A_2841 = arith.constant 4000 : i32
      %dma_start3A_2842 = tpu.memref_slice %arg17[%dma_start3A_2841] : memref<10000xf32, #tpu.memory_space<vmem_shared>> -> memref<200xf32, #tpu.memory_space<vmem_shared>>
      %dma_start3A_2843 = arith.constant 4000 : i32
      %dma_start3A_2844 = tpu.memref_slice %arg17[%dma_start3A_2843] : memref<10000xf32, #tpu.memory_space<vmem_shared>> -> memref<200xf32, #tpu.memory_space<vmem_shared>>
      tpu.enqueue_dma source(%arg15 : memref<200xf32, #tpu.memory_space<vmem>>) target(%dma_start3A_2844 : memref<200xf32, #tpu.memory_space<vmem_shared>>) target_semaphore(%arg24 : memref<!tpu.dma_semaphore, #tpu.memory_space<semaphore_mem>>)
      %dma_start3A_2845 = arith.constant 4200 : i32
      %dma_start3A_2846 = tpu.memref_slice %arg17[%dma_start3A_2845] : memref<10000xf32, #tpu.memory_space<vmem_shared>> -> memref<200xf32, #tpu.memory_space<vmem_shared>>
      %dma_start3A_2847 = arith.constant 4200 : i32
      %dma_start3A_2848 = tpu.memref_slice %arg17[%dma_start3A_2847] : memref<10000xf32, #tpu.memory_space<vmem_shared>> -> memref<200xf32, #tpu.memory_space<vmem_shared>>
      tpu.enqueue_dma source(%arg15 : memref<200xf32, #tpu.memory_space<vmem>>) target(%dma_start3A_2848 : memref<200xf32, #tpu.memory_space<vmem_shared>>) target_semaphore(%arg24 : memref<!tpu.dma_semaphore, #tpu.memory_space<semaphore_mem>>)
      %dma_start3A_2849 = arith.constant 4400 : i32
      %dma_start3A_2850 = tpu.memref_slice %arg17[%dma_start3A_2849] : memref<10000xf32, #tpu.memory_space<vmem_shared>> -> memref<200xf32, #tpu.memory_space<vmem_shared>>
      %dma_start3A_2851 = arith.constant 4400 : i32
      %dma_start3A_2852 = tpu.memref_slice %arg17[%dma_start3A_2851] : memref<10000xf32, #tpu.memory_space<vmem_shared>> -> memref<200xf32, #tpu.memory_space<vmem_shared>>
      tpu.enqueue_dma source(%arg15 : memref<200xf32, #tpu.memory_space<vmem>>) target(%dma_start3A_2852 : memref<200xf32, #tpu.memory_space<vmem_shared>>) target_semaphore(%arg24 : memref<!tpu.dma_semaphore, #tpu.memory_space<semaphore_mem>>)
      %dma_start3A_2853 = arith.constant 4600 : i32
      %dma_start3A_2854 = tpu.memref_slice %arg17[%dma_start3A_2853] : memref<10000xf32, #tpu.memory_space<vmem_shared>> -> memref<200xf32, #tpu.memory_space<vmem_shared>>
      %dma_start3A_2855 = arith.constant 4600 : i32
      %dma_start3A_2856 = tpu.memref_slice %arg17[%dma_start3A_2855] : memref<10000xf32, #tpu.memory_space<vmem_shared>> -> memref<200xf32, #tpu.memory_space<vmem_shared>>
      tpu.enqueue_dma source(%arg15 : memref<200xf32, #tpu.memory_space<vmem>>) target(%dma_start3A_2856 : memref<200xf32, #tpu.memory_space<vmem_shared>>) target_semaphore(%arg24 : memref<!tpu.dma_semaphore, #tpu.memory_space<semaphore_mem>>)
      %dma_start3A_2857 = arith.constant 4800 : i32
      %dma_start3A_2858 = tpu.memref_slice %arg17[%dma_start3A_2857] : memref<10000xf32, #tpu.memory_space<vmem_shared>> -> memref<200xf32, #tpu.memory_space<vmem_shared>>
      %dma_start3A_2859 = arith.constant 4800 : i32
      %dma_start3A_2860 = tpu.memref_slice %arg17[%dma_start3A_2859] : memref<10000xf32, #tpu.memory_space<vmem_shared>> -> memref<200xf32, #tpu.memory_space<vmem_shared>>
      tpu.enqueue_dma source(%arg15 : memref<200xf32, #tpu.memory_space<vmem>>) target(%dma_start3A_2860 : memref<200xf32, #tpu.memory_space<vmem_shared>>) target_semaphore(%arg24 : memref<!tpu.dma_semaphore, #tpu.memory_space<semaphore_mem>>)
      %dma_start3A_2861 = arith.constant 5000 : i32
      %dma_start3A_2862 = tpu.memref_slice %arg17[%dma_start3A_2861] : memref<10000xf32, #tpu.memory_space<vmem_shared>> -> memref<200xf32, #tpu.memory_space<vmem_shared>>
      %dma_start3A_2863 = arith.constant 5000 : i32
      %dma_start3A_2864 = tpu.memref_slice %arg17[%dma_start3A_2863] : memref<10000xf32, #tpu.memory_space<vmem_shared>> -> memref<200xf32, #tpu.memory_space<vmem_shared>>
      tpu.enqueue_dma source(%arg15 : memref<200xf32, #tpu.memory_space<vmem>>) target(%dma_start3A_2864 : memref<200xf32, #tpu.memory_space<vmem_shared>>) target_semaphore(%arg24 : memref<!tpu.dma_semaphore, #tpu.memory_space<semaphore_mem>>)
      %dma_start3A_2865 = arith.constant 5200 : i32
      %dma_start3A_2866 = tpu.memref_slice %arg17[%dma_start3A_2865] : memref<10000xf32, #tpu.memory_space<vmem_shared>> -> memref<200xf32, #tpu.memory_space<vmem_shared>>
      %dma_start3A_2867 = arith.constant 5200 : i32
      %dma_start3A_2868 = tpu.memref_slice %arg17[%dma_start3A_2867] : memref<10000xf32, #tpu.memory_space<vmem_shared>> -> memref<200xf32, #tpu.memory_space<vmem_shared>>
      tpu.enqueue_dma source(%arg15 : memref<200xf32, #tpu.memory_space<vmem>>) target(%dma_start3A_2868 : memref<200xf32, #tpu.memory_space<vmem_shared>>) target_semaphore(%arg24 : memref<!tpu.dma_semaphore, #tpu.memory_space<semaphore_mem>>)
      %dma_start3A_2869 = arith.constant 5400 : i32
      %dma_start3A_2870 = tpu.memref_slice %arg17[%dma_start3A_2869] : memref<10000xf32, #tpu.memory_space<vmem_shared>> -> memref<200xf32, #tpu.memory_space<vmem_shared>>
      %dma_start3A_2871 = arith.constant 5400 : i32
      %dma_start3A_2872 = tpu.memref_slice %arg17[%dma_start3A_2871] : memref<10000xf32, #tpu.memory_space<vmem_shared>> -> memref<200xf32, #tpu.memory_space<vmem_shared>>
      tpu.enqueue_dma source(%arg15 : memref<200xf32, #tpu.memory_space<vmem>>) target(%dma_start3A_2872 : memref<200xf32, #tpu.memory_space<vmem_shared>>) target_semaphore(%arg24 : memref<!tpu.dma_semaphore, #tpu.memory_space<semaphore_mem>>)
      %dma_start3A_2873 = arith.constant 5600 : i32
      %dma_start3A_2874 = tpu.memref_slice %arg17[%dma_start3A_2873] : memref<10000xf32, #tpu.memory_space<vmem_shared>> -> memref<200xf32, #tpu.memory_space<vmem_shared>>
      %dma_start3A_2875 = arith.constant 5600 : i32
      %dma_start3A_2876 = tpu.memref_slice %arg17[%dma_start3A_2875] : memref<10000xf32, #tpu.memory_space<vmem_shared>> -> memref<200xf32, #tpu.memory_space<vmem_shared>>
      tpu.enqueue_dma source(%arg15 : memref<200xf32, #tpu.memory_space<vmem>>) target(%dma_start3A_2876 : memref<200xf32, #tpu.memory_space<vmem_shared>>) target_semaphore(%arg24 : memref<!tpu.dma_semaphore, #tpu.memory_space<semaphore_mem>>)
      %dma_start3A_2877 = arith.constant 5800 : i32
      %dma_start3A_2878 = tpu.memref_slice %arg17[%dma_start3A_2877] : memref<10000xf32, #tpu.memory_space<vmem_shared>> -> memref<200xf32, #tpu.memory_space<vmem_shared>>
      %dma_start3A_2879 = arith.constant 5800 : i32
      %dma_start3A_2880 = tpu.memref_slice %arg17[%dma_start3A_2879] : memref<10000xf32, #tpu.memory_space<vmem_shared>> -> memref<200xf32, #tpu.memory_space<vmem_shared>>
      tpu.enqueue_dma source(%arg15 : memref<200xf32, #tpu.memory_space<vmem>>) target(%dma_start3A_2880 : memref<200xf32, #tpu.memory_space<vmem_shared>>) target_semaphore(%arg24 : memref<!tpu.dma_semaphore, #tpu.memory_space<semaphore_mem>>)
      %dma_start3A_2881 = arith.constant 6000 : i32
      %dma_start3A_2882 = tpu.memref_slice %arg17[%dma_start3A_2881] : memref<10000xf32, #tpu.memory_space<vmem_shared>> -> memref<200xf32, #tpu.memory_space<vmem_shared>>
      %dma_start3A_2883 = arith.constant 6000 : i32
      %dma_start3A_2884 = tpu.memref_slice %arg17[%dma_start3A_2883] : memref<10000xf32, #tpu.memory_space<vmem_shared>> -> memref<200xf32, #tpu.memory_space<vmem_shared>>
      tpu.enqueue_dma source(%arg15 : memref<200xf32, #tpu.memory_space<vmem>>) target(%dma_start3A_2884 : memref<200xf32, #tpu.memory_space<vmem_shared>>) target_semaphore(%arg24 : memref<!tpu.dma_semaphore, #tpu.memory_space<semaphore_mem>>)
      %dma_start3A_2885 = arith.constant 6200 : i32
      %dma_start3A_2886 = tpu.memref_slice %arg17[%dma_start3A_2885] : memref<10000xf32, #tpu.memory_space<vmem_shared>> -> memref<200xf32, #tpu.memory_space<vmem_shared>>
      %dma_start3A_2887 = arith.constant 6200 : i32
      %dma_start3A_2888 = tpu.memref_slice %arg17[%dma_start3A_2887] : memref<10000xf32, #tpu.memory_space<vmem_shared>> -> memref<200xf32, #tpu.memory_space<vmem_shared>>
      tpu.enqueue_dma source(%arg15 : memref<200xf32, #tpu.memory_space<vmem>>) target(%dma_start3A_2888 : memref<200xf32, #tpu.memory_space<vmem_shared>>) target_semaphore(%arg24 : memref<!tpu.dma_semaphore, #tpu.memory_space<semaphore_mem>>)
      %dma_start3A_2889 = arith.constant 6400 : i32
      %dma_start3A_2890 = tpu.memref_slice %arg17[%dma_start3A_2889] : memref<10000xf32, #tpu.memory_space<vmem_shared>> -> memref<200xf32, #tpu.memory_space<vmem_shared>>
      %dma_start3A_2891 = arith.constant 6400 : i32
      %dma_start3A_2892 = tpu.memref_slice %arg17[%dma_start3A_2891] : memref<10000xf32, #tpu.memory_space<vmem_shared>> -> memref<200xf32, #tpu.memory_space<vmem_shared>>
      tpu.enqueue_dma source(%arg15 : memref<200xf32, #tpu.memory_space<vmem>>) target(%dma_start3A_2892 : memref<200xf32, #tpu.memory_space<vmem_shared>>) target_semaphore(%arg24 : memref<!tpu.dma_semaphore, #tpu.memory_space<semaphore_mem>>)
      %dma_start3A_2893 = arith.constant 6600 : i32
      %dma_start3A_2894 = tpu.memref_slice %arg17[%dma_start3A_2893] : memref<10000xf32, #tpu.memory_space<vmem_shared>> -> memref<200xf32, #tpu.memory_space<vmem_shared>>
      %dma_start3A_2895 = arith.constant 6600 : i32
      %dma_start3A_2896 = tpu.memref_slice %arg17[%dma_start3A_2895] : memref<10000xf32, #tpu.memory_space<vmem_shared>> -> memref<200xf32, #tpu.memory_space<vmem_shared>>
      tpu.enqueue_dma source(%arg15 : memref<200xf32, #tpu.memory_space<vmem>>) target(%dma_start3A_2896 : memref<200xf32, #tpu.memory_space<vmem_shared>>) target_semaphore(%arg24 : memref<!tpu.dma_semaphore, #tpu.memory_space<semaphore_mem>>)
      %dma_start3A_2897 = arith.constant 6800 : i32
      %dma_start3A_2898 = tpu.memref_slice %arg17[%dma_start3A_2897] : memref<10000xf32, #tpu.memory_space<vmem_shared>> -> memref<200xf32, #tpu.memory_space<vmem_shared>>
      %dma_start3A_2899 = arith.constant 6800 : i32
      %dma_start3A_2900 = tpu.memref_slice %arg17[%dma_start3A_2899] : memref<10000xf32, #tpu.memory_space<vmem_shared>> -> memref<200xf32, #tpu.memory_space<vmem_shared>>
      tpu.enqueue_dma source(%arg15 : memref<200xf32, #tpu.memory_space<vmem>>) target(%dma_start3A_2900 : memref<200xf32, #tpu.memory_space<vmem_shared>>) target_semaphore(%arg24 : memref<!tpu.dma_semaphore, #tpu.memory_space<semaphore_mem>>)
      %dma_start3A_2901 = arith.constant 7000 : i32
      %dma_start3A_2902 = tpu.memref_slice %arg17[%dma_start3A_2901] : memref<10000xf32, #tpu.memory_space<vmem_shared>> -> memref<200xf32, #tpu.memory_space<vmem_shared>>
      %dma_start3A_2903 = arith.constant 7000 : i32
      %dma_start3A_2904 = tpu.memref_slice %arg17[%dma_start3A_2903] : memref<10000xf32, #tpu.memory_space<vmem_shared>> -> memref<200xf32, #tpu.memory_space<vmem_shared>>
      tpu.enqueue_dma source(%arg15 : memref<200xf32, #tpu.memory_space<vmem>>) target(%dma_start3A_2904 : memref<200xf32, #tpu.memory_space<vmem_shared>>) target_semaphore(%arg24 : memref<!tpu.dma_semaphore, #tpu.memory_space<semaphore_mem>>)
      %dma_start3A_2905 = arith.constant 7200 : i32
      %dma_start3A_2906 = tpu.memref_slice %arg17[%dma_start3A_2905] : memref<10000xf32, #tpu.memory_space<vmem_shared>> -> memref<200xf32, #tpu.memory_space<vmem_shared>>
      %dma_start3A_2907 = arith.constant 7200 : i32
      %dma_start3A_2908 = tpu.memref_slice %arg17[%dma_start3A_2907] : memref<10000xf32, #tpu.memory_space<vmem_shared>> -> memref<200xf32, #tpu.memory_space<vmem_shared>>
      tpu.enqueue_dma source(%arg15 : memref<200xf32, #tpu.memory_space<vmem>>) target(%dma_start3A_2908 : memref<200xf32, #tpu.memory_space<vmem_shared>>) target_semaphore(%arg24 : memref<!tpu.dma_semaphore, #tpu.memory_space<semaphore_mem>>)
      %dma_start3A_2909 = arith.constant 7400 : i32
      %dma_start3A_2910 = tpu.memref_slice %arg17[%dma_start3A_2909] : memref<10000xf32, #tpu.memory_space<vmem_shared>> -> memref<200xf32, #tpu.memory_space<vmem_shared>>
      %dma_start3A_2911 = arith.constant 7400 : i32
      %dma_start3A_2912 = tpu.memref_slice %arg17[%dma_start3A_2911] : memref<10000xf32, #tpu.memory_space<vmem_shared>> -> memref<200xf32, #tpu.memory_space<vmem_shared>>
      tpu.enqueue_dma source(%arg15 : memref<200xf32, #tpu.memory_space<vmem>>) target(%dma_start3A_2912 : memref<200xf32, #tpu.memory_space<vmem_shared>>) target_semaphore(%arg24 : memref<!tpu.dma_semaphore, #tpu.memory_space<semaphore_mem>>)
      %dma_start3A_2913 = arith.constant 7600 : i32
      %dma_start3A_2914 = tpu.memref_slice %arg17[%dma_start3A_2913] : memref<10000xf32, #tpu.memory_space<vmem_shared>> -> memref<200xf32, #tpu.memory_space<vmem_shared>>
      %dma_start3A_2915 = arith.constant 7600 : i32
      %dma_start3A_2916 = tpu.memref_slice %arg17[%dma_start3A_2915] : memref<10000xf32, #tpu.memory_space<vmem_shared>> -> memref<200xf32, #tpu.memory_space<vmem_shared>>
      tpu.enqueue_dma source(%arg15 : memref<200xf32, #tpu.memory_space<vmem>>) target(%dma_start3A_2916 : memref<200xf32, #tpu.memory_space<vmem_shared>>) target_semaphore(%arg24 : memref<!tpu.dma_semaphore, #tpu.memory_space<semaphore_mem>>)
      %dma_start3A_2917 = arith.constant 7800 : i32
      %dma_start3A_2918 = tpu.memref_slice %arg17[%dma_start3A_2917] : memref<10000xf32, #tpu.memory_space<vmem_shared>> -> memref<200xf32, #tpu.memory_space<vmem_shared>>
      %dma_start3A_2919 = arith.constant 7800 : i32
      %dma_start3A_2920 = tpu.memref_slice %arg17[%dma_start3A_2919] : memref<10000xf32, #tpu.memory_space<vmem_shared>> -> memref<200xf32, #tpu.memory_space<vmem_shared>>
      tpu.enqueue_dma source(%arg15 : memref<200xf32, #tpu.memory_space<vmem>>) target(%dma_start3A_2920 : memref<200xf32, #tpu.memory_space<vmem_shared>>) target_semaphore(%arg24 : memref<!tpu.dma_semaphore, #tpu.memory_space<semaphore_mem>>)
      %dma_start3A_2921 = arith.constant 8000 : i32
      %dma_start3A_2922 = tpu.memref_slice %arg17[%dma_start3A_2921] : memref<10000xf32, #tpu.memory_space<vmem_shared>> -> memref<200xf32, #tpu.memory_space<vmem_shared>>
      %dma_start3A_2923 = arith.constant 8000 : i32
      %dma_start3A_2924 = tpu.memref_slice %arg17[%dma_start3A_2923] : memref<10000xf32, #tpu.memory_space<vmem_shared>> -> memref<200xf32, #tpu.memory_space<vmem_shared>>
      tpu.enqueue_dma source(%arg15 : memref<200xf32, #tpu.memory_space<vmem>>) target(%dma_start3A_2924 : memref<200xf32, #tpu.memory_space<vmem_shared>>) target_semaphore(%arg24 : memref<!tpu.dma_semaphore, #tpu.memory_space<semaphore_mem>>)
      %dma_start3A_2925 = arith.constant 8200 : i32
      %dma_start3A_2926 = tpu.memref_slice %arg17[%dma_start3A_2925] : memref<10000xf32, #tpu.memory_space<vmem_shared>> -> memref<200xf32, #tpu.memory_space<vmem_shared>>
      %dma_start3A_2927 = arith.constant 8200 : i32
      %dma_start3A_2928 = tpu.memref_slice %arg17[%dma_start3A_2927] : memref<10000xf32, #tpu.memory_space<vmem_shared>> -> memref<200xf32, #tpu.memory_space<vmem_shared>>
      tpu.enqueue_dma source(%arg15 : memref<200xf32, #tpu.memory_space<vmem>>) target(%dma_start3A_2928 : memref<200xf32, #tpu.memory_space<vmem_shared>>) target_semaphore(%arg24 : memref<!tpu.dma_semaphore, #tpu.memory_space<semaphore_mem>>)
      %dma_start3A_2929 = arith.constant 8400 : i32
      %dma_start3A_2930 = tpu.memref_slice %arg17[%dma_start3A_2929] : memref<10000xf32, #tpu.memory_space<vmem_shared>> -> memref<200xf32, #tpu.memory_space<vmem_shared>>
      %dma_start3A_2931 = arith.constant 8400 : i32
      %dma_start3A_2932 = tpu.memref_slice %arg17[%dma_start3A_2931] : memref<10000xf32, #tpu.memory_space<vmem_shared>> -> memref<200xf32, #tpu.memory_space<vmem_shared>>
      tpu.enqueue_dma source(%arg15 : memref<200xf32, #tpu.memory_space<vmem>>) target(%dma_start3A_2932 : memref<200xf32, #tpu.memory_space<vmem_shared>>) target_semaphore(%arg24 : memref<!tpu.dma_semaphore, #tpu.memory_space<semaphore_mem>>)
      %dma_start3A_2933 = arith.constant 8600 : i32
      %dma_start3A_2934 = tpu.memref_slice %arg17[%dma_start3A_2933] : memref<10000xf32, #tpu.memory_space<vmem_shared>> -> memref<200xf32, #tpu.memory_space<vmem_shared>>
      %dma_start3A_2935 = arith.constant 8600 : i32
      %dma_start3A_2936 = tpu.memref_slice %arg17[%dma_start3A_2935] : memref<10000xf32, #tpu.memory_space<vmem_shared>> -> memref<200xf32, #tpu.memory_space<vmem_shared>>
      tpu.enqueue_dma source(%arg15 : memref<200xf32, #tpu.memory_space<vmem>>) target(%dma_start3A_2936 : memref<200xf32, #tpu.memory_space<vmem_shared>>) target_semaphore(%arg24 : memref<!tpu.dma_semaphore, #tpu.memory_space<semaphore_mem>>)
      %dma_start3A_2937 = arith.constant 8800 : i32
      %dma_start3A_2938 = tpu.memref_slice %arg17[%dma_start3A_2937] : memref<10000xf32, #tpu.memory_space<vmem_shared>> -> memref<200xf32, #tpu.memory_space<vmem_shared>>
      %dma_start3A_2939 = arith.constant 8800 : i32
      %dma_start3A_2940 = tpu.memref_slice %arg17[%dma_start3A_2939] : memref<10000xf32, #tpu.memory_space<vmem_shared>> -> memref<200xf32, #tpu.memory_space<vmem_shared>>
      tpu.enqueue_dma source(%arg15 : memref<200xf32, #tpu.memory_space<vmem>>) target(%dma_start3A_2940 : memref<200xf32, #tpu.memory_space<vmem_shared>>) target_semaphore(%arg24 : memref<!tpu.dma_semaphore, #tpu.memory_space<semaphore_mem>>)
      %dma_start3A_2941 = arith.constant 9000 : i32
      %dma_start3A_2942 = tpu.memref_slice %arg17[%dma_start3A_2941] : memref<10000xf32, #tpu.memory_space<vmem_shared>> -> memref<200xf32, #tpu.memory_space<vmem_shared>>
      %dma_start3A_2943 = arith.constant 9000 : i32
      %dma_start3A_2944 = tpu.memref_slice %arg17[%dma_start3A_2943] : memref<10000xf32, #tpu.memory_space<vmem_shared>> -> memref<200xf32, #tpu.memory_space<vmem_shared>>
      tpu.enqueue_dma source(%arg15 : memref<200xf32, #tpu.memory_space<vmem>>) target(%dma_start3A_2944 : memref<200xf32, #tpu.memory_space<vmem_shared>>) target_semaphore(%arg24 : memref<!tpu.dma_semaphore, #tpu.memory_space<semaphore_mem>>)
      %dma_start3A_2945 = arith.constant 9200 : i32
      %dma_start3A_2946 = tpu.memref_slice %arg17[%dma_start3A_2945] : memref<10000xf32, #tpu.memory_space<vmem_shared>> -> memref<200xf32, #tpu.memory_space<vmem_shared>>
      %dma_start3A_2947 = arith.constant 9200 : i32
      %dma_start3A_2948 = tpu.memref_slice %arg17[%dma_start3A_2947] : memref<10000xf32, #tpu.memory_space<vmem_shared>> -> memref<200xf32, #tpu.memory_space<vmem_shared>>
      tpu.enqueue_dma source(%arg15 : memref<200xf32, #tpu.memory_space<vmem>>) target(%dma_start3A_2948 : memref<200xf32, #tpu.memory_space<vmem_shared>>) target_semaphore(%arg24 : memref<!tpu.dma_semaphore, #tpu.memory_space<semaphore_mem>>)
      %dma_start3A_2949 = arith.constant 9400 : i32
      %dma_start3A_2950 = tpu.memref_slice %arg17[%dma_start3A_2949] : memref<10000xf32, #tpu.memory_space<vmem_shared>> -> memref<200xf32, #tpu.memory_space<vmem_shared>>
      %dma_start3A_2951 = arith.constant 9400 : i32
      %dma_start3A_2952 = tpu.memref_slice %arg17[%dma_start3A_2951] : memref<10000xf32, #tpu.memory_space<vmem_shared>> -> memref<200xf32, #tpu.memory_space<vmem_shared>>
      tpu.enqueue_dma source(%arg15 : memref<200xf32, #tpu.memory_space<vmem>>) target(%dma_start3A_2952 : memref<200xf32, #tpu.memory_space<vmem_shared>>) target_semaphore(%arg24 : memref<!tpu.dma_semaphore, #tpu.memory_space<semaphore_mem>>)
      %dma_start3A_2953 = arith.constant 9600 : i32
      %dma_start3A_2954 = tpu.memref_slice %arg17[%dma_start3A_2953] : memref<10000xf32, #tpu.memory_space<vmem_shared>> -> memref<200xf32, #tpu.memory_space<vmem_shared>>
      %dma_start3A_2955 = arith.constant 9600 : i32
      %dma_start3A_2956 = tpu.memref_slice %arg17[%dma_start3A_2955] : memref<10000xf32, #tpu.memory_space<vmem_shared>> -> memref<200xf32, #tpu.memory_space<vmem_shared>>
      tpu.enqueue_dma source(%arg15 : memref<200xf32, #tpu.memory_space<vmem>>) target(%dma_start3A_2956 : memref<200xf32, #tpu.memory_space<vmem_shared>>) target_semaphore(%arg24 : memref<!tpu.dma_semaphore, #tpu.memory_space<semaphore_mem>>)
      %dma_start3A_2957 = arith.constant 9800 : i32
      %dma_start3A_2958 = tpu.memref_slice %arg17[%dma_start3A_2957] : memref<10000xf32, #tpu.memory_space<vmem_shared>> -> memref<200xf32, #tpu.memory_space<vmem_shared>>
      %dma_start3A_2959 = arith.constant 9800 : i32
      %dma_start3A_2960 = tpu.memref_slice %arg17[%dma_start3A_2959] : memref<10000xf32, #tpu.memory_space<vmem_shared>> -> memref<200xf32, #tpu.memory_space<vmem_shared>>
      tpu.enqueue_dma source(%arg15 : memref<200xf32, #tpu.memory_space<vmem>>) target(%dma_start3A_2960 : memref<200xf32, #tpu.memory_space<vmem_shared>>) target_semaphore(%arg24 : memref<!tpu.dma_semaphore, #tpu.memory_space<semaphore_mem>>)
    } else {
    }
    %mul3A_1560 = arith.constant 624 : i32
    %mul3A_1561 = arith.muli %arg1, %mul3A_1560 : i32
    %add3A_1562 = arith.constant 0 : i32
    %add3A_1563 = arith.addi %mul3A_1561, %add3A_1562 : i32
    %dma_wait3A = arith.constant 0 : i32
    %dma_wait3A_1564 = arith.constant 0 : i32
    %dma_wait3A_1565 = tpu.memref_slice %arg11[%dma_wait3A, %dma_wait3A_1564] : memref<128x128xf32, #tpu.memory_space<vmem>> -> memref<8x128xf32, #tpu.memory_space<vmem>>
    %dma_wait3A_1566 = arith.constant 0 : i32
    %dma_wait3A_1567 = tpu.memref_slice %arg16[%add3A_1563, %dma_wait3A_1566] : memref<10000x128xf32, #tpu.memory_space<vmem_shared>> -> memref<8x128xf32, #tpu.memory_space<vmem_shared>>
    %dma_wait3A_1568 = arith.constant 0 : i32
    %dma_wait3A_1569 = tpu.memref_slice %arg16[%add3A_1563, %dma_wait3A_1568] : memref<10000x128xf32, #tpu.memory_space<vmem_shared>> -> memref<8x128xf32, #tpu.memory_space<vmem_shared>>
    %dma_wait3A_1570 = arith.constant 0 : i32
    %dma_wait3A_1571 = arith.constant 0 : i32
    %dma_wait3A_1572 = tpu.memref_slice %arg11[%dma_wait3A_1570, %dma_wait3A_1571] : memref<128x128xf32, #tpu.memory_space<vmem>> -> memref<8x128xf32, #tpu.memory_space<vmem>>
    tpu.wait_dma2 semaphore(%arg24 : memref<!tpu.dma_semaphore, #tpu.memory_space<semaphore_mem>>) src(%dma_wait3A_1572 : memref<8x128xf32, #tpu.memory_space<vmem>>) dst(%dma_wait3A_1569 : memref<8x128xf32, #tpu.memory_space<vmem_shared>>)
    %mul3A_1573 = arith.constant 624 : i32
    %mul3A_1574 = arith.muli %arg1, %mul3A_1573 : i32
    %add3A_1575 = arith.constant 8 : i32
    %add3A_1576 = arith.addi %mul3A_1574, %add3A_1575 : i32
    %dma_wait3A_1577 = arith.constant 0 : i32
    %dma_wait3A_1578 = arith.constant 0 : i32
    %dma_wait3A_1579 = tpu.memref_slice %arg11[%dma_wait3A_1577, %dma_wait3A_1578] : memref<128x128xf32, #tpu.memory_space<vmem>> -> memref<8x128xf32, #tpu.memory_space<vmem>>
    %dma_wait3A_1580 = arith.constant 0 : i32
    %dma_wait3A_1581 = tpu.memref_slice %arg16[%add3A_1576, %dma_wait3A_1580] : memref<10000x128xf32, #tpu.memory_space<vmem_shared>> -> memref<8x128xf32, #tpu.memory_space<vmem_shared>>
    %dma_wait3A_1582 = arith.constant 0 : i32
    %dma_wait3A_1583 = tpu.memref_slice %arg16[%add3A_1576, %dma_wait3A_1582] : memref<10000x128xf32, #tpu.memory_space<vmem_shared>> -> memref<8x128xf32, #tpu.memory_space<vmem_shared>>
    %dma_wait3A_1584 = arith.constant 0 : i32
    %dma_wait3A_1585 = arith.constant 0 : i32
    %dma_wait3A_1586 = tpu.memref_slice %arg11[%dma_wait3A_1584, %dma_wait3A_1585] : memref<128x128xf32, #tpu.memory_space<vmem>> -> memref<8x128xf32, #tpu.memory_space<vmem>>
    tpu.wait_dma2 semaphore(%arg24 : memref<!tpu.dma_semaphore, #tpu.memory_space<semaphore_mem>>) src(%dma_wait3A_1586 : memref<8x128xf32, #tpu.memory_space<vmem>>) dst(%dma_wait3A_1583 : memref<8x128xf32, #tpu.memory_space<vmem_shared>>)
    %mul3A_1587 = arith.constant 624 : i32
    %mul3A_1588 = arith.muli %arg1, %mul3A_1587 : i32
    %add3A_1589 = arith.constant 16 : i32
    %add3A_1590 = arith.addi %mul3A_1588, %add3A_1589 : i32
    %dma_wait3A_1591 = arith.constant 0 : i32
    %dma_wait3A_1592 = arith.constant 0 : i32
    %dma_wait3A_1593 = tpu.memref_slice %arg11[%dma_wait3A_1591, %dma_wait3A_1592] : memref<128x128xf32, #tpu.memory_space<vmem>> -> memref<8x128xf32, #tpu.memory_space<vmem>>
    %dma_wait3A_1594 = arith.constant 0 : i32
    %dma_wait3A_1595 = tpu.memref_slice %arg16[%add3A_1590, %dma_wait3A_1594] : memref<10000x128xf32, #tpu.memory_space<vmem_shared>> -> memref<8x128xf32, #tpu.memory_space<vmem_shared>>
    %dma_wait3A_1596 = arith.constant 0 : i32
    %dma_wait3A_1597 = tpu.memref_slice %arg16[%add3A_1590, %dma_wait3A_1596] : memref<10000x128xf32, #tpu.memory_space<vmem_shared>> -> memref<8x128xf32, #tpu.memory_space<vmem_shared>>
    %dma_wait3A_1598 = arith.constant 0 : i32
    %dma_wait3A_1599 = arith.constant 0 : i32
    %dma_wait3A_1600 = tpu.memref_slice %arg11[%dma_wait3A_1598, %dma_wait3A_1599] : memref<128x128xf32, #tpu.memory_space<vmem>> -> memref<8x128xf32, #tpu.memory_space<vmem>>
    tpu.wait_dma2 semaphore(%arg24 : memref<!tpu.dma_semaphore, #tpu.memory_space<semaphore_mem>>) src(%dma_wait3A_1600 : memref<8x128xf32, #tpu.memory_space<vmem>>) dst(%dma_wait3A_1597 : memref<8x128xf32, #tpu.memory_space<vmem_shared>>)
    %mul3A_1601 = arith.constant 624 : i32
    %mul3A_1602 = arith.muli %arg1, %mul3A_1601 : i32
    %add3A_1603 = arith.constant 24 : i32
    %add3A_1604 = arith.addi %mul3A_1602, %add3A_1603 : i32
    %dma_wait3A_1605 = arith.constant 0 : i32
    %dma_wait3A_1606 = arith.constant 0 : i32
    %dma_wait3A_1607 = tpu.memref_slice %arg11[%dma_wait3A_1605, %dma_wait3A_1606] : memref<128x128xf32, #tpu.memory_space<vmem>> -> memref<8x128xf32, #tpu.memory_space<vmem>>
    %dma_wait3A_1608 = arith.constant 0 : i32
    %dma_wait3A_1609 = tpu.memref_slice %arg16[%add3A_1604, %dma_wait3A_1608] : memref<10000x128xf32, #tpu.memory_space<vmem_shared>> -> memref<8x128xf32, #tpu.memory_space<vmem_shared>>
    %dma_wait3A_1610 = arith.constant 0 : i32
    %dma_wait3A_1611 = tpu.memref_slice %arg16[%add3A_1604, %dma_wait3A_1610] : memref<10000x128xf32, #tpu.memory_space<vmem_shared>> -> memref<8x128xf32, #tpu.memory_space<vmem_shared>>
    %dma_wait3A_1612 = arith.constant 0 : i32
    %dma_wait3A_1613 = arith.constant 0 : i32
    %dma_wait3A_1614 = tpu.memref_slice %arg11[%dma_wait3A_1612, %dma_wait3A_1613] : memref<128x128xf32, #tpu.memory_space<vmem>> -> memref<8x128xf32, #tpu.memory_space<vmem>>
    tpu.wait_dma2 semaphore(%arg24 : memref<!tpu.dma_semaphore, #tpu.memory_space<semaphore_mem>>) src(%dma_wait3A_1614 : memref<8x128xf32, #tpu.memory_space<vmem>>) dst(%dma_wait3A_1611 : memref<8x128xf32, #tpu.memory_space<vmem_shared>>)
    %mul3A_1615 = arith.constant 624 : i32
    %mul3A_1616 = arith.muli %arg1, %mul3A_1615 : i32
    %add3A_1617 = arith.constant 32 : i32
    %add3A_1618 = arith.addi %mul3A_1616, %add3A_1617 : i32
    %dma_wait3A_1619 = arith.constant 0 : i32
    %dma_wait3A_1620 = arith.constant 0 : i32
    %dma_wait3A_1621 = tpu.memref_slice %arg11[%dma_wait3A_1619, %dma_wait3A_1620] : memref<128x128xf32, #tpu.memory_space<vmem>> -> memref<8x128xf32, #tpu.memory_space<vmem>>
    %dma_wait3A_1622 = arith.constant 0 : i32
    %dma_wait3A_1623 = tpu.memref_slice %arg16[%add3A_1618, %dma_wait3A_1622] : memref<10000x128xf32, #tpu.memory_space<vmem_shared>> -> memref<8x128xf32, #tpu.memory_space<vmem_shared>>
    %dma_wait3A_1624 = arith.constant 0 : i32
    %dma_wait3A_1625 = tpu.memref_slice %arg16[%add3A_1618, %dma_wait3A_1624] : memref<10000x128xf32, #tpu.memory_space<vmem_shared>> -> memref<8x128xf32, #tpu.memory_space<vmem_shared>>
    %dma_wait3A_1626 = arith.constant 0 : i32
    %dma_wait3A_1627 = arith.constant 0 : i32
    %dma_wait3A_1628 = tpu.memref_slice %arg11[%dma_wait3A_1626, %dma_wait3A_1627] : memref<128x128xf32, #tpu.memory_space<vmem>> -> memref<8x128xf32, #tpu.memory_space<vmem>>
    tpu.wait_dma2 semaphore(%arg24 : memref<!tpu.dma_semaphore, #tpu.memory_space<semaphore_mem>>) src(%dma_wait3A_1628 : memref<8x128xf32, #tpu.memory_space<vmem>>) dst(%dma_wait3A_1625 : memref<8x128xf32, #tpu.memory_space<vmem_shared>>)
    %mul3A_1629 = arith.constant 624 : i32
    %mul3A_1630 = arith.muli %arg1, %mul3A_1629 : i32
    %add3A_1631 = arith.constant 40 : i32
    %add3A_1632 = arith.addi %mul3A_1630, %add3A_1631 : i32
    %dma_wait3A_1633 = arith.constant 0 : i32
    %dma_wait3A_1634 = arith.constant 0 : i32
    %dma_wait3A_1635 = tpu.memref_slice %arg11[%dma_wait3A_1633, %dma_wait3A_1634] : memref<128x128xf32, #tpu.memory_space<vmem>> -> memref<8x128xf32, #tpu.memory_space<vmem>>
    %dma_wait3A_1636 = arith.constant 0 : i32
    %dma_wait3A_1637 = tpu.memref_slice %arg16[%add3A_1632, %dma_wait3A_1636] : memref<10000x128xf32, #tpu.memory_space<vmem_shared>> -> memref<8x128xf32, #tpu.memory_space<vmem_shared>>
    %dma_wait3A_1638 = arith.constant 0 : i32
    %dma_wait3A_1639 = tpu.memref_slice %arg16[%add3A_1632, %dma_wait3A_1638] : memref<10000x128xf32, #tpu.memory_space<vmem_shared>> -> memref<8x128xf32, #tpu.memory_space<vmem_shared>>
    %dma_wait3A_1640 = arith.constant 0 : i32
    %dma_wait3A_1641 = arith.constant 0 : i32
    %dma_wait3A_1642 = tpu.memref_slice %arg11[%dma_wait3A_1640, %dma_wait3A_1641] : memref<128x128xf32, #tpu.memory_space<vmem>> -> memref<8x128xf32, #tpu.memory_space<vmem>>
    tpu.wait_dma2 semaphore(%arg24 : memref<!tpu.dma_semaphore, #tpu.memory_space<semaphore_mem>>) src(%dma_wait3A_1642 : memref<8x128xf32, #tpu.memory_space<vmem>>) dst(%dma_wait3A_1639 : memref<8x128xf32, #tpu.memory_space<vmem_shared>>)
    %mul3A_1643 = arith.constant 624 : i32
    %mul3A_1644 = arith.muli %arg1, %mul3A_1643 : i32
    %add3A_1645 = arith.constant 48 : i32
    %add3A_1646 = arith.addi %mul3A_1644, %add3A_1645 : i32
    %dma_wait3A_1647 = arith.constant 0 : i32
    %dma_wait3A_1648 = arith.constant 0 : i32
    %dma_wait3A_1649 = tpu.memref_slice %arg11[%dma_wait3A_1647, %dma_wait3A_1648] : memref<128x128xf32, #tpu.memory_space<vmem>> -> memref<8x128xf32, #tpu.memory_space<vmem>>
    %dma_wait3A_1650 = arith.constant 0 : i32
    %dma_wait3A_1651 = tpu.memref_slice %arg16[%add3A_1646, %dma_wait3A_1650] : memref<10000x128xf32, #tpu.memory_space<vmem_shared>> -> memref<8x128xf32, #tpu.memory_space<vmem_shared>>
    %dma_wait3A_1652 = arith.constant 0 : i32
    %dma_wait3A_1653 = tpu.memref_slice %arg16[%add3A_1646, %dma_wait3A_1652] : memref<10000x128xf32, #tpu.memory_space<vmem_shared>> -> memref<8x128xf32, #tpu.memory_space<vmem_shared>>
    %dma_wait3A_1654 = arith.constant 0 : i32
    %dma_wait3A_1655 = arith.constant 0 : i32
    %dma_wait3A_1656 = tpu.memref_slice %arg11[%dma_wait3A_1654, %dma_wait3A_1655] : memref<128x128xf32, #tpu.memory_space<vmem>> -> memref<8x128xf32, #tpu.memory_space<vmem>>
    tpu.wait_dma2 semaphore(%arg24 : memref<!tpu.dma_semaphore, #tpu.memory_space<semaphore_mem>>) src(%dma_wait3A_1656 : memref<8x128xf32, #tpu.memory_space<vmem>>) dst(%dma_wait3A_1653 : memref<8x128xf32, #tpu.memory_space<vmem_shared>>)
    %mul3A_1657 = arith.constant 624 : i32
    %mul3A_1658 = arith.muli %arg1, %mul3A_1657 : i32
    %add3A_1659 = arith.constant 56 : i32
    %add3A_1660 = arith.addi %mul3A_1658, %add3A_1659 : i32
    %dma_wait3A_1661 = arith.constant 0 : i32
    %dma_wait3A_1662 = arith.constant 0 : i32
    %dma_wait3A_1663 = tpu.memref_slice %arg11[%dma_wait3A_1661, %dma_wait3A_1662] : memref<128x128xf32, #tpu.memory_space<vmem>> -> memref<8x128xf32, #tpu.memory_space<vmem>>
    %dma_wait3A_1664 = arith.constant 0 : i32
    %dma_wait3A_1665 = tpu.memref_slice %arg16[%add3A_1660, %dma_wait3A_1664] : memref<10000x128xf32, #tpu.memory_space<vmem_shared>> -> memref<8x128xf32, #tpu.memory_space<vmem_shared>>
    %dma_wait3A_1666 = arith.constant 0 : i32
    %dma_wait3A_1667 = tpu.memref_slice %arg16[%add3A_1660, %dma_wait3A_1666] : memref<10000x128xf32, #tpu.memory_space<vmem_shared>> -> memref<8x128xf32, #tpu.memory_space<vmem_shared>>
    %dma_wait3A_1668 = arith.constant 0 : i32
    %dma_wait3A_1669 = arith.constant 0 : i32
    %dma_wait3A_1670 = tpu.memref_slice %arg11[%dma_wait3A_1668, %dma_wait3A_1669] : memref<128x128xf32, #tpu.memory_space<vmem>> -> memref<8x128xf32, #tpu.memory_space<vmem>>
    tpu.wait_dma2 semaphore(%arg24 : memref<!tpu.dma_semaphore, #tpu.memory_space<semaphore_mem>>) src(%dma_wait3A_1670 : memref<8x128xf32, #tpu.memory_space<vmem>>) dst(%dma_wait3A_1667 : memref<8x128xf32, #tpu.memory_space<vmem_shared>>)
    %mul3A_1671 = arith.constant 624 : i32
    %mul3A_1672 = arith.muli %arg1, %mul3A_1671 : i32
    %add3A_1673 = arith.constant 64 : i32
    %add3A_1674 = arith.addi %mul3A_1672, %add3A_1673 : i32
    %dma_wait3A_1675 = arith.constant 0 : i32
    %dma_wait3A_1676 = arith.constant 0 : i32
    %dma_wait3A_1677 = tpu.memref_slice %arg11[%dma_wait3A_1675, %dma_wait3A_1676] : memref<128x128xf32, #tpu.memory_space<vmem>> -> memref<8x128xf32, #tpu.memory_space<vmem>>
    %dma_wait3A_1678 = arith.constant 0 : i32
    %dma_wait3A_1679 = tpu.memref_slice %arg16[%add3A_1674, %dma_wait3A_1678] : memref<10000x128xf32, #tpu.memory_space<vmem_shared>> -> memref<8x128xf32, #tpu.memory_space<vmem_shared>>
    %dma_wait3A_1680 = arith.constant 0 : i32
    %dma_wait3A_1681 = tpu.memref_slice %arg16[%add3A_1674, %dma_wait3A_1680] : memref<10000x128xf32, #tpu.memory_space<vmem_shared>> -> memref<8x128xf32, #tpu.memory_space<vmem_shared>>
    %dma_wait3A_1682 = arith.constant 0 : i32
    %dma_wait3A_1683 = arith.constant 0 : i32
    %dma_wait3A_1684 = tpu.memref_slice %arg11[%dma_wait3A_1682, %dma_wait3A_1683] : memref<128x128xf32, #tpu.memory_space<vmem>> -> memref<8x128xf32, #tpu.memory_space<vmem>>
    tpu.wait_dma2 semaphore(%arg24 : memref<!tpu.dma_semaphore, #tpu.memory_space<semaphore_mem>>) src(%dma_wait3A_1684 : memref<8x128xf32, #tpu.memory_space<vmem>>) dst(%dma_wait3A_1681 : memref<8x128xf32, #tpu.memory_space<vmem_shared>>)
    %mul3A_1685 = arith.constant 624 : i32
    %mul3A_1686 = arith.muli %arg1, %mul3A_1685 : i32
    %add3A_1687 = arith.constant 72 : i32
    %add3A_1688 = arith.addi %mul3A_1686, %add3A_1687 : i32
    %dma_wait3A_1689 = arith.constant 0 : i32
    %dma_wait3A_1690 = arith.constant 0 : i32
    %dma_wait3A_1691 = tpu.memref_slice %arg11[%dma_wait3A_1689, %dma_wait3A_1690] : memref<128x128xf32, #tpu.memory_space<vmem>> -> memref<8x128xf32, #tpu.memory_space<vmem>>
    %dma_wait3A_1692 = arith.constant 0 : i32
    %dma_wait3A_1693 = tpu.memref_slice %arg16[%add3A_1688, %dma_wait3A_1692] : memref<10000x128xf32, #tpu.memory_space<vmem_shared>> -> memref<8x128xf32, #tpu.memory_space<vmem_shared>>
    %dma_wait3A_1694 = arith.constant 0 : i32
    %dma_wait3A_1695 = tpu.memref_slice %arg16[%add3A_1688, %dma_wait3A_1694] : memref<10000x128xf32, #tpu.memory_space<vmem_shared>> -> memref<8x128xf32, #tpu.memory_space<vmem_shared>>
    %dma_wait3A_1696 = arith.constant 0 : i32
    %dma_wait3A_1697 = arith.constant 0 : i32
    %dma_wait3A_1698 = tpu.memref_slice %arg11[%dma_wait3A_1696, %dma_wait3A_1697] : memref<128x128xf32, #tpu.memory_space<vmem>> -> memref<8x128xf32, #tpu.memory_space<vmem>>
    tpu.wait_dma2 semaphore(%arg24 : memref<!tpu.dma_semaphore, #tpu.memory_space<semaphore_mem>>) src(%dma_wait3A_1698 : memref<8x128xf32, #tpu.memory_space<vmem>>) dst(%dma_wait3A_1695 : memref<8x128xf32, #tpu.memory_space<vmem_shared>>)
    %mul3A_1699 = arith.constant 624 : i32
    %mul3A_1700 = arith.muli %arg1, %mul3A_1699 : i32
    %add3A_1701 = arith.constant 80 : i32
    %add3A_1702 = arith.addi %mul3A_1700, %add3A_1701 : i32
    %dma_wait3A_1703 = arith.constant 0 : i32
    %dma_wait3A_1704 = arith.constant 0 : i32
    %dma_wait3A_1705 = tpu.memref_slice %arg11[%dma_wait3A_1703, %dma_wait3A_1704] : memref<128x128xf32, #tpu.memory_space<vmem>> -> memref<8x128xf32, #tpu.memory_space<vmem>>
    %dma_wait3A_1706 = arith.constant 0 : i32
    %dma_wait3A_1707 = tpu.memref_slice %arg16[%add3A_1702, %dma_wait3A_1706] : memref<10000x128xf32, #tpu.memory_space<vmem_shared>> -> memref<8x128xf32, #tpu.memory_space<vmem_shared>>
    %dma_wait3A_1708 = arith.constant 0 : i32
    %dma_wait3A_1709 = tpu.memref_slice %arg16[%add3A_1702, %dma_wait3A_1708] : memref<10000x128xf32, #tpu.memory_space<vmem_shared>> -> memref<8x128xf32, #tpu.memory_space<vmem_shared>>
    %dma_wait3A_1710 = arith.constant 0 : i32
    %dma_wait3A_1711 = arith.constant 0 : i32
    %dma_wait3A_1712 = tpu.memref_slice %arg11[%dma_wait3A_1710, %dma_wait3A_1711] : memref<128x128xf32, #tpu.memory_space<vmem>> -> memref<8x128xf32, #tpu.memory_space<vmem>>
    tpu.wait_dma2 semaphore(%arg24 : memref<!tpu.dma_semaphore, #tpu.memory_space<semaphore_mem>>) src(%dma_wait3A_1712 : memref<8x128xf32, #tpu.memory_space<vmem>>) dst(%dma_wait3A_1709 : memref<8x128xf32, #tpu.memory_space<vmem_shared>>)
    %mul3A_1713 = arith.constant 624 : i32
    %mul3A_1714 = arith.muli %arg1, %mul3A_1713 : i32
    %add3A_1715 = arith.constant 88 : i32
    %add3A_1716 = arith.addi %mul3A_1714, %add3A_1715 : i32
    %dma_wait3A_1717 = arith.constant 0 : i32
    %dma_wait3A_1718 = arith.constant 0 : i32
    %dma_wait3A_1719 = tpu.memref_slice %arg11[%dma_wait3A_1717, %dma_wait3A_1718] : memref<128x128xf32, #tpu.memory_space<vmem>> -> memref<8x128xf32, #tpu.memory_space<vmem>>
    %dma_wait3A_1720 = arith.constant 0 : i32
    %dma_wait3A_1721 = tpu.memref_slice %arg16[%add3A_1716, %dma_wait3A_1720] : memref<10000x128xf32, #tpu.memory_space<vmem_shared>> -> memref<8x128xf32, #tpu.memory_space<vmem_shared>>
    %dma_wait3A_1722 = arith.constant 0 : i32
    %dma_wait3A_1723 = tpu.memref_slice %arg16[%add3A_1716, %dma_wait3A_1722] : memref<10000x128xf32, #tpu.memory_space<vmem_shared>> -> memref<8x128xf32, #tpu.memory_space<vmem_shared>>
    %dma_wait3A_1724 = arith.constant 0 : i32
    %dma_wait3A_1725 = arith.constant 0 : i32
    %dma_wait3A_1726 = tpu.memref_slice %arg11[%dma_wait3A_1724, %dma_wait3A_1725] : memref<128x128xf32, #tpu.memory_space<vmem>> -> memref<8x128xf32, #tpu.memory_space<vmem>>
    tpu.wait_dma2 semaphore(%arg24 : memref<!tpu.dma_semaphore, #tpu.memory_space<semaphore_mem>>) src(%dma_wait3A_1726 : memref<8x128xf32, #tpu.memory_space<vmem>>) dst(%dma_wait3A_1723 : memref<8x128xf32, #tpu.memory_space<vmem_shared>>)
    %mul3A_1727 = arith.constant 624 : i32
    %mul3A_1728 = arith.muli %arg1, %mul3A_1727 : i32
    %add3A_1729 = arith.constant 96 : i32
    %add3A_1730 = arith.addi %mul3A_1728, %add3A_1729 : i32
    %dma_wait3A_1731 = arith.constant 0 : i32
    %dma_wait3A_1732 = arith.constant 0 : i32
    %dma_wait3A_1733 = tpu.memref_slice %arg11[%dma_wait3A_1731, %dma_wait3A_1732] : memref<128x128xf32, #tpu.memory_space<vmem>> -> memref<8x128xf32, #tpu.memory_space<vmem>>
    %dma_wait3A_1734 = arith.constant 0 : i32
    %dma_wait3A_1735 = tpu.memref_slice %arg16[%add3A_1730, %dma_wait3A_1734] : memref<10000x128xf32, #tpu.memory_space<vmem_shared>> -> memref<8x128xf32, #tpu.memory_space<vmem_shared>>
    %dma_wait3A_1736 = arith.constant 0 : i32
    %dma_wait3A_1737 = tpu.memref_slice %arg16[%add3A_1730, %dma_wait3A_1736] : memref<10000x128xf32, #tpu.memory_space<vmem_shared>> -> memref<8x128xf32, #tpu.memory_space<vmem_shared>>
    %dma_wait3A_1738 = arith.constant 0 : i32
    %dma_wait3A_1739 = arith.constant 0 : i32
    %dma_wait3A_1740 = tpu.memref_slice %arg11[%dma_wait3A_1738, %dma_wait3A_1739] : memref<128x128xf32, #tpu.memory_space<vmem>> -> memref<8x128xf32, #tpu.memory_space<vmem>>
    tpu.wait_dma2 semaphore(%arg24 : memref<!tpu.dma_semaphore, #tpu.memory_space<semaphore_mem>>) src(%dma_wait3A_1740 : memref<8x128xf32, #tpu.memory_space<vmem>>) dst(%dma_wait3A_1737 : memref<8x128xf32, #tpu.memory_space<vmem_shared>>)
    %mul3A_1741 = arith.constant 624 : i32
    %mul3A_1742 = arith.muli %arg1, %mul3A_1741 : i32
    %add3A_1743 = arith.constant 104 : i32
    %add3A_1744 = arith.addi %mul3A_1742, %add3A_1743 : i32
    %dma_wait3A_1745 = arith.constant 0 : i32
    %dma_wait3A_1746 = arith.constant 0 : i32
    %dma_wait3A_1747 = tpu.memref_slice %arg11[%dma_wait3A_1745, %dma_wait3A_1746] : memref<128x128xf32, #tpu.memory_space<vmem>> -> memref<8x128xf32, #tpu.memory_space<vmem>>
    %dma_wait3A_1748 = arith.constant 0 : i32
    %dma_wait3A_1749 = tpu.memref_slice %arg16[%add3A_1744, %dma_wait3A_1748] : memref<10000x128xf32, #tpu.memory_space<vmem_shared>> -> memref<8x128xf32, #tpu.memory_space<vmem_shared>>
    %dma_wait3A_1750 = arith.constant 0 : i32
    %dma_wait3A_1751 = tpu.memref_slice %arg16[%add3A_1744, %dma_wait3A_1750] : memref<10000x128xf32, #tpu.memory_space<vmem_shared>> -> memref<8x128xf32, #tpu.memory_space<vmem_shared>>
    %dma_wait3A_1752 = arith.constant 0 : i32
    %dma_wait3A_1753 = arith.constant 0 : i32
    %dma_wait3A_1754 = tpu.memref_slice %arg11[%dma_wait3A_1752, %dma_wait3A_1753] : memref<128x128xf32, #tpu.memory_space<vmem>> -> memref<8x128xf32, #tpu.memory_space<vmem>>
    tpu.wait_dma2 semaphore(%arg24 : memref<!tpu.dma_semaphore, #tpu.memory_space<semaphore_mem>>) src(%dma_wait3A_1754 : memref<8x128xf32, #tpu.memory_space<vmem>>) dst(%dma_wait3A_1751 : memref<8x128xf32, #tpu.memory_space<vmem_shared>>)
    %mul3A_1755 = arith.constant 624 : i32
    %mul3A_1756 = arith.muli %arg1, %mul3A_1755 : i32
    %add3A_1757 = arith.constant 112 : i32
    %add3A_1758 = arith.addi %mul3A_1756, %add3A_1757 : i32
    %dma_wait3A_1759 = arith.constant 0 : i32
    %dma_wait3A_1760 = arith.constant 0 : i32
    %dma_wait3A_1761 = tpu.memref_slice %arg11[%dma_wait3A_1759, %dma_wait3A_1760] : memref<128x128xf32, #tpu.memory_space<vmem>> -> memref<8x128xf32, #tpu.memory_space<vmem>>
    %dma_wait3A_1762 = arith.constant 0 : i32
    %dma_wait3A_1763 = tpu.memref_slice %arg16[%add3A_1758, %dma_wait3A_1762] : memref<10000x128xf32, #tpu.memory_space<vmem_shared>> -> memref<8x128xf32, #tpu.memory_space<vmem_shared>>
    %dma_wait3A_1764 = arith.constant 0 : i32
    %dma_wait3A_1765 = tpu.memref_slice %arg16[%add3A_1758, %dma_wait3A_1764] : memref<10000x128xf32, #tpu.memory_space<vmem_shared>> -> memref<8x128xf32, #tpu.memory_space<vmem_shared>>
    %dma_wait3A_1766 = arith.constant 0 : i32
    %dma_wait3A_1767 = arith.constant 0 : i32
    %dma_wait3A_1768 = tpu.memref_slice %arg11[%dma_wait3A_1766, %dma_wait3A_1767] : memref<128x128xf32, #tpu.memory_space<vmem>> -> memref<8x128xf32, #tpu.memory_space<vmem>>
    tpu.wait_dma2 semaphore(%arg24 : memref<!tpu.dma_semaphore, #tpu.memory_space<semaphore_mem>>) src(%dma_wait3A_1768 : memref<8x128xf32, #tpu.memory_space<vmem>>) dst(%dma_wait3A_1765 : memref<8x128xf32, #tpu.memory_space<vmem_shared>>)
    %mul3A_1769 = arith.constant 624 : i32
    %mul3A_1770 = arith.muli %arg1, %mul3A_1769 : i32
    %add3A_1771 = arith.constant 120 : i32
    %add3A_1772 = arith.addi %mul3A_1770, %add3A_1771 : i32
    %dma_wait3A_1773 = arith.constant 0 : i32
    %dma_wait3A_1774 = arith.constant 0 : i32
    %dma_wait3A_1775 = tpu.memref_slice %arg11[%dma_wait3A_1773, %dma_wait3A_1774] : memref<128x128xf32, #tpu.memory_space<vmem>> -> memref<8x128xf32, #tpu.memory_space<vmem>>
    %dma_wait3A_1776 = arith.constant 0 : i32
    %dma_wait3A_1777 = tpu.memref_slice %arg16[%add3A_1772, %dma_wait3A_1776] : memref<10000x128xf32, #tpu.memory_space<vmem_shared>> -> memref<8x128xf32, #tpu.memory_space<vmem_shared>>
    %dma_wait3A_1778 = arith.constant 0 : i32
    %dma_wait3A_1779 = tpu.memref_slice %arg16[%add3A_1772, %dma_wait3A_1778] : memref<10000x128xf32, #tpu.memory_space<vmem_shared>> -> memref<8x128xf32, #tpu.memory_space<vmem_shared>>
    %dma_wait3A_1780 = arith.constant 0 : i32
    %dma_wait3A_1781 = arith.constant 0 : i32
    %dma_wait3A_1782 = tpu.memref_slice %arg11[%dma_wait3A_1780, %dma_wait3A_1781] : memref<128x128xf32, #tpu.memory_space<vmem>> -> memref<8x128xf32, #tpu.memory_space<vmem>>
    tpu.wait_dma2 semaphore(%arg24 : memref<!tpu.dma_semaphore, #tpu.memory_space<semaphore_mem>>) src(%dma_wait3A_1782 : memref<8x128xf32, #tpu.memory_space<vmem>>) dst(%dma_wait3A_1779 : memref<8x128xf32, #tpu.memory_space<vmem_shared>>)
    %mul3A_1783 = arith.constant 624 : i32
    %mul3A_1784 = arith.muli %arg1, %mul3A_1783 : i32
    %add3A_1785 = arith.constant 128 : i32
    %add3A_1786 = arith.addi %mul3A_1784, %add3A_1785 : i32
    %dma_wait3A_1787 = arith.constant 0 : i32
    %dma_wait3A_1788 = arith.constant 0 : i32
    %dma_wait3A_1789 = tpu.memref_slice %arg11[%dma_wait3A_1787, %dma_wait3A_1788] : memref<128x128xf32, #tpu.memory_space<vmem>> -> memref<8x128xf32, #tpu.memory_space<vmem>>
    %dma_wait3A_1790 = arith.constant 0 : i32
    %dma_wait3A_1791 = tpu.memref_slice %arg16[%add3A_1786, %dma_wait3A_1790] : memref<10000x128xf32, #tpu.memory_space<vmem_shared>> -> memref<8x128xf32, #tpu.memory_space<vmem_shared>>
    %dma_wait3A_1792 = arith.constant 0 : i32
    %dma_wait3A_1793 = tpu.memref_slice %arg16[%add3A_1786, %dma_wait3A_1792] : memref<10000x128xf32, #tpu.memory_space<vmem_shared>> -> memref<8x128xf32, #tpu.memory_space<vmem_shared>>
    %dma_wait3A_1794 = arith.constant 0 : i32
    %dma_wait3A_1795 = arith.constant 0 : i32
    %dma_wait3A_1796 = tpu.memref_slice %arg11[%dma_wait3A_1794, %dma_wait3A_1795] : memref<128x128xf32, #tpu.memory_space<vmem>> -> memref<8x128xf32, #tpu.memory_space<vmem>>
    tpu.wait_dma2 semaphore(%arg24 : memref<!tpu.dma_semaphore, #tpu.memory_space<semaphore_mem>>) src(%dma_wait3A_1796 : memref<8x128xf32, #tpu.memory_space<vmem>>) dst(%dma_wait3A_1793 : memref<8x128xf32, #tpu.memory_space<vmem_shared>>)
    %mul3A_1797 = arith.constant 624 : i32
    %mul3A_1798 = arith.muli %arg1, %mul3A_1797 : i32
    %add3A_1799 = arith.constant 136 : i32
    %add3A_1800 = arith.addi %mul3A_1798, %add3A_1799 : i32
    %dma_wait3A_1801 = arith.constant 0 : i32
    %dma_wait3A_1802 = arith.constant 0 : i32
    %dma_wait3A_1803 = tpu.memref_slice %arg11[%dma_wait3A_1801, %dma_wait3A_1802] : memref<128x128xf32, #tpu.memory_space<vmem>> -> memref<8x128xf32, #tpu.memory_space<vmem>>
    %dma_wait3A_1804 = arith.constant 0 : i32
    %dma_wait3A_1805 = tpu.memref_slice %arg16[%add3A_1800, %dma_wait3A_1804] : memref<10000x128xf32, #tpu.memory_space<vmem_shared>> -> memref<8x128xf32, #tpu.memory_space<vmem_shared>>
    %dma_wait3A_1806 = arith.constant 0 : i32
    %dma_wait3A_1807 = tpu.memref_slice %arg16[%add3A_1800, %dma_wait3A_1806] : memref<10000x128xf32, #tpu.memory_space<vmem_shared>> -> memref<8x128xf32, #tpu.memory_space<vmem_shared>>
    %dma_wait3A_1808 = arith.constant 0 : i32
    %dma_wait3A_1809 = arith.constant 0 : i32
    %dma_wait3A_1810 = tpu.memref_slice %arg11[%dma_wait3A_1808, %dma_wait3A_1809] : memref<128x128xf32, #tpu.memory_space<vmem>> -> memref<8x128xf32, #tpu.memory_space<vmem>>
    tpu.wait_dma2 semaphore(%arg24 : memref<!tpu.dma_semaphore, #tpu.memory_space<semaphore_mem>>) src(%dma_wait3A_1810 : memref<8x128xf32, #tpu.memory_space<vmem>>) dst(%dma_wait3A_1807 : memref<8x128xf32, #tpu.memory_space<vmem_shared>>)
    %mul3A_1811 = arith.constant 624 : i32
    %mul3A_1812 = arith.muli %arg1, %mul3A_1811 : i32
    %add3A_1813 = arith.constant 144 : i32
    %add3A_1814 = arith.addi %mul3A_1812, %add3A_1813 : i32
    %dma_wait3A_1815 = arith.constant 0 : i32
    %dma_wait3A_1816 = arith.constant 0 : i32
    %dma_wait3A_1817 = tpu.memref_slice %arg11[%dma_wait3A_1815, %dma_wait3A_1816] : memref<128x128xf32, #tpu.memory_space<vmem>> -> memref<8x128xf32, #tpu.memory_space<vmem>>
    %dma_wait3A_1818 = arith.constant 0 : i32
    %dma_wait3A_1819 = tpu.memref_slice %arg16[%add3A_1814, %dma_wait3A_1818] : memref<10000x128xf32, #tpu.memory_space<vmem_shared>> -> memref<8x128xf32, #tpu.memory_space<vmem_shared>>
    %dma_wait3A_1820 = arith.constant 0 : i32
    %dma_wait3A_1821 = tpu.memref_slice %arg16[%add3A_1814, %dma_wait3A_1820] : memref<10000x128xf32, #tpu.memory_space<vmem_shared>> -> memref<8x128xf32, #tpu.memory_space<vmem_shared>>
    %dma_wait3A_1822 = arith.constant 0 : i32
    %dma_wait3A_1823 = arith.constant 0 : i32
    %dma_wait3A_1824 = tpu.memref_slice %arg11[%dma_wait3A_1822, %dma_wait3A_1823] : memref<128x128xf32, #tpu.memory_space<vmem>> -> memref<8x128xf32, #tpu.memory_space<vmem>>
    tpu.wait_dma2 semaphore(%arg24 : memref<!tpu.dma_semaphore, #tpu.memory_space<semaphore_mem>>) src(%dma_wait3A_1824 : memref<8x128xf32, #tpu.memory_space<vmem>>) dst(%dma_wait3A_1821 : memref<8x128xf32, #tpu.memory_space<vmem_shared>>)
    %mul3A_1825 = arith.constant 624 : i32
    %mul3A_1826 = arith.muli %arg1, %mul3A_1825 : i32
    %add3A_1827 = arith.constant 152 : i32
    %add3A_1828 = arith.addi %mul3A_1826, %add3A_1827 : i32
    %dma_wait3A_1829 = arith.constant 0 : i32
    %dma_wait3A_1830 = arith.constant 0 : i32
    %dma_wait3A_1831 = tpu.memref_slice %arg11[%dma_wait3A_1829, %dma_wait3A_1830] : memref<128x128xf32, #tpu.memory_space<vmem>> -> memref<8x128xf32, #tpu.memory_space<vmem>>
    %dma_wait3A_1832 = arith.constant 0 : i32
    %dma_wait3A_1833 = tpu.memref_slice %arg16[%add3A_1828, %dma_wait3A_1832] : memref<10000x128xf32, #tpu.memory_space<vmem_shared>> -> memref<8x128xf32, #tpu.memory_space<vmem_shared>>
    %dma_wait3A_1834 = arith.constant 0 : i32
    %dma_wait3A_1835 = tpu.memref_slice %arg16[%add3A_1828, %dma_wait3A_1834] : memref<10000x128xf32, #tpu.memory_space<vmem_shared>> -> memref<8x128xf32, #tpu.memory_space<vmem_shared>>
    %dma_wait3A_1836 = arith.constant 0 : i32
    %dma_wait3A_1837 = arith.constant 0 : i32
    %dma_wait3A_1838 = tpu.memref_slice %arg11[%dma_wait3A_1836, %dma_wait3A_1837] : memref<128x128xf32, #tpu.memory_space<vmem>> -> memref<8x128xf32, #tpu.memory_space<vmem>>
    tpu.wait_dma2 semaphore(%arg24 : memref<!tpu.dma_semaphore, #tpu.memory_space<semaphore_mem>>) src(%dma_wait3A_1838 : memref<8x128xf32, #tpu.memory_space<vmem>>) dst(%dma_wait3A_1835 : memref<8x128xf32, #tpu.memory_space<vmem_shared>>)
    %mul3A_1839 = arith.constant 624 : i32
    %mul3A_1840 = arith.muli %arg1, %mul3A_1839 : i32
    %add3A_1841 = arith.constant 160 : i32
    %add3A_1842 = arith.addi %mul3A_1840, %add3A_1841 : i32
    %dma_wait3A_1843 = arith.constant 0 : i32
    %dma_wait3A_1844 = arith.constant 0 : i32
    %dma_wait3A_1845 = tpu.memref_slice %arg11[%dma_wait3A_1843, %dma_wait3A_1844] : memref<128x128xf32, #tpu.memory_space<vmem>> -> memref<8x128xf32, #tpu.memory_space<vmem>>
    %dma_wait3A_1846 = arith.constant 0 : i32
    %dma_wait3A_1847 = tpu.memref_slice %arg16[%add3A_1842, %dma_wait3A_1846] : memref<10000x128xf32, #tpu.memory_space<vmem_shared>> -> memref<8x128xf32, #tpu.memory_space<vmem_shared>>
    %dma_wait3A_1848 = arith.constant 0 : i32
    %dma_wait3A_1849 = tpu.memref_slice %arg16[%add3A_1842, %dma_wait3A_1848] : memref<10000x128xf32, #tpu.memory_space<vmem_shared>> -> memref<8x128xf32, #tpu.memory_space<vmem_shared>>
    %dma_wait3A_1850 = arith.constant 0 : i32
    %dma_wait3A_1851 = arith.constant 0 : i32
    %dma_wait3A_1852 = tpu.memref_slice %arg11[%dma_wait3A_1850, %dma_wait3A_1851] : memref<128x128xf32, #tpu.memory_space<vmem>> -> memref<8x128xf32, #tpu.memory_space<vmem>>
    tpu.wait_dma2 semaphore(%arg24 : memref<!tpu.dma_semaphore, #tpu.memory_space<semaphore_mem>>) src(%dma_wait3A_1852 : memref<8x128xf32, #tpu.memory_space<vmem>>) dst(%dma_wait3A_1849 : memref<8x128xf32, #tpu.memory_space<vmem_shared>>)
    %mul3A_1853 = arith.constant 624 : i32
    %mul3A_1854 = arith.muli %arg1, %mul3A_1853 : i32
    %add3A_1855 = arith.constant 168 : i32
    %add3A_1856 = arith.addi %mul3A_1854, %add3A_1855 : i32
    %dma_wait3A_1857 = arith.constant 0 : i32
    %dma_wait3A_1858 = arith.constant 0 : i32
    %dma_wait3A_1859 = tpu.memref_slice %arg11[%dma_wait3A_1857, %dma_wait3A_1858] : memref<128x128xf32, #tpu.memory_space<vmem>> -> memref<8x128xf32, #tpu.memory_space<vmem>>
    %dma_wait3A_1860 = arith.constant 0 : i32
    %dma_wait3A_1861 = tpu.memref_slice %arg16[%add3A_1856, %dma_wait3A_1860] : memref<10000x128xf32, #tpu.memory_space<vmem_shared>> -> memref<8x128xf32, #tpu.memory_space<vmem_shared>>
    %dma_wait3A_1862 = arith.constant 0 : i32
    %dma_wait3A_1863 = tpu.memref_slice %arg16[%add3A_1856, %dma_wait3A_1862] : memref<10000x128xf32, #tpu.memory_space<vmem_shared>> -> memref<8x128xf32, #tpu.memory_space<vmem_shared>>
    %dma_wait3A_1864 = arith.constant 0 : i32
    %dma_wait3A_1865 = arith.constant 0 : i32
    %dma_wait3A_1866 = tpu.memref_slice %arg11[%dma_wait3A_1864, %dma_wait3A_1865] : memref<128x128xf32, #tpu.memory_space<vmem>> -> memref<8x128xf32, #tpu.memory_space<vmem>>
    tpu.wait_dma2 semaphore(%arg24 : memref<!tpu.dma_semaphore, #tpu.memory_space<semaphore_mem>>) src(%dma_wait3A_1866 : memref<8x128xf32, #tpu.memory_space<vmem>>) dst(%dma_wait3A_1863 : memref<8x128xf32, #tpu.memory_space<vmem_shared>>)
    %mul3A_1867 = arith.constant 624 : i32
    %mul3A_1868 = arith.muli %arg1, %mul3A_1867 : i32
    %add3A_1869 = arith.constant 176 : i32
    %add3A_1870 = arith.addi %mul3A_1868, %add3A_1869 : i32
    %dma_wait3A_1871 = arith.constant 0 : i32
    %dma_wait3A_1872 = arith.constant 0 : i32
    %dma_wait3A_1873 = tpu.memref_slice %arg11[%dma_wait3A_1871, %dma_wait3A_1872] : memref<128x128xf32, #tpu.memory_space<vmem>> -> memref<8x128xf32, #tpu.memory_space<vmem>>
    %dma_wait3A_1874 = arith.constant 0 : i32
    %dma_wait3A_1875 = tpu.memref_slice %arg16[%add3A_1870, %dma_wait3A_1874] : memref<10000x128xf32, #tpu.memory_space<vmem_shared>> -> memref<8x128xf32, #tpu.memory_space<vmem_shared>>
    %dma_wait3A_1876 = arith.constant 0 : i32
    %dma_wait3A_1877 = tpu.memref_slice %arg16[%add3A_1870, %dma_wait3A_1876] : memref<10000x128xf32, #tpu.memory_space<vmem_shared>> -> memref<8x128xf32, #tpu.memory_space<vmem_shared>>
    %dma_wait3A_1878 = arith.constant 0 : i32
    %dma_wait3A_1879 = arith.constant 0 : i32
    %dma_wait3A_1880 = tpu.memref_slice %arg11[%dma_wait3A_1878, %dma_wait3A_1879] : memref<128x128xf32, #tpu.memory_space<vmem>> -> memref<8x128xf32, #tpu.memory_space<vmem>>
    tpu.wait_dma2 semaphore(%arg24 : memref<!tpu.dma_semaphore, #tpu.memory_space<semaphore_mem>>) src(%dma_wait3A_1880 : memref<8x128xf32, #tpu.memory_space<vmem>>) dst(%dma_wait3A_1877 : memref<8x128xf32, #tpu.memory_space<vmem_shared>>)
    %mul3A_1881 = arith.constant 624 : i32
    %mul3A_1882 = arith.muli %arg1, %mul3A_1881 : i32
    %add3A_1883 = arith.constant 184 : i32
    %add3A_1884 = arith.addi %mul3A_1882, %add3A_1883 : i32
    %dma_wait3A_1885 = arith.constant 0 : i32
    %dma_wait3A_1886 = arith.constant 0 : i32
    %dma_wait3A_1887 = tpu.memref_slice %arg11[%dma_wait3A_1885, %dma_wait3A_1886] : memref<128x128xf32, #tpu.memory_space<vmem>> -> memref<8x128xf32, #tpu.memory_space<vmem>>
    %dma_wait3A_1888 = arith.constant 0 : i32
    %dma_wait3A_1889 = tpu.memref_slice %arg16[%add3A_1884, %dma_wait3A_1888] : memref<10000x128xf32, #tpu.memory_space<vmem_shared>> -> memref<8x128xf32, #tpu.memory_space<vmem_shared>>
    %dma_wait3A_1890 = arith.constant 0 : i32
    %dma_wait3A_1891 = tpu.memref_slice %arg16[%add3A_1884, %dma_wait3A_1890] : memref<10000x128xf32, #tpu.memory_space<vmem_shared>> -> memref<8x128xf32, #tpu.memory_space<vmem_shared>>
    %dma_wait3A_1892 = arith.constant 0 : i32
    %dma_wait3A_1893 = arith.constant 0 : i32
    %dma_wait3A_1894 = tpu.memref_slice %arg11[%dma_wait3A_1892, %dma_wait3A_1893] : memref<128x128xf32, #tpu.memory_space<vmem>> -> memref<8x128xf32, #tpu.memory_space<vmem>>
    tpu.wait_dma2 semaphore(%arg24 : memref<!tpu.dma_semaphore, #tpu.memory_space<semaphore_mem>>) src(%dma_wait3A_1894 : memref<8x128xf32, #tpu.memory_space<vmem>>) dst(%dma_wait3A_1891 : memref<8x128xf32, #tpu.memory_space<vmem_shared>>)
    %mul3A_1895 = arith.constant 624 : i32
    %mul3A_1896 = arith.muli %arg1, %mul3A_1895 : i32
    %add3A_1897 = arith.constant 192 : i32
    %add3A_1898 = arith.addi %mul3A_1896, %add3A_1897 : i32
    %dma_wait3A_1899 = arith.constant 0 : i32
    %dma_wait3A_1900 = arith.constant 0 : i32
    %dma_wait3A_1901 = tpu.memref_slice %arg11[%dma_wait3A_1899, %dma_wait3A_1900] : memref<128x128xf32, #tpu.memory_space<vmem>> -> memref<8x128xf32, #tpu.memory_space<vmem>>
    %dma_wait3A_1902 = arith.constant 0 : i32
    %dma_wait3A_1903 = tpu.memref_slice %arg16[%add3A_1898, %dma_wait3A_1902] : memref<10000x128xf32, #tpu.memory_space<vmem_shared>> -> memref<8x128xf32, #tpu.memory_space<vmem_shared>>
    %dma_wait3A_1904 = arith.constant 0 : i32
    %dma_wait3A_1905 = tpu.memref_slice %arg16[%add3A_1898, %dma_wait3A_1904] : memref<10000x128xf32, #tpu.memory_space<vmem_shared>> -> memref<8x128xf32, #tpu.memory_space<vmem_shared>>
    %dma_wait3A_1906 = arith.constant 0 : i32
    %dma_wait3A_1907 = arith.constant 0 : i32
    %dma_wait3A_1908 = tpu.memref_slice %arg11[%dma_wait3A_1906, %dma_wait3A_1907] : memref<128x128xf32, #tpu.memory_space<vmem>> -> memref<8x128xf32, #tpu.memory_space<vmem>>
    tpu.wait_dma2 semaphore(%arg24 : memref<!tpu.dma_semaphore, #tpu.memory_space<semaphore_mem>>) src(%dma_wait3A_1908 : memref<8x128xf32, #tpu.memory_space<vmem>>) dst(%dma_wait3A_1905 : memref<8x128xf32, #tpu.memory_space<vmem_shared>>)
    %mul3A_1909 = arith.constant 624 : i32
    %mul3A_1910 = arith.muli %arg1, %mul3A_1909 : i32
    %add3A_1911 = arith.constant 200 : i32
    %add3A_1912 = arith.addi %mul3A_1910, %add3A_1911 : i32
    %dma_wait3A_1913 = arith.constant 0 : i32
    %dma_wait3A_1914 = arith.constant 0 : i32
    %dma_wait3A_1915 = tpu.memref_slice %arg11[%dma_wait3A_1913, %dma_wait3A_1914] : memref<128x128xf32, #tpu.memory_space<vmem>> -> memref<8x128xf32, #tpu.memory_space<vmem>>
    %dma_wait3A_1916 = arith.constant 0 : i32
    %dma_wait3A_1917 = tpu.memref_slice %arg16[%add3A_1912, %dma_wait3A_1916] : memref<10000x128xf32, #tpu.memory_space<vmem_shared>> -> memref<8x128xf32, #tpu.memory_space<vmem_shared>>
    %dma_wait3A_1918 = arith.constant 0 : i32
    %dma_wait3A_1919 = tpu.memref_slice %arg16[%add3A_1912, %dma_wait3A_1918] : memref<10000x128xf32, #tpu.memory_space<vmem_shared>> -> memref<8x128xf32, #tpu.memory_space<vmem_shared>>
    %dma_wait3A_1920 = arith.constant 0 : i32
    %dma_wait3A_1921 = arith.constant 0 : i32
    %dma_wait3A_1922 = tpu.memref_slice %arg11[%dma_wait3A_1920, %dma_wait3A_1921] : memref<128x128xf32, #tpu.memory_space<vmem>> -> memref<8x128xf32, #tpu.memory_space<vmem>>
    tpu.wait_dma2 semaphore(%arg24 : memref<!tpu.dma_semaphore, #tpu.memory_space<semaphore_mem>>) src(%dma_wait3A_1922 : memref<8x128xf32, #tpu.memory_space<vmem>>) dst(%dma_wait3A_1919 : memref<8x128xf32, #tpu.memory_space<vmem_shared>>)
    %mul3A_1923 = arith.constant 624 : i32
    %mul3A_1924 = arith.muli %arg1, %mul3A_1923 : i32
    %add3A_1925 = arith.constant 208 : i32
    %add3A_1926 = arith.addi %mul3A_1924, %add3A_1925 : i32
    %dma_wait3A_1927 = arith.constant 0 : i32
    %dma_wait3A_1928 = arith.constant 0 : i32
    %dma_wait3A_1929 = tpu.memref_slice %arg11[%dma_wait3A_1927, %dma_wait3A_1928] : memref<128x128xf32, #tpu.memory_space<vmem>> -> memref<8x128xf32, #tpu.memory_space<vmem>>
    %dma_wait3A_1930 = arith.constant 0 : i32
    %dma_wait3A_1931 = tpu.memref_slice %arg16[%add3A_1926, %dma_wait3A_1930] : memref<10000x128xf32, #tpu.memory_space<vmem_shared>> -> memref<8x128xf32, #tpu.memory_space<vmem_shared>>
    %dma_wait3A_1932 = arith.constant 0 : i32
    %dma_wait3A_1933 = tpu.memref_slice %arg16[%add3A_1926, %dma_wait3A_1932] : memref<10000x128xf32, #tpu.memory_space<vmem_shared>> -> memref<8x128xf32, #tpu.memory_space<vmem_shared>>
    %dma_wait3A_1934 = arith.constant 0 : i32
    %dma_wait3A_1935 = arith.constant 0 : i32
    %dma_wait3A_1936 = tpu.memref_slice %arg11[%dma_wait3A_1934, %dma_wait3A_1935] : memref<128x128xf32, #tpu.memory_space<vmem>> -> memref<8x128xf32, #tpu.memory_space<vmem>>
    tpu.wait_dma2 semaphore(%arg24 : memref<!tpu.dma_semaphore, #tpu.memory_space<semaphore_mem>>) src(%dma_wait3A_1936 : memref<8x128xf32, #tpu.memory_space<vmem>>) dst(%dma_wait3A_1933 : memref<8x128xf32, #tpu.memory_space<vmem_shared>>)
    %mul3A_1937 = arith.constant 624 : i32
    %mul3A_1938 = arith.muli %arg1, %mul3A_1937 : i32
    %add3A_1939 = arith.constant 216 : i32
    %add3A_1940 = arith.addi %mul3A_1938, %add3A_1939 : i32
    %dma_wait3A_1941 = arith.constant 0 : i32
    %dma_wait3A_1942 = arith.constant 0 : i32
    %dma_wait3A_1943 = tpu.memref_slice %arg11[%dma_wait3A_1941, %dma_wait3A_1942] : memref<128x128xf32, #tpu.memory_space<vmem>> -> memref<8x128xf32, #tpu.memory_space<vmem>>
    %dma_wait3A_1944 = arith.constant 0 : i32
    %dma_wait3A_1945 = tpu.memref_slice %arg16[%add3A_1940, %dma_wait3A_1944] : memref<10000x128xf32, #tpu.memory_space<vmem_shared>> -> memref<8x128xf32, #tpu.memory_space<vmem_shared>>
    %dma_wait3A_1946 = arith.constant 0 : i32
    %dma_wait3A_1947 = tpu.memref_slice %arg16[%add3A_1940, %dma_wait3A_1946] : memref<10000x128xf32, #tpu.memory_space<vmem_shared>> -> memref<8x128xf32, #tpu.memory_space<vmem_shared>>
    %dma_wait3A_1948 = arith.constant 0 : i32
    %dma_wait3A_1949 = arith.constant 0 : i32
    %dma_wait3A_1950 = tpu.memref_slice %arg11[%dma_wait3A_1948, %dma_wait3A_1949] : memref<128x128xf32, #tpu.memory_space<vmem>> -> memref<8x128xf32, #tpu.memory_space<vmem>>
    tpu.wait_dma2 semaphore(%arg24 : memref<!tpu.dma_semaphore, #tpu.memory_space<semaphore_mem>>) src(%dma_wait3A_1950 : memref<8x128xf32, #tpu.memory_space<vmem>>) dst(%dma_wait3A_1947 : memref<8x128xf32, #tpu.memory_space<vmem_shared>>)
    %mul3A_1951 = arith.constant 624 : i32
    %mul3A_1952 = arith.muli %arg1, %mul3A_1951 : i32
    %add3A_1953 = arith.constant 224 : i32
    %add3A_1954 = arith.addi %mul3A_1952, %add3A_1953 : i32
    %dma_wait3A_1955 = arith.constant 0 : i32
    %dma_wait3A_1956 = arith.constant 0 : i32
    %dma_wait3A_1957 = tpu.memref_slice %arg11[%dma_wait3A_1955, %dma_wait3A_1956] : memref<128x128xf32, #tpu.memory_space<vmem>> -> memref<8x128xf32, #tpu.memory_space<vmem>>
    %dma_wait3A_1958 = arith.constant 0 : i32
    %dma_wait3A_1959 = tpu.memref_slice %arg16[%add3A_1954, %dma_wait3A_1958] : memref<10000x128xf32, #tpu.memory_space<vmem_shared>> -> memref<8x128xf32, #tpu.memory_space<vmem_shared>>
    %dma_wait3A_1960 = arith.constant 0 : i32
    %dma_wait3A_1961 = tpu.memref_slice %arg16[%add3A_1954, %dma_wait3A_1960] : memref<10000x128xf32, #tpu.memory_space<vmem_shared>> -> memref<8x128xf32, #tpu.memory_space<vmem_shared>>
    %dma_wait3A_1962 = arith.constant 0 : i32
    %dma_wait3A_1963 = arith.constant 0 : i32
    %dma_wait3A_1964 = tpu.memref_slice %arg11[%dma_wait3A_1962, %dma_wait3A_1963] : memref<128x128xf32, #tpu.memory_space<vmem>> -> memref<8x128xf32, #tpu.memory_space<vmem>>
    tpu.wait_dma2 semaphore(%arg24 : memref<!tpu.dma_semaphore, #tpu.memory_space<semaphore_mem>>) src(%dma_wait3A_1964 : memref<8x128xf32, #tpu.memory_space<vmem>>) dst(%dma_wait3A_1961 : memref<8x128xf32, #tpu.memory_space<vmem_shared>>)
    %mul3A_1965 = arith.constant 624 : i32
    %mul3A_1966 = arith.muli %arg1, %mul3A_1965 : i32
    %add3A_1967 = arith.constant 232 : i32
    %add3A_1968 = arith.addi %mul3A_1966, %add3A_1967 : i32
    %dma_wait3A_1969 = arith.constant 0 : i32
    %dma_wait3A_1970 = arith.constant 0 : i32
    %dma_wait3A_1971 = tpu.memref_slice %arg11[%dma_wait3A_1969, %dma_wait3A_1970] : memref<128x128xf32, #tpu.memory_space<vmem>> -> memref<8x128xf32, #tpu.memory_space<vmem>>
    %dma_wait3A_1972 = arith.constant 0 : i32
    %dma_wait3A_1973 = tpu.memref_slice %arg16[%add3A_1968, %dma_wait3A_1972] : memref<10000x128xf32, #tpu.memory_space<vmem_shared>> -> memref<8x128xf32, #tpu.memory_space<vmem_shared>>
    %dma_wait3A_1974 = arith.constant 0 : i32
    %dma_wait3A_1975 = tpu.memref_slice %arg16[%add3A_1968, %dma_wait3A_1974] : memref<10000x128xf32, #tpu.memory_space<vmem_shared>> -> memref<8x128xf32, #tpu.memory_space<vmem_shared>>
    %dma_wait3A_1976 = arith.constant 0 : i32
    %dma_wait3A_1977 = arith.constant 0 : i32
    %dma_wait3A_1978 = tpu.memref_slice %arg11[%dma_wait3A_1976, %dma_wait3A_1977] : memref<128x128xf32, #tpu.memory_space<vmem>> -> memref<8x128xf32, #tpu.memory_space<vmem>>
    tpu.wait_dma2 semaphore(%arg24 : memref<!tpu.dma_semaphore, #tpu.memory_space<semaphore_mem>>) src(%dma_wait3A_1978 : memref<8x128xf32, #tpu.memory_space<vmem>>) dst(%dma_wait3A_1975 : memref<8x128xf32, #tpu.memory_space<vmem_shared>>)
    %mul3A_1979 = arith.constant 624 : i32
    %mul3A_1980 = arith.muli %arg1, %mul3A_1979 : i32
    %add3A_1981 = arith.constant 240 : i32
    %add3A_1982 = arith.addi %mul3A_1980, %add3A_1981 : i32
    %dma_wait3A_1983 = arith.constant 0 : i32
    %dma_wait3A_1984 = arith.constant 0 : i32
    %dma_wait3A_1985 = tpu.memref_slice %arg11[%dma_wait3A_1983, %dma_wait3A_1984] : memref<128x128xf32, #tpu.memory_space<vmem>> -> memref<8x128xf32, #tpu.memory_space<vmem>>
    %dma_wait3A_1986 = arith.constant 0 : i32
    %dma_wait3A_1987 = tpu.memref_slice %arg16[%add3A_1982, %dma_wait3A_1986] : memref<10000x128xf32, #tpu.memory_space<vmem_shared>> -> memref<8x128xf32, #tpu.memory_space<vmem_shared>>
    %dma_wait3A_1988 = arith.constant 0 : i32
    %dma_wait3A_1989 = tpu.memref_slice %arg16[%add3A_1982, %dma_wait3A_1988] : memref<10000x128xf32, #tpu.memory_space<vmem_shared>> -> memref<8x128xf32, #tpu.memory_space<vmem_shared>>
    %dma_wait3A_1990 = arith.constant 0 : i32
    %dma_wait3A_1991 = arith.constant 0 : i32
    %dma_wait3A_1992 = tpu.memref_slice %arg11[%dma_wait3A_1990, %dma_wait3A_1991] : memref<128x128xf32, #tpu.memory_space<vmem>> -> memref<8x128xf32, #tpu.memory_space<vmem>>
    tpu.wait_dma2 semaphore(%arg24 : memref<!tpu.dma_semaphore, #tpu.memory_space<semaphore_mem>>) src(%dma_wait3A_1992 : memref<8x128xf32, #tpu.memory_space<vmem>>) dst(%dma_wait3A_1989 : memref<8x128xf32, #tpu.memory_space<vmem_shared>>)
    %mul3A_1993 = arith.constant 624 : i32
    %mul3A_1994 = arith.muli %arg1, %mul3A_1993 : i32
    %add3A_1995 = arith.constant 248 : i32
    %add3A_1996 = arith.addi %mul3A_1994, %add3A_1995 : i32
    %dma_wait3A_1997 = arith.constant 0 : i32
    %dma_wait3A_1998 = arith.constant 0 : i32
    %dma_wait3A_1999 = tpu.memref_slice %arg11[%dma_wait3A_1997, %dma_wait3A_1998] : memref<128x128xf32, #tpu.memory_space<vmem>> -> memref<8x128xf32, #tpu.memory_space<vmem>>
    %dma_wait3A_2000 = arith.constant 0 : i32
    %dma_wait3A_2001 = tpu.memref_slice %arg16[%add3A_1996, %dma_wait3A_2000] : memref<10000x128xf32, #tpu.memory_space<vmem_shared>> -> memref<8x128xf32, #tpu.memory_space<vmem_shared>>
    %dma_wait3A_2002 = arith.constant 0 : i32
    %dma_wait3A_2003 = tpu.memref_slice %arg16[%add3A_1996, %dma_wait3A_2002] : memref<10000x128xf32, #tpu.memory_space<vmem_shared>> -> memref<8x128xf32, #tpu.memory_space<vmem_shared>>
    %dma_wait3A_2004 = arith.constant 0 : i32
    %dma_wait3A_2005 = arith.constant 0 : i32
    %dma_wait3A_2006 = tpu.memref_slice %arg11[%dma_wait3A_2004, %dma_wait3A_2005] : memref<128x128xf32, #tpu.memory_space<vmem>> -> memref<8x128xf32, #tpu.memory_space<vmem>>
    tpu.wait_dma2 semaphore(%arg24 : memref<!tpu.dma_semaphore, #tpu.memory_space<semaphore_mem>>) src(%dma_wait3A_2006 : memref<8x128xf32, #tpu.memory_space<vmem>>) dst(%dma_wait3A_2003 : memref<8x128xf32, #tpu.memory_space<vmem_shared>>)
    %mul3A_2007 = arith.constant 624 : i32
    %mul3A_2008 = arith.muli %arg1, %mul3A_2007 : i32
    %add3A_2009 = arith.constant 256 : i32
    %add3A_2010 = arith.addi %mul3A_2008, %add3A_2009 : i32
    %dma_wait3A_2011 = arith.constant 0 : i32
    %dma_wait3A_2012 = arith.constant 0 : i32
    %dma_wait3A_2013 = tpu.memref_slice %arg11[%dma_wait3A_2011, %dma_wait3A_2012] : memref<128x128xf32, #tpu.memory_space<vmem>> -> memref<8x128xf32, #tpu.memory_space<vmem>>
    %dma_wait3A_2014 = arith.constant 0 : i32
    %dma_wait3A_2015 = tpu.memref_slice %arg16[%add3A_2010, %dma_wait3A_2014] : memref<10000x128xf32, #tpu.memory_space<vmem_shared>> -> memref<8x128xf32, #tpu.memory_space<vmem_shared>>
    %dma_wait3A_2016 = arith.constant 0 : i32
    %dma_wait3A_2017 = tpu.memref_slice %arg16[%add3A_2010, %dma_wait3A_2016] : memref<10000x128xf32, #tpu.memory_space<vmem_shared>> -> memref<8x128xf32, #tpu.memory_space<vmem_shared>>
    %dma_wait3A_2018 = arith.constant 0 : i32
    %dma_wait3A_2019 = arith.constant 0 : i32
    %dma_wait3A_2020 = tpu.memref_slice %arg11[%dma_wait3A_2018, %dma_wait3A_2019] : memref<128x128xf32, #tpu.memory_space<vmem>> -> memref<8x128xf32, #tpu.memory_space<vmem>>
    tpu.wait_dma2 semaphore(%arg24 : memref<!tpu.dma_semaphore, #tpu.memory_space<semaphore_mem>>) src(%dma_wait3A_2020 : memref<8x128xf32, #tpu.memory_space<vmem>>) dst(%dma_wait3A_2017 : memref<8x128xf32, #tpu.memory_space<vmem_shared>>)
    %mul3A_2021 = arith.constant 624 : i32
    %mul3A_2022 = arith.muli %arg1, %mul3A_2021 : i32
    %add3A_2023 = arith.constant 264 : i32
    %add3A_2024 = arith.addi %mul3A_2022, %add3A_2023 : i32
    %dma_wait3A_2025 = arith.constant 0 : i32
    %dma_wait3A_2026 = arith.constant 0 : i32
    %dma_wait3A_2027 = tpu.memref_slice %arg11[%dma_wait3A_2025, %dma_wait3A_2026] : memref<128x128xf32, #tpu.memory_space<vmem>> -> memref<8x128xf32, #tpu.memory_space<vmem>>
    %dma_wait3A_2028 = arith.constant 0 : i32
    %dma_wait3A_2029 = tpu.memref_slice %arg16[%add3A_2024, %dma_wait3A_2028] : memref<10000x128xf32, #tpu.memory_space<vmem_shared>> -> memref<8x128xf32, #tpu.memory_space<vmem_shared>>
    %dma_wait3A_2030 = arith.constant 0 : i32
    %dma_wait3A_2031 = tpu.memref_slice %arg16[%add3A_2024, %dma_wait3A_2030] : memref<10000x128xf32, #tpu.memory_space<vmem_shared>> -> memref<8x128xf32, #tpu.memory_space<vmem_shared>>
    %dma_wait3A_2032 = arith.constant 0 : i32
    %dma_wait3A_2033 = arith.constant 0 : i32
    %dma_wait3A_2034 = tpu.memref_slice %arg11[%dma_wait3A_2032, %dma_wait3A_2033] : memref<128x128xf32, #tpu.memory_space<vmem>> -> memref<8x128xf32, #tpu.memory_space<vmem>>
    tpu.wait_dma2 semaphore(%arg24 : memref<!tpu.dma_semaphore, #tpu.memory_space<semaphore_mem>>) src(%dma_wait3A_2034 : memref<8x128xf32, #tpu.memory_space<vmem>>) dst(%dma_wait3A_2031 : memref<8x128xf32, #tpu.memory_space<vmem_shared>>)
    %mul3A_2035 = arith.constant 624 : i32
    %mul3A_2036 = arith.muli %arg1, %mul3A_2035 : i32
    %add3A_2037 = arith.constant 272 : i32
    %add3A_2038 = arith.addi %mul3A_2036, %add3A_2037 : i32
    %dma_wait3A_2039 = arith.constant 0 : i32
    %dma_wait3A_2040 = arith.constant 0 : i32
    %dma_wait3A_2041 = tpu.memref_slice %arg11[%dma_wait3A_2039, %dma_wait3A_2040] : memref<128x128xf32, #tpu.memory_space<vmem>> -> memref<8x128xf32, #tpu.memory_space<vmem>>
    %dma_wait3A_2042 = arith.constant 0 : i32
    %dma_wait3A_2043 = tpu.memref_slice %arg16[%add3A_2038, %dma_wait3A_2042] : memref<10000x128xf32, #tpu.memory_space<vmem_shared>> -> memref<8x128xf32, #tpu.memory_space<vmem_shared>>
    %dma_wait3A_2044 = arith.constant 0 : i32
    %dma_wait3A_2045 = tpu.memref_slice %arg16[%add3A_2038, %dma_wait3A_2044] : memref<10000x128xf32, #tpu.memory_space<vmem_shared>> -> memref<8x128xf32, #tpu.memory_space<vmem_shared>>
    %dma_wait3A_2046 = arith.constant 0 : i32
    %dma_wait3A_2047 = arith.constant 0 : i32
    %dma_wait3A_2048 = tpu.memref_slice %arg11[%dma_wait3A_2046, %dma_wait3A_2047] : memref<128x128xf32, #tpu.memory_space<vmem>> -> memref<8x128xf32, #tpu.memory_space<vmem>>
    tpu.wait_dma2 semaphore(%arg24 : memref<!tpu.dma_semaphore, #tpu.memory_space<semaphore_mem>>) src(%dma_wait3A_2048 : memref<8x128xf32, #tpu.memory_space<vmem>>) dst(%dma_wait3A_2045 : memref<8x128xf32, #tpu.memory_space<vmem_shared>>)
    %mul3A_2049 = arith.constant 624 : i32
    %mul3A_2050 = arith.muli %arg1, %mul3A_2049 : i32
    %add3A_2051 = arith.constant 280 : i32
    %add3A_2052 = arith.addi %mul3A_2050, %add3A_2051 : i32
    %dma_wait3A_2053 = arith.constant 0 : i32
    %dma_wait3A_2054 = arith.constant 0 : i32
    %dma_wait3A_2055 = tpu.memref_slice %arg11[%dma_wait3A_2053, %dma_wait3A_2054] : memref<128x128xf32, #tpu.memory_space<vmem>> -> memref<8x128xf32, #tpu.memory_space<vmem>>
    %dma_wait3A_2056 = arith.constant 0 : i32
    %dma_wait3A_2057 = tpu.memref_slice %arg16[%add3A_2052, %dma_wait3A_2056] : memref<10000x128xf32, #tpu.memory_space<vmem_shared>> -> memref<8x128xf32, #tpu.memory_space<vmem_shared>>
    %dma_wait3A_2058 = arith.constant 0 : i32
    %dma_wait3A_2059 = tpu.memref_slice %arg16[%add3A_2052, %dma_wait3A_2058] : memref<10000x128xf32, #tpu.memory_space<vmem_shared>> -> memref<8x128xf32, #tpu.memory_space<vmem_shared>>
    %dma_wait3A_2060 = arith.constant 0 : i32
    %dma_wait3A_2061 = arith.constant 0 : i32
    %dma_wait3A_2062 = tpu.memref_slice %arg11[%dma_wait3A_2060, %dma_wait3A_2061] : memref<128x128xf32, #tpu.memory_space<vmem>> -> memref<8x128xf32, #tpu.memory_space<vmem>>
    tpu.wait_dma2 semaphore(%arg24 : memref<!tpu.dma_semaphore, #tpu.memory_space<semaphore_mem>>) src(%dma_wait3A_2062 : memref<8x128xf32, #tpu.memory_space<vmem>>) dst(%dma_wait3A_2059 : memref<8x128xf32, #tpu.memory_space<vmem_shared>>)
    %mul3A_2063 = arith.constant 624 : i32
    %mul3A_2064 = arith.muli %arg1, %mul3A_2063 : i32
    %add3A_2065 = arith.constant 288 : i32
    %add3A_2066 = arith.addi %mul3A_2064, %add3A_2065 : i32
    %dma_wait3A_2067 = arith.constant 0 : i32
    %dma_wait3A_2068 = arith.constant 0 : i32
    %dma_wait3A_2069 = tpu.memref_slice %arg11[%dma_wait3A_2067, %dma_wait3A_2068] : memref<128x128xf32, #tpu.memory_space<vmem>> -> memref<8x128xf32, #tpu.memory_space<vmem>>
    %dma_wait3A_2070 = arith.constant 0 : i32
    %dma_wait3A_2071 = tpu.memref_slice %arg16[%add3A_2066, %dma_wait3A_2070] : memref<10000x128xf32, #tpu.memory_space<vmem_shared>> -> memref<8x128xf32, #tpu.memory_space<vmem_shared>>
    %dma_wait3A_2072 = arith.constant 0 : i32
    %dma_wait3A_2073 = tpu.memref_slice %arg16[%add3A_2066, %dma_wait3A_2072] : memref<10000x128xf32, #tpu.memory_space<vmem_shared>> -> memref<8x128xf32, #tpu.memory_space<vmem_shared>>
    %dma_wait3A_2074 = arith.constant 0 : i32
    %dma_wait3A_2075 = arith.constant 0 : i32
    %dma_wait3A_2076 = tpu.memref_slice %arg11[%dma_wait3A_2074, %dma_wait3A_2075] : memref<128x128xf32, #tpu.memory_space<vmem>> -> memref<8x128xf32, #tpu.memory_space<vmem>>
    tpu.wait_dma2 semaphore(%arg24 : memref<!tpu.dma_semaphore, #tpu.memory_space<semaphore_mem>>) src(%dma_wait3A_2076 : memref<8x128xf32, #tpu.memory_space<vmem>>) dst(%dma_wait3A_2073 : memref<8x128xf32, #tpu.memory_space<vmem_shared>>)
    %mul3A_2077 = arith.constant 624 : i32
    %mul3A_2078 = arith.muli %arg1, %mul3A_2077 : i32
    %add3A_2079 = arith.constant 296 : i32
    %add3A_2080 = arith.addi %mul3A_2078, %add3A_2079 : i32
    %dma_wait3A_2081 = arith.constant 0 : i32
    %dma_wait3A_2082 = arith.constant 0 : i32
    %dma_wait3A_2083 = tpu.memref_slice %arg11[%dma_wait3A_2081, %dma_wait3A_2082] : memref<128x128xf32, #tpu.memory_space<vmem>> -> memref<8x128xf32, #tpu.memory_space<vmem>>
    %dma_wait3A_2084 = arith.constant 0 : i32
    %dma_wait3A_2085 = tpu.memref_slice %arg16[%add3A_2080, %dma_wait3A_2084] : memref<10000x128xf32, #tpu.memory_space<vmem_shared>> -> memref<8x128xf32, #tpu.memory_space<vmem_shared>>
    %dma_wait3A_2086 = arith.constant 0 : i32
    %dma_wait3A_2087 = tpu.memref_slice %arg16[%add3A_2080, %dma_wait3A_2086] : memref<10000x128xf32, #tpu.memory_space<vmem_shared>> -> memref<8x128xf32, #tpu.memory_space<vmem_shared>>
    %dma_wait3A_2088 = arith.constant 0 : i32
    %dma_wait3A_2089 = arith.constant 0 : i32
    %dma_wait3A_2090 = tpu.memref_slice %arg11[%dma_wait3A_2088, %dma_wait3A_2089] : memref<128x128xf32, #tpu.memory_space<vmem>> -> memref<8x128xf32, #tpu.memory_space<vmem>>
    tpu.wait_dma2 semaphore(%arg24 : memref<!tpu.dma_semaphore, #tpu.memory_space<semaphore_mem>>) src(%dma_wait3A_2090 : memref<8x128xf32, #tpu.memory_space<vmem>>) dst(%dma_wait3A_2087 : memref<8x128xf32, #tpu.memory_space<vmem_shared>>)
    %mul3A_2091 = arith.constant 624 : i32
    %mul3A_2092 = arith.muli %arg1, %mul3A_2091 : i32
    %add3A_2093 = arith.constant 304 : i32
    %add3A_2094 = arith.addi %mul3A_2092, %add3A_2093 : i32
    %dma_wait3A_2095 = arith.constant 0 : i32
    %dma_wait3A_2096 = arith.constant 0 : i32
    %dma_wait3A_2097 = tpu.memref_slice %arg11[%dma_wait3A_2095, %dma_wait3A_2096] : memref<128x128xf32, #tpu.memory_space<vmem>> -> memref<8x128xf32, #tpu.memory_space<vmem>>
    %dma_wait3A_2098 = arith.constant 0 : i32
    %dma_wait3A_2099 = tpu.memref_slice %arg16[%add3A_2094, %dma_wait3A_2098] : memref<10000x128xf32, #tpu.memory_space<vmem_shared>> -> memref<8x128xf32, #tpu.memory_space<vmem_shared>>
    %dma_wait3A_2100 = arith.constant 0 : i32
    %dma_wait3A_2101 = tpu.memref_slice %arg16[%add3A_2094, %dma_wait3A_2100] : memref<10000x128xf32, #tpu.memory_space<vmem_shared>> -> memref<8x128xf32, #tpu.memory_space<vmem_shared>>
    %dma_wait3A_2102 = arith.constant 0 : i32
    %dma_wait3A_2103 = arith.constant 0 : i32
    %dma_wait3A_2104 = tpu.memref_slice %arg11[%dma_wait3A_2102, %dma_wait3A_2103] : memref<128x128xf32, #tpu.memory_space<vmem>> -> memref<8x128xf32, #tpu.memory_space<vmem>>
    tpu.wait_dma2 semaphore(%arg24 : memref<!tpu.dma_semaphore, #tpu.memory_space<semaphore_mem>>) src(%dma_wait3A_2104 : memref<8x128xf32, #tpu.memory_space<vmem>>) dst(%dma_wait3A_2101 : memref<8x128xf32, #tpu.memory_space<vmem_shared>>)
    %mul3A_2105 = arith.constant 624 : i32
    %mul3A_2106 = arith.muli %arg1, %mul3A_2105 : i32
    %add3A_2107 = arith.constant 312 : i32
    %add3A_2108 = arith.addi %mul3A_2106, %add3A_2107 : i32
    %dma_wait3A_2109 = arith.constant 0 : i32
    %dma_wait3A_2110 = arith.constant 0 : i32
    %dma_wait3A_2111 = tpu.memref_slice %arg11[%dma_wait3A_2109, %dma_wait3A_2110] : memref<128x128xf32, #tpu.memory_space<vmem>> -> memref<8x128xf32, #tpu.memory_space<vmem>>
    %dma_wait3A_2112 = arith.constant 0 : i32
    %dma_wait3A_2113 = tpu.memref_slice %arg16[%add3A_2108, %dma_wait3A_2112] : memref<10000x128xf32, #tpu.memory_space<vmem_shared>> -> memref<8x128xf32, #tpu.memory_space<vmem_shared>>
    %dma_wait3A_2114 = arith.constant 0 : i32
    %dma_wait3A_2115 = tpu.memref_slice %arg16[%add3A_2108, %dma_wait3A_2114] : memref<10000x128xf32, #tpu.memory_space<vmem_shared>> -> memref<8x128xf32, #tpu.memory_space<vmem_shared>>
    %dma_wait3A_2116 = arith.constant 0 : i32
    %dma_wait3A_2117 = arith.constant 0 : i32
    %dma_wait3A_2118 = tpu.memref_slice %arg11[%dma_wait3A_2116, %dma_wait3A_2117] : memref<128x128xf32, #tpu.memory_space<vmem>> -> memref<8x128xf32, #tpu.memory_space<vmem>>
    tpu.wait_dma2 semaphore(%arg24 : memref<!tpu.dma_semaphore, #tpu.memory_space<semaphore_mem>>) src(%dma_wait3A_2118 : memref<8x128xf32, #tpu.memory_space<vmem>>) dst(%dma_wait3A_2115 : memref<8x128xf32, #tpu.memory_space<vmem_shared>>)
    %mul3A_2119 = arith.constant 624 : i32
    %mul3A_2120 = arith.muli %arg1, %mul3A_2119 : i32
    %add3A_2121 = arith.constant 320 : i32
    %add3A_2122 = arith.addi %mul3A_2120, %add3A_2121 : i32
    %dma_wait3A_2123 = arith.constant 0 : i32
    %dma_wait3A_2124 = arith.constant 0 : i32
    %dma_wait3A_2125 = tpu.memref_slice %arg11[%dma_wait3A_2123, %dma_wait3A_2124] : memref<128x128xf32, #tpu.memory_space<vmem>> -> memref<8x128xf32, #tpu.memory_space<vmem>>
    %dma_wait3A_2126 = arith.constant 0 : i32
    %dma_wait3A_2127 = tpu.memref_slice %arg16[%add3A_2122, %dma_wait3A_2126] : memref<10000x128xf32, #tpu.memory_space<vmem_shared>> -> memref<8x128xf32, #tpu.memory_space<vmem_shared>>
    %dma_wait3A_2128 = arith.constant 0 : i32
    %dma_wait3A_2129 = tpu.memref_slice %arg16[%add3A_2122, %dma_wait3A_2128] : memref<10000x128xf32, #tpu.memory_space<vmem_shared>> -> memref<8x128xf32, #tpu.memory_space<vmem_shared>>
    %dma_wait3A_2130 = arith.constant 0 : i32
    %dma_wait3A_2131 = arith.constant 0 : i32
    %dma_wait3A_2132 = tpu.memref_slice %arg11[%dma_wait3A_2130, %dma_wait3A_2131] : memref<128x128xf32, #tpu.memory_space<vmem>> -> memref<8x128xf32, #tpu.memory_space<vmem>>
    tpu.wait_dma2 semaphore(%arg24 : memref<!tpu.dma_semaphore, #tpu.memory_space<semaphore_mem>>) src(%dma_wait3A_2132 : memref<8x128xf32, #tpu.memory_space<vmem>>) dst(%dma_wait3A_2129 : memref<8x128xf32, #tpu.memory_space<vmem_shared>>)
    %mul3A_2133 = arith.constant 624 : i32
    %mul3A_2134 = arith.muli %arg1, %mul3A_2133 : i32
    %add3A_2135 = arith.constant 328 : i32
    %add3A_2136 = arith.addi %mul3A_2134, %add3A_2135 : i32
    %dma_wait3A_2137 = arith.constant 0 : i32
    %dma_wait3A_2138 = arith.constant 0 : i32
    %dma_wait3A_2139 = tpu.memref_slice %arg11[%dma_wait3A_2137, %dma_wait3A_2138] : memref<128x128xf32, #tpu.memory_space<vmem>> -> memref<8x128xf32, #tpu.memory_space<vmem>>
    %dma_wait3A_2140 = arith.constant 0 : i32
    %dma_wait3A_2141 = tpu.memref_slice %arg16[%add3A_2136, %dma_wait3A_2140] : memref<10000x128xf32, #tpu.memory_space<vmem_shared>> -> memref<8x128xf32, #tpu.memory_space<vmem_shared>>
    %dma_wait3A_2142 = arith.constant 0 : i32
    %dma_wait3A_2143 = tpu.memref_slice %arg16[%add3A_2136, %dma_wait3A_2142] : memref<10000x128xf32, #tpu.memory_space<vmem_shared>> -> memref<8x128xf32, #tpu.memory_space<vmem_shared>>
    %dma_wait3A_2144 = arith.constant 0 : i32
    %dma_wait3A_2145 = arith.constant 0 : i32
    %dma_wait3A_2146 = tpu.memref_slice %arg11[%dma_wait3A_2144, %dma_wait3A_2145] : memref<128x128xf32, #tpu.memory_space<vmem>> -> memref<8x128xf32, #tpu.memory_space<vmem>>
    tpu.wait_dma2 semaphore(%arg24 : memref<!tpu.dma_semaphore, #tpu.memory_space<semaphore_mem>>) src(%dma_wait3A_2146 : memref<8x128xf32, #tpu.memory_space<vmem>>) dst(%dma_wait3A_2143 : memref<8x128xf32, #tpu.memory_space<vmem_shared>>)
    %mul3A_2147 = arith.constant 624 : i32
    %mul3A_2148 = arith.muli %arg1, %mul3A_2147 : i32
    %add3A_2149 = arith.constant 336 : i32
    %add3A_2150 = arith.addi %mul3A_2148, %add3A_2149 : i32
    %dma_wait3A_2151 = arith.constant 0 : i32
    %dma_wait3A_2152 = arith.constant 0 : i32
    %dma_wait3A_2153 = tpu.memref_slice %arg11[%dma_wait3A_2151, %dma_wait3A_2152] : memref<128x128xf32, #tpu.memory_space<vmem>> -> memref<8x128xf32, #tpu.memory_space<vmem>>
    %dma_wait3A_2154 = arith.constant 0 : i32
    %dma_wait3A_2155 = tpu.memref_slice %arg16[%add3A_2150, %dma_wait3A_2154] : memref<10000x128xf32, #tpu.memory_space<vmem_shared>> -> memref<8x128xf32, #tpu.memory_space<vmem_shared>>
    %dma_wait3A_2156 = arith.constant 0 : i32
    %dma_wait3A_2157 = tpu.memref_slice %arg16[%add3A_2150, %dma_wait3A_2156] : memref<10000x128xf32, #tpu.memory_space<vmem_shared>> -> memref<8x128xf32, #tpu.memory_space<vmem_shared>>
    %dma_wait3A_2158 = arith.constant 0 : i32
    %dma_wait3A_2159 = arith.constant 0 : i32
    %dma_wait3A_2160 = tpu.memref_slice %arg11[%dma_wait3A_2158, %dma_wait3A_2159] : memref<128x128xf32, #tpu.memory_space<vmem>> -> memref<8x128xf32, #tpu.memory_space<vmem>>
    tpu.wait_dma2 semaphore(%arg24 : memref<!tpu.dma_semaphore, #tpu.memory_space<semaphore_mem>>) src(%dma_wait3A_2160 : memref<8x128xf32, #tpu.memory_space<vmem>>) dst(%dma_wait3A_2157 : memref<8x128xf32, #tpu.memory_space<vmem_shared>>)
    %mul3A_2161 = arith.constant 624 : i32
    %mul3A_2162 = arith.muli %arg1, %mul3A_2161 : i32
    %add3A_2163 = arith.constant 344 : i32
    %add3A_2164 = arith.addi %mul3A_2162, %add3A_2163 : i32
    %dma_wait3A_2165 = arith.constant 0 : i32
    %dma_wait3A_2166 = arith.constant 0 : i32
    %dma_wait3A_2167 = tpu.memref_slice %arg11[%dma_wait3A_2165, %dma_wait3A_2166] : memref<128x128xf32, #tpu.memory_space<vmem>> -> memref<8x128xf32, #tpu.memory_space<vmem>>
    %dma_wait3A_2168 = arith.constant 0 : i32
    %dma_wait3A_2169 = tpu.memref_slice %arg16[%add3A_2164, %dma_wait3A_2168] : memref<10000x128xf32, #tpu.memory_space<vmem_shared>> -> memref<8x128xf32, #tpu.memory_space<vmem_shared>>
    %dma_wait3A_2170 = arith.constant 0 : i32
    %dma_wait3A_2171 = tpu.memref_slice %arg16[%add3A_2164, %dma_wait3A_2170] : memref<10000x128xf32, #tpu.memory_space<vmem_shared>> -> memref<8x128xf32, #tpu.memory_space<vmem_shared>>
    %dma_wait3A_2172 = arith.constant 0 : i32
    %dma_wait3A_2173 = arith.constant 0 : i32
    %dma_wait3A_2174 = tpu.memref_slice %arg11[%dma_wait3A_2172, %dma_wait3A_2173] : memref<128x128xf32, #tpu.memory_space<vmem>> -> memref<8x128xf32, #tpu.memory_space<vmem>>
    tpu.wait_dma2 semaphore(%arg24 : memref<!tpu.dma_semaphore, #tpu.memory_space<semaphore_mem>>) src(%dma_wait3A_2174 : memref<8x128xf32, #tpu.memory_space<vmem>>) dst(%dma_wait3A_2171 : memref<8x128xf32, #tpu.memory_space<vmem_shared>>)
    %mul3A_2175 = arith.constant 624 : i32
    %mul3A_2176 = arith.muli %arg1, %mul3A_2175 : i32
    %add3A_2177 = arith.constant 352 : i32
    %add3A_2178 = arith.addi %mul3A_2176, %add3A_2177 : i32
    %dma_wait3A_2179 = arith.constant 0 : i32
    %dma_wait3A_2180 = arith.constant 0 : i32
    %dma_wait3A_2181 = tpu.memref_slice %arg11[%dma_wait3A_2179, %dma_wait3A_2180] : memref<128x128xf32, #tpu.memory_space<vmem>> -> memref<8x128xf32, #tpu.memory_space<vmem>>
    %dma_wait3A_2182 = arith.constant 0 : i32
    %dma_wait3A_2183 = tpu.memref_slice %arg16[%add3A_2178, %dma_wait3A_2182] : memref<10000x128xf32, #tpu.memory_space<vmem_shared>> -> memref<8x128xf32, #tpu.memory_space<vmem_shared>>
    %dma_wait3A_2184 = arith.constant 0 : i32
    %dma_wait3A_2185 = tpu.memref_slice %arg16[%add3A_2178, %dma_wait3A_2184] : memref<10000x128xf32, #tpu.memory_space<vmem_shared>> -> memref<8x128xf32, #tpu.memory_space<vmem_shared>>
    %dma_wait3A_2186 = arith.constant 0 : i32
    %dma_wait3A_2187 = arith.constant 0 : i32
    %dma_wait3A_2188 = tpu.memref_slice %arg11[%dma_wait3A_2186, %dma_wait3A_2187] : memref<128x128xf32, #tpu.memory_space<vmem>> -> memref<8x128xf32, #tpu.memory_space<vmem>>
    tpu.wait_dma2 semaphore(%arg24 : memref<!tpu.dma_semaphore, #tpu.memory_space<semaphore_mem>>) src(%dma_wait3A_2188 : memref<8x128xf32, #tpu.memory_space<vmem>>) dst(%dma_wait3A_2185 : memref<8x128xf32, #tpu.memory_space<vmem_shared>>)
    %mul3A_2189 = arith.constant 624 : i32
    %mul3A_2190 = arith.muli %arg1, %mul3A_2189 : i32
    %add3A_2191 = arith.constant 360 : i32
    %add3A_2192 = arith.addi %mul3A_2190, %add3A_2191 : i32
    %dma_wait3A_2193 = arith.constant 0 : i32
    %dma_wait3A_2194 = arith.constant 0 : i32
    %dma_wait3A_2195 = tpu.memref_slice %arg11[%dma_wait3A_2193, %dma_wait3A_2194] : memref<128x128xf32, #tpu.memory_space<vmem>> -> memref<8x128xf32, #tpu.memory_space<vmem>>
    %dma_wait3A_2196 = arith.constant 0 : i32
    %dma_wait3A_2197 = tpu.memref_slice %arg16[%add3A_2192, %dma_wait3A_2196] : memref<10000x128xf32, #tpu.memory_space<vmem_shared>> -> memref<8x128xf32, #tpu.memory_space<vmem_shared>>
    %dma_wait3A_2198 = arith.constant 0 : i32
    %dma_wait3A_2199 = tpu.memref_slice %arg16[%add3A_2192, %dma_wait3A_2198] : memref<10000x128xf32, #tpu.memory_space<vmem_shared>> -> memref<8x128xf32, #tpu.memory_space<vmem_shared>>
    %dma_wait3A_2200 = arith.constant 0 : i32
    %dma_wait3A_2201 = arith.constant 0 : i32
    %dma_wait3A_2202 = tpu.memref_slice %arg11[%dma_wait3A_2200, %dma_wait3A_2201] : memref<128x128xf32, #tpu.memory_space<vmem>> -> memref<8x128xf32, #tpu.memory_space<vmem>>
    tpu.wait_dma2 semaphore(%arg24 : memref<!tpu.dma_semaphore, #tpu.memory_space<semaphore_mem>>) src(%dma_wait3A_2202 : memref<8x128xf32, #tpu.memory_space<vmem>>) dst(%dma_wait3A_2199 : memref<8x128xf32, #tpu.memory_space<vmem_shared>>)
    %mul3A_2203 = arith.constant 624 : i32
    %mul3A_2204 = arith.muli %arg1, %mul3A_2203 : i32
    %add3A_2205 = arith.constant 368 : i32
    %add3A_2206 = arith.addi %mul3A_2204, %add3A_2205 : i32
    %dma_wait3A_2207 = arith.constant 0 : i32
    %dma_wait3A_2208 = arith.constant 0 : i32
    %dma_wait3A_2209 = tpu.memref_slice %arg11[%dma_wait3A_2207, %dma_wait3A_2208] : memref<128x128xf32, #tpu.memory_space<vmem>> -> memref<8x128xf32, #tpu.memory_space<vmem>>
    %dma_wait3A_2210 = arith.constant 0 : i32
    %dma_wait3A_2211 = tpu.memref_slice %arg16[%add3A_2206, %dma_wait3A_2210] : memref<10000x128xf32, #tpu.memory_space<vmem_shared>> -> memref<8x128xf32, #tpu.memory_space<vmem_shared>>
    %dma_wait3A_2212 = arith.constant 0 : i32
    %dma_wait3A_2213 = tpu.memref_slice %arg16[%add3A_2206, %dma_wait3A_2212] : memref<10000x128xf32, #tpu.memory_space<vmem_shared>> -> memref<8x128xf32, #tpu.memory_space<vmem_shared>>
    %dma_wait3A_2214 = arith.constant 0 : i32
    %dma_wait3A_2215 = arith.constant 0 : i32
    %dma_wait3A_2216 = tpu.memref_slice %arg11[%dma_wait3A_2214, %dma_wait3A_2215] : memref<128x128xf32, #tpu.memory_space<vmem>> -> memref<8x128xf32, #tpu.memory_space<vmem>>
    tpu.wait_dma2 semaphore(%arg24 : memref<!tpu.dma_semaphore, #tpu.memory_space<semaphore_mem>>) src(%dma_wait3A_2216 : memref<8x128xf32, #tpu.memory_space<vmem>>) dst(%dma_wait3A_2213 : memref<8x128xf32, #tpu.memory_space<vmem_shared>>)
    %mul3A_2217 = arith.constant 624 : i32
    %mul3A_2218 = arith.muli %arg1, %mul3A_2217 : i32
    %add3A_2219 = arith.constant 376 : i32
    %add3A_2220 = arith.addi %mul3A_2218, %add3A_2219 : i32
    %dma_wait3A_2221 = arith.constant 0 : i32
    %dma_wait3A_2222 = arith.constant 0 : i32
    %dma_wait3A_2223 = tpu.memref_slice %arg11[%dma_wait3A_2221, %dma_wait3A_2222] : memref<128x128xf32, #tpu.memory_space<vmem>> -> memref<8x128xf32, #tpu.memory_space<vmem>>
    %dma_wait3A_2224 = arith.constant 0 : i32
    %dma_wait3A_2225 = tpu.memref_slice %arg16[%add3A_2220, %dma_wait3A_2224] : memref<10000x128xf32, #tpu.memory_space<vmem_shared>> -> memref<8x128xf32, #tpu.memory_space<vmem_shared>>
    %dma_wait3A_2226 = arith.constant 0 : i32
    %dma_wait3A_2227 = tpu.memref_slice %arg16[%add3A_2220, %dma_wait3A_2226] : memref<10000x128xf32, #tpu.memory_space<vmem_shared>> -> memref<8x128xf32, #tpu.memory_space<vmem_shared>>
    %dma_wait3A_2228 = arith.constant 0 : i32
    %dma_wait3A_2229 = arith.constant 0 : i32
    %dma_wait3A_2230 = tpu.memref_slice %arg11[%dma_wait3A_2228, %dma_wait3A_2229] : memref<128x128xf32, #tpu.memory_space<vmem>> -> memref<8x128xf32, #tpu.memory_space<vmem>>
    tpu.wait_dma2 semaphore(%arg24 : memref<!tpu.dma_semaphore, #tpu.memory_space<semaphore_mem>>) src(%dma_wait3A_2230 : memref<8x128xf32, #tpu.memory_space<vmem>>) dst(%dma_wait3A_2227 : memref<8x128xf32, #tpu.memory_space<vmem_shared>>)
    %mul3A_2231 = arith.constant 624 : i32
    %mul3A_2232 = arith.muli %arg1, %mul3A_2231 : i32
    %add3A_2233 = arith.constant 384 : i32
    %add3A_2234 = arith.addi %mul3A_2232, %add3A_2233 : i32
    %dma_wait3A_2235 = arith.constant 0 : i32
    %dma_wait3A_2236 = arith.constant 0 : i32
    %dma_wait3A_2237 = tpu.memref_slice %arg11[%dma_wait3A_2235, %dma_wait3A_2236] : memref<128x128xf32, #tpu.memory_space<vmem>> -> memref<8x128xf32, #tpu.memory_space<vmem>>
    %dma_wait3A_2238 = arith.constant 0 : i32
    %dma_wait3A_2239 = tpu.memref_slice %arg16[%add3A_2234, %dma_wait3A_2238] : memref<10000x128xf32, #tpu.memory_space<vmem_shared>> -> memref<8x128xf32, #tpu.memory_space<vmem_shared>>
    %dma_wait3A_2240 = arith.constant 0 : i32
    %dma_wait3A_2241 = tpu.memref_slice %arg16[%add3A_2234, %dma_wait3A_2240] : memref<10000x128xf32, #tpu.memory_space<vmem_shared>> -> memref<8x128xf32, #tpu.memory_space<vmem_shared>>
    %dma_wait3A_2242 = arith.constant 0 : i32
    %dma_wait3A_2243 = arith.constant 0 : i32
    %dma_wait3A_2244 = tpu.memref_slice %arg11[%dma_wait3A_2242, %dma_wait3A_2243] : memref<128x128xf32, #tpu.memory_space<vmem>> -> memref<8x128xf32, #tpu.memory_space<vmem>>
    tpu.wait_dma2 semaphore(%arg24 : memref<!tpu.dma_semaphore, #tpu.memory_space<semaphore_mem>>) src(%dma_wait3A_2244 : memref<8x128xf32, #tpu.memory_space<vmem>>) dst(%dma_wait3A_2241 : memref<8x128xf32, #tpu.memory_space<vmem_shared>>)
    %mul3A_2245 = arith.constant 624 : i32
    %mul3A_2246 = arith.muli %arg1, %mul3A_2245 : i32
    %add3A_2247 = arith.constant 392 : i32
    %add3A_2248 = arith.addi %mul3A_2246, %add3A_2247 : i32
    %dma_wait3A_2249 = arith.constant 0 : i32
    %dma_wait3A_2250 = arith.constant 0 : i32
    %dma_wait3A_2251 = tpu.memref_slice %arg11[%dma_wait3A_2249, %dma_wait3A_2250] : memref<128x128xf32, #tpu.memory_space<vmem>> -> memref<8x128xf32, #tpu.memory_space<vmem>>
    %dma_wait3A_2252 = arith.constant 0 : i32
    %dma_wait3A_2253 = tpu.memref_slice %arg16[%add3A_2248, %dma_wait3A_2252] : memref<10000x128xf32, #tpu.memory_space<vmem_shared>> -> memref<8x128xf32, #tpu.memory_space<vmem_shared>>
    %dma_wait3A_2254 = arith.constant 0 : i32
    %dma_wait3A_2255 = tpu.memref_slice %arg16[%add3A_2248, %dma_wait3A_2254] : memref<10000x128xf32, #tpu.memory_space<vmem_shared>> -> memref<8x128xf32, #tpu.memory_space<vmem_shared>>
    %dma_wait3A_2256 = arith.constant 0 : i32
    %dma_wait3A_2257 = arith.constant 0 : i32
    %dma_wait3A_2258 = tpu.memref_slice %arg11[%dma_wait3A_2256, %dma_wait3A_2257] : memref<128x128xf32, #tpu.memory_space<vmem>> -> memref<8x128xf32, #tpu.memory_space<vmem>>
    tpu.wait_dma2 semaphore(%arg24 : memref<!tpu.dma_semaphore, #tpu.memory_space<semaphore_mem>>) src(%dma_wait3A_2258 : memref<8x128xf32, #tpu.memory_space<vmem>>) dst(%dma_wait3A_2255 : memref<8x128xf32, #tpu.memory_space<vmem_shared>>)
    %mul3A_2259 = arith.constant 624 : i32
    %mul3A_2260 = arith.muli %arg1, %mul3A_2259 : i32
    %add3A_2261 = arith.constant 400 : i32
    %add3A_2262 = arith.addi %mul3A_2260, %add3A_2261 : i32
    %dma_wait3A_2263 = arith.constant 0 : i32
    %dma_wait3A_2264 = arith.constant 0 : i32
    %dma_wait3A_2265 = tpu.memref_slice %arg11[%dma_wait3A_2263, %dma_wait3A_2264] : memref<128x128xf32, #tpu.memory_space<vmem>> -> memref<8x128xf32, #tpu.memory_space<vmem>>
    %dma_wait3A_2266 = arith.constant 0 : i32
    %dma_wait3A_2267 = tpu.memref_slice %arg16[%add3A_2262, %dma_wait3A_2266] : memref<10000x128xf32, #tpu.memory_space<vmem_shared>> -> memref<8x128xf32, #tpu.memory_space<vmem_shared>>
    %dma_wait3A_2268 = arith.constant 0 : i32
    %dma_wait3A_2269 = tpu.memref_slice %arg16[%add3A_2262, %dma_wait3A_2268] : memref<10000x128xf32, #tpu.memory_space<vmem_shared>> -> memref<8x128xf32, #tpu.memory_space<vmem_shared>>
    %dma_wait3A_2270 = arith.constant 0 : i32
    %dma_wait3A_2271 = arith.constant 0 : i32
    %dma_wait3A_2272 = tpu.memref_slice %arg11[%dma_wait3A_2270, %dma_wait3A_2271] : memref<128x128xf32, #tpu.memory_space<vmem>> -> memref<8x128xf32, #tpu.memory_space<vmem>>
    tpu.wait_dma2 semaphore(%arg24 : memref<!tpu.dma_semaphore, #tpu.memory_space<semaphore_mem>>) src(%dma_wait3A_2272 : memref<8x128xf32, #tpu.memory_space<vmem>>) dst(%dma_wait3A_2269 : memref<8x128xf32, #tpu.memory_space<vmem_shared>>)
    %mul3A_2273 = arith.constant 624 : i32
    %mul3A_2274 = arith.muli %arg1, %mul3A_2273 : i32
    %add3A_2275 = arith.constant 408 : i32
    %add3A_2276 = arith.addi %mul3A_2274, %add3A_2275 : i32
    %dma_wait3A_2277 = arith.constant 0 : i32
    %dma_wait3A_2278 = arith.constant 0 : i32
    %dma_wait3A_2279 = tpu.memref_slice %arg11[%dma_wait3A_2277, %dma_wait3A_2278] : memref<128x128xf32, #tpu.memory_space<vmem>> -> memref<8x128xf32, #tpu.memory_space<vmem>>
    %dma_wait3A_2280 = arith.constant 0 : i32
    %dma_wait3A_2281 = tpu.memref_slice %arg16[%add3A_2276, %dma_wait3A_2280] : memref<10000x128xf32, #tpu.memory_space<vmem_shared>> -> memref<8x128xf32, #tpu.memory_space<vmem_shared>>
    %dma_wait3A_2282 = arith.constant 0 : i32
    %dma_wait3A_2283 = tpu.memref_slice %arg16[%add3A_2276, %dma_wait3A_2282] : memref<10000x128xf32, #tpu.memory_space<vmem_shared>> -> memref<8x128xf32, #tpu.memory_space<vmem_shared>>
    %dma_wait3A_2284 = arith.constant 0 : i32
    %dma_wait3A_2285 = arith.constant 0 : i32
    %dma_wait3A_2286 = tpu.memref_slice %arg11[%dma_wait3A_2284, %dma_wait3A_2285] : memref<128x128xf32, #tpu.memory_space<vmem>> -> memref<8x128xf32, #tpu.memory_space<vmem>>
    tpu.wait_dma2 semaphore(%arg24 : memref<!tpu.dma_semaphore, #tpu.memory_space<semaphore_mem>>) src(%dma_wait3A_2286 : memref<8x128xf32, #tpu.memory_space<vmem>>) dst(%dma_wait3A_2283 : memref<8x128xf32, #tpu.memory_space<vmem_shared>>)
    %mul3A_2287 = arith.constant 624 : i32
    %mul3A_2288 = arith.muli %arg1, %mul3A_2287 : i32
    %add3A_2289 = arith.constant 416 : i32
    %add3A_2290 = arith.addi %mul3A_2288, %add3A_2289 : i32
    %dma_wait3A_2291 = arith.constant 0 : i32
    %dma_wait3A_2292 = arith.constant 0 : i32
    %dma_wait3A_2293 = tpu.memref_slice %arg11[%dma_wait3A_2291, %dma_wait3A_2292] : memref<128x128xf32, #tpu.memory_space<vmem>> -> memref<8x128xf32, #tpu.memory_space<vmem>>
    %dma_wait3A_2294 = arith.constant 0 : i32
    %dma_wait3A_2295 = tpu.memref_slice %arg16[%add3A_2290, %dma_wait3A_2294] : memref<10000x128xf32, #tpu.memory_space<vmem_shared>> -> memref<8x128xf32, #tpu.memory_space<vmem_shared>>
    %dma_wait3A_2296 = arith.constant 0 : i32
    %dma_wait3A_2297 = tpu.memref_slice %arg16[%add3A_2290, %dma_wait3A_2296] : memref<10000x128xf32, #tpu.memory_space<vmem_shared>> -> memref<8x128xf32, #tpu.memory_space<vmem_shared>>
    %dma_wait3A_2298 = arith.constant 0 : i32
    %dma_wait3A_2299 = arith.constant 0 : i32
    %dma_wait3A_2300 = tpu.memref_slice %arg11[%dma_wait3A_2298, %dma_wait3A_2299] : memref<128x128xf32, #tpu.memory_space<vmem>> -> memref<8x128xf32, #tpu.memory_space<vmem>>
    tpu.wait_dma2 semaphore(%arg24 : memref<!tpu.dma_semaphore, #tpu.memory_space<semaphore_mem>>) src(%dma_wait3A_2300 : memref<8x128xf32, #tpu.memory_space<vmem>>) dst(%dma_wait3A_2297 : memref<8x128xf32, #tpu.memory_space<vmem_shared>>)
    %mul3A_2301 = arith.constant 624 : i32
    %mul3A_2302 = arith.muli %arg1, %mul3A_2301 : i32
    %add3A_2303 = arith.constant 424 : i32
    %add3A_2304 = arith.addi %mul3A_2302, %add3A_2303 : i32
    %dma_wait3A_2305 = arith.constant 0 : i32
    %dma_wait3A_2306 = arith.constant 0 : i32
    %dma_wait3A_2307 = tpu.memref_slice %arg11[%dma_wait3A_2305, %dma_wait3A_2306] : memref<128x128xf32, #tpu.memory_space<vmem>> -> memref<8x128xf32, #tpu.memory_space<vmem>>
    %dma_wait3A_2308 = arith.constant 0 : i32
    %dma_wait3A_2309 = tpu.memref_slice %arg16[%add3A_2304, %dma_wait3A_2308] : memref<10000x128xf32, #tpu.memory_space<vmem_shared>> -> memref<8x128xf32, #tpu.memory_space<vmem_shared>>
    %dma_wait3A_2310 = arith.constant 0 : i32
    %dma_wait3A_2311 = tpu.memref_slice %arg16[%add3A_2304, %dma_wait3A_2310] : memref<10000x128xf32, #tpu.memory_space<vmem_shared>> -> memref<8x128xf32, #tpu.memory_space<vmem_shared>>
    %dma_wait3A_2312 = arith.constant 0 : i32
    %dma_wait3A_2313 = arith.constant 0 : i32
    %dma_wait3A_2314 = tpu.memref_slice %arg11[%dma_wait3A_2312, %dma_wait3A_2313] : memref<128x128xf32, #tpu.memory_space<vmem>> -> memref<8x128xf32, #tpu.memory_space<vmem>>
    tpu.wait_dma2 semaphore(%arg24 : memref<!tpu.dma_semaphore, #tpu.memory_space<semaphore_mem>>) src(%dma_wait3A_2314 : memref<8x128xf32, #tpu.memory_space<vmem>>) dst(%dma_wait3A_2311 : memref<8x128xf32, #tpu.memory_space<vmem_shared>>)
    %mul3A_2315 = arith.constant 624 : i32
    %mul3A_2316 = arith.muli %arg1, %mul3A_2315 : i32
    %add3A_2317 = arith.constant 432 : i32
    %add3A_2318 = arith.addi %mul3A_2316, %add3A_2317 : i32
    %dma_wait3A_2319 = arith.constant 0 : i32
    %dma_wait3A_2320 = arith.constant 0 : i32
    %dma_wait3A_2321 = tpu.memref_slice %arg11[%dma_wait3A_2319, %dma_wait3A_2320] : memref<128x128xf32, #tpu.memory_space<vmem>> -> memref<8x128xf32, #tpu.memory_space<vmem>>
    %dma_wait3A_2322 = arith.constant 0 : i32
    %dma_wait3A_2323 = tpu.memref_slice %arg16[%add3A_2318, %dma_wait3A_2322] : memref<10000x128xf32, #tpu.memory_space<vmem_shared>> -> memref<8x128xf32, #tpu.memory_space<vmem_shared>>
    %dma_wait3A_2324 = arith.constant 0 : i32
    %dma_wait3A_2325 = tpu.memref_slice %arg16[%add3A_2318, %dma_wait3A_2324] : memref<10000x128xf32, #tpu.memory_space<vmem_shared>> -> memref<8x128xf32, #tpu.memory_space<vmem_shared>>
    %dma_wait3A_2326 = arith.constant 0 : i32
    %dma_wait3A_2327 = arith.constant 0 : i32
    %dma_wait3A_2328 = tpu.memref_slice %arg11[%dma_wait3A_2326, %dma_wait3A_2327] : memref<128x128xf32, #tpu.memory_space<vmem>> -> memref<8x128xf32, #tpu.memory_space<vmem>>
    tpu.wait_dma2 semaphore(%arg24 : memref<!tpu.dma_semaphore, #tpu.memory_space<semaphore_mem>>) src(%dma_wait3A_2328 : memref<8x128xf32, #tpu.memory_space<vmem>>) dst(%dma_wait3A_2325 : memref<8x128xf32, #tpu.memory_space<vmem_shared>>)
    %mul3A_2329 = arith.constant 624 : i32
    %mul3A_2330 = arith.muli %arg1, %mul3A_2329 : i32
    %add3A_2331 = arith.constant 440 : i32
    %add3A_2332 = arith.addi %mul3A_2330, %add3A_2331 : i32
    %dma_wait3A_2333 = arith.constant 0 : i32
    %dma_wait3A_2334 = arith.constant 0 : i32
    %dma_wait3A_2335 = tpu.memref_slice %arg11[%dma_wait3A_2333, %dma_wait3A_2334] : memref<128x128xf32, #tpu.memory_space<vmem>> -> memref<8x128xf32, #tpu.memory_space<vmem>>
    %dma_wait3A_2336 = arith.constant 0 : i32
    %dma_wait3A_2337 = tpu.memref_slice %arg16[%add3A_2332, %dma_wait3A_2336] : memref<10000x128xf32, #tpu.memory_space<vmem_shared>> -> memref<8x128xf32, #tpu.memory_space<vmem_shared>>
    %dma_wait3A_2338 = arith.constant 0 : i32
    %dma_wait3A_2339 = tpu.memref_slice %arg16[%add3A_2332, %dma_wait3A_2338] : memref<10000x128xf32, #tpu.memory_space<vmem_shared>> -> memref<8x128xf32, #tpu.memory_space<vmem_shared>>
    %dma_wait3A_2340 = arith.constant 0 : i32
    %dma_wait3A_2341 = arith.constant 0 : i32
    %dma_wait3A_2342 = tpu.memref_slice %arg11[%dma_wait3A_2340, %dma_wait3A_2341] : memref<128x128xf32, #tpu.memory_space<vmem>> -> memref<8x128xf32, #tpu.memory_space<vmem>>
    tpu.wait_dma2 semaphore(%arg24 : memref<!tpu.dma_semaphore, #tpu.memory_space<semaphore_mem>>) src(%dma_wait3A_2342 : memref<8x128xf32, #tpu.memory_space<vmem>>) dst(%dma_wait3A_2339 : memref<8x128xf32, #tpu.memory_space<vmem_shared>>)
    %mul3A_2343 = arith.constant 624 : i32
    %mul3A_2344 = arith.muli %arg1, %mul3A_2343 : i32
    %add3A_2345 = arith.constant 448 : i32
    %add3A_2346 = arith.addi %mul3A_2344, %add3A_2345 : i32
    %dma_wait3A_2347 = arith.constant 0 : i32
    %dma_wait3A_2348 = arith.constant 0 : i32
    %dma_wait3A_2349 = tpu.memref_slice %arg11[%dma_wait3A_2347, %dma_wait3A_2348] : memref<128x128xf32, #tpu.memory_space<vmem>> -> memref<8x128xf32, #tpu.memory_space<vmem>>
    %dma_wait3A_2350 = arith.constant 0 : i32
    %dma_wait3A_2351 = tpu.memref_slice %arg16[%add3A_2346, %dma_wait3A_2350] : memref<10000x128xf32, #tpu.memory_space<vmem_shared>> -> memref<8x128xf32, #tpu.memory_space<vmem_shared>>
    %dma_wait3A_2352 = arith.constant 0 : i32
    %dma_wait3A_2353 = tpu.memref_slice %arg16[%add3A_2346, %dma_wait3A_2352] : memref<10000x128xf32, #tpu.memory_space<vmem_shared>> -> memref<8x128xf32, #tpu.memory_space<vmem_shared>>
    %dma_wait3A_2354 = arith.constant 0 : i32
    %dma_wait3A_2355 = arith.constant 0 : i32
    %dma_wait3A_2356 = tpu.memref_slice %arg11[%dma_wait3A_2354, %dma_wait3A_2355] : memref<128x128xf32, #tpu.memory_space<vmem>> -> memref<8x128xf32, #tpu.memory_space<vmem>>
    tpu.wait_dma2 semaphore(%arg24 : memref<!tpu.dma_semaphore, #tpu.memory_space<semaphore_mem>>) src(%dma_wait3A_2356 : memref<8x128xf32, #tpu.memory_space<vmem>>) dst(%dma_wait3A_2353 : memref<8x128xf32, #tpu.memory_space<vmem_shared>>)
    %mul3A_2357 = arith.constant 624 : i32
    %mul3A_2358 = arith.muli %arg1, %mul3A_2357 : i32
    %add3A_2359 = arith.constant 456 : i32
    %add3A_2360 = arith.addi %mul3A_2358, %add3A_2359 : i32
    %dma_wait3A_2361 = arith.constant 0 : i32
    %dma_wait3A_2362 = arith.constant 0 : i32
    %dma_wait3A_2363 = tpu.memref_slice %arg11[%dma_wait3A_2361, %dma_wait3A_2362] : memref<128x128xf32, #tpu.memory_space<vmem>> -> memref<8x128xf32, #tpu.memory_space<vmem>>
    %dma_wait3A_2364 = arith.constant 0 : i32
    %dma_wait3A_2365 = tpu.memref_slice %arg16[%add3A_2360, %dma_wait3A_2364] : memref<10000x128xf32, #tpu.memory_space<vmem_shared>> -> memref<8x128xf32, #tpu.memory_space<vmem_shared>>
    %dma_wait3A_2366 = arith.constant 0 : i32
    %dma_wait3A_2367 = tpu.memref_slice %arg16[%add3A_2360, %dma_wait3A_2366] : memref<10000x128xf32, #tpu.memory_space<vmem_shared>> -> memref<8x128xf32, #tpu.memory_space<vmem_shared>>
    %dma_wait3A_2368 = arith.constant 0 : i32
    %dma_wait3A_2369 = arith.constant 0 : i32
    %dma_wait3A_2370 = tpu.memref_slice %arg11[%dma_wait3A_2368, %dma_wait3A_2369] : memref<128x128xf32, #tpu.memory_space<vmem>> -> memref<8x128xf32, #tpu.memory_space<vmem>>
    tpu.wait_dma2 semaphore(%arg24 : memref<!tpu.dma_semaphore, #tpu.memory_space<semaphore_mem>>) src(%dma_wait3A_2370 : memref<8x128xf32, #tpu.memory_space<vmem>>) dst(%dma_wait3A_2367 : memref<8x128xf32, #tpu.memory_space<vmem_shared>>)
    %mul3A_2371 = arith.constant 624 : i32
    %mul3A_2372 = arith.muli %arg1, %mul3A_2371 : i32
    %add3A_2373 = arith.constant 464 : i32
    %add3A_2374 = arith.addi %mul3A_2372, %add3A_2373 : i32
    %dma_wait3A_2375 = arith.constant 0 : i32
    %dma_wait3A_2376 = arith.constant 0 : i32
    %dma_wait3A_2377 = tpu.memref_slice %arg11[%dma_wait3A_2375, %dma_wait3A_2376] : memref<128x128xf32, #tpu.memory_space<vmem>> -> memref<8x128xf32, #tpu.memory_space<vmem>>
    %dma_wait3A_2378 = arith.constant 0 : i32
    %dma_wait3A_2379 = tpu.memref_slice %arg16[%add3A_2374, %dma_wait3A_2378] : memref<10000x128xf32, #tpu.memory_space<vmem_shared>> -> memref<8x128xf32, #tpu.memory_space<vmem_shared>>
    %dma_wait3A_2380 = arith.constant 0 : i32
    %dma_wait3A_2381 = tpu.memref_slice %arg16[%add3A_2374, %dma_wait3A_2380] : memref<10000x128xf32, #tpu.memory_space<vmem_shared>> -> memref<8x128xf32, #tpu.memory_space<vmem_shared>>
    %dma_wait3A_2382 = arith.constant 0 : i32
    %dma_wait3A_2383 = arith.constant 0 : i32
    %dma_wait3A_2384 = tpu.memref_slice %arg11[%dma_wait3A_2382, %dma_wait3A_2383] : memref<128x128xf32, #tpu.memory_space<vmem>> -> memref<8x128xf32, #tpu.memory_space<vmem>>
    tpu.wait_dma2 semaphore(%arg24 : memref<!tpu.dma_semaphore, #tpu.memory_space<semaphore_mem>>) src(%dma_wait3A_2384 : memref<8x128xf32, #tpu.memory_space<vmem>>) dst(%dma_wait3A_2381 : memref<8x128xf32, #tpu.memory_space<vmem_shared>>)
    %mul3A_2385 = arith.constant 624 : i32
    %mul3A_2386 = arith.muli %arg1, %mul3A_2385 : i32
    %add3A_2387 = arith.constant 472 : i32
    %add3A_2388 = arith.addi %mul3A_2386, %add3A_2387 : i32
    %dma_wait3A_2389 = arith.constant 0 : i32
    %dma_wait3A_2390 = arith.constant 0 : i32
    %dma_wait3A_2391 = tpu.memref_slice %arg11[%dma_wait3A_2389, %dma_wait3A_2390] : memref<128x128xf32, #tpu.memory_space<vmem>> -> memref<8x128xf32, #tpu.memory_space<vmem>>
    %dma_wait3A_2392 = arith.constant 0 : i32
    %dma_wait3A_2393 = tpu.memref_slice %arg16[%add3A_2388, %dma_wait3A_2392] : memref<10000x128xf32, #tpu.memory_space<vmem_shared>> -> memref<8x128xf32, #tpu.memory_space<vmem_shared>>
    %dma_wait3A_2394 = arith.constant 0 : i32
    %dma_wait3A_2395 = tpu.memref_slice %arg16[%add3A_2388, %dma_wait3A_2394] : memref<10000x128xf32, #tpu.memory_space<vmem_shared>> -> memref<8x128xf32, #tpu.memory_space<vmem_shared>>
    %dma_wait3A_2396 = arith.constant 0 : i32
    %dma_wait3A_2397 = arith.constant 0 : i32
    %dma_wait3A_2398 = tpu.memref_slice %arg11[%dma_wait3A_2396, %dma_wait3A_2397] : memref<128x128xf32, #tpu.memory_space<vmem>> -> memref<8x128xf32, #tpu.memory_space<vmem>>
    tpu.wait_dma2 semaphore(%arg24 : memref<!tpu.dma_semaphore, #tpu.memory_space<semaphore_mem>>) src(%dma_wait3A_2398 : memref<8x128xf32, #tpu.memory_space<vmem>>) dst(%dma_wait3A_2395 : memref<8x128xf32, #tpu.memory_space<vmem_shared>>)
    %mul3A_2399 = arith.constant 624 : i32
    %mul3A_2400 = arith.muli %arg1, %mul3A_2399 : i32
    %add3A_2401 = arith.constant 480 : i32
    %add3A_2402 = arith.addi %mul3A_2400, %add3A_2401 : i32
    %dma_wait3A_2403 = arith.constant 0 : i32
    %dma_wait3A_2404 = arith.constant 0 : i32
    %dma_wait3A_2405 = tpu.memref_slice %arg11[%dma_wait3A_2403, %dma_wait3A_2404] : memref<128x128xf32, #tpu.memory_space<vmem>> -> memref<8x128xf32, #tpu.memory_space<vmem>>
    %dma_wait3A_2406 = arith.constant 0 : i32
    %dma_wait3A_2407 = tpu.memref_slice %arg16[%add3A_2402, %dma_wait3A_2406] : memref<10000x128xf32, #tpu.memory_space<vmem_shared>> -> memref<8x128xf32, #tpu.memory_space<vmem_shared>>
    %dma_wait3A_2408 = arith.constant 0 : i32
    %dma_wait3A_2409 = tpu.memref_slice %arg16[%add3A_2402, %dma_wait3A_2408] : memref<10000x128xf32, #tpu.memory_space<vmem_shared>> -> memref<8x128xf32, #tpu.memory_space<vmem_shared>>
    %dma_wait3A_2410 = arith.constant 0 : i32
    %dma_wait3A_2411 = arith.constant 0 : i32
    %dma_wait3A_2412 = tpu.memref_slice %arg11[%dma_wait3A_2410, %dma_wait3A_2411] : memref<128x128xf32, #tpu.memory_space<vmem>> -> memref<8x128xf32, #tpu.memory_space<vmem>>
    tpu.wait_dma2 semaphore(%arg24 : memref<!tpu.dma_semaphore, #tpu.memory_space<semaphore_mem>>) src(%dma_wait3A_2412 : memref<8x128xf32, #tpu.memory_space<vmem>>) dst(%dma_wait3A_2409 : memref<8x128xf32, #tpu.memory_space<vmem_shared>>)
    %mul3A_2413 = arith.constant 624 : i32
    %mul3A_2414 = arith.muli %arg1, %mul3A_2413 : i32
    %add3A_2415 = arith.constant 488 : i32
    %add3A_2416 = arith.addi %mul3A_2414, %add3A_2415 : i32
    %dma_wait3A_2417 = arith.constant 0 : i32
    %dma_wait3A_2418 = arith.constant 0 : i32
    %dma_wait3A_2419 = tpu.memref_slice %arg11[%dma_wait3A_2417, %dma_wait3A_2418] : memref<128x128xf32, #tpu.memory_space<vmem>> -> memref<8x128xf32, #tpu.memory_space<vmem>>
    %dma_wait3A_2420 = arith.constant 0 : i32
    %dma_wait3A_2421 = tpu.memref_slice %arg16[%add3A_2416, %dma_wait3A_2420] : memref<10000x128xf32, #tpu.memory_space<vmem_shared>> -> memref<8x128xf32, #tpu.memory_space<vmem_shared>>
    %dma_wait3A_2422 = arith.constant 0 : i32
    %dma_wait3A_2423 = tpu.memref_slice %arg16[%add3A_2416, %dma_wait3A_2422] : memref<10000x128xf32, #tpu.memory_space<vmem_shared>> -> memref<8x128xf32, #tpu.memory_space<vmem_shared>>
    %dma_wait3A_2424 = arith.constant 0 : i32
    %dma_wait3A_2425 = arith.constant 0 : i32
    %dma_wait3A_2426 = tpu.memref_slice %arg11[%dma_wait3A_2424, %dma_wait3A_2425] : memref<128x128xf32, #tpu.memory_space<vmem>> -> memref<8x128xf32, #tpu.memory_space<vmem>>
    tpu.wait_dma2 semaphore(%arg24 : memref<!tpu.dma_semaphore, #tpu.memory_space<semaphore_mem>>) src(%dma_wait3A_2426 : memref<8x128xf32, #tpu.memory_space<vmem>>) dst(%dma_wait3A_2423 : memref<8x128xf32, #tpu.memory_space<vmem_shared>>)
    %mul3A_2427 = arith.constant 624 : i32
    %mul3A_2428 = arith.muli %arg1, %mul3A_2427 : i32
    %add3A_2429 = arith.constant 496 : i32
    %add3A_2430 = arith.addi %mul3A_2428, %add3A_2429 : i32
    %dma_wait3A_2431 = arith.constant 0 : i32
    %dma_wait3A_2432 = arith.constant 0 : i32
    %dma_wait3A_2433 = tpu.memref_slice %arg11[%dma_wait3A_2431, %dma_wait3A_2432] : memref<128x128xf32, #tpu.memory_space<vmem>> -> memref<8x128xf32, #tpu.memory_space<vmem>>
    %dma_wait3A_2434 = arith.constant 0 : i32
    %dma_wait3A_2435 = tpu.memref_slice %arg16[%add3A_2430, %dma_wait3A_2434] : memref<10000x128xf32, #tpu.memory_space<vmem_shared>> -> memref<8x128xf32, #tpu.memory_space<vmem_shared>>
    %dma_wait3A_2436 = arith.constant 0 : i32
    %dma_wait3A_2437 = tpu.memref_slice %arg16[%add3A_2430, %dma_wait3A_2436] : memref<10000x128xf32, #tpu.memory_space<vmem_shared>> -> memref<8x128xf32, #tpu.memory_space<vmem_shared>>
    %dma_wait3A_2438 = arith.constant 0 : i32
    %dma_wait3A_2439 = arith.constant 0 : i32
    %dma_wait3A_2440 = tpu.memref_slice %arg11[%dma_wait3A_2438, %dma_wait3A_2439] : memref<128x128xf32, #tpu.memory_space<vmem>> -> memref<8x128xf32, #tpu.memory_space<vmem>>
    tpu.wait_dma2 semaphore(%arg24 : memref<!tpu.dma_semaphore, #tpu.memory_space<semaphore_mem>>) src(%dma_wait3A_2440 : memref<8x128xf32, #tpu.memory_space<vmem>>) dst(%dma_wait3A_2437 : memref<8x128xf32, #tpu.memory_space<vmem_shared>>)
    %mul3A_2441 = arith.constant 624 : i32
    %mul3A_2442 = arith.muli %arg1, %mul3A_2441 : i32
    %add3A_2443 = arith.constant 504 : i32
    %add3A_2444 = arith.addi %mul3A_2442, %add3A_2443 : i32
    %dma_wait3A_2445 = arith.constant 0 : i32
    %dma_wait3A_2446 = arith.constant 0 : i32
    %dma_wait3A_2447 = tpu.memref_slice %arg11[%dma_wait3A_2445, %dma_wait3A_2446] : memref<128x128xf32, #tpu.memory_space<vmem>> -> memref<8x128xf32, #tpu.memory_space<vmem>>
    %dma_wait3A_2448 = arith.constant 0 : i32
    %dma_wait3A_2449 = tpu.memref_slice %arg16[%add3A_2444, %dma_wait3A_2448] : memref<10000x128xf32, #tpu.memory_space<vmem_shared>> -> memref<8x128xf32, #tpu.memory_space<vmem_shared>>
    %dma_wait3A_2450 = arith.constant 0 : i32
    %dma_wait3A_2451 = tpu.memref_slice %arg16[%add3A_2444, %dma_wait3A_2450] : memref<10000x128xf32, #tpu.memory_space<vmem_shared>> -> memref<8x128xf32, #tpu.memory_space<vmem_shared>>
    %dma_wait3A_2452 = arith.constant 0 : i32
    %dma_wait3A_2453 = arith.constant 0 : i32
    %dma_wait3A_2454 = tpu.memref_slice %arg11[%dma_wait3A_2452, %dma_wait3A_2453] : memref<128x128xf32, #tpu.memory_space<vmem>> -> memref<8x128xf32, #tpu.memory_space<vmem>>
    tpu.wait_dma2 semaphore(%arg24 : memref<!tpu.dma_semaphore, #tpu.memory_space<semaphore_mem>>) src(%dma_wait3A_2454 : memref<8x128xf32, #tpu.memory_space<vmem>>) dst(%dma_wait3A_2451 : memref<8x128xf32, #tpu.memory_space<vmem_shared>>)
    %mul3A_2455 = arith.constant 624 : i32
    %mul3A_2456 = arith.muli %arg1, %mul3A_2455 : i32
    %add3A_2457 = arith.constant 512 : i32
    %add3A_2458 = arith.addi %mul3A_2456, %add3A_2457 : i32
    %dma_wait3A_2459 = arith.constant 0 : i32
    %dma_wait3A_2460 = arith.constant 0 : i32
    %dma_wait3A_2461 = tpu.memref_slice %arg11[%dma_wait3A_2459, %dma_wait3A_2460] : memref<128x128xf32, #tpu.memory_space<vmem>> -> memref<8x128xf32, #tpu.memory_space<vmem>>
    %dma_wait3A_2462 = arith.constant 0 : i32
    %dma_wait3A_2463 = tpu.memref_slice %arg16[%add3A_2458, %dma_wait3A_2462] : memref<10000x128xf32, #tpu.memory_space<vmem_shared>> -> memref<8x128xf32, #tpu.memory_space<vmem_shared>>
    %dma_wait3A_2464 = arith.constant 0 : i32
    %dma_wait3A_2465 = tpu.memref_slice %arg16[%add3A_2458, %dma_wait3A_2464] : memref<10000x128xf32, #tpu.memory_space<vmem_shared>> -> memref<8x128xf32, #tpu.memory_space<vmem_shared>>
    %dma_wait3A_2466 = arith.constant 0 : i32
    %dma_wait3A_2467 = arith.constant 0 : i32
    %dma_wait3A_2468 = tpu.memref_slice %arg11[%dma_wait3A_2466, %dma_wait3A_2467] : memref<128x128xf32, #tpu.memory_space<vmem>> -> memref<8x128xf32, #tpu.memory_space<vmem>>
    tpu.wait_dma2 semaphore(%arg24 : memref<!tpu.dma_semaphore, #tpu.memory_space<semaphore_mem>>) src(%dma_wait3A_2468 : memref<8x128xf32, #tpu.memory_space<vmem>>) dst(%dma_wait3A_2465 : memref<8x128xf32, #tpu.memory_space<vmem_shared>>)
    %mul3A_2469 = arith.constant 624 : i32
    %mul3A_2470 = arith.muli %arg1, %mul3A_2469 : i32
    %add3A_2471 = arith.constant 520 : i32
    %add3A_2472 = arith.addi %mul3A_2470, %add3A_2471 : i32
    %dma_wait3A_2473 = arith.constant 0 : i32
    %dma_wait3A_2474 = arith.constant 0 : i32
    %dma_wait3A_2475 = tpu.memref_slice %arg11[%dma_wait3A_2473, %dma_wait3A_2474] : memref<128x128xf32, #tpu.memory_space<vmem>> -> memref<8x128xf32, #tpu.memory_space<vmem>>
    %dma_wait3A_2476 = arith.constant 0 : i32
    %dma_wait3A_2477 = tpu.memref_slice %arg16[%add3A_2472, %dma_wait3A_2476] : memref<10000x128xf32, #tpu.memory_space<vmem_shared>> -> memref<8x128xf32, #tpu.memory_space<vmem_shared>>
    %dma_wait3A_2478 = arith.constant 0 : i32
    %dma_wait3A_2479 = tpu.memref_slice %arg16[%add3A_2472, %dma_wait3A_2478] : memref<10000x128xf32, #tpu.memory_space<vmem_shared>> -> memref<8x128xf32, #tpu.memory_space<vmem_shared>>
    %dma_wait3A_2480 = arith.constant 0 : i32
    %dma_wait3A_2481 = arith.constant 0 : i32
    %dma_wait3A_2482 = tpu.memref_slice %arg11[%dma_wait3A_2480, %dma_wait3A_2481] : memref<128x128xf32, #tpu.memory_space<vmem>> -> memref<8x128xf32, #tpu.memory_space<vmem>>
    tpu.wait_dma2 semaphore(%arg24 : memref<!tpu.dma_semaphore, #tpu.memory_space<semaphore_mem>>) src(%dma_wait3A_2482 : memref<8x128xf32, #tpu.memory_space<vmem>>) dst(%dma_wait3A_2479 : memref<8x128xf32, #tpu.memory_space<vmem_shared>>)
    %mul3A_2483 = arith.constant 624 : i32
    %mul3A_2484 = arith.muli %arg1, %mul3A_2483 : i32
    %add3A_2485 = arith.constant 528 : i32
    %add3A_2486 = arith.addi %mul3A_2484, %add3A_2485 : i32
    %dma_wait3A_2487 = arith.constant 0 : i32
    %dma_wait3A_2488 = arith.constant 0 : i32
    %dma_wait3A_2489 = tpu.memref_slice %arg11[%dma_wait3A_2487, %dma_wait3A_2488] : memref<128x128xf32, #tpu.memory_space<vmem>> -> memref<8x128xf32, #tpu.memory_space<vmem>>
    %dma_wait3A_2490 = arith.constant 0 : i32
    %dma_wait3A_2491 = tpu.memref_slice %arg16[%add3A_2486, %dma_wait3A_2490] : memref<10000x128xf32, #tpu.memory_space<vmem_shared>> -> memref<8x128xf32, #tpu.memory_space<vmem_shared>>
    %dma_wait3A_2492 = arith.constant 0 : i32
    %dma_wait3A_2493 = tpu.memref_slice %arg16[%add3A_2486, %dma_wait3A_2492] : memref<10000x128xf32, #tpu.memory_space<vmem_shared>> -> memref<8x128xf32, #tpu.memory_space<vmem_shared>>
    %dma_wait3A_2494 = arith.constant 0 : i32
    %dma_wait3A_2495 = arith.constant 0 : i32
    %dma_wait3A_2496 = tpu.memref_slice %arg11[%dma_wait3A_2494, %dma_wait3A_2495] : memref<128x128xf32, #tpu.memory_space<vmem>> -> memref<8x128xf32, #tpu.memory_space<vmem>>
    tpu.wait_dma2 semaphore(%arg24 : memref<!tpu.dma_semaphore, #tpu.memory_space<semaphore_mem>>) src(%dma_wait3A_2496 : memref<8x128xf32, #tpu.memory_space<vmem>>) dst(%dma_wait3A_2493 : memref<8x128xf32, #tpu.memory_space<vmem_shared>>)
    %mul3A_2497 = arith.constant 624 : i32
    %mul3A_2498 = arith.muli %arg1, %mul3A_2497 : i32
    %add3A_2499 = arith.constant 536 : i32
    %add3A_2500 = arith.addi %mul3A_2498, %add3A_2499 : i32
    %dma_wait3A_2501 = arith.constant 0 : i32
    %dma_wait3A_2502 = arith.constant 0 : i32
    %dma_wait3A_2503 = tpu.memref_slice %arg11[%dma_wait3A_2501, %dma_wait3A_2502] : memref<128x128xf32, #tpu.memory_space<vmem>> -> memref<8x128xf32, #tpu.memory_space<vmem>>
    %dma_wait3A_2504 = arith.constant 0 : i32
    %dma_wait3A_2505 = tpu.memref_slice %arg16[%add3A_2500, %dma_wait3A_2504] : memref<10000x128xf32, #tpu.memory_space<vmem_shared>> -> memref<8x128xf32, #tpu.memory_space<vmem_shared>>
    %dma_wait3A_2506 = arith.constant 0 : i32
    %dma_wait3A_2507 = tpu.memref_slice %arg16[%add3A_2500, %dma_wait3A_2506] : memref<10000x128xf32, #tpu.memory_space<vmem_shared>> -> memref<8x128xf32, #tpu.memory_space<vmem_shared>>
    %dma_wait3A_2508 = arith.constant 0 : i32
    %dma_wait3A_2509 = arith.constant 0 : i32
    %dma_wait3A_2510 = tpu.memref_slice %arg11[%dma_wait3A_2508, %dma_wait3A_2509] : memref<128x128xf32, #tpu.memory_space<vmem>> -> memref<8x128xf32, #tpu.memory_space<vmem>>
    tpu.wait_dma2 semaphore(%arg24 : memref<!tpu.dma_semaphore, #tpu.memory_space<semaphore_mem>>) src(%dma_wait3A_2510 : memref<8x128xf32, #tpu.memory_space<vmem>>) dst(%dma_wait3A_2507 : memref<8x128xf32, #tpu.memory_space<vmem_shared>>)
    %mul3A_2511 = arith.constant 624 : i32
    %mul3A_2512 = arith.muli %arg1, %mul3A_2511 : i32
    %add3A_2513 = arith.constant 544 : i32
    %add3A_2514 = arith.addi %mul3A_2512, %add3A_2513 : i32
    %dma_wait3A_2515 = arith.constant 0 : i32
    %dma_wait3A_2516 = arith.constant 0 : i32
    %dma_wait3A_2517 = tpu.memref_slice %arg11[%dma_wait3A_2515, %dma_wait3A_2516] : memref<128x128xf32, #tpu.memory_space<vmem>> -> memref<8x128xf32, #tpu.memory_space<vmem>>
    %dma_wait3A_2518 = arith.constant 0 : i32
    %dma_wait3A_2519 = tpu.memref_slice %arg16[%add3A_2514, %dma_wait3A_2518] : memref<10000x128xf32, #tpu.memory_space<vmem_shared>> -> memref<8x128xf32, #tpu.memory_space<vmem_shared>>
    %dma_wait3A_2520 = arith.constant 0 : i32
    %dma_wait3A_2521 = tpu.memref_slice %arg16[%add3A_2514, %dma_wait3A_2520] : memref<10000x128xf32, #tpu.memory_space<vmem_shared>> -> memref<8x128xf32, #tpu.memory_space<vmem_shared>>
    %dma_wait3A_2522 = arith.constant 0 : i32
    %dma_wait3A_2523 = arith.constant 0 : i32
    %dma_wait3A_2524 = tpu.memref_slice %arg11[%dma_wait3A_2522, %dma_wait3A_2523] : memref<128x128xf32, #tpu.memory_space<vmem>> -> memref<8x128xf32, #tpu.memory_space<vmem>>
    tpu.wait_dma2 semaphore(%arg24 : memref<!tpu.dma_semaphore, #tpu.memory_space<semaphore_mem>>) src(%dma_wait3A_2524 : memref<8x128xf32, #tpu.memory_space<vmem>>) dst(%dma_wait3A_2521 : memref<8x128xf32, #tpu.memory_space<vmem_shared>>)
    %mul3A_2525 = arith.constant 624 : i32
    %mul3A_2526 = arith.muli %arg1, %mul3A_2525 : i32
    %add3A_2527 = arith.constant 552 : i32
    %add3A_2528 = arith.addi %mul3A_2526, %add3A_2527 : i32
    %dma_wait3A_2529 = arith.constant 0 : i32
    %dma_wait3A_2530 = arith.constant 0 : i32
    %dma_wait3A_2531 = tpu.memref_slice %arg11[%dma_wait3A_2529, %dma_wait3A_2530] : memref<128x128xf32, #tpu.memory_space<vmem>> -> memref<8x128xf32, #tpu.memory_space<vmem>>
    %dma_wait3A_2532 = arith.constant 0 : i32
    %dma_wait3A_2533 = tpu.memref_slice %arg16[%add3A_2528, %dma_wait3A_2532] : memref<10000x128xf32, #tpu.memory_space<vmem_shared>> -> memref<8x128xf32, #tpu.memory_space<vmem_shared>>
    %dma_wait3A_2534 = arith.constant 0 : i32
    %dma_wait3A_2535 = tpu.memref_slice %arg16[%add3A_2528, %dma_wait3A_2534] : memref<10000x128xf32, #tpu.memory_space<vmem_shared>> -> memref<8x128xf32, #tpu.memory_space<vmem_shared>>
    %dma_wait3A_2536 = arith.constant 0 : i32
    %dma_wait3A_2537 = arith.constant 0 : i32
    %dma_wait3A_2538 = tpu.memref_slice %arg11[%dma_wait3A_2536, %dma_wait3A_2537] : memref<128x128xf32, #tpu.memory_space<vmem>> -> memref<8x128xf32, #tpu.memory_space<vmem>>
    tpu.wait_dma2 semaphore(%arg24 : memref<!tpu.dma_semaphore, #tpu.memory_space<semaphore_mem>>) src(%dma_wait3A_2538 : memref<8x128xf32, #tpu.memory_space<vmem>>) dst(%dma_wait3A_2535 : memref<8x128xf32, #tpu.memory_space<vmem_shared>>)
    %mul3A_2539 = arith.constant 624 : i32
    %mul3A_2540 = arith.muli %arg1, %mul3A_2539 : i32
    %add3A_2541 = arith.constant 560 : i32
    %add3A_2542 = arith.addi %mul3A_2540, %add3A_2541 : i32
    %dma_wait3A_2543 = arith.constant 0 : i32
    %dma_wait3A_2544 = arith.constant 0 : i32
    %dma_wait3A_2545 = tpu.memref_slice %arg11[%dma_wait3A_2543, %dma_wait3A_2544] : memref<128x128xf32, #tpu.memory_space<vmem>> -> memref<8x128xf32, #tpu.memory_space<vmem>>
    %dma_wait3A_2546 = arith.constant 0 : i32
    %dma_wait3A_2547 = tpu.memref_slice %arg16[%add3A_2542, %dma_wait3A_2546] : memref<10000x128xf32, #tpu.memory_space<vmem_shared>> -> memref<8x128xf32, #tpu.memory_space<vmem_shared>>
    %dma_wait3A_2548 = arith.constant 0 : i32
    %dma_wait3A_2549 = tpu.memref_slice %arg16[%add3A_2542, %dma_wait3A_2548] : memref<10000x128xf32, #tpu.memory_space<vmem_shared>> -> memref<8x128xf32, #tpu.memory_space<vmem_shared>>
    %dma_wait3A_2550 = arith.constant 0 : i32
    %dma_wait3A_2551 = arith.constant 0 : i32
    %dma_wait3A_2552 = tpu.memref_slice %arg11[%dma_wait3A_2550, %dma_wait3A_2551] : memref<128x128xf32, #tpu.memory_space<vmem>> -> memref<8x128xf32, #tpu.memory_space<vmem>>
    tpu.wait_dma2 semaphore(%arg24 : memref<!tpu.dma_semaphore, #tpu.memory_space<semaphore_mem>>) src(%dma_wait3A_2552 : memref<8x128xf32, #tpu.memory_space<vmem>>) dst(%dma_wait3A_2549 : memref<8x128xf32, #tpu.memory_space<vmem_shared>>)
    %mul3A_2553 = arith.constant 624 : i32
    %mul3A_2554 = arith.muli %arg1, %mul3A_2553 : i32
    %add3A_2555 = arith.constant 568 : i32
    %add3A_2556 = arith.addi %mul3A_2554, %add3A_2555 : i32
    %dma_wait3A_2557 = arith.constant 0 : i32
    %dma_wait3A_2558 = arith.constant 0 : i32
    %dma_wait3A_2559 = tpu.memref_slice %arg11[%dma_wait3A_2557, %dma_wait3A_2558] : memref<128x128xf32, #tpu.memory_space<vmem>> -> memref<8x128xf32, #tpu.memory_space<vmem>>
    %dma_wait3A_2560 = arith.constant 0 : i32
    %dma_wait3A_2561 = tpu.memref_slice %arg16[%add3A_2556, %dma_wait3A_2560] : memref<10000x128xf32, #tpu.memory_space<vmem_shared>> -> memref<8x128xf32, #tpu.memory_space<vmem_shared>>
    %dma_wait3A_2562 = arith.constant 0 : i32
    %dma_wait3A_2563 = tpu.memref_slice %arg16[%add3A_2556, %dma_wait3A_2562] : memref<10000x128xf32, #tpu.memory_space<vmem_shared>> -> memref<8x128xf32, #tpu.memory_space<vmem_shared>>
    %dma_wait3A_2564 = arith.constant 0 : i32
    %dma_wait3A_2565 = arith.constant 0 : i32
    %dma_wait3A_2566 = tpu.memref_slice %arg11[%dma_wait3A_2564, %dma_wait3A_2565] : memref<128x128xf32, #tpu.memory_space<vmem>> -> memref<8x128xf32, #tpu.memory_space<vmem>>
    tpu.wait_dma2 semaphore(%arg24 : memref<!tpu.dma_semaphore, #tpu.memory_space<semaphore_mem>>) src(%dma_wait3A_2566 : memref<8x128xf32, #tpu.memory_space<vmem>>) dst(%dma_wait3A_2563 : memref<8x128xf32, #tpu.memory_space<vmem_shared>>)
    %mul3A_2567 = arith.constant 624 : i32
    %mul3A_2568 = arith.muli %arg1, %mul3A_2567 : i32
    %add3A_2569 = arith.constant 576 : i32
    %add3A_2570 = arith.addi %mul3A_2568, %add3A_2569 : i32
    %dma_wait3A_2571 = arith.constant 0 : i32
    %dma_wait3A_2572 = arith.constant 0 : i32
    %dma_wait3A_2573 = tpu.memref_slice %arg11[%dma_wait3A_2571, %dma_wait3A_2572] : memref<128x128xf32, #tpu.memory_space<vmem>> -> memref<8x128xf32, #tpu.memory_space<vmem>>
    %dma_wait3A_2574 = arith.constant 0 : i32
    %dma_wait3A_2575 = tpu.memref_slice %arg16[%add3A_2570, %dma_wait3A_2574] : memref<10000x128xf32, #tpu.memory_space<vmem_shared>> -> memref<8x128xf32, #tpu.memory_space<vmem_shared>>
    %dma_wait3A_2576 = arith.constant 0 : i32
    %dma_wait3A_2577 = tpu.memref_slice %arg16[%add3A_2570, %dma_wait3A_2576] : memref<10000x128xf32, #tpu.memory_space<vmem_shared>> -> memref<8x128xf32, #tpu.memory_space<vmem_shared>>
    %dma_wait3A_2578 = arith.constant 0 : i32
    %dma_wait3A_2579 = arith.constant 0 : i32
    %dma_wait3A_2580 = tpu.memref_slice %arg11[%dma_wait3A_2578, %dma_wait3A_2579] : memref<128x128xf32, #tpu.memory_space<vmem>> -> memref<8x128xf32, #tpu.memory_space<vmem>>
    tpu.wait_dma2 semaphore(%arg24 : memref<!tpu.dma_semaphore, #tpu.memory_space<semaphore_mem>>) src(%dma_wait3A_2580 : memref<8x128xf32, #tpu.memory_space<vmem>>) dst(%dma_wait3A_2577 : memref<8x128xf32, #tpu.memory_space<vmem_shared>>)
    %mul3A_2581 = arith.constant 624 : i32
    %mul3A_2582 = arith.muli %arg1, %mul3A_2581 : i32
    %add3A_2583 = arith.constant 584 : i32
    %add3A_2584 = arith.addi %mul3A_2582, %add3A_2583 : i32
    %dma_wait3A_2585 = arith.constant 0 : i32
    %dma_wait3A_2586 = arith.constant 0 : i32
    %dma_wait3A_2587 = tpu.memref_slice %arg11[%dma_wait3A_2585, %dma_wait3A_2586] : memref<128x128xf32, #tpu.memory_space<vmem>> -> memref<8x128xf32, #tpu.memory_space<vmem>>
    %dma_wait3A_2588 = arith.constant 0 : i32
    %dma_wait3A_2589 = tpu.memref_slice %arg16[%add3A_2584, %dma_wait3A_2588] : memref<10000x128xf32, #tpu.memory_space<vmem_shared>> -> memref<8x128xf32, #tpu.memory_space<vmem_shared>>
    %dma_wait3A_2590 = arith.constant 0 : i32
    %dma_wait3A_2591 = tpu.memref_slice %arg16[%add3A_2584, %dma_wait3A_2590] : memref<10000x128xf32, #tpu.memory_space<vmem_shared>> -> memref<8x128xf32, #tpu.memory_space<vmem_shared>>
    %dma_wait3A_2592 = arith.constant 0 : i32
    %dma_wait3A_2593 = arith.constant 0 : i32
    %dma_wait3A_2594 = tpu.memref_slice %arg11[%dma_wait3A_2592, %dma_wait3A_2593] : memref<128x128xf32, #tpu.memory_space<vmem>> -> memref<8x128xf32, #tpu.memory_space<vmem>>
    tpu.wait_dma2 semaphore(%arg24 : memref<!tpu.dma_semaphore, #tpu.memory_space<semaphore_mem>>) src(%dma_wait3A_2594 : memref<8x128xf32, #tpu.memory_space<vmem>>) dst(%dma_wait3A_2591 : memref<8x128xf32, #tpu.memory_space<vmem_shared>>)
    %mul3A_2595 = arith.constant 624 : i32
    %mul3A_2596 = arith.muli %arg1, %mul3A_2595 : i32
    %add3A_2597 = arith.constant 592 : i32
    %add3A_2598 = arith.addi %mul3A_2596, %add3A_2597 : i32
    %dma_wait3A_2599 = arith.constant 0 : i32
    %dma_wait3A_2600 = arith.constant 0 : i32
    %dma_wait3A_2601 = tpu.memref_slice %arg11[%dma_wait3A_2599, %dma_wait3A_2600] : memref<128x128xf32, #tpu.memory_space<vmem>> -> memref<8x128xf32, #tpu.memory_space<vmem>>
    %dma_wait3A_2602 = arith.constant 0 : i32
    %dma_wait3A_2603 = tpu.memref_slice %arg16[%add3A_2598, %dma_wait3A_2602] : memref<10000x128xf32, #tpu.memory_space<vmem_shared>> -> memref<8x128xf32, #tpu.memory_space<vmem_shared>>
    %dma_wait3A_2604 = arith.constant 0 : i32
    %dma_wait3A_2605 = tpu.memref_slice %arg16[%add3A_2598, %dma_wait3A_2604] : memref<10000x128xf32, #tpu.memory_space<vmem_shared>> -> memref<8x128xf32, #tpu.memory_space<vmem_shared>>
    %dma_wait3A_2606 = arith.constant 0 : i32
    %dma_wait3A_2607 = arith.constant 0 : i32
    %dma_wait3A_2608 = tpu.memref_slice %arg11[%dma_wait3A_2606, %dma_wait3A_2607] : memref<128x128xf32, #tpu.memory_space<vmem>> -> memref<8x128xf32, #tpu.memory_space<vmem>>
    tpu.wait_dma2 semaphore(%arg24 : memref<!tpu.dma_semaphore, #tpu.memory_space<semaphore_mem>>) src(%dma_wait3A_2608 : memref<8x128xf32, #tpu.memory_space<vmem>>) dst(%dma_wait3A_2605 : memref<8x128xf32, #tpu.memory_space<vmem_shared>>)
    %mul3A_2609 = arith.constant 624 : i32
    %mul3A_2610 = arith.muli %arg1, %mul3A_2609 : i32
    %add3A_2611 = arith.constant 600 : i32
    %add3A_2612 = arith.addi %mul3A_2610, %add3A_2611 : i32
    %dma_wait3A_2613 = arith.constant 0 : i32
    %dma_wait3A_2614 = arith.constant 0 : i32
    %dma_wait3A_2615 = tpu.memref_slice %arg11[%dma_wait3A_2613, %dma_wait3A_2614] : memref<128x128xf32, #tpu.memory_space<vmem>> -> memref<8x128xf32, #tpu.memory_space<vmem>>
    %dma_wait3A_2616 = arith.constant 0 : i32
    %dma_wait3A_2617 = tpu.memref_slice %arg16[%add3A_2612, %dma_wait3A_2616] : memref<10000x128xf32, #tpu.memory_space<vmem_shared>> -> memref<8x128xf32, #tpu.memory_space<vmem_shared>>
    %dma_wait3A_2618 = arith.constant 0 : i32
    %dma_wait3A_2619 = tpu.memref_slice %arg16[%add3A_2612, %dma_wait3A_2618] : memref<10000x128xf32, #tpu.memory_space<vmem_shared>> -> memref<8x128xf32, #tpu.memory_space<vmem_shared>>
    %dma_wait3A_2620 = arith.constant 0 : i32
    %dma_wait3A_2621 = arith.constant 0 : i32
    %dma_wait3A_2622 = tpu.memref_slice %arg11[%dma_wait3A_2620, %dma_wait3A_2621] : memref<128x128xf32, #tpu.memory_space<vmem>> -> memref<8x128xf32, #tpu.memory_space<vmem>>
    tpu.wait_dma2 semaphore(%arg24 : memref<!tpu.dma_semaphore, #tpu.memory_space<semaphore_mem>>) src(%dma_wait3A_2622 : memref<8x128xf32, #tpu.memory_space<vmem>>) dst(%dma_wait3A_2619 : memref<8x128xf32, #tpu.memory_space<vmem_shared>>)
    %mul3A_2623 = arith.constant 624 : i32
    %mul3A_2624 = arith.muli %arg1, %mul3A_2623 : i32
    %add3A_2625 = arith.constant 608 : i32
    %add3A_2626 = arith.addi %mul3A_2624, %add3A_2625 : i32
    %dma_wait3A_2627 = arith.constant 0 : i32
    %dma_wait3A_2628 = arith.constant 0 : i32
    %dma_wait3A_2629 = tpu.memref_slice %arg11[%dma_wait3A_2627, %dma_wait3A_2628] : memref<128x128xf32, #tpu.memory_space<vmem>> -> memref<8x128xf32, #tpu.memory_space<vmem>>
    %dma_wait3A_2630 = arith.constant 0 : i32
    %dma_wait3A_2631 = tpu.memref_slice %arg16[%add3A_2626, %dma_wait3A_2630] : memref<10000x128xf32, #tpu.memory_space<vmem_shared>> -> memref<8x128xf32, #tpu.memory_space<vmem_shared>>
    %dma_wait3A_2632 = arith.constant 0 : i32
    %dma_wait3A_2633 = tpu.memref_slice %arg16[%add3A_2626, %dma_wait3A_2632] : memref<10000x128xf32, #tpu.memory_space<vmem_shared>> -> memref<8x128xf32, #tpu.memory_space<vmem_shared>>
    %dma_wait3A_2634 = arith.constant 0 : i32
    %dma_wait3A_2635 = arith.constant 0 : i32
    %dma_wait3A_2636 = tpu.memref_slice %arg11[%dma_wait3A_2634, %dma_wait3A_2635] : memref<128x128xf32, #tpu.memory_space<vmem>> -> memref<8x128xf32, #tpu.memory_space<vmem>>
    tpu.wait_dma2 semaphore(%arg24 : memref<!tpu.dma_semaphore, #tpu.memory_space<semaphore_mem>>) src(%dma_wait3A_2636 : memref<8x128xf32, #tpu.memory_space<vmem>>) dst(%dma_wait3A_2633 : memref<8x128xf32, #tpu.memory_space<vmem_shared>>)
    %mul3A_2637 = arith.constant 624 : i32
    %mul3A_2638 = arith.muli %arg1, %mul3A_2637 : i32
    %add3A_2639 = arith.constant 616 : i32
    %add3A_2640 = arith.addi %mul3A_2638, %add3A_2639 : i32
    %dma_wait3A_2641 = arith.constant 0 : i32
    %dma_wait3A_2642 = arith.constant 0 : i32
    %dma_wait3A_2643 = tpu.memref_slice %arg11[%dma_wait3A_2641, %dma_wait3A_2642] : memref<128x128xf32, #tpu.memory_space<vmem>> -> memref<8x128xf32, #tpu.memory_space<vmem>>
    %dma_wait3A_2644 = arith.constant 0 : i32
    %dma_wait3A_2645 = tpu.memref_slice %arg16[%add3A_2640, %dma_wait3A_2644] : memref<10000x128xf32, #tpu.memory_space<vmem_shared>> -> memref<8x128xf32, #tpu.memory_space<vmem_shared>>
    %dma_wait3A_2646 = arith.constant 0 : i32
    %dma_wait3A_2647 = tpu.memref_slice %arg16[%add3A_2640, %dma_wait3A_2646] : memref<10000x128xf32, #tpu.memory_space<vmem_shared>> -> memref<8x128xf32, #tpu.memory_space<vmem_shared>>
    %dma_wait3A_2648 = arith.constant 0 : i32
    %dma_wait3A_2649 = arith.constant 0 : i32
    %dma_wait3A_2650 = tpu.memref_slice %arg11[%dma_wait3A_2648, %dma_wait3A_2649] : memref<128x128xf32, #tpu.memory_space<vmem>> -> memref<8x128xf32, #tpu.memory_space<vmem>>
    tpu.wait_dma2 semaphore(%arg24 : memref<!tpu.dma_semaphore, #tpu.memory_space<semaphore_mem>>) src(%dma_wait3A_2650 : memref<8x128xf32, #tpu.memory_space<vmem>>) dst(%dma_wait3A_2647 : memref<8x128xf32, #tpu.memory_space<vmem_shared>>)
    %eq3A_2651 = arith.constant 0 : i32
    %eq3A_2652 = arith.cmpi eq, %arg1, %eq3A_2651 : i32
    %convert_element_type3A_2653 = arith.extui %eq3A_2652 : i1 to i32
    %cond3A_2654 = arith.constant 0 : i32
    %cond3A_2655 = arith.cmpi ne, %convert_element_type3A_2653, %cond3A_2654 : i32
    scf.if %cond3A_2655 {
      %dma_wait3A_2737 = arith.constant 0 : i32
      %dma_wait3A_2738 = arith.constant 0 : i32
      %dma_wait3A_2739 = tpu.memref_slice %arg11[%dma_wait3A_2737, %dma_wait3A_2738] : memref<128x128xf32, #tpu.memory_space<vmem>> -> memref<8x128xf32, #tpu.memory_space<vmem>>
      %dma_wait3A_2740 = arith.constant 9984 : i32
      %dma_wait3A_2741 = arith.constant 0 : i32
      %dma_wait3A_2742 = tpu.memref_slice %arg16[%dma_wait3A_2740, %dma_wait3A_2741] : memref<10000x128xf32, #tpu.memory_space<vmem_shared>> -> memref<8x128xf32, #tpu.memory_space<vmem_shared>>
      %dma_wait3A_2743 = arith.constant 9984 : i32
      %dma_wait3A_2744 = arith.constant 0 : i32
      %dma_wait3A_2745 = tpu.memref_slice %arg16[%dma_wait3A_2743, %dma_wait3A_2744] : memref<10000x128xf32, #tpu.memory_space<vmem_shared>> -> memref<8x128xf32, #tpu.memory_space<vmem_shared>>
      %dma_wait3A_2746 = arith.constant 0 : i32
      %dma_wait3A_2747 = arith.constant 0 : i32
      %dma_wait3A_2748 = tpu.memref_slice %arg11[%dma_wait3A_2746, %dma_wait3A_2747] : memref<128x128xf32, #tpu.memory_space<vmem>> -> memref<8x128xf32, #tpu.memory_space<vmem>>
      tpu.wait_dma2 semaphore(%arg24 : memref<!tpu.dma_semaphore, #tpu.memory_space<semaphore_mem>>) src(%dma_wait3A_2748 : memref<8x128xf32, #tpu.memory_space<vmem>>) dst(%dma_wait3A_2745 : memref<8x128xf32, #tpu.memory_space<vmem_shared>>)
      %dma_wait3A_2749 = arith.constant 0 : i32
      %dma_wait3A_2750 = arith.constant 0 : i32
      %dma_wait3A_2751 = tpu.memref_slice %arg11[%dma_wait3A_2749, %dma_wait3A_2750] : memref<128x128xf32, #tpu.memory_space<vmem>> -> memref<8x128xf32, #tpu.memory_space<vmem>>
      %dma_wait3A_2752 = arith.constant 9992 : i32
      %dma_wait3A_2753 = arith.constant 0 : i32
      %dma_wait3A_2754 = tpu.memref_slice %arg16[%dma_wait3A_2752, %dma_wait3A_2753] : memref<10000x128xf32, #tpu.memory_space<vmem_shared>> -> memref<8x128xf32, #tpu.memory_space<vmem_shared>>
      %dma_wait3A_2755 = arith.constant 9992 : i32
      %dma_wait3A_2756 = arith.constant 0 : i32
      %dma_wait3A_2757 = tpu.memref_slice %arg16[%dma_wait3A_2755, %dma_wait3A_2756] : memref<10000x128xf32, #tpu.memory_space<vmem_shared>> -> memref<8x128xf32, #tpu.memory_space<vmem_shared>>
      %dma_wait3A_2758 = arith.constant 0 : i32
      %dma_wait3A_2759 = arith.constant 0 : i32
      %dma_wait3A_2760 = tpu.memref_slice %arg11[%dma_wait3A_2758, %dma_wait3A_2759] : memref<128x128xf32, #tpu.memory_space<vmem>> -> memref<8x128xf32, #tpu.memory_space<vmem>>
      tpu.wait_dma2 semaphore(%arg24 : memref<!tpu.dma_semaphore, #tpu.memory_space<semaphore_mem>>) src(%dma_wait3A_2760 : memref<8x128xf32, #tpu.memory_space<vmem>>) dst(%dma_wait3A_2757 : memref<8x128xf32, #tpu.memory_space<vmem_shared>>)
      %dma_wait3A_2761 = arith.constant 0 : i32
      %dma_wait3A_2762 = tpu.memref_slice %arg17[%dma_wait3A_2761] : memref<10000xf32, #tpu.memory_space<vmem_shared>> -> memref<200xf32, #tpu.memory_space<vmem_shared>>
      %dma_wait3A_2763 = arith.constant 0 : i32
      %dma_wait3A_2764 = tpu.memref_slice %arg17[%dma_wait3A_2763] : memref<10000xf32, #tpu.memory_space<vmem_shared>> -> memref<200xf32, #tpu.memory_space<vmem_shared>>
      tpu.wait_dma2 semaphore(%arg24 : memref<!tpu.dma_semaphore, #tpu.memory_space<semaphore_mem>>) src(%arg15 : memref<200xf32, #tpu.memory_space<vmem>>) dst(%dma_wait3A_2764 : memref<200xf32, #tpu.memory_space<vmem_shared>>)
      %dma_wait3A_2765 = arith.constant 200 : i32
      %dma_wait3A_2766 = tpu.memref_slice %arg17[%dma_wait3A_2765] : memref<10000xf32, #tpu.memory_space<vmem_shared>> -> memref<200xf32, #tpu.memory_space<vmem_shared>>
      %dma_wait3A_2767 = arith.constant 200 : i32
      %dma_wait3A_2768 = tpu.memref_slice %arg17[%dma_wait3A_2767] : memref<10000xf32, #tpu.memory_space<vmem_shared>> -> memref<200xf32, #tpu.memory_space<vmem_shared>>
      tpu.wait_dma2 semaphore(%arg24 : memref<!tpu.dma_semaphore, #tpu.memory_space<semaphore_mem>>) src(%arg15 : memref<200xf32, #tpu.memory_space<vmem>>) dst(%dma_wait3A_2768 : memref<200xf32, #tpu.memory_space<vmem_shared>>)
      %dma_wait3A_2769 = arith.constant 400 : i32
      %dma_wait3A_2770 = tpu.memref_slice %arg17[%dma_wait3A_2769] : memref<10000xf32, #tpu.memory_space<vmem_shared>> -> memref<200xf32, #tpu.memory_space<vmem_shared>>
      %dma_wait3A_2771 = arith.constant 400 : i32
      %dma_wait3A_2772 = tpu.memref_slice %arg17[%dma_wait3A_2771] : memref<10000xf32, #tpu.memory_space<vmem_shared>> -> memref<200xf32, #tpu.memory_space<vmem_shared>>
      tpu.wait_dma2 semaphore(%arg24 : memref<!tpu.dma_semaphore, #tpu.memory_space<semaphore_mem>>) src(%arg15 : memref<200xf32, #tpu.memory_space<vmem>>) dst(%dma_wait3A_2772 : memref<200xf32, #tpu.memory_space<vmem_shared>>)
      %dma_wait3A_2773 = arith.constant 600 : i32
      %dma_wait3A_2774 = tpu.memref_slice %arg17[%dma_wait3A_2773] : memref<10000xf32, #tpu.memory_space<vmem_shared>> -> memref<200xf32, #tpu.memory_space<vmem_shared>>
      %dma_wait3A_2775 = arith.constant 600 : i32
      %dma_wait3A_2776 = tpu.memref_slice %arg17[%dma_wait3A_2775] : memref<10000xf32, #tpu.memory_space<vmem_shared>> -> memref<200xf32, #tpu.memory_space<vmem_shared>>
      tpu.wait_dma2 semaphore(%arg24 : memref<!tpu.dma_semaphore, #tpu.memory_space<semaphore_mem>>) src(%arg15 : memref<200xf32, #tpu.memory_space<vmem>>) dst(%dma_wait3A_2776 : memref<200xf32, #tpu.memory_space<vmem_shared>>)
      %dma_wait3A_2777 = arith.constant 800 : i32
      %dma_wait3A_2778 = tpu.memref_slice %arg17[%dma_wait3A_2777] : memref<10000xf32, #tpu.memory_space<vmem_shared>> -> memref<200xf32, #tpu.memory_space<vmem_shared>>
      %dma_wait3A_2779 = arith.constant 800 : i32
      %dma_wait3A_2780 = tpu.memref_slice %arg17[%dma_wait3A_2779] : memref<10000xf32, #tpu.memory_space<vmem_shared>> -> memref<200xf32, #tpu.memory_space<vmem_shared>>
      tpu.wait_dma2 semaphore(%arg24 : memref<!tpu.dma_semaphore, #tpu.memory_space<semaphore_mem>>) src(%arg15 : memref<200xf32, #tpu.memory_space<vmem>>) dst(%dma_wait3A_2780 : memref<200xf32, #tpu.memory_space<vmem_shared>>)
      %dma_wait3A_2781 = arith.constant 1000 : i32
      %dma_wait3A_2782 = tpu.memref_slice %arg17[%dma_wait3A_2781] : memref<10000xf32, #tpu.memory_space<vmem_shared>> -> memref<200xf32, #tpu.memory_space<vmem_shared>>
      %dma_wait3A_2783 = arith.constant 1000 : i32
      %dma_wait3A_2784 = tpu.memref_slice %arg17[%dma_wait3A_2783] : memref<10000xf32, #tpu.memory_space<vmem_shared>> -> memref<200xf32, #tpu.memory_space<vmem_shared>>
      tpu.wait_dma2 semaphore(%arg24 : memref<!tpu.dma_semaphore, #tpu.memory_space<semaphore_mem>>) src(%arg15 : memref<200xf32, #tpu.memory_space<vmem>>) dst(%dma_wait3A_2784 : memref<200xf32, #tpu.memory_space<vmem_shared>>)
      %dma_wait3A_2785 = arith.constant 1200 : i32
      %dma_wait3A_2786 = tpu.memref_slice %arg17[%dma_wait3A_2785] : memref<10000xf32, #tpu.memory_space<vmem_shared>> -> memref<200xf32, #tpu.memory_space<vmem_shared>>
      %dma_wait3A_2787 = arith.constant 1200 : i32
      %dma_wait3A_2788 = tpu.memref_slice %arg17[%dma_wait3A_2787] : memref<10000xf32, #tpu.memory_space<vmem_shared>> -> memref<200xf32, #tpu.memory_space<vmem_shared>>
      tpu.wait_dma2 semaphore(%arg24 : memref<!tpu.dma_semaphore, #tpu.memory_space<semaphore_mem>>) src(%arg15 : memref<200xf32, #tpu.memory_space<vmem>>) dst(%dma_wait3A_2788 : memref<200xf32, #tpu.memory_space<vmem_shared>>)
      %dma_wait3A_2789 = arith.constant 1400 : i32
      %dma_wait3A_2790 = tpu.memref_slice %arg17[%dma_wait3A_2789] : memref<10000xf32, #tpu.memory_space<vmem_shared>> -> memref<200xf32, #tpu.memory_space<vmem_shared>>
      %dma_wait3A_2791 = arith.constant 1400 : i32
      %dma_wait3A_2792 = tpu.memref_slice %arg17[%dma_wait3A_2791] : memref<10000xf32, #tpu.memory_space<vmem_shared>> -> memref<200xf32, #tpu.memory_space<vmem_shared>>
      tpu.wait_dma2 semaphore(%arg24 : memref<!tpu.dma_semaphore, #tpu.memory_space<semaphore_mem>>) src(%arg15 : memref<200xf32, #tpu.memory_space<vmem>>) dst(%dma_wait3A_2792 : memref<200xf32, #tpu.memory_space<vmem_shared>>)
      %dma_wait3A_2793 = arith.constant 1600 : i32
      %dma_wait3A_2794 = tpu.memref_slice %arg17[%dma_wait3A_2793] : memref<10000xf32, #tpu.memory_space<vmem_shared>> -> memref<200xf32, #tpu.memory_space<vmem_shared>>
      %dma_wait3A_2795 = arith.constant 1600 : i32
      %dma_wait3A_2796 = tpu.memref_slice %arg17[%dma_wait3A_2795] : memref<10000xf32, #tpu.memory_space<vmem_shared>> -> memref<200xf32, #tpu.memory_space<vmem_shared>>
      tpu.wait_dma2 semaphore(%arg24 : memref<!tpu.dma_semaphore, #tpu.memory_space<semaphore_mem>>) src(%arg15 : memref<200xf32, #tpu.memory_space<vmem>>) dst(%dma_wait3A_2796 : memref<200xf32, #tpu.memory_space<vmem_shared>>)
      %dma_wait3A_2797 = arith.constant 1800 : i32
      %dma_wait3A_2798 = tpu.memref_slice %arg17[%dma_wait3A_2797] : memref<10000xf32, #tpu.memory_space<vmem_shared>> -> memref<200xf32, #tpu.memory_space<vmem_shared>>
      %dma_wait3A_2799 = arith.constant 1800 : i32
      %dma_wait3A_2800 = tpu.memref_slice %arg17[%dma_wait3A_2799] : memref<10000xf32, #tpu.memory_space<vmem_shared>> -> memref<200xf32, #tpu.memory_space<vmem_shared>>
      tpu.wait_dma2 semaphore(%arg24 : memref<!tpu.dma_semaphore, #tpu.memory_space<semaphore_mem>>) src(%arg15 : memref<200xf32, #tpu.memory_space<vmem>>) dst(%dma_wait3A_2800 : memref<200xf32, #tpu.memory_space<vmem_shared>>)
      %dma_wait3A_2801 = arith.constant 2000 : i32
      %dma_wait3A_2802 = tpu.memref_slice %arg17[%dma_wait3A_2801] : memref<10000xf32, #tpu.memory_space<vmem_shared>> -> memref<200xf32, #tpu.memory_space<vmem_shared>>
      %dma_wait3A_2803 = arith.constant 2000 : i32
      %dma_wait3A_2804 = tpu.memref_slice %arg17[%dma_wait3A_2803] : memref<10000xf32, #tpu.memory_space<vmem_shared>> -> memref<200xf32, #tpu.memory_space<vmem_shared>>
      tpu.wait_dma2 semaphore(%arg24 : memref<!tpu.dma_semaphore, #tpu.memory_space<semaphore_mem>>) src(%arg15 : memref<200xf32, #tpu.memory_space<vmem>>) dst(%dma_wait3A_2804 : memref<200xf32, #tpu.memory_space<vmem_shared>>)
      %dma_wait3A_2805 = arith.constant 2200 : i32
      %dma_wait3A_2806 = tpu.memref_slice %arg17[%dma_wait3A_2805] : memref<10000xf32, #tpu.memory_space<vmem_shared>> -> memref<200xf32, #tpu.memory_space<vmem_shared>>
      %dma_wait3A_2807 = arith.constant 2200 : i32
      %dma_wait3A_2808 = tpu.memref_slice %arg17[%dma_wait3A_2807] : memref<10000xf32, #tpu.memory_space<vmem_shared>> -> memref<200xf32, #tpu.memory_space<vmem_shared>>
      tpu.wait_dma2 semaphore(%arg24 : memref<!tpu.dma_semaphore, #tpu.memory_space<semaphore_mem>>) src(%arg15 : memref<200xf32, #tpu.memory_space<vmem>>) dst(%dma_wait3A_2808 : memref<200xf32, #tpu.memory_space<vmem_shared>>)
      %dma_wait3A_2809 = arith.constant 2400 : i32
      %dma_wait3A_2810 = tpu.memref_slice %arg17[%dma_wait3A_2809] : memref<10000xf32, #tpu.memory_space<vmem_shared>> -> memref<200xf32, #tpu.memory_space<vmem_shared>>
      %dma_wait3A_2811 = arith.constant 2400 : i32
      %dma_wait3A_2812 = tpu.memref_slice %arg17[%dma_wait3A_2811] : memref<10000xf32, #tpu.memory_space<vmem_shared>> -> memref<200xf32, #tpu.memory_space<vmem_shared>>
      tpu.wait_dma2 semaphore(%arg24 : memref<!tpu.dma_semaphore, #tpu.memory_space<semaphore_mem>>) src(%arg15 : memref<200xf32, #tpu.memory_space<vmem>>) dst(%dma_wait3A_2812 : memref<200xf32, #tpu.memory_space<vmem_shared>>)
      %dma_wait3A_2813 = arith.constant 2600 : i32
      %dma_wait3A_2814 = tpu.memref_slice %arg17[%dma_wait3A_2813] : memref<10000xf32, #tpu.memory_space<vmem_shared>> -> memref<200xf32, #tpu.memory_space<vmem_shared>>
      %dma_wait3A_2815 = arith.constant 2600 : i32
      %dma_wait3A_2816 = tpu.memref_slice %arg17[%dma_wait3A_2815] : memref<10000xf32, #tpu.memory_space<vmem_shared>> -> memref<200xf32, #tpu.memory_space<vmem_shared>>
      tpu.wait_dma2 semaphore(%arg24 : memref<!tpu.dma_semaphore, #tpu.memory_space<semaphore_mem>>) src(%arg15 : memref<200xf32, #tpu.memory_space<vmem>>) dst(%dma_wait3A_2816 : memref<200xf32, #tpu.memory_space<vmem_shared>>)
      %dma_wait3A_2817 = arith.constant 2800 : i32
      %dma_wait3A_2818 = tpu.memref_slice %arg17[%dma_wait3A_2817] : memref<10000xf32, #tpu.memory_space<vmem_shared>> -> memref<200xf32, #tpu.memory_space<vmem_shared>>
      %dma_wait3A_2819 = arith.constant 2800 : i32
      %dma_wait3A_2820 = tpu.memref_slice %arg17[%dma_wait3A_2819] : memref<10000xf32, #tpu.memory_space<vmem_shared>> -> memref<200xf32, #tpu.memory_space<vmem_shared>>
      tpu.wait_dma2 semaphore(%arg24 : memref<!tpu.dma_semaphore, #tpu.memory_space<semaphore_mem>>) src(%arg15 : memref<200xf32, #tpu.memory_space<vmem>>) dst(%dma_wait3A_2820 : memref<200xf32, #tpu.memory_space<vmem_shared>>)
      %dma_wait3A_2821 = arith.constant 3000 : i32
      %dma_wait3A_2822 = tpu.memref_slice %arg17[%dma_wait3A_2821] : memref<10000xf32, #tpu.memory_space<vmem_shared>> -> memref<200xf32, #tpu.memory_space<vmem_shared>>
      %dma_wait3A_2823 = arith.constant 3000 : i32
      %dma_wait3A_2824 = tpu.memref_slice %arg17[%dma_wait3A_2823] : memref<10000xf32, #tpu.memory_space<vmem_shared>> -> memref<200xf32, #tpu.memory_space<vmem_shared>>
      tpu.wait_dma2 semaphore(%arg24 : memref<!tpu.dma_semaphore, #tpu.memory_space<semaphore_mem>>) src(%arg15 : memref<200xf32, #tpu.memory_space<vmem>>) dst(%dma_wait3A_2824 : memref<200xf32, #tpu.memory_space<vmem_shared>>)
      %dma_wait3A_2825 = arith.constant 3200 : i32
      %dma_wait3A_2826 = tpu.memref_slice %arg17[%dma_wait3A_2825] : memref<10000xf32, #tpu.memory_space<vmem_shared>> -> memref<200xf32, #tpu.memory_space<vmem_shared>>
      %dma_wait3A_2827 = arith.constant 3200 : i32
      %dma_wait3A_2828 = tpu.memref_slice %arg17[%dma_wait3A_2827] : memref<10000xf32, #tpu.memory_space<vmem_shared>> -> memref<200xf32, #tpu.memory_space<vmem_shared>>
      tpu.wait_dma2 semaphore(%arg24 : memref<!tpu.dma_semaphore, #tpu.memory_space<semaphore_mem>>) src(%arg15 : memref<200xf32, #tpu.memory_space<vmem>>) dst(%dma_wait3A_2828 : memref<200xf32, #tpu.memory_space<vmem_shared>>)
      %dma_wait3A_2829 = arith.constant 3400 : i32
      %dma_wait3A_2830 = tpu.memref_slice %arg17[%dma_wait3A_2829] : memref<10000xf32, #tpu.memory_space<vmem_shared>> -> memref<200xf32, #tpu.memory_space<vmem_shared>>
      %dma_wait3A_2831 = arith.constant 3400 : i32
      %dma_wait3A_2832 = tpu.memref_slice %arg17[%dma_wait3A_2831] : memref<10000xf32, #tpu.memory_space<vmem_shared>> -> memref<200xf32, #tpu.memory_space<vmem_shared>>
      tpu.wait_dma2 semaphore(%arg24 : memref<!tpu.dma_semaphore, #tpu.memory_space<semaphore_mem>>) src(%arg15 : memref<200xf32, #tpu.memory_space<vmem>>) dst(%dma_wait3A_2832 : memref<200xf32, #tpu.memory_space<vmem_shared>>)
      %dma_wait3A_2833 = arith.constant 3600 : i32
      %dma_wait3A_2834 = tpu.memref_slice %arg17[%dma_wait3A_2833] : memref<10000xf32, #tpu.memory_space<vmem_shared>> -> memref<200xf32, #tpu.memory_space<vmem_shared>>
      %dma_wait3A_2835 = arith.constant 3600 : i32
      %dma_wait3A_2836 = tpu.memref_slice %arg17[%dma_wait3A_2835] : memref<10000xf32, #tpu.memory_space<vmem_shared>> -> memref<200xf32, #tpu.memory_space<vmem_shared>>
      tpu.wait_dma2 semaphore(%arg24 : memref<!tpu.dma_semaphore, #tpu.memory_space<semaphore_mem>>) src(%arg15 : memref<200xf32, #tpu.memory_space<vmem>>) dst(%dma_wait3A_2836 : memref<200xf32, #tpu.memory_space<vmem_shared>>)
      %dma_wait3A_2837 = arith.constant 3800 : i32
      %dma_wait3A_2838 = tpu.memref_slice %arg17[%dma_wait3A_2837] : memref<10000xf32, #tpu.memory_space<vmem_shared>> -> memref<200xf32, #tpu.memory_space<vmem_shared>>
      %dma_wait3A_2839 = arith.constant 3800 : i32
      %dma_wait3A_2840 = tpu.memref_slice %arg17[%dma_wait3A_2839] : memref<10000xf32, #tpu.memory_space<vmem_shared>> -> memref<200xf32, #tpu.memory_space<vmem_shared>>
      tpu.wait_dma2 semaphore(%arg24 : memref<!tpu.dma_semaphore, #tpu.memory_space<semaphore_mem>>) src(%arg15 : memref<200xf32, #tpu.memory_space<vmem>>) dst(%dma_wait3A_2840 : memref<200xf32, #tpu.memory_space<vmem_shared>>)
      %dma_wait3A_2841 = arith.constant 4000 : i32
      %dma_wait3A_2842 = tpu.memref_slice %arg17[%dma_wait3A_2841] : memref<10000xf32, #tpu.memory_space<vmem_shared>> -> memref<200xf32, #tpu.memory_space<vmem_shared>>
      %dma_wait3A_2843 = arith.constant 4000 : i32
      %dma_wait3A_2844 = tpu.memref_slice %arg17[%dma_wait3A_2843] : memref<10000xf32, #tpu.memory_space<vmem_shared>> -> memref<200xf32, #tpu.memory_space<vmem_shared>>
      tpu.wait_dma2 semaphore(%arg24 : memref<!tpu.dma_semaphore, #tpu.memory_space<semaphore_mem>>) src(%arg15 : memref<200xf32, #tpu.memory_space<vmem>>) dst(%dma_wait3A_2844 : memref<200xf32, #tpu.memory_space<vmem_shared>>)
      %dma_wait3A_2845 = arith.constant 4200 : i32
      %dma_wait3A_2846 = tpu.memref_slice %arg17[%dma_wait3A_2845] : memref<10000xf32, #tpu.memory_space<vmem_shared>> -> memref<200xf32, #tpu.memory_space<vmem_shared>>
      %dma_wait3A_2847 = arith.constant 4200 : i32
      %dma_wait3A_2848 = tpu.memref_slice %arg17[%dma_wait3A_2847] : memref<10000xf32, #tpu.memory_space<vmem_shared>> -> memref<200xf32, #tpu.memory_space<vmem_shared>>
      tpu.wait_dma2 semaphore(%arg24 : memref<!tpu.dma_semaphore, #tpu.memory_space<semaphore_mem>>) src(%arg15 : memref<200xf32, #tpu.memory_space<vmem>>) dst(%dma_wait3A_2848 : memref<200xf32, #tpu.memory_space<vmem_shared>>)
      %dma_wait3A_2849 = arith.constant 4400 : i32
      %dma_wait3A_2850 = tpu.memref_slice %arg17[%dma_wait3A_2849] : memref<10000xf32, #tpu.memory_space<vmem_shared>> -> memref<200xf32, #tpu.memory_space<vmem_shared>>
      %dma_wait3A_2851 = arith.constant 4400 : i32
      %dma_wait3A_2852 = tpu.memref_slice %arg17[%dma_wait3A_2851] : memref<10000xf32, #tpu.memory_space<vmem_shared>> -> memref<200xf32, #tpu.memory_space<vmem_shared>>
      tpu.wait_dma2 semaphore(%arg24 : memref<!tpu.dma_semaphore, #tpu.memory_space<semaphore_mem>>) src(%arg15 : memref<200xf32, #tpu.memory_space<vmem>>) dst(%dma_wait3A_2852 : memref<200xf32, #tpu.memory_space<vmem_shared>>)
      %dma_wait3A_2853 = arith.constant 4600 : i32
      %dma_wait3A_2854 = tpu.memref_slice %arg17[%dma_wait3A_2853] : memref<10000xf32, #tpu.memory_space<vmem_shared>> -> memref<200xf32, #tpu.memory_space<vmem_shared>>
      %dma_wait3A_2855 = arith.constant 4600 : i32
      %dma_wait3A_2856 = tpu.memref_slice %arg17[%dma_wait3A_2855] : memref<10000xf32, #tpu.memory_space<vmem_shared>> -> memref<200xf32, #tpu.memory_space<vmem_shared>>
      tpu.wait_dma2 semaphore(%arg24 : memref<!tpu.dma_semaphore, #tpu.memory_space<semaphore_mem>>) src(%arg15 : memref<200xf32, #tpu.memory_space<vmem>>) dst(%dma_wait3A_2856 : memref<200xf32, #tpu.memory_space<vmem_shared>>)
      %dma_wait3A_2857 = arith.constant 4800 : i32
      %dma_wait3A_2858 = tpu.memref_slice %arg17[%dma_wait3A_2857] : memref<10000xf32, #tpu.memory_space<vmem_shared>> -> memref<200xf32, #tpu.memory_space<vmem_shared>>
      %dma_wait3A_2859 = arith.constant 4800 : i32
      %dma_wait3A_2860 = tpu.memref_slice %arg17[%dma_wait3A_2859] : memref<10000xf32, #tpu.memory_space<vmem_shared>> -> memref<200xf32, #tpu.memory_space<vmem_shared>>
      tpu.wait_dma2 semaphore(%arg24 : memref<!tpu.dma_semaphore, #tpu.memory_space<semaphore_mem>>) src(%arg15 : memref<200xf32, #tpu.memory_space<vmem>>) dst(%dma_wait3A_2860 : memref<200xf32, #tpu.memory_space<vmem_shared>>)
      %dma_wait3A_2861 = arith.constant 5000 : i32
      %dma_wait3A_2862 = tpu.memref_slice %arg17[%dma_wait3A_2861] : memref<10000xf32, #tpu.memory_space<vmem_shared>> -> memref<200xf32, #tpu.memory_space<vmem_shared>>
      %dma_wait3A_2863 = arith.constant 5000 : i32
      %dma_wait3A_2864 = tpu.memref_slice %arg17[%dma_wait3A_2863] : memref<10000xf32, #tpu.memory_space<vmem_shared>> -> memref<200xf32, #tpu.memory_space<vmem_shared>>
      tpu.wait_dma2 semaphore(%arg24 : memref<!tpu.dma_semaphore, #tpu.memory_space<semaphore_mem>>) src(%arg15 : memref<200xf32, #tpu.memory_space<vmem>>) dst(%dma_wait3A_2864 : memref<200xf32, #tpu.memory_space<vmem_shared>>)
      %dma_wait3A_2865 = arith.constant 5200 : i32
      %dma_wait3A_2866 = tpu.memref_slice %arg17[%dma_wait3A_2865] : memref<10000xf32, #tpu.memory_space<vmem_shared>> -> memref<200xf32, #tpu.memory_space<vmem_shared>>
      %dma_wait3A_2867 = arith.constant 5200 : i32
      %dma_wait3A_2868 = tpu.memref_slice %arg17[%dma_wait3A_2867] : memref<10000xf32, #tpu.memory_space<vmem_shared>> -> memref<200xf32, #tpu.memory_space<vmem_shared>>
      tpu.wait_dma2 semaphore(%arg24 : memref<!tpu.dma_semaphore, #tpu.memory_space<semaphore_mem>>) src(%arg15 : memref<200xf32, #tpu.memory_space<vmem>>) dst(%dma_wait3A_2868 : memref<200xf32, #tpu.memory_space<vmem_shared>>)
      %dma_wait3A_2869 = arith.constant 5400 : i32
      %dma_wait3A_2870 = tpu.memref_slice %arg17[%dma_wait3A_2869] : memref<10000xf32, #tpu.memory_space<vmem_shared>> -> memref<200xf32, #tpu.memory_space<vmem_shared>>
      %dma_wait3A_2871 = arith.constant 5400 : i32
      %dma_wait3A_2872 = tpu.memref_slice %arg17[%dma_wait3A_2871] : memref<10000xf32, #tpu.memory_space<vmem_shared>> -> memref<200xf32, #tpu.memory_space<vmem_shared>>
      tpu.wait_dma2 semaphore(%arg24 : memref<!tpu.dma_semaphore, #tpu.memory_space<semaphore_mem>>) src(%arg15 : memref<200xf32, #tpu.memory_space<vmem>>) dst(%dma_wait3A_2872 : memref<200xf32, #tpu.memory_space<vmem_shared>>)
      %dma_wait3A_2873 = arith.constant 5600 : i32
      %dma_wait3A_2874 = tpu.memref_slice %arg17[%dma_wait3A_2873] : memref<10000xf32, #tpu.memory_space<vmem_shared>> -> memref<200xf32, #tpu.memory_space<vmem_shared>>
      %dma_wait3A_2875 = arith.constant 5600 : i32
      %dma_wait3A_2876 = tpu.memref_slice %arg17[%dma_wait3A_2875] : memref<10000xf32, #tpu.memory_space<vmem_shared>> -> memref<200xf32, #tpu.memory_space<vmem_shared>>
      tpu.wait_dma2 semaphore(%arg24 : memref<!tpu.dma_semaphore, #tpu.memory_space<semaphore_mem>>) src(%arg15 : memref<200xf32, #tpu.memory_space<vmem>>) dst(%dma_wait3A_2876 : memref<200xf32, #tpu.memory_space<vmem_shared>>)
      %dma_wait3A_2877 = arith.constant 5800 : i32
      %dma_wait3A_2878 = tpu.memref_slice %arg17[%dma_wait3A_2877] : memref<10000xf32, #tpu.memory_space<vmem_shared>> -> memref<200xf32, #tpu.memory_space<vmem_shared>>
      %dma_wait3A_2879 = arith.constant 5800 : i32
      %dma_wait3A_2880 = tpu.memref_slice %arg17[%dma_wait3A_2879] : memref<10000xf32, #tpu.memory_space<vmem_shared>> -> memref<200xf32, #tpu.memory_space<vmem_shared>>
      tpu.wait_dma2 semaphore(%arg24 : memref<!tpu.dma_semaphore, #tpu.memory_space<semaphore_mem>>) src(%arg15 : memref<200xf32, #tpu.memory_space<vmem>>) dst(%dma_wait3A_2880 : memref<200xf32, #tpu.memory_space<vmem_shared>>)
      %dma_wait3A_2881 = arith.constant 6000 : i32
      %dma_wait3A_2882 = tpu.memref_slice %arg17[%dma_wait3A_2881] : memref<10000xf32, #tpu.memory_space<vmem_shared>> -> memref<200xf32, #tpu.memory_space<vmem_shared>>
      %dma_wait3A_2883 = arith.constant 6000 : i32
      %dma_wait3A_2884 = tpu.memref_slice %arg17[%dma_wait3A_2883] : memref<10000xf32, #tpu.memory_space<vmem_shared>> -> memref<200xf32, #tpu.memory_space<vmem_shared>>
      tpu.wait_dma2 semaphore(%arg24 : memref<!tpu.dma_semaphore, #tpu.memory_space<semaphore_mem>>) src(%arg15 : memref<200xf32, #tpu.memory_space<vmem>>) dst(%dma_wait3A_2884 : memref<200xf32, #tpu.memory_space<vmem_shared>>)
      %dma_wait3A_2885 = arith.constant 6200 : i32
      %dma_wait3A_2886 = tpu.memref_slice %arg17[%dma_wait3A_2885] : memref<10000xf32, #tpu.memory_space<vmem_shared>> -> memref<200xf32, #tpu.memory_space<vmem_shared>>
      %dma_wait3A_2887 = arith.constant 6200 : i32
      %dma_wait3A_2888 = tpu.memref_slice %arg17[%dma_wait3A_2887] : memref<10000xf32, #tpu.memory_space<vmem_shared>> -> memref<200xf32, #tpu.memory_space<vmem_shared>>
      tpu.wait_dma2 semaphore(%arg24 : memref<!tpu.dma_semaphore, #tpu.memory_space<semaphore_mem>>) src(%arg15 : memref<200xf32, #tpu.memory_space<vmem>>) dst(%dma_wait3A_2888 : memref<200xf32, #tpu.memory_space<vmem_shared>>)
      %dma_wait3A_2889 = arith.constant 6400 : i32
      %dma_wait3A_2890 = tpu.memref_slice %arg17[%dma_wait3A_2889] : memref<10000xf32, #tpu.memory_space<vmem_shared>> -> memref<200xf32, #tpu.memory_space<vmem_shared>>
      %dma_wait3A_2891 = arith.constant 6400 : i32
      %dma_wait3A_2892 = tpu.memref_slice %arg17[%dma_wait3A_2891] : memref<10000xf32, #tpu.memory_space<vmem_shared>> -> memref<200xf32, #tpu.memory_space<vmem_shared>>
      tpu.wait_dma2 semaphore(%arg24 : memref<!tpu.dma_semaphore, #tpu.memory_space<semaphore_mem>>) src(%arg15 : memref<200xf32, #tpu.memory_space<vmem>>) dst(%dma_wait3A_2892 : memref<200xf32, #tpu.memory_space<vmem_shared>>)
      %dma_wait3A_2893 = arith.constant 6600 : i32
      %dma_wait3A_2894 = tpu.memref_slice %arg17[%dma_wait3A_2893] : memref<10000xf32, #tpu.memory_space<vmem_shared>> -> memref<200xf32, #tpu.memory_space<vmem_shared>>
      %dma_wait3A_2895 = arith.constant 6600 : i32
      %dma_wait3A_2896 = tpu.memref_slice %arg17[%dma_wait3A_2895] : memref<10000xf32, #tpu.memory_space<vmem_shared>> -> memref<200xf32, #tpu.memory_space<vmem_shared>>
      tpu.wait_dma2 semaphore(%arg24 : memref<!tpu.dma_semaphore, #tpu.memory_space<semaphore_mem>>) src(%arg15 : memref<200xf32, #tpu.memory_space<vmem>>) dst(%dma_wait3A_2896 : memref<200xf32, #tpu.memory_space<vmem_shared>>)
      %dma_wait3A_2897 = arith.constant 6800 : i32
      %dma_wait3A_2898 = tpu.memref_slice %arg17[%dma_wait3A_2897] : memref<10000xf32, #tpu.memory_space<vmem_shared>> -> memref<200xf32, #tpu.memory_space<vmem_shared>>
      %dma_wait3A_2899 = arith.constant 6800 : i32
      %dma_wait3A_2900 = tpu.memref_slice %arg17[%dma_wait3A_2899] : memref<10000xf32, #tpu.memory_space<vmem_shared>> -> memref<200xf32, #tpu.memory_space<vmem_shared>>
      tpu.wait_dma2 semaphore(%arg24 : memref<!tpu.dma_semaphore, #tpu.memory_space<semaphore_mem>>) src(%arg15 : memref<200xf32, #tpu.memory_space<vmem>>) dst(%dma_wait3A_2900 : memref<200xf32, #tpu.memory_space<vmem_shared>>)
      %dma_wait3A_2901 = arith.constant 7000 : i32
      %dma_wait3A_2902 = tpu.memref_slice %arg17[%dma_wait3A_2901] : memref<10000xf32, #tpu.memory_space<vmem_shared>> -> memref<200xf32, #tpu.memory_space<vmem_shared>>
      %dma_wait3A_2903 = arith.constant 7000 : i32
      %dma_wait3A_2904 = tpu.memref_slice %arg17[%dma_wait3A_2903] : memref<10000xf32, #tpu.memory_space<vmem_shared>> -> memref<200xf32, #tpu.memory_space<vmem_shared>>
      tpu.wait_dma2 semaphore(%arg24 : memref<!tpu.dma_semaphore, #tpu.memory_space<semaphore_mem>>) src(%arg15 : memref<200xf32, #tpu.memory_space<vmem>>) dst(%dma_wait3A_2904 : memref<200xf32, #tpu.memory_space<vmem_shared>>)
      %dma_wait3A_2905 = arith.constant 7200 : i32
      %dma_wait3A_2906 = tpu.memref_slice %arg17[%dma_wait3A_2905] : memref<10000xf32, #tpu.memory_space<vmem_shared>> -> memref<200xf32, #tpu.memory_space<vmem_shared>>
      %dma_wait3A_2907 = arith.constant 7200 : i32
      %dma_wait3A_2908 = tpu.memref_slice %arg17[%dma_wait3A_2907] : memref<10000xf32, #tpu.memory_space<vmem_shared>> -> memref<200xf32, #tpu.memory_space<vmem_shared>>
      tpu.wait_dma2 semaphore(%arg24 : memref<!tpu.dma_semaphore, #tpu.memory_space<semaphore_mem>>) src(%arg15 : memref<200xf32, #tpu.memory_space<vmem>>) dst(%dma_wait3A_2908 : memref<200xf32, #tpu.memory_space<vmem_shared>>)
      %dma_wait3A_2909 = arith.constant 7400 : i32
      %dma_wait3A_2910 = tpu.memref_slice %arg17[%dma_wait3A_2909] : memref<10000xf32, #tpu.memory_space<vmem_shared>> -> memref<200xf32, #tpu.memory_space<vmem_shared>>
      %dma_wait3A_2911 = arith.constant 7400 : i32
      %dma_wait3A_2912 = tpu.memref_slice %arg17[%dma_wait3A_2911] : memref<10000xf32, #tpu.memory_space<vmem_shared>> -> memref<200xf32, #tpu.memory_space<vmem_shared>>
      tpu.wait_dma2 semaphore(%arg24 : memref<!tpu.dma_semaphore, #tpu.memory_space<semaphore_mem>>) src(%arg15 : memref<200xf32, #tpu.memory_space<vmem>>) dst(%dma_wait3A_2912 : memref<200xf32, #tpu.memory_space<vmem_shared>>)
      %dma_wait3A_2913 = arith.constant 7600 : i32
      %dma_wait3A_2914 = tpu.memref_slice %arg17[%dma_wait3A_2913] : memref<10000xf32, #tpu.memory_space<vmem_shared>> -> memref<200xf32, #tpu.memory_space<vmem_shared>>
      %dma_wait3A_2915 = arith.constant 7600 : i32
      %dma_wait3A_2916 = tpu.memref_slice %arg17[%dma_wait3A_2915] : memref<10000xf32, #tpu.memory_space<vmem_shared>> -> memref<200xf32, #tpu.memory_space<vmem_shared>>
      tpu.wait_dma2 semaphore(%arg24 : memref<!tpu.dma_semaphore, #tpu.memory_space<semaphore_mem>>) src(%arg15 : memref<200xf32, #tpu.memory_space<vmem>>) dst(%dma_wait3A_2916 : memref<200xf32, #tpu.memory_space<vmem_shared>>)
      %dma_wait3A_2917 = arith.constant 7800 : i32
      %dma_wait3A_2918 = tpu.memref_slice %arg17[%dma_wait3A_2917] : memref<10000xf32, #tpu.memory_space<vmem_shared>> -> memref<200xf32, #tpu.memory_space<vmem_shared>>
      %dma_wait3A_2919 = arith.constant 7800 : i32
      %dma_wait3A_2920 = tpu.memref_slice %arg17[%dma_wait3A_2919] : memref<10000xf32, #tpu.memory_space<vmem_shared>> -> memref<200xf32, #tpu.memory_space<vmem_shared>>
      tpu.wait_dma2 semaphore(%arg24 : memref<!tpu.dma_semaphore, #tpu.memory_space<semaphore_mem>>) src(%arg15 : memref<200xf32, #tpu.memory_space<vmem>>) dst(%dma_wait3A_2920 : memref<200xf32, #tpu.memory_space<vmem_shared>>)
      %dma_wait3A_2921 = arith.constant 8000 : i32
      %dma_wait3A_2922 = tpu.memref_slice %arg17[%dma_wait3A_2921] : memref<10000xf32, #tpu.memory_space<vmem_shared>> -> memref<200xf32, #tpu.memory_space<vmem_shared>>
      %dma_wait3A_2923 = arith.constant 8000 : i32
      %dma_wait3A_2924 = tpu.memref_slice %arg17[%dma_wait3A_2923] : memref<10000xf32, #tpu.memory_space<vmem_shared>> -> memref<200xf32, #tpu.memory_space<vmem_shared>>
      tpu.wait_dma2 semaphore(%arg24 : memref<!tpu.dma_semaphore, #tpu.memory_space<semaphore_mem>>) src(%arg15 : memref<200xf32, #tpu.memory_space<vmem>>) dst(%dma_wait3A_2924 : memref<200xf32, #tpu.memory_space<vmem_shared>>)
      %dma_wait3A_2925 = arith.constant 8200 : i32
      %dma_wait3A_2926 = tpu.memref_slice %arg17[%dma_wait3A_2925] : memref<10000xf32, #tpu.memory_space<vmem_shared>> -> memref<200xf32, #tpu.memory_space<vmem_shared>>
      %dma_wait3A_2927 = arith.constant 8200 : i32
      %dma_wait3A_2928 = tpu.memref_slice %arg17[%dma_wait3A_2927] : memref<10000xf32, #tpu.memory_space<vmem_shared>> -> memref<200xf32, #tpu.memory_space<vmem_shared>>
      tpu.wait_dma2 semaphore(%arg24 : memref<!tpu.dma_semaphore, #tpu.memory_space<semaphore_mem>>) src(%arg15 : memref<200xf32, #tpu.memory_space<vmem>>) dst(%dma_wait3A_2928 : memref<200xf32, #tpu.memory_space<vmem_shared>>)
      %dma_wait3A_2929 = arith.constant 8400 : i32
      %dma_wait3A_2930 = tpu.memref_slice %arg17[%dma_wait3A_2929] : memref<10000xf32, #tpu.memory_space<vmem_shared>> -> memref<200xf32, #tpu.memory_space<vmem_shared>>
      %dma_wait3A_2931 = arith.constant 8400 : i32
      %dma_wait3A_2932 = tpu.memref_slice %arg17[%dma_wait3A_2931] : memref<10000xf32, #tpu.memory_space<vmem_shared>> -> memref<200xf32, #tpu.memory_space<vmem_shared>>
      tpu.wait_dma2 semaphore(%arg24 : memref<!tpu.dma_semaphore, #tpu.memory_space<semaphore_mem>>) src(%arg15 : memref<200xf32, #tpu.memory_space<vmem>>) dst(%dma_wait3A_2932 : memref<200xf32, #tpu.memory_space<vmem_shared>>)
      %dma_wait3A_2933 = arith.constant 8600 : i32
      %dma_wait3A_2934 = tpu.memref_slice %arg17[%dma_wait3A_2933] : memref<10000xf32, #tpu.memory_space<vmem_shared>> -> memref<200xf32, #tpu.memory_space<vmem_shared>>
      %dma_wait3A_2935 = arith.constant 8600 : i32
      %dma_wait3A_2936 = tpu.memref_slice %arg17[%dma_wait3A_2935] : memref<10000xf32, #tpu.memory_space<vmem_shared>> -> memref<200xf32, #tpu.memory_space<vmem_shared>>
      tpu.wait_dma2 semaphore(%arg24 : memref<!tpu.dma_semaphore, #tpu.memory_space<semaphore_mem>>) src(%arg15 : memref<200xf32, #tpu.memory_space<vmem>>) dst(%dma_wait3A_2936 : memref<200xf32, #tpu.memory_space<vmem_shared>>)
      %dma_wait3A_2937 = arith.constant 8800 : i32
      %dma_wait3A_2938 = tpu.memref_slice %arg17[%dma_wait3A_2937] : memref<10000xf32, #tpu.memory_space<vmem_shared>> -> memref<200xf32, #tpu.memory_space<vmem_shared>>
      %dma_wait3A_2939 = arith.constant 8800 : i32
      %dma_wait3A_2940 = tpu.memref_slice %arg17[%dma_wait3A_2939] : memref<10000xf32, #tpu.memory_space<vmem_shared>> -> memref<200xf32, #tpu.memory_space<vmem_shared>>
      tpu.wait_dma2 semaphore(%arg24 : memref<!tpu.dma_semaphore, #tpu.memory_space<semaphore_mem>>) src(%arg15 : memref<200xf32, #tpu.memory_space<vmem>>) dst(%dma_wait3A_2940 : memref<200xf32, #tpu.memory_space<vmem_shared>>)
      %dma_wait3A_2941 = arith.constant 9000 : i32
      %dma_wait3A_2942 = tpu.memref_slice %arg17[%dma_wait3A_2941] : memref<10000xf32, #tpu.memory_space<vmem_shared>> -> memref<200xf32, #tpu.memory_space<vmem_shared>>
      %dma_wait3A_2943 = arith.constant 9000 : i32
      %dma_wait3A_2944 = tpu.memref_slice %arg17[%dma_wait3A_2943] : memref<10000xf32, #tpu.memory_space<vmem_shared>> -> memref<200xf32, #tpu.memory_space<vmem_shared>>
      tpu.wait_dma2 semaphore(%arg24 : memref<!tpu.dma_semaphore, #tpu.memory_space<semaphore_mem>>) src(%arg15 : memref<200xf32, #tpu.memory_space<vmem>>) dst(%dma_wait3A_2944 : memref<200xf32, #tpu.memory_space<vmem_shared>>)
      %dma_wait3A_2945 = arith.constant 9200 : i32
      %dma_wait3A_2946 = tpu.memref_slice %arg17[%dma_wait3A_2945] : memref<10000xf32, #tpu.memory_space<vmem_shared>> -> memref<200xf32, #tpu.memory_space<vmem_shared>>
      %dma_wait3A_2947 = arith.constant 9200 : i32
      %dma_wait3A_2948 = tpu.memref_slice %arg17[%dma_wait3A_2947] : memref<10000xf32, #tpu.memory_space<vmem_shared>> -> memref<200xf32, #tpu.memory_space<vmem_shared>>
      tpu.wait_dma2 semaphore(%arg24 : memref<!tpu.dma_semaphore, #tpu.memory_space<semaphore_mem>>) src(%arg15 : memref<200xf32, #tpu.memory_space<vmem>>) dst(%dma_wait3A_2948 : memref<200xf32, #tpu.memory_space<vmem_shared>>)
      %dma_wait3A_2949 = arith.constant 9400 : i32
      %dma_wait3A_2950 = tpu.memref_slice %arg17[%dma_wait3A_2949] : memref<10000xf32, #tpu.memory_space<vmem_shared>> -> memref<200xf32, #tpu.memory_space<vmem_shared>>
      %dma_wait3A_2951 = arith.constant 9400 : i32
      %dma_wait3A_2952 = tpu.memref_slice %arg17[%dma_wait3A_2951] : memref<10000xf32, #tpu.memory_space<vmem_shared>> -> memref<200xf32, #tpu.memory_space<vmem_shared>>
      tpu.wait_dma2 semaphore(%arg24 : memref<!tpu.dma_semaphore, #tpu.memory_space<semaphore_mem>>) src(%arg15 : memref<200xf32, #tpu.memory_space<vmem>>) dst(%dma_wait3A_2952 : memref<200xf32, #tpu.memory_space<vmem_shared>>)
      %dma_wait3A_2953 = arith.constant 9600 : i32
      %dma_wait3A_2954 = tpu.memref_slice %arg17[%dma_wait3A_2953] : memref<10000xf32, #tpu.memory_space<vmem_shared>> -> memref<200xf32, #tpu.memory_space<vmem_shared>>
      %dma_wait3A_2955 = arith.constant 9600 : i32
      %dma_wait3A_2956 = tpu.memref_slice %arg17[%dma_wait3A_2955] : memref<10000xf32, #tpu.memory_space<vmem_shared>> -> memref<200xf32, #tpu.memory_space<vmem_shared>>
      tpu.wait_dma2 semaphore(%arg24 : memref<!tpu.dma_semaphore, #tpu.memory_space<semaphore_mem>>) src(%arg15 : memref<200xf32, #tpu.memory_space<vmem>>) dst(%dma_wait3A_2956 : memref<200xf32, #tpu.memory_space<vmem_shared>>)
      %dma_wait3A_2957 = arith.constant 9800 : i32
      %dma_wait3A_2958 = tpu.memref_slice %arg17[%dma_wait3A_2957] : memref<10000xf32, #tpu.memory_space<vmem_shared>> -> memref<200xf32, #tpu.memory_space<vmem_shared>>
      %dma_wait3A_2959 = arith.constant 9800 : i32
      %dma_wait3A_2960 = tpu.memref_slice %arg17[%dma_wait3A_2959] : memref<10000xf32, #tpu.memory_space<vmem_shared>> -> memref<200xf32, #tpu.memory_space<vmem_shared>>
      tpu.wait_dma2 semaphore(%arg24 : memref<!tpu.dma_semaphore, #tpu.memory_space<semaphore_mem>>) src(%arg15 : memref<200xf32, #tpu.memory_space<vmem>>) dst(%dma_wait3A_2960 : memref<200xf32, #tpu.memory_space<vmem_shared>>)
    } else {
    }
    %barrier3A = arith.constant 0 : index
    tpu.barrier barrier_id(%barrier3A)
    %add3A_2656 = arith.constant 0 : i32
    %add3A_2657 = arith.addi %add3A, %add3A_2656 : i32
    %dma_start3A_2658 = arith.constant 0 : i32
    %dma_start3A_2659 = arith.constant 0 : i32
    %dma_start3A_2660 = tpu.memref_slice %arg2[%add3A_2657, %dma_start3A_2658, %dma_start3A_2659] : memref<2500x2x128xi32, #tpu.memory_space<hbm>> -> memref<1x2x128xi32, #tpu.memory_space<hbm>>
    %dma_start3A_2661 = tpu.memref_squeeze %dma_start3A_2660 : memref<1x2x128xi32, #tpu.memory_space<hbm>> -> memref<2x128xi32, #tpu.memory_space<hbm>>
    %dma_start3A_2662 = arith.constant 0 : i32
    %dma_start3A_2663 = arith.constant 0 : i32
    %dma_start3A_2664 = tpu.memref_slice %arg2[%add3A_2657, %dma_start3A_2662, %dma_start3A_2663] : memref<2500x2x128xi32, #tpu.memory_space<hbm>> -> memref<1x2x128xi32, #tpu.memory_space<hbm>>
    %dma_start3A_2665 = tpu.memref_squeeze %dma_start3A_2664 : memref<1x2x128xi32, #tpu.memory_space<hbm>> -> memref<2x128xi32, #tpu.memory_space<hbm>>
    tpu.enqueue_dma source(%dma_start3A_2665 : memref<2x128xi32, #tpu.memory_space<hbm>>) target(%arg8 : memref<2x128xi32, #tpu.memory_space<vmem>>) target_semaphore(%arg18 : memref<!tpu.dma_semaphore, #tpu.memory_space<semaphore_mem>>)
    %add3A_2666 = arith.constant 32 : i32
    %add3A_2667 = arith.addi %add3A, %add3A_2666 : i32
    %dma_start3A_2668 = arith.constant 0 : i32
    %dma_start3A_2669 = arith.constant 0 : i32
    %dma_start3A_2670 = tpu.memref_slice %arg2[%add3A_2667, %dma_start3A_2668, %dma_start3A_2669] : memref<2500x2x128xi32, #tpu.memory_space<hbm>> -> memref<1x2x128xi32, #tpu.memory_space<hbm>>
    %dma_start3A_2671 = tpu.memref_squeeze %dma_start3A_2670 : memref<1x2x128xi32, #tpu.memory_space<hbm>> -> memref<2x128xi32, #tpu.memory_space<hbm>>
    %dma_start3A_2672 = arith.constant 0 : i32
    %dma_start3A_2673 = arith.constant 0 : i32
    %dma_start3A_2674 = tpu.memref_slice %arg2[%add3A_2667, %dma_start3A_2672, %dma_start3A_2673] : memref<2500x2x128xi32, #tpu.memory_space<hbm>> -> memref<1x2x128xi32, #tpu.memory_space<hbm>>
    %dma_start3A_2675 = tpu.memref_squeeze %dma_start3A_2674 : memref<1x2x128xi32, #tpu.memory_space<hbm>> -> memref<2x128xi32, #tpu.memory_space<hbm>>
    tpu.enqueue_dma source(%dma_start3A_2675 : memref<2x128xi32, #tpu.memory_space<hbm>>) target(%arg9 : memref<2x128xi32, #tpu.memory_space<vmem>>) target_semaphore(%arg19 : memref<!tpu.dma_semaphore, #tpu.memory_space<semaphore_mem>>)
    %add3A_2676 = arith.constant 64 : i32
    %add3A_2677 = arith.addi %add3A, %add3A_2676 : i32
    %dma_start3A_2678 = arith.constant 0 : i32
    %dma_start3A_2679 = arith.constant 0 : i32
    %dma_start3A_2680 = tpu.memref_slice %arg2[%add3A_2677, %dma_start3A_2678, %dma_start3A_2679] : memref<2500x2x128xi32, #tpu.memory_space<hbm>> -> memref<1x2x128xi32, #tpu.memory_space<hbm>>
    %dma_start3A_2681 = tpu.memref_squeeze %dma_start3A_2680 : memref<1x2x128xi32, #tpu.memory_space<hbm>> -> memref<2x128xi32, #tpu.memory_space<hbm>>
    %dma_start3A_2682 = arith.constant 0 : i32
    %dma_start3A_2683 = arith.constant 0 : i32
    %dma_start3A_2684 = tpu.memref_slice %arg2[%add3A_2677, %dma_start3A_2682, %dma_start3A_2683] : memref<2500x2x128xi32, #tpu.memory_space<hbm>> -> memref<1x2x128xi32, #tpu.memory_space<hbm>>
    %dma_start3A_2685 = tpu.memref_squeeze %dma_start3A_2684 : memref<1x2x128xi32, #tpu.memory_space<hbm>> -> memref<2x128xi32, #tpu.memory_space<hbm>>
    tpu.enqueue_dma source(%dma_start3A_2685 : memref<2x128xi32, #tpu.memory_space<hbm>>) target(%arg10 : memref<2x128xi32, #tpu.memory_space<vmem>>) target_semaphore(%arg20 : memref<!tpu.dma_semaphore, #tpu.memory_space<semaphore_mem>>)
    %dma_wait3A_2686 = arith.constant 0 : i32
    %dma_wait3A_2687 = arith.constant 0 : i32
    %dma_wait3A_2688 = arith.constant 0 : i32
    %dma_wait3A_2689 = tpu.memref_slice %arg2[%dma_wait3A_2686, %dma_wait3A_2687, %dma_wait3A_2688] : memref<2500x2x128xi32, #tpu.memory_space<hbm>> -> memref<1x2x128xi32, #tpu.memory_space<hbm>>
    %dma_wait3A_2690 = tpu.memref_squeeze %dma_wait3A_2689 : memref<1x2x128xi32, #tpu.memory_space<hbm>> -> memref<2x128xi32, #tpu.memory_space<hbm>>
    %dma_wait3A_2691 = arith.constant 0 : i32
    %dma_wait3A_2692 = arith.constant 0 : i32
    %dma_wait3A_2693 = tpu.memref_slice %arg2[%dma_wait3A_2686, %dma_wait3A_2691, %dma_wait3A_2692] : memref<2500x2x128xi32, #tpu.memory_space<hbm>> -> memref<1x2x128xi32, #tpu.memory_space<hbm>>
    %dma_wait3A_2694 = tpu.memref_squeeze %dma_wait3A_2693 : memref<1x2x128xi32, #tpu.memory_space<hbm>> -> memref<2x128xi32, #tpu.memory_space<hbm>>
    tpu.wait_dma2 semaphore(%arg18 : memref<!tpu.dma_semaphore, #tpu.memory_space<semaphore_mem>>) src(%dma_wait3A_2694 : memref<2x128xi32, #tpu.memory_space<hbm>>) dst(%arg8 : memref<2x128xi32, #tpu.memory_space<vmem>>)
    %dma_start3A_2695 = arith.constant 0 : i32
    %dma_start3A_2696 = arith.constant 0 : i32
    %dma_start3A_2697 = tpu.memref_slice %arg8[%dma_start3A_2695, %dma_start3A_2696] : memref<2x128xi32, #tpu.memory_space<vmem>> -> memref<1x128xi32, #tpu.memory_space<vmem>>
    %dma_start3A_2698 = tpu.memref_squeeze %dma_start3A_2697 : memref<1x128xi32, #tpu.memory_space<vmem>> -> memref<128xi32, #tpu.memory_space<vmem>>
    %dma_start3A_2699 = arith.constant 0 : i32
    %dma_start3A_2700 = arith.constant 0 : i32
    %dma_start3A_2701 = tpu.memref_slice %arg3[%dma_start3A_2699, %dma_start3A_2700] : memref<10000x128xf32, #tpu.memory_space<hbm>> -> memref<10000x128xf32, #tpu.memory_space<hbm>>
    tpu.enqueue_indirect_dma source(%dma_start3A_2701 : memref<10000x128xf32, #tpu.memory_space<hbm>>) target(%arg11 : memref<128x128xf32, #tpu.memory_space<vmem>>) offsets(%dma_start3A_2698 : memref<128xi32, #tpu.memory_space<vmem>>) semaphore(%arg21 : memref<!tpu.dma_semaphore, #tpu.memory_space<semaphore_mem>>)
    %dma_wait3A_2702 = arith.constant 0 : i32
    %dma_wait3A_2703 = arith.constant 0 : i32
    %dma_wait3A_2704 = arith.constant 0 : i32
    %dma_wait3A_2705 = tpu.memref_slice %arg2[%dma_wait3A_2702, %dma_wait3A_2703, %dma_wait3A_2704] : memref<2500x2x128xi32, #tpu.memory_space<hbm>> -> memref<1x2x128xi32, #tpu.memory_space<hbm>>
    %dma_wait3A_2706 = tpu.memref_squeeze %dma_wait3A_2705 : memref<1x2x128xi32, #tpu.memory_space<hbm>> -> memref<2x128xi32, #tpu.memory_space<hbm>>
    %dma_wait3A_2707 = arith.constant 0 : i32
    %dma_wait3A_2708 = arith.constant 0 : i32
    %dma_wait3A_2709 = tpu.memref_slice %arg2[%dma_wait3A_2702, %dma_wait3A_2707, %dma_wait3A_2708] : memref<2500x2x128xi32, #tpu.memory_space<hbm>> -> memref<1x2x128xi32, #tpu.memory_space<hbm>>
    %dma_wait3A_2710 = tpu.memref_squeeze %dma_wait3A_2709 : memref<1x2x128xi32, #tpu.memory_space<hbm>> -> memref<2x128xi32, #tpu.memory_space<hbm>>
    tpu.wait_dma2 semaphore(%arg19 : memref<!tpu.dma_semaphore, #tpu.memory_space<semaphore_mem>>) src(%dma_wait3A_2710 : memref<2x128xi32, #tpu.memory_space<hbm>>) dst(%arg9 : memref<2x128xi32, #tpu.memory_space<vmem>>)
    %dma_start3A_2711 = arith.constant 0 : i32
    %dma_start3A_2712 = arith.constant 0 : i32
    %dma_start3A_2713 = tpu.memref_slice %arg9[%dma_start3A_2711, %dma_start3A_2712] : memref<2x128xi32, #tpu.memory_space<vmem>> -> memref<1x128xi32, #tpu.memory_space<vmem>>
    %dma_start3A_2714 = tpu.memref_squeeze %dma_start3A_2713 : memref<1x128xi32, #tpu.memory_space<vmem>> -> memref<128xi32, #tpu.memory_space<vmem>>
    %dma_start3A_2715 = arith.constant 0 : i32
    %dma_start3A_2716 = arith.constant 0 : i32
    %dma_start3A_2717 = tpu.memref_slice %arg3[%dma_start3A_2715, %dma_start3A_2716] : memref<10000x128xf32, #tpu.memory_space<hbm>> -> memref<10000x128xf32, #tpu.memory_space<hbm>>
    tpu.enqueue_indirect_dma source(%dma_start3A_2717 : memref<10000x128xf32, #tpu.memory_space<hbm>>) target(%arg12 : memref<128x128xf32, #tpu.memory_space<vmem>>) offsets(%dma_start3A_2714 : memref<128xi32, #tpu.memory_space<vmem>>) semaphore(%arg22 : memref<!tpu.dma_semaphore, #tpu.memory_space<semaphore_mem>>)
    %scan3A = arith.constant 0 : i32
    %scan3A_2718 = arith.constant 26 : i32
    %scan3A_2719 = arith.addi %scan3A, %scan3A_2718 : i32
    %scan3A_2720 = arith.constant 1 : i32
    scf.for %scan3A_2737 = %scan3A to %scan3A_2719 step %scan3A_2720  : i32 {
      %mul3A_2738 = arith.constant 3 : i32
      %mul3A_2739 = arith.muli %scan3A_2737, %mul3A_2738 : i32
      %add3A_2740 = arith.constant 0 : i32
      %add3A_2741 = arith.addi %add3A_2740, %mul3A_2739 : i32
      %add3A_2742 = arith.constant 0 : i32
      %add3A_2743 = arith.addi %add3A_2741, %add3A_2742 : i32
      %add3A_2744 = arith.constant 2 : i32
      %add3A_2745 = arith.addi %add3A_2743, %add3A_2744 : i32
      %lt3A_2746 = arith.constant 78 : i32
      %lt3A_2747 = arith.cmpi slt, %add3A_2745, %lt3A_2746 : i32
      %convert_element_type3A_2748 = arith.extui %lt3A_2747 : i1 to i32
      %cond3A_2749 = arith.constant 0 : i32
      %cond3A_2750 = arith.cmpi ne, %convert_element_type3A_2748, %cond3A_2749 : i32
      scf.if %cond3A_2750 {
        %dma_wait3A_2849 = arith.constant 0 : i32
        %dma_wait3A_2850 = arith.constant 0 : i32
        %dma_wait3A_2851 = arith.constant 0 : i32
        %dma_wait3A_2852 = tpu.memref_slice %arg2[%dma_wait3A_2849, %dma_wait3A_2850, %dma_wait3A_2851] : memref<2500x2x128xi32, #tpu.memory_space<hbm>> -> memref<1x2x128xi32, #tpu.memory_space<hbm>>
        %dma_wait3A_2853 = tpu.memref_squeeze %dma_wait3A_2852 : memref<1x2x128xi32, #tpu.memory_space<hbm>> -> memref<2x128xi32, #tpu.memory_space<hbm>>
        %dma_wait3A_2854 = arith.constant 0 : i32
        %dma_wait3A_2855 = arith.constant 0 : i32
        %dma_wait3A_2856 = tpu.memref_slice %arg2[%dma_wait3A_2849, %dma_wait3A_2854, %dma_wait3A_2855] : memref<2500x2x128xi32, #tpu.memory_space<hbm>> -> memref<1x2x128xi32, #tpu.memory_space<hbm>>
        %dma_wait3A_2857 = tpu.memref_squeeze %dma_wait3A_2856 : memref<1x2x128xi32, #tpu.memory_space<hbm>> -> memref<2x128xi32, #tpu.memory_space<hbm>>
        tpu.wait_dma2 semaphore(%arg20 : memref<!tpu.dma_semaphore, #tpu.memory_space<semaphore_mem>>) src(%dma_wait3A_2857 : memref<2x128xi32, #tpu.memory_space<hbm>>) dst(%arg10 : memref<2x128xi32, #tpu.memory_space<vmem>>)
        %dma_start3A_2858 = arith.constant 0 : i32
        %dma_start3A_2859 = arith.constant 0 : i32
        %dma_start3A_2860 = tpu.memref_slice %arg10[%dma_start3A_2858, %dma_start3A_2859] : memref<2x128xi32, #tpu.memory_space<vmem>> -> memref<1x128xi32, #tpu.memory_space<vmem>>
        %dma_start3A_2861 = tpu.memref_squeeze %dma_start3A_2860 : memref<1x128xi32, #tpu.memory_space<vmem>> -> memref<128xi32, #tpu.memory_space<vmem>>
        %dma_start3A_2862 = arith.constant 0 : i32
        %dma_start3A_2863 = arith.constant 0 : i32
        %dma_start3A_2864 = tpu.memref_slice %arg3[%dma_start3A_2862, %dma_start3A_2863] : memref<10000x128xf32, #tpu.memory_space<hbm>> -> memref<10000x128xf32, #tpu.memory_space<hbm>>
        tpu.enqueue_indirect_dma source(%dma_start3A_2864 : memref<10000x128xf32, #tpu.memory_space<hbm>>) target(%arg13 : memref<128x128xf32, #tpu.memory_space<vmem>>) offsets(%dma_start3A_2861 : memref<128xi32, #tpu.memory_space<vmem>>) semaphore(%arg23 : memref<!tpu.dma_semaphore, #tpu.memory_space<semaphore_mem>>)
      } else {
      }
      %dma_wait3A_2751 = arith.constant 0 : i32
      %dma_wait3A_2752 = arith.constant 0 : i32
      %dma_wait3A_2753 = tpu.memref_slice %arg8[%dma_wait3A_2751, %dma_wait3A_2752] : memref<2x128xi32, #tpu.memory_space<vmem>> -> memref<1x128xi32, #tpu.memory_space<vmem>>
      %dma_wait3A_2754 = tpu.memref_squeeze %dma_wait3A_2753 : memref<1x128xi32, #tpu.memory_space<vmem>> -> memref<128xi32, #tpu.memory_space<vmem>>
      %dma_wait3A_2755 = arith.constant 0 : i32
      %dma_wait3A_2756 = arith.constant 0 : i32
      %dma_wait3A_2757 = tpu.memref_slice %arg3[%dma_wait3A_2755, %dma_wait3A_2756] : memref<10000x128xf32, #tpu.memory_space<hbm>> -> memref<10000x128xf32, #tpu.memory_space<hbm>>
      tpu.wait_indirect_dma semaphore(%arg21 : memref<!tpu.dma_semaphore, #tpu.memory_space<semaphore_mem>>) src(%dma_wait3A_2757 : memref<10000x128xf32, #tpu.memory_space<hbm>>) dst(%arg11 : memref<128x128xf32, #tpu.memory_space<vmem>>)
      %dma_start3A_2758 = arith.constant 1 : i32
      %dma_start3A_2759 = arith.constant 0 : i32
      %dma_start3A_2760 = tpu.memref_slice %arg8[%dma_start3A_2758, %dma_start3A_2759] : memref<2x128xi32, #tpu.memory_space<vmem>> -> memref<1x128xi32, #tpu.memory_space<vmem>>
      %dma_start3A_2761 = tpu.memref_squeeze %dma_start3A_2760 : memref<1x128xi32, #tpu.memory_space<vmem>> -> memref<128xi32, #tpu.memory_space<vmem>>
      %dma_start3A_2762 = arith.constant 0 : i32
      %dma_start3A_2763 = tpu.memref_slice %arg17[%dma_start3A_2762] : memref<10000xf32, #tpu.memory_space<vmem_shared>> -> memref<10000xf32, #tpu.memory_space<vmem_shared>>
      tpu.enqueue_indirect_dma source(%arg14 : memref<128xf32, #tpu.memory_space<vmem>>) target(%dma_start3A_2763 : memref<10000xf32, #tpu.memory_space<vmem_shared>>) offsets(%dma_start3A_2761 : memref<128xi32, #tpu.memory_space<vmem>>) semaphore(%arg24 : memref<!tpu.dma_semaphore, #tpu.memory_space<semaphore_mem>>) {add = true}
      %run_scoped3A = arith.constant 1 : i32
      "tpu.region"() ({
        %run_scoped3A_2849 = tpu.sem_alloc : memref<!tpu.dma_semaphore, #tpu.memory_space<semaphore_mem>>
        %dma_start3A_2850 = arith.constant 0 : i32
        %dma_start3A_2851 = tpu.memref_slice %arg8[%run_scoped3A, %dma_start3A_2850] : memref<2x128xi32, #tpu.memory_space<vmem>> -> memref<1x128xi32, #tpu.memory_space<vmem>>
        %dma_start3A_2852 = tpu.memref_squeeze %dma_start3A_2851 : memref<1x128xi32, #tpu.memory_space<vmem>> -> memref<128xi32, #tpu.memory_space<vmem>>
        %dma_start3A_2853 = arith.constant 0 : i32
        %dma_start3A_2854 = arith.constant 0 : i32
        %dma_start3A_2855 = tpu.memref_slice %arg16[%dma_start3A_2853, %dma_start3A_2854] : memref<10000x128xf32, #tpu.memory_space<vmem_shared>> -> memref<10000x128xf32, #tpu.memory_space<vmem_shared>>
        tpu.enqueue_indirect_dma source(%arg11 : memref<128x128xf32, #tpu.memory_space<vmem>>) target(%dma_start3A_2855 : memref<10000x128xf32, #tpu.memory_space<vmem_shared>>) offsets(%dma_start3A_2852 : memref<128xi32, #tpu.memory_space<vmem>>) semaphore(%run_scoped3A_2849 : memref<!tpu.dma_semaphore, #tpu.memory_space<semaphore_mem>>) {add = true}
        %dma_wait3A_2856 = arith.constant 0 : i32
        %dma_wait3A_2857 = tpu.memref_slice %arg8[%run_scoped3A, %dma_wait3A_2856] : memref<2x128xi32, #tpu.memory_space<vmem>> -> memref<1x128xi32, #tpu.memory_space<vmem>>
        %dma_wait3A_2858 = tpu.memref_squeeze %dma_wait3A_2857 : memref<1x128xi32, #tpu.memory_space<vmem>> -> memref<128xi32, #tpu.memory_space<vmem>>
        %dma_wait3A_2859 = arith.constant 0 : i32
        %dma_wait3A_2860 = arith.constant 0 : i32
        %dma_wait3A_2861 = tpu.memref_slice %arg16[%dma_wait3A_2859, %dma_wait3A_2860] : memref<10000x128xf32, #tpu.memory_space<vmem_shared>> -> memref<10000x128xf32, #tpu.memory_space<vmem_shared>>
        tpu.wait_indirect_dma semaphore(%run_scoped3A_2849 : memref<!tpu.dma_semaphore, #tpu.memory_space<semaphore_mem>>) src(%arg11 : memref<128x128xf32, #tpu.memory_space<vmem>>) dst(%dma_wait3A_2861 : memref<10000x128xf32, #tpu.memory_space<vmem_shared>>)
        tpu.yield
      }) : () -> ()
      %dma_wait3A_2764 = arith.constant 1 : i32
      %dma_wait3A_2765 = arith.constant 0 : i32
      %dma_wait3A_2766 = tpu.memref_slice %arg8[%dma_wait3A_2764, %dma_wait3A_2765] : memref<2x128xi32, #tpu.memory_space<vmem>> -> memref<1x128xi32, #tpu.memory_space<vmem>>
      %dma_wait3A_2767 = tpu.memref_squeeze %dma_wait3A_2766 : memref<1x128xi32, #tpu.memory_space<vmem>> -> memref<128xi32, #tpu.memory_space<vmem>>
      %dma_wait3A_2768 = arith.constant 0 : i32
      %dma_wait3A_2769 = tpu.memref_slice %arg17[%dma_wait3A_2768] : memref<10000xf32, #tpu.memory_space<vmem_shared>> -> memref<10000xf32, #tpu.memory_space<vmem_shared>>
      tpu.wait_indirect_dma semaphore(%arg24 : memref<!tpu.dma_semaphore, #tpu.memory_space<semaphore_mem>>) src(%arg14 : memref<128xf32, #tpu.memory_space<vmem>>) dst(%dma_wait3A_2769 : memref<10000xf32, #tpu.memory_space<vmem_shared>>)
      %add3A_2770 = arith.constant 3 : i32
      %add3A_2771 = arith.addi %add3A_2743, %add3A_2770 : i32
      %lt3A_2772 = arith.constant 78 : i32
      %lt3A_2773 = arith.cmpi slt, %add3A_2771, %lt3A_2772 : i32
      %convert_element_type3A_2774 = arith.extui %lt3A_2773 : i1 to i32
      %cond3A_2775 = arith.constant 0 : i32
      %cond3A_2776 = arith.cmpi ne, %convert_element_type3A_2774, %cond3A_2775 : i32
      scf.if %cond3A_2776 {
        %add3A_2849 = arith.constant 3 : i32
        %add3A_2850 = arith.addi %add3A_2743, %add3A_2849 : i32
        %mul3A_2851 = arith.constant 32 : i32
        %mul3A_2852 = arith.muli %add3A_2850, %mul3A_2851 : i32
        %add3A_2853 = arith.addi %add3A, %mul3A_2852 : i32
        %dma_start3A_2854 = arith.constant 0 : i32
        %dma_start3A_2855 = arith.constant 0 : i32
        %dma_start3A_2856 = tpu.memref_slice %arg2[%add3A_2853, %dma_start3A_2854, %dma_start3A_2855] : memref<2500x2x128xi32, #tpu.memory_space<hbm>> -> memref<1x2x128xi32, #tpu.memory_space<hbm>>
        %dma_start3A_2857 = tpu.memref_squeeze %dma_start3A_2856 : memref<1x2x128xi32, #tpu.memory_space<hbm>> -> memref<2x128xi32, #tpu.memory_space<hbm>>
        %dma_start3A_2858 = arith.constant 0 : i32
        %dma_start3A_2859 = arith.constant 0 : i32
        %dma_start3A_2860 = tpu.memref_slice %arg2[%add3A_2853, %dma_start3A_2858, %dma_start3A_2859] : memref<2500x2x128xi32, #tpu.memory_space<hbm>> -> memref<1x2x128xi32, #tpu.memory_space<hbm>>
        %dma_start3A_2861 = tpu.memref_squeeze %dma_start3A_2860 : memref<1x2x128xi32, #tpu.memory_space<hbm>> -> memref<2x128xi32, #tpu.memory_space<hbm>>
        tpu.enqueue_dma source(%dma_start3A_2861 : memref<2x128xi32, #tpu.memory_space<hbm>>) target(%arg8 : memref<2x128xi32, #tpu.memory_space<vmem>>) target_semaphore(%arg18 : memref<!tpu.dma_semaphore, #tpu.memory_space<semaphore_mem>>)
      } else {
      }
      %add3A_2777 = arith.constant 1 : i32
      %add3A_2778 = arith.addi %add3A_2741, %add3A_2777 : i32
      %add3A_2779 = arith.constant 2 : i32
      %add3A_2780 = arith.addi %add3A_2778, %add3A_2779 : i32
      %lt3A_2781 = arith.constant 78 : i32
      %lt3A_2782 = arith.cmpi slt, %add3A_2780, %lt3A_2781 : i32
      %convert_element_type3A_2783 = arith.extui %lt3A_2782 : i1 to i32
      %cond3A_2784 = arith.constant 0 : i32
      %cond3A_2785 = arith.cmpi ne, %convert_element_type3A_2783, %cond3A_2784 : i32
      scf.if %cond3A_2785 {
        %dma_wait3A_2849 = arith.constant 0 : i32
        %dma_wait3A_2850 = arith.constant 0 : i32
        %dma_wait3A_2851 = arith.constant 0 : i32
        %dma_wait3A_2852 = tpu.memref_slice %arg2[%dma_wait3A_2849, %dma_wait3A_2850, %dma_wait3A_2851] : memref<2500x2x128xi32, #tpu.memory_space<hbm>> -> memref<1x2x128xi32, #tpu.memory_space<hbm>>
        %dma_wait3A_2853 = tpu.memref_squeeze %dma_wait3A_2852 : memref<1x2x128xi32, #tpu.memory_space<hbm>> -> memref<2x128xi32, #tpu.memory_space<hbm>>
        %dma_wait3A_2854 = arith.constant 0 : i32
        %dma_wait3A_2855 = arith.constant 0 : i32
        %dma_wait3A_2856 = tpu.memref_slice %arg2[%dma_wait3A_2849, %dma_wait3A_2854, %dma_wait3A_2855] : memref<2500x2x128xi32, #tpu.memory_space<hbm>> -> memref<1x2x128xi32, #tpu.memory_space<hbm>>
        %dma_wait3A_2857 = tpu.memref_squeeze %dma_wait3A_2856 : memref<1x2x128xi32, #tpu.memory_space<hbm>> -> memref<2x128xi32, #tpu.memory_space<hbm>>
        tpu.wait_dma2 semaphore(%arg18 : memref<!tpu.dma_semaphore, #tpu.memory_space<semaphore_mem>>) src(%dma_wait3A_2857 : memref<2x128xi32, #tpu.memory_space<hbm>>) dst(%arg8 : memref<2x128xi32, #tpu.memory_space<vmem>>)
        %dma_start3A_2858 = arith.constant 0 : i32
        %dma_start3A_2859 = arith.constant 0 : i32
        %dma_start3A_2860 = tpu.memref_slice %arg8[%dma_start3A_2858, %dma_start3A_2859] : memref<2x128xi32, #tpu.memory_space<vmem>> -> memref<1x128xi32, #tpu.memory_space<vmem>>
        %dma_start3A_2861 = tpu.memref_squeeze %dma_start3A_2860 : memref<1x128xi32, #tpu.memory_space<vmem>> -> memref<128xi32, #tpu.memory_space<vmem>>
        %dma_start3A_2862 = arith.constant 0 : i32
        %dma_start3A_2863 = arith.constant 0 : i32
        %dma_start3A_2864 = tpu.memref_slice %arg3[%dma_start3A_2862, %dma_start3A_2863] : memref<10000x128xf32, #tpu.memory_space<hbm>> -> memref<10000x128xf32, #tpu.memory_space<hbm>>
        tpu.enqueue_indirect_dma source(%dma_start3A_2864 : memref<10000x128xf32, #tpu.memory_space<hbm>>) target(%arg11 : memref<128x128xf32, #tpu.memory_space<vmem>>) offsets(%dma_start3A_2861 : memref<128xi32, #tpu.memory_space<vmem>>) semaphore(%arg21 : memref<!tpu.dma_semaphore, #tpu.memory_space<semaphore_mem>>)
      } else {
      }
      %dma_wait3A_2786 = arith.constant 0 : i32
      %dma_wait3A_2787 = arith.constant 0 : i32
      %dma_wait3A_2788 = tpu.memref_slice %arg9[%dma_wait3A_2786, %dma_wait3A_2787] : memref<2x128xi32, #tpu.memory_space<vmem>> -> memref<1x128xi32, #tpu.memory_space<vmem>>
      %dma_wait3A_2789 = tpu.memref_squeeze %dma_wait3A_2788 : memref<1x128xi32, #tpu.memory_space<vmem>> -> memref<128xi32, #tpu.memory_space<vmem>>
      %dma_wait3A_2790 = arith.constant 0 : i32
      %dma_wait3A_2791 = arith.constant 0 : i32
      %dma_wait3A_2792 = tpu.memref_slice %arg3[%dma_wait3A_2790, %dma_wait3A_2791] : memref<10000x128xf32, #tpu.memory_space<hbm>> -> memref<10000x128xf32, #tpu.memory_space<hbm>>
      tpu.wait_indirect_dma semaphore(%arg22 : memref<!tpu.dma_semaphore, #tpu.memory_space<semaphore_mem>>) src(%dma_wait3A_2792 : memref<10000x128xf32, #tpu.memory_space<hbm>>) dst(%arg12 : memref<128x128xf32, #tpu.memory_space<vmem>>)
      %dma_start3A_2793 = arith.constant 1 : i32
      %dma_start3A_2794 = arith.constant 0 : i32
      %dma_start3A_2795 = tpu.memref_slice %arg9[%dma_start3A_2793, %dma_start3A_2794] : memref<2x128xi32, #tpu.memory_space<vmem>> -> memref<1x128xi32, #tpu.memory_space<vmem>>
      %dma_start3A_2796 = tpu.memref_squeeze %dma_start3A_2795 : memref<1x128xi32, #tpu.memory_space<vmem>> -> memref<128xi32, #tpu.memory_space<vmem>>
      %dma_start3A_2797 = arith.constant 0 : i32
      %dma_start3A_2798 = tpu.memref_slice %arg17[%dma_start3A_2797] : memref<10000xf32, #tpu.memory_space<vmem_shared>> -> memref<10000xf32, #tpu.memory_space<vmem_shared>>
      tpu.enqueue_indirect_dma source(%arg14 : memref<128xf32, #tpu.memory_space<vmem>>) target(%dma_start3A_2798 : memref<10000xf32, #tpu.memory_space<vmem_shared>>) offsets(%dma_start3A_2796 : memref<128xi32, #tpu.memory_space<vmem>>) semaphore(%arg24 : memref<!tpu.dma_semaphore, #tpu.memory_space<semaphore_mem>>) {add = true}
      %run_scoped3A_2799 = arith.constant 1 : i32
      "tpu.region"() ({
        %run_scoped3A_2849 = tpu.sem_alloc : memref<!tpu.dma_semaphore, #tpu.memory_space<semaphore_mem>>
        %dma_start3A_2850 = arith.constant 0 : i32
        %dma_start3A_2851 = tpu.memref_slice %arg9[%run_scoped3A_2799, %dma_start3A_2850] : memref<2x128xi32, #tpu.memory_space<vmem>> -> memref<1x128xi32, #tpu.memory_space<vmem>>
        %dma_start3A_2852 = tpu.memref_squeeze %dma_start3A_2851 : memref<1x128xi32, #tpu.memory_space<vmem>> -> memref<128xi32, #tpu.memory_space<vmem>>
        %dma_start3A_2853 = arith.constant 0 : i32
        %dma_start3A_2854 = arith.constant 0 : i32
        %dma_start3A_2855 = tpu.memref_slice %arg16[%dma_start3A_2853, %dma_start3A_2854] : memref<10000x128xf32, #tpu.memory_space<vmem_shared>> -> memref<10000x128xf32, #tpu.memory_space<vmem_shared>>
        tpu.enqueue_indirect_dma source(%arg12 : memref<128x128xf32, #tpu.memory_space<vmem>>) target(%dma_start3A_2855 : memref<10000x128xf32, #tpu.memory_space<vmem_shared>>) offsets(%dma_start3A_2852 : memref<128xi32, #tpu.memory_space<vmem>>) semaphore(%run_scoped3A_2849 : memref<!tpu.dma_semaphore, #tpu.memory_space<semaphore_mem>>) {add = true}
        %dma_wait3A_2856 = arith.constant 0 : i32
        %dma_wait3A_2857 = tpu.memref_slice %arg9[%run_scoped3A_2799, %dma_wait3A_2856] : memref<2x128xi32, #tpu.memory_space<vmem>> -> memref<1x128xi32, #tpu.memory_space<vmem>>
        %dma_wait3A_2858 = tpu.memref_squeeze %dma_wait3A_2857 : memref<1x128xi32, #tpu.memory_space<vmem>> -> memref<128xi32, #tpu.memory_space<vmem>>
        %dma_wait3A_2859 = arith.constant 0 : i32
        %dma_wait3A_2860 = arith.constant 0 : i32
        %dma_wait3A_2861 = tpu.memref_slice %arg16[%dma_wait3A_2859, %dma_wait3A_2860] : memref<10000x128xf32, #tpu.memory_space<vmem_shared>> -> memref<10000x128xf32, #tpu.memory_space<vmem_shared>>
        tpu.wait_indirect_dma semaphore(%run_scoped3A_2849 : memref<!tpu.dma_semaphore, #tpu.memory_space<semaphore_mem>>) src(%arg12 : memref<128x128xf32, #tpu.memory_space<vmem>>) dst(%dma_wait3A_2861 : memref<10000x128xf32, #tpu.memory_space<vmem_shared>>)
        tpu.yield
      }) : () -> ()
      %dma_wait3A_2800 = arith.constant 1 : i32
      %dma_wait3A_2801 = arith.constant 0 : i32
      %dma_wait3A_2802 = tpu.memref_slice %arg9[%dma_wait3A_2800, %dma_wait3A_2801] : memref<2x128xi32, #tpu.memory_space<vmem>> -> memref<1x128xi32, #tpu.memory_space<vmem>>
      %dma_wait3A_2803 = tpu.memref_squeeze %dma_wait3A_2802 : memref<1x128xi32, #tpu.memory_space<vmem>> -> memref<128xi32, #tpu.memory_space<vmem>>
      %dma_wait3A_2804 = arith.constant 0 : i32
      %dma_wait3A_2805 = tpu.memref_slice %arg17[%dma_wait3A_2804] : memref<10000xf32, #tpu.memory_space<vmem_shared>> -> memref<10000xf32, #tpu.memory_space<vmem_shared>>
      tpu.wait_indirect_dma semaphore(%arg24 : memref<!tpu.dma_semaphore, #tpu.memory_space<semaphore_mem>>) src(%arg14 : memref<128xf32, #tpu.memory_space<vmem>>) dst(%dma_wait3A_2805 : memref<10000xf32, #tpu.memory_space<vmem_shared>>)
      %add3A_2806 = arith.constant 3 : i32
      %add3A_2807 = arith.addi %add3A_2778, %add3A_2806 : i32
      %lt3A_2808 = arith.constant 78 : i32
      %lt3A_2809 = arith.cmpi slt, %add3A_2807, %lt3A_2808 : i32
      %convert_element_type3A_2810 = arith.extui %lt3A_2809 : i1 to i32
      %cond3A_2811 = arith.constant 0 : i32
      %cond3A_2812 = arith.cmpi ne, %convert_element_type3A_2810, %cond3A_2811 : i32
      scf.if %cond3A_2812 {
        %add3A_2849 = arith.constant 3 : i32
        %add3A_2850 = arith.addi %add3A_2778, %add3A_2849 : i32
        %mul3A_2851 = arith.constant 32 : i32
        %mul3A_2852 = arith.muli %add3A_2850, %mul3A_2851 : i32
        %add3A_2853 = arith.addi %add3A, %mul3A_2852 : i32
        %dma_start3A_2854 = arith.constant 0 : i32
        %dma_start3A_2855 = arith.constant 0 : i32
        %dma_start3A_2856 = tpu.memref_slice %arg2[%add3A_2853, %dma_start3A_2854, %dma_start3A_2855] : memref<2500x2x128xi32, #tpu.memory_space<hbm>> -> memref<1x2x128xi32, #tpu.memory_space<hbm>>
        %dma_start3A_2857 = tpu.memref_squeeze %dma_start3A_2856 : memref<1x2x128xi32, #tpu.memory_space<hbm>> -> memref<2x128xi32, #tpu.memory_space<hbm>>
        %dma_start3A_2858 = arith.constant 0 : i32
        %dma_start3A_2859 = arith.constant 0 : i32
        %dma_start3A_2860 = tpu.memref_slice %arg2[%add3A_2853, %dma_start3A_2858, %dma_start3A_2859] : memref<2500x2x128xi32, #tpu.memory_space<hbm>> -> memref<1x2x128xi32, #tpu.memory_space<hbm>>
        %dma_start3A_2861 = tpu.memref_squeeze %dma_start3A_2860 : memref<1x2x128xi32, #tpu.memory_space<hbm>> -> memref<2x128xi32, #tpu.memory_space<hbm>>
        tpu.enqueue_dma source(%dma_start3A_2861 : memref<2x128xi32, #tpu.memory_space<hbm>>) target(%arg9 : memref<2x128xi32, #tpu.memory_space<vmem>>) target_semaphore(%arg19 : memref<!tpu.dma_semaphore, #tpu.memory_space<semaphore_mem>>)
      } else {
      }
      %add3A_2813 = arith.constant 2 : i32
      %add3A_2814 = arith.addi %add3A_2741, %add3A_2813 : i32
      %add3A_2815 = arith.constant 2 : i32
      %add3A_2816 = arith.addi %add3A_2814, %add3A_2815 : i32
      %lt3A_2817 = arith.constant 78 : i32
      %lt3A_2818 = arith.cmpi slt, %add3A_2816, %lt3A_2817 : i32
      %convert_element_type3A_2819 = arith.extui %lt3A_2818 : i1 to i32
      %cond3A_2820 = arith.constant 0 : i32
      %cond3A_2821 = arith.cmpi ne, %convert_element_type3A_2819, %cond3A_2820 : i32
      scf.if %cond3A_2821 {
        %dma_wait3A_2849 = arith.constant 0 : i32
        %dma_wait3A_2850 = arith.constant 0 : i32
        %dma_wait3A_2851 = arith.constant 0 : i32
        %dma_wait3A_2852 = tpu.memref_slice %arg2[%dma_wait3A_2849, %dma_wait3A_2850, %dma_wait3A_2851] : memref<2500x2x128xi32, #tpu.memory_space<hbm>> -> memref<1x2x128xi32, #tpu.memory_space<hbm>>
        %dma_wait3A_2853 = tpu.memref_squeeze %dma_wait3A_2852 : memref<1x2x128xi32, #tpu.memory_space<hbm>> -> memref<2x128xi32, #tpu.memory_space<hbm>>
        %dma_wait3A_2854 = arith.constant 0 : i32
        %dma_wait3A_2855 = arith.constant 0 : i32
        %dma_wait3A_2856 = tpu.memref_slice %arg2[%dma_wait3A_2849, %dma_wait3A_2854, %dma_wait3A_2855] : memref<2500x2x128xi32, #tpu.memory_space<hbm>> -> memref<1x2x128xi32, #tpu.memory_space<hbm>>
        %dma_wait3A_2857 = tpu.memref_squeeze %dma_wait3A_2856 : memref<1x2x128xi32, #tpu.memory_space<hbm>> -> memref<2x128xi32, #tpu.memory_space<hbm>>
        tpu.wait_dma2 semaphore(%arg19 : memref<!tpu.dma_semaphore, #tpu.memory_space<semaphore_mem>>) src(%dma_wait3A_2857 : memref<2x128xi32, #tpu.memory_space<hbm>>) dst(%arg9 : memref<2x128xi32, #tpu.memory_space<vmem>>)
        %dma_start3A_2858 = arith.constant 0 : i32
        %dma_start3A_2859 = arith.constant 0 : i32
        %dma_start3A_2860 = tpu.memref_slice %arg9[%dma_start3A_2858, %dma_start3A_2859] : memref<2x128xi32, #tpu.memory_space<vmem>> -> memref<1x128xi32, #tpu.memory_space<vmem>>
        %dma_start3A_2861 = tpu.memref_squeeze %dma_start3A_2860 : memref<1x128xi32, #tpu.memory_space<vmem>> -> memref<128xi32, #tpu.memory_space<vmem>>
        %dma_start3A_2862 = arith.constant 0 : i32
        %dma_start3A_2863 = arith.constant 0 : i32
        %dma_start3A_2864 = tpu.memref_slice %arg3[%dma_start3A_2862, %dma_start3A_2863] : memref<10000x128xf32, #tpu.memory_space<hbm>> -> memref<10000x128xf32, #tpu.memory_space<hbm>>
        tpu.enqueue_indirect_dma source(%dma_start3A_2864 : memref<10000x128xf32, #tpu.memory_space<hbm>>) target(%arg12 : memref<128x128xf32, #tpu.memory_space<vmem>>) offsets(%dma_start3A_2861 : memref<128xi32, #tpu.memory_space<vmem>>) semaphore(%arg22 : memref<!tpu.dma_semaphore, #tpu.memory_space<semaphore_mem>>)
      } else {
      }
      %dma_wait3A_2822 = arith.constant 0 : i32
      %dma_wait3A_2823 = arith.constant 0 : i32
      %dma_wait3A_2824 = tpu.memref_slice %arg10[%dma_wait3A_2822, %dma_wait3A_2823] : memref<2x128xi32, #tpu.memory_space<vmem>> -> memref<1x128xi32, #tpu.memory_space<vmem>>
      %dma_wait3A_2825 = tpu.memref_squeeze %dma_wait3A_2824 : memref<1x128xi32, #tpu.memory_space<vmem>> -> memref<128xi32, #tpu.memory_space<vmem>>
      %dma_wait3A_2826 = arith.constant 0 : i32
      %dma_wait3A_2827 = arith.constant 0 : i32
      %dma_wait3A_2828 = tpu.memref_slice %arg3[%dma_wait3A_2826, %dma_wait3A_2827] : memref<10000x128xf32, #tpu.memory_space<hbm>> -> memref<10000x128xf32, #tpu.memory_space<hbm>>
      tpu.wait_indirect_dma semaphore(%arg23 : memref<!tpu.dma_semaphore, #tpu.memory_space<semaphore_mem>>) src(%dma_wait3A_2828 : memref<10000x128xf32, #tpu.memory_space<hbm>>) dst(%arg13 : memref<128x128xf32, #tpu.memory_space<vmem>>)
      %dma_start3A_2829 = arith.constant 1 : i32
      %dma_start3A_2830 = arith.constant 0 : i32
      %dma_start3A_2831 = tpu.memref_slice %arg10[%dma_start3A_2829, %dma_start3A_2830] : memref<2x128xi32, #tpu.memory_space<vmem>> -> memref<1x128xi32, #tpu.memory_space<vmem>>
      %dma_start3A_2832 = tpu.memref_squeeze %dma_start3A_2831 : memref<1x128xi32, #tpu.memory_space<vmem>> -> memref<128xi32, #tpu.memory_space<vmem>>
      %dma_start3A_2833 = arith.constant 0 : i32
      %dma_start3A_2834 = tpu.memref_slice %arg17[%dma_start3A_2833] : memref<10000xf32, #tpu.memory_space<vmem_shared>> -> memref<10000xf32, #tpu.memory_space<vmem_shared>>
      tpu.enqueue_indirect_dma source(%arg14 : memref<128xf32, #tpu.memory_space<vmem>>) target(%dma_start3A_2834 : memref<10000xf32, #tpu.memory_space<vmem_shared>>) offsets(%dma_start3A_2832 : memref<128xi32, #tpu.memory_space<vmem>>) semaphore(%arg24 : memref<!tpu.dma_semaphore, #tpu.memory_space<semaphore_mem>>) {add = true}
      %run_scoped3A_2835 = arith.constant 1 : i32
      "tpu.region"() ({
        %run_scoped3A_2849 = tpu.sem_alloc : memref<!tpu.dma_semaphore, #tpu.memory_space<semaphore_mem>>
        %dma_start3A_2850 = arith.constant 0 : i32
        %dma_start3A_2851 = tpu.memref_slice %arg10[%run_scoped3A_2835, %dma_start3A_2850] : memref<2x128xi32, #tpu.memory_space<vmem>> -> memref<1x128xi32, #tpu.memory_space<vmem>>
        %dma_start3A_2852 = tpu.memref_squeeze %dma_start3A_2851 : memref<1x128xi32, #tpu.memory_space<vmem>> -> memref<128xi32, #tpu.memory_space<vmem>>
        %dma_start3A_2853 = arith.constant 0 : i32
        %dma_start3A_2854 = arith.constant 0 : i32
        %dma_start3A_2855 = tpu.memref_slice %arg16[%dma_start3A_2853, %dma_start3A_2854] : memref<10000x128xf32, #tpu.memory_space<vmem_shared>> -> memref<10000x128xf32, #tpu.memory_space<vmem_shared>>
        tpu.enqueue_indirect_dma source(%arg13 : memref<128x128xf32, #tpu.memory_space<vmem>>) target(%dma_start3A_2855 : memref<10000x128xf32, #tpu.memory_space<vmem_shared>>) offsets(%dma_start3A_2852 : memref<128xi32, #tpu.memory_space<vmem>>) semaphore(%run_scoped3A_2849 : memref<!tpu.dma_semaphore, #tpu.memory_space<semaphore_mem>>) {add = true}
        %dma_wait3A_2856 = arith.constant 0 : i32
        %dma_wait3A_2857 = tpu.memref_slice %arg10[%run_scoped3A_2835, %dma_wait3A_2856] : memref<2x128xi32, #tpu.memory_space<vmem>> -> memref<1x128xi32, #tpu.memory_space<vmem>>
        %dma_wait3A_2858 = tpu.memref_squeeze %dma_wait3A_2857 : memref<1x128xi32, #tpu.memory_space<vmem>> -> memref<128xi32, #tpu.memory_space<vmem>>
        %dma_wait3A_2859 = arith.constant 0 : i32
        %dma_wait3A_2860 = arith.constant 0 : i32
        %dma_wait3A_2861 = tpu.memref_slice %arg16[%dma_wait3A_2859, %dma_wait3A_2860] : memref<10000x128xf32, #tpu.memory_space<vmem_shared>> -> memref<10000x128xf32, #tpu.memory_space<vmem_shared>>
        tpu.wait_indirect_dma semaphore(%run_scoped3A_2849 : memref<!tpu.dma_semaphore, #tpu.memory_space<semaphore_mem>>) src(%arg13 : memref<128x128xf32, #tpu.memory_space<vmem>>) dst(%dma_wait3A_2861 : memref<10000x128xf32, #tpu.memory_space<vmem_shared>>)
        tpu.yield
      }) : () -> ()
      %dma_wait3A_2836 = arith.constant 1 : i32
      %dma_wait3A_2837 = arith.constant 0 : i32
      %dma_wait3A_2838 = tpu.memref_slice %arg10[%dma_wait3A_2836, %dma_wait3A_2837] : memref<2x128xi32, #tpu.memory_space<vmem>> -> memref<1x128xi32, #tpu.memory_space<vmem>>
      %dma_wait3A_2839 = tpu.memref_squeeze %dma_wait3A_2838 : memref<1x128xi32, #tpu.memory_space<vmem>> -> memref<128xi32, #tpu.memory_space<vmem>>
      %dma_wait3A_2840 = arith.constant 0 : i32
      %dma_wait3A_2841 = tpu.memref_slice %arg17[%dma_wait3A_2840] : memref<10000xf32, #tpu.memory_space<vmem_shared>> -> memref<10000xf32, #tpu.memory_space<vmem_shared>>
      tpu.wait_indirect_dma semaphore(%arg24 : memref<!tpu.dma_semaphore, #tpu.memory_space<semaphore_mem>>) src(%arg14 : memref<128xf32, #tpu.memory_space<vmem>>) dst(%dma_wait3A_2841 : memref<10000xf32, #tpu.memory_space<vmem_shared>>)
      %add3A_2842 = arith.constant 3 : i32
      %add3A_2843 = arith.addi %add3A_2814, %add3A_2842 : i32
      %lt3A_2844 = arith.constant 78 : i32
      %lt3A_2845 = arith.cmpi slt, %add3A_2843, %lt3A_2844 : i32
      %convert_element_type3A_2846 = arith.extui %lt3A_2845 : i1 to i32
      %cond3A_2847 = arith.constant 0 : i32
      %cond3A_2848 = arith.cmpi ne, %convert_element_type3A_2846, %cond3A_2847 : i32
      scf.if %cond3A_2848 {
        %add3A_2849 = arith.constant 3 : i32
        %add3A_2850 = arith.addi %add3A_2814, %add3A_2849 : i32
        %mul3A_2851 = arith.constant 32 : i32
        %mul3A_2852 = arith.muli %add3A_2850, %mul3A_2851 : i32
        %add3A_2853 = arith.addi %add3A, %mul3A_2852 : i32
        %dma_start3A_2854 = arith.constant 0 : i32
        %dma_start3A_2855 = arith.constant 0 : i32
        %dma_start3A_2856 = tpu.memref_slice %arg2[%add3A_2853, %dma_start3A_2854, %dma_start3A_2855] : memref<2500x2x128xi32, #tpu.memory_space<hbm>> -> memref<1x2x128xi32, #tpu.memory_space<hbm>>
        %dma_start3A_2857 = tpu.memref_squeeze %dma_start3A_2856 : memref<1x2x128xi32, #tpu.memory_space<hbm>> -> memref<2x128xi32, #tpu.memory_space<hbm>>
        %dma_start3A_2858 = arith.constant 0 : i32
        %dma_start3A_2859 = arith.constant 0 : i32
        %dma_start3A_2860 = tpu.memref_slice %arg2[%add3A_2853, %dma_start3A_2858, %dma_start3A_2859] : memref<2500x2x128xi32, #tpu.memory_space<hbm>> -> memref<1x2x128xi32, #tpu.memory_space<hbm>>
        %dma_start3A_2861 = tpu.memref_squeeze %dma_start3A_2860 : memref<1x2x128xi32, #tpu.memory_space<hbm>> -> memref<2x128xi32, #tpu.memory_space<hbm>>
        tpu.enqueue_dma source(%dma_start3A_2861 : memref<2x128xi32, #tpu.memory_space<hbm>>) target(%arg10 : memref<2x128xi32, #tpu.memory_space<vmem>>) target_semaphore(%arg20 : memref<!tpu.dma_semaphore, #tpu.memory_space<semaphore_mem>>)
      } else {
      }
    }
    %scan3A_2721 = arith.constant 26 : i32
    %lt3A = arith.constant 4 : i32
    %lt3A_2722 = arith.cmpi slt, %add3A, %lt3A : i32
    %convert_element_type3A_2723 = arith.extui %lt3A_2722 : i1 to i32
    %cond3A_2724 = arith.constant 0 : i32
    %cond3A_2725 = arith.cmpi ne, %convert_element_type3A_2723, %cond3A_2724 : i32
    scf.if %cond3A_2725 {
      %add3A_2737 = arith.constant 2496 : i32
      %add3A_2738 = arith.addi %add3A, %add3A_2737 : i32
      %dma_start3A_2739 = arith.constant 0 : i32
      %dma_start3A_2740 = arith.constant 0 : i32
      %dma_start3A_2741 = tpu.memref_slice %arg2[%add3A_2738, %dma_start3A_2739, %dma_start3A_2740] : memref<2500x2x128xi32, #tpu.memory_space<hbm>> -> memref<1x2x128xi32, #tpu.memory_space<hbm>>
      %dma_start3A_2742 = tpu.memref_squeeze %dma_start3A_2741 : memref<1x2x128xi32, #tpu.memory_space<hbm>> -> memref<2x128xi32, #tpu.memory_space<hbm>>
      %dma_start3A_2743 = arith.constant 0 : i32
      %dma_start3A_2744 = arith.constant 0 : i32
      %dma_start3A_2745 = tpu.memref_slice %arg2[%add3A_2738, %dma_start3A_2743, %dma_start3A_2744] : memref<2500x2x128xi32, #tpu.memory_space<hbm>> -> memref<1x2x128xi32, #tpu.memory_space<hbm>>
      %dma_start3A_2746 = tpu.memref_squeeze %dma_start3A_2745 : memref<1x2x128xi32, #tpu.memory_space<hbm>> -> memref<2x128xi32, #tpu.memory_space<hbm>>
      tpu.enqueue_dma source(%dma_start3A_2746 : memref<2x128xi32, #tpu.memory_space<hbm>>) target(%arg8 : memref<2x128xi32, #tpu.memory_space<vmem>>) target_semaphore(%arg18 : memref<!tpu.dma_semaphore, #tpu.memory_space<semaphore_mem>>)
      %dma_wait3A_2747 = arith.constant 0 : i32
      %dma_wait3A_2748 = arith.constant 0 : i32
      %dma_wait3A_2749 = arith.constant 0 : i32
      %dma_wait3A_2750 = tpu.memref_slice %arg2[%dma_wait3A_2747, %dma_wait3A_2748, %dma_wait3A_2749] : memref<2500x2x128xi32, #tpu.memory_space<hbm>> -> memref<1x2x128xi32, #tpu.memory_space<hbm>>
      %dma_wait3A_2751 = tpu.memref_squeeze %dma_wait3A_2750 : memref<1x2x128xi32, #tpu.memory_space<hbm>> -> memref<2x128xi32, #tpu.memory_space<hbm>>
      %dma_wait3A_2752 = arith.constant 0 : i32
      %dma_wait3A_2753 = arith.constant 0 : i32
      %dma_wait3A_2754 = tpu.memref_slice %arg2[%dma_wait3A_2747, %dma_wait3A_2752, %dma_wait3A_2753] : memref<2500x2x128xi32, #tpu.memory_space<hbm>> -> memref<1x2x128xi32, #tpu.memory_space<hbm>>
      %dma_wait3A_2755 = tpu.memref_squeeze %dma_wait3A_2754 : memref<1x2x128xi32, #tpu.memory_space<hbm>> -> memref<2x128xi32, #tpu.memory_space<hbm>>
      tpu.wait_dma2 semaphore(%arg18 : memref<!tpu.dma_semaphore, #tpu.memory_space<semaphore_mem>>) src(%dma_wait3A_2755 : memref<2x128xi32, #tpu.memory_space<hbm>>) dst(%arg8 : memref<2x128xi32, #tpu.memory_space<vmem>>)
      %dma_start3A_2756 = arith.constant 0 : i32
      %dma_start3A_2757 = arith.constant 0 : i32
      %dma_start3A_2758 = tpu.memref_slice %arg8[%dma_start3A_2756, %dma_start3A_2757] : memref<2x128xi32, #tpu.memory_space<vmem>> -> memref<1x128xi32, #tpu.memory_space<vmem>>
      %dma_start3A_2759 = tpu.memref_squeeze %dma_start3A_2758 : memref<1x128xi32, #tpu.memory_space<vmem>> -> memref<128xi32, #tpu.memory_space<vmem>>
      %dma_start3A_2760 = arith.constant 0 : i32
      %dma_start3A_2761 = arith.constant 0 : i32
      %dma_start3A_2762 = tpu.memref_slice %arg3[%dma_start3A_2760, %dma_start3A_2761] : memref<10000x128xf32, #tpu.memory_space<hbm>> -> memref<10000x128xf32, #tpu.memory_space<hbm>>
      tpu.enqueue_indirect_dma source(%dma_start3A_2762 : memref<10000x128xf32, #tpu.memory_space<hbm>>) target(%arg11 : memref<128x128xf32, #tpu.memory_space<vmem>>) offsets(%dma_start3A_2759 : memref<128xi32, #tpu.memory_space<vmem>>) semaphore(%arg21 : memref<!tpu.dma_semaphore, #tpu.memory_space<semaphore_mem>>)
      %dma_wait3A_2763 = arith.constant 0 : i32
      %dma_wait3A_2764 = arith.constant 0 : i32
      %dma_wait3A_2765 = tpu.memref_slice %arg8[%dma_wait3A_2763, %dma_wait3A_2764] : memref<2x128xi32, #tpu.memory_space<vmem>> -> memref<1x128xi32, #tpu.memory_space<vmem>>
      %dma_wait3A_2766 = tpu.memref_squeeze %dma_wait3A_2765 : memref<1x128xi32, #tpu.memory_space<vmem>> -> memref<128xi32, #tpu.memory_space<vmem>>
      %dma_wait3A_2767 = arith.constant 0 : i32
      %dma_wait3A_2768 = arith.constant 0 : i32
      %dma_wait3A_2769 = tpu.memref_slice %arg3[%dma_wait3A_2767, %dma_wait3A_2768] : memref<10000x128xf32, #tpu.memory_space<hbm>> -> memref<10000x128xf32, #tpu.memory_space<hbm>>
      tpu.wait_indirect_dma semaphore(%arg21 : memref<!tpu.dma_semaphore, #tpu.memory_space<semaphore_mem>>) src(%dma_wait3A_2769 : memref<10000x128xf32, #tpu.memory_space<hbm>>) dst(%arg11 : memref<128x128xf32, #tpu.memory_space<vmem>>)
      %run_scoped3A = arith.constant 1 : i32
      "tpu.region"() ({
        %run_scoped3A_2771 = tpu.sem_alloc : memref<!tpu.dma_semaphore, #tpu.memory_space<semaphore_mem>>
        %dma_start3A_2772 = arith.constant 0 : i32
        %dma_start3A_2773 = tpu.memref_slice %arg8[%run_scoped3A, %dma_start3A_2772] : memref<2x128xi32, #tpu.memory_space<vmem>> -> memref<1x128xi32, #tpu.memory_space<vmem>>
        %dma_start3A_2774 = tpu.memref_squeeze %dma_start3A_2773 : memref<1x128xi32, #tpu.memory_space<vmem>> -> memref<128xi32, #tpu.memory_space<vmem>>
        %dma_start3A_2775 = arith.constant 0 : i32
        %dma_start3A_2776 = arith.constant 0 : i32
        %dma_start3A_2777 = tpu.memref_slice %arg16[%dma_start3A_2775, %dma_start3A_2776] : memref<10000x128xf32, #tpu.memory_space<vmem_shared>> -> memref<10000x128xf32, #tpu.memory_space<vmem_shared>>
        tpu.enqueue_indirect_dma source(%arg11 : memref<128x128xf32, #tpu.memory_space<vmem>>) target(%dma_start3A_2777 : memref<10000x128xf32, #tpu.memory_space<vmem_shared>>) offsets(%dma_start3A_2774 : memref<128xi32, #tpu.memory_space<vmem>>) semaphore(%run_scoped3A_2771 : memref<!tpu.dma_semaphore, #tpu.memory_space<semaphore_mem>>) {add = true}
        %dma_wait3A_2778 = arith.constant 0 : i32
        %dma_wait3A_2779 = tpu.memref_slice %arg8[%run_scoped3A, %dma_wait3A_2778] : memref<2x128xi32, #tpu.memory_space<vmem>> -> memref<1x128xi32, #tpu.memory_space<vmem>>
        %dma_wait3A_2780 = tpu.memref_squeeze %dma_wait3A_2779 : memref<1x128xi32, #tpu.memory_space<vmem>> -> memref<128xi32, #tpu.memory_space<vmem>>
        %dma_wait3A_2781 = arith.constant 0 : i32
        %dma_wait3A_2782 = arith.constant 0 : i32
        %dma_wait3A_2783 = tpu.memref_slice %arg16[%dma_wait3A_2781, %dma_wait3A_2782] : memref<10000x128xf32, #tpu.memory_space<vmem_shared>> -> memref<10000x128xf32, #tpu.memory_space<vmem_shared>>
        tpu.wait_indirect_dma semaphore(%run_scoped3A_2771 : memref<!tpu.dma_semaphore, #tpu.memory_space<semaphore_mem>>) src(%arg11 : memref<128x128xf32, #tpu.memory_space<vmem>>) dst(%dma_wait3A_2783 : memref<10000x128xf32, #tpu.memory_space<vmem_shared>>)
        tpu.yield
      }) : () -> ()
      %run_scoped3A_2770 = arith.constant 1 : i32
      "tpu.region"() ({
        %run_scoped3A_2771 = tpu.sem_alloc : memref<!tpu.dma_semaphore, #tpu.memory_space<semaphore_mem>>
        %dma_start3A_2772 = arith.constant 0 : i32
        %dma_start3A_2773 = tpu.memref_slice %arg8[%run_scoped3A_2770, %dma_start3A_2772] : memref<2x128xi32, #tpu.memory_space<vmem>> -> memref<1x128xi32, #tpu.memory_space<vmem>>
        %dma_start3A_2774 = tpu.memref_squeeze %dma_start3A_2773 : memref<1x128xi32, #tpu.memory_space<vmem>> -> memref<128xi32, #tpu.memory_space<vmem>>
        %dma_start3A_2775 = arith.constant 0 : i32
        %dma_start3A_2776 = tpu.memref_slice %arg17[%dma_start3A_2775] : memref<10000xf32, #tpu.memory_space<vmem_shared>> -> memref<10000xf32, #tpu.memory_space<vmem_shared>>
        tpu.enqueue_indirect_dma source(%arg14 : memref<128xf32, #tpu.memory_space<vmem>>) target(%dma_start3A_2776 : memref<10000xf32, #tpu.memory_space<vmem_shared>>) offsets(%dma_start3A_2774 : memref<128xi32, #tpu.memory_space<vmem>>) semaphore(%run_scoped3A_2771 : memref<!tpu.dma_semaphore, #tpu.memory_space<semaphore_mem>>) {add = true}
        %dma_wait3A_2777 = arith.constant 0 : i32
        %dma_wait3A_2778 = tpu.memref_slice %arg8[%run_scoped3A_2770, %dma_wait3A_2777] : memref<2x128xi32, #tpu.memory_space<vmem>> -> memref<1x128xi32, #tpu.memory_space<vmem>>
        %dma_wait3A_2779 = tpu.memref_squeeze %dma_wait3A_2778 : memref<1x128xi32, #tpu.memory_space<vmem>> -> memref<128xi32, #tpu.memory_space<vmem>>
        %dma_wait3A_2780 = arith.constant 0 : i32
        %dma_wait3A_2781 = tpu.memref_slice %arg17[%dma_wait3A_2780] : memref<10000xf32, #tpu.memory_space<vmem_shared>> -> memref<10000xf32, #tpu.memory_space<vmem_shared>>
        tpu.wait_indirect_dma semaphore(%run_scoped3A_2771 : memref<!tpu.dma_semaphore, #tpu.memory_space<semaphore_mem>>) src(%arg14 : memref<128xf32, #tpu.memory_space<vmem>>) dst(%dma_wait3A_2781 : memref<10000xf32, #tpu.memory_space<vmem_shared>>)
        tpu.yield
      }) : () -> ()
    } else {
    }
    %barrier3A_2726 = arith.constant 0 : index
    tpu.barrier barrier_id(%barrier3A_2726)
    %eq3A_2727 = arith.constant 0 : i32
    %eq3A_2728 = arith.cmpi eq, %arg0, %eq3A_2727 : i32
    %convert_element_type3A_2729 = arith.extui %eq3A_2728 : i1 to i32
    %cond3A_2730 = arith.constant 0 : i32
    %cond3A_2731 = arith.cmpi ne, %convert_element_type3A_2729, %cond3A_2730 : i32
    scf.if %cond3A_2731 {
      %mul3A_2737 = arith.constant 624 : i32
      %mul3A_2738 = arith.muli %arg1, %mul3A_2737 : i32
      %mul3A_2739 = arith.constant 624 : i32
      %mul3A_2740 = arith.muli %arg1, %mul3A_2739 : i32
      "tpu.region"() ({
        %run_scoped3A = tpu.sem_alloc : memref<!tpu.dma_semaphore, #tpu.memory_space<semaphore_mem>>
        %dma_start3A_2746 = arith.constant 0 : i32
        %dma_start3A_2747 = tpu.memref_slice %arg4[%mul3A_2740, %dma_start3A_2746] : memref<10000x128xf32, #tpu.memory_space<hbm>> -> memref<624x128xf32, #tpu.memory_space<hbm>>
        %dma_start3A_2748 = arith.constant 0 : i32
        %dma_start3A_2749 = tpu.memref_slice %arg16[%mul3A_2738, %dma_start3A_2748] : memref<10000x128xf32, #tpu.memory_space<vmem_shared>> -> memref<624x128xf32, #tpu.memory_space<vmem_shared>>
        tpu.enqueue_dma source(%dma_start3A_2749 : memref<624x128xf32, #tpu.memory_space<vmem_shared>>) target(%dma_start3A_2747 : memref<624x128xf32, #tpu.memory_space<hbm>>) target_semaphore(%run_scoped3A : memref<!tpu.dma_semaphore, #tpu.memory_space<semaphore_mem>>)
        %dma_wait3A_2750 = arith.constant 0 : i32
        %dma_wait3A_2751 = tpu.memref_slice %arg4[%mul3A_2740, %dma_wait3A_2750] : memref<10000x128xf32, #tpu.memory_space<hbm>> -> memref<624x128xf32, #tpu.memory_space<hbm>>
        %dma_wait3A_2752 = arith.constant 0 : i32
        %dma_wait3A_2753 = tpu.memref_slice %arg16[%mul3A_2738, %dma_wait3A_2752] : memref<10000x128xf32, #tpu.memory_space<vmem_shared>> -> memref<624x128xf32, #tpu.memory_space<vmem_shared>>
        tpu.wait_dma2 semaphore(%run_scoped3A : memref<!tpu.dma_semaphore, #tpu.memory_space<semaphore_mem>>) src(%dma_wait3A_2753 : memref<624x128xf32, #tpu.memory_space<vmem_shared>>) dst(%dma_wait3A_2751 : memref<624x128xf32, #tpu.memory_space<hbm>>)
        tpu.yield
      }) : () -> ()
      %eq3A_2741 = arith.constant 0 : i32
      %eq3A_2742 = arith.cmpi eq, %arg1, %eq3A_2741 : i32
      %convert_element_type3A_2743 = arith.extui %eq3A_2742 : i1 to i32
      %cond3A_2744 = arith.constant 0 : i32
      %cond3A_2745 = arith.cmpi ne, %convert_element_type3A_2743, %cond3A_2744 : i32
      scf.if %cond3A_2745 {
        "tpu.region"() ({
          %run_scoped3A = tpu.sem_alloc : memref<!tpu.dma_semaphore, #tpu.memory_space<semaphore_mem>>
          %dma_start3A_2746 = arith.constant 9984 : i32
          %dma_start3A_2747 = arith.constant 0 : i32
          %dma_start3A_2748 = tpu.memref_slice %arg4[%dma_start3A_2746, %dma_start3A_2747] : memref<10000x128xf32, #tpu.memory_space<hbm>> -> memref<16x128xf32, #tpu.memory_space<hbm>>
          %dma_start3A_2749 = arith.constant 9984 : i32
          %dma_start3A_2750 = arith.constant 0 : i32
          %dma_start3A_2751 = tpu.memref_slice %arg16[%dma_start3A_2749, %dma_start3A_2750] : memref<10000x128xf32, #tpu.memory_space<vmem_shared>> -> memref<16x128xf32, #tpu.memory_space<vmem_shared>>
          tpu.enqueue_dma source(%dma_start3A_2751 : memref<16x128xf32, #tpu.memory_space<vmem_shared>>) target(%dma_start3A_2748 : memref<16x128xf32, #tpu.memory_space<hbm>>) target_semaphore(%run_scoped3A : memref<!tpu.dma_semaphore, #tpu.memory_space<semaphore_mem>>)
          %dma_wait3A_2752 = arith.constant 9984 : i32
          %dma_wait3A_2753 = arith.constant 0 : i32
          %dma_wait3A_2754 = tpu.memref_slice %arg4[%dma_wait3A_2752, %dma_wait3A_2753] : memref<10000x128xf32, #tpu.memory_space<hbm>> -> memref<16x128xf32, #tpu.memory_space<hbm>>
          %dma_wait3A_2755 = arith.constant 9984 : i32
          %dma_wait3A_2756 = arith.constant 0 : i32
          %dma_wait3A_2757 = tpu.memref_slice %arg16[%dma_wait3A_2755, %dma_wait3A_2756] : memref<10000x128xf32, #tpu.memory_space<vmem_shared>> -> memref<16x128xf32, #tpu.memory_space<vmem_shared>>
          tpu.wait_dma2 semaphore(%run_scoped3A : memref<!tpu.dma_semaphore, #tpu.memory_space<semaphore_mem>>) src(%dma_wait3A_2757 : memref<16x128xf32, #tpu.memory_space<vmem_shared>>) dst(%dma_wait3A_2754 : memref<16x128xf32, #tpu.memory_space<hbm>>)
          tpu.yield
        }) : () -> ()
        "tpu.region"() ({
          %run_scoped3A = tpu.sem_alloc : memref<!tpu.dma_semaphore, #tpu.memory_space<semaphore_mem>>
          tpu.enqueue_dma source(%arg17 : memref<10000xf32, #tpu.memory_space<vmem_shared>>) target(%arg6 : memref<10000xf32, #tpu.memory_space<hbm>>) target_semaphore(%run_scoped3A : memref<!tpu.dma_semaphore, #tpu.memory_space<semaphore_mem>>)
          tpu.wait_dma2 semaphore(%run_scoped3A : memref<!tpu.dma_semaphore, #tpu.memory_space<semaphore_mem>>) src(%arg17 : memref<10000xf32, #tpu.memory_space<vmem_shared>>) dst(%arg6 : memref<10000xf32, #tpu.memory_space<hbm>>)
          tpu.yield
        }) : () -> ()
      } else {
      }
    } else {
    }
    %eq3A_2732 = arith.constant 1 : i32
    %eq3A_2733 = arith.cmpi eq, %arg0, %eq3A_2732 : i32
    %convert_element_type3A_2734 = arith.extui %eq3A_2733 : i1 to i32
    %cond3A_2735 = arith.constant 0 : i32
    %cond3A_2736 = arith.cmpi ne, %convert_element_type3A_2734, %cond3A_2735 : i32
    scf.if %cond3A_2736 {
      %mul3A_2737 = arith.constant 624 : i32
      %mul3A_2738 = arith.muli %arg1, %mul3A_2737 : i32
      %mul3A_2739 = arith.constant 624 : i32
      %mul3A_2740 = arith.muli %arg1, %mul3A_2739 : i32
      "tpu.region"() ({
        %run_scoped3A = tpu.sem_alloc : memref<!tpu.dma_semaphore, #tpu.memory_space<semaphore_mem>>
        %dma_start3A_2746 = arith.constant 0 : i32
        %dma_start3A_2747 = tpu.memref_slice %arg5[%mul3A_2740, %dma_start3A_2746] : memref<10000x128xf32, #tpu.memory_space<hbm>> -> memref<624x128xf32, #tpu.memory_space<hbm>>
        %dma_start3A_2748 = arith.constant 0 : i32
        %dma_start3A_2749 = tpu.memref_slice %arg16[%mul3A_2738, %dma_start3A_2748] : memref<10000x128xf32, #tpu.memory_space<vmem_shared>> -> memref<624x128xf32, #tpu.memory_space<vmem_shared>>
        tpu.enqueue_dma source(%dma_start3A_2749 : memref<624x128xf32, #tpu.memory_space<vmem_shared>>) target(%dma_start3A_2747 : memref<624x128xf32, #tpu.memory_space<hbm>>) target_semaphore(%run_scoped3A : memref<!tpu.dma_semaphore, #tpu.memory_space<semaphore_mem>>)
        %dma_wait3A_2750 = arith.constant 0 : i32
        %dma_wait3A_2751 = tpu.memref_slice %arg5[%mul3A_2740, %dma_wait3A_2750] : memref<10000x128xf32, #tpu.memory_space<hbm>> -> memref<624x128xf32, #tpu.memory_space<hbm>>
        %dma_wait3A_2752 = arith.constant 0 : i32
        %dma_wait3A_2753 = tpu.memref_slice %arg16[%mul3A_2738, %dma_wait3A_2752] : memref<10000x128xf32, #tpu.memory_space<vmem_shared>> -> memref<624x128xf32, #tpu.memory_space<vmem_shared>>
        tpu.wait_dma2 semaphore(%run_scoped3A : memref<!tpu.dma_semaphore, #tpu.memory_space<semaphore_mem>>) src(%dma_wait3A_2753 : memref<624x128xf32, #tpu.memory_space<vmem_shared>>) dst(%dma_wait3A_2751 : memref<624x128xf32, #tpu.memory_space<hbm>>)
        tpu.yield
      }) : () -> ()
      %eq3A_2741 = arith.constant 0 : i32
      %eq3A_2742 = arith.cmpi eq, %arg1, %eq3A_2741 : i32
      %convert_element_type3A_2743 = arith.extui %eq3A_2742 : i1 to i32
      %cond3A_2744 = arith.constant 0 : i32
      %cond3A_2745 = arith.cmpi ne, %convert_element_type3A_2743, %cond3A_2744 : i32
      scf.if %cond3A_2745 {
        "tpu.region"() ({
          %run_scoped3A = tpu.sem_alloc : memref<!tpu.dma_semaphore, #tpu.memory_space<semaphore_mem>>
          %dma_start3A_2746 = arith.constant 9984 : i32
          %dma_start3A_2747 = arith.constant 0 : i32
          %dma_start3A_2748 = tpu.memref_slice %arg5[%dma_start3A_2746, %dma_start3A_2747] : memref<10000x128xf32, #tpu.memory_space<hbm>> -> memref<16x128xf32, #tpu.memory_space<hbm>>
          %dma_start3A_2749 = arith.constant 9984 : i32
          %dma_start3A_2750 = arith.constant 0 : i32
          %dma_start3A_2751 = tpu.memref_slice %arg16[%dma_start3A_2749, %dma_start3A_2750] : memref<10000x128xf32, #tpu.memory_space<vmem_shared>> -> memref<16x128xf32, #tpu.memory_space<vmem_shared>>
          tpu.enqueue_dma source(%dma_start3A_2751 : memref<16x128xf32, #tpu.memory_space<vmem_shared>>) target(%dma_start3A_2748 : memref<16x128xf32, #tpu.memory_space<hbm>>) target_semaphore(%run_scoped3A : memref<!tpu.dma_semaphore, #tpu.memory_space<semaphore_mem>>)
          %dma_wait3A_2752 = arith.constant 9984 : i32
          %dma_wait3A_2753 = arith.constant 0 : i32
          %dma_wait3A_2754 = tpu.memref_slice %arg5[%dma_wait3A_2752, %dma_wait3A_2753] : memref<10000x128xf32, #tpu.memory_space<hbm>> -> memref<16x128xf32, #tpu.memory_space<hbm>>
          %dma_wait3A_2755 = arith.constant 9984 : i32
          %dma_wait3A_2756 = arith.constant 0 : i32
          %dma_wait3A_2757 = tpu.memref_slice %arg16[%dma_wait3A_2755, %dma_wait3A_2756] : memref<10000x128xf32, #tpu.memory_space<vmem_shared>> -> memref<16x128xf32, #tpu.memory_space<vmem_shared>>
          tpu.wait_dma2 semaphore(%run_scoped3A : memref<!tpu.dma_semaphore, #tpu.memory_space<semaphore_mem>>) src(%dma_wait3A_2757 : memref<16x128xf32, #tpu.memory_space<vmem_shared>>) dst(%dma_wait3A_2754 : memref<16x128xf32, #tpu.memory_space<hbm>>)
          tpu.yield
        }) : () -> ()
        "tpu.region"() ({
          %run_scoped3A = tpu.sem_alloc : memref<!tpu.dma_semaphore, #tpu.memory_space<semaphore_mem>>
          tpu.enqueue_dma source(%arg17 : memref<10000xf32, #tpu.memory_space<vmem_shared>>) target(%arg7 : memref<10000xf32, #tpu.memory_space<hbm>>) target_semaphore(%run_scoped3A : memref<!tpu.dma_semaphore, #tpu.memory_space<semaphore_mem>>)
          tpu.wait_dma2 semaphore(%run_scoped3A : memref<!tpu.dma_semaphore, #tpu.memory_space<semaphore_mem>>) src(%arg17 : memref<10000xf32, #tpu.memory_space<vmem_shared>>) dst(%arg7 : memref<10000xf32, #tpu.memory_space<hbm>>)
          tpu.yield
        }) : () -> ()
      } else {
      }
    } else {
    }
    return
  }
}

module attributes {stable_mosaic.version = 14 : i64} {
  func.func @tc_body(%arg0: i32, %arg1: memref<2000x128xf32, #tpu.memory_space<vmem>>, %arg2: memref<2000x128xf32, #tpu.memory_space<vmem>>, %arg3: memref<2000x128xf32, #tpu.memory_space<vmem>>, %arg4: memref<2000x1xf32, #tpu.memory_space<vmem>>, %arg5: memref<128x128xf32, #tpu.memory_space<vmem>>, %arg6: memref<1x128xf32, #tpu.memory_space<vmem>>, %arg7: memref<128x128xf32, #tpu.memory_space<vmem>>, %arg8: memref<128x128xf32, #tpu.memory_space<vmem>>, %arg9: memref<1x128xf32, #tpu.memory_space<vmem>>, %arg10: memref<2000x128xf32, #tpu.memory_space<vmem>>, %arg11: memref<2000x1xf32, #tpu.memory_space<vmem>>) attributes {dimension_semantics = [#tpu.dimension_semantics<arbitrary>], iteration_bounds = array<i64: 5>, scalar_prefetch = 0 : i64, scratch_operands = 0 : i64, tpu.core_type = #tpu.core_type<tc>, window_params = [{transform_indices = @transform_0, window_bounds = array<i64: 2000, 128>}, {transform_indices = @transform_1, window_bounds = array<i64: 2000, 128>}, {transform_indices = @transform_2, window_bounds = array<i64: 2000, 128>}, {transform_indices = @transform_3, window_bounds = array<i64: 2000, 1>}, {pipeline_mode = #tpu.pipeline_mode<synchronous>, transform_indices = @transform_4, window_bounds = array<i64: 128, 128>}, {pipeline_mode = #tpu.pipeline_mode<synchronous>, transform_indices = @transform_5, window_bounds = array<i64: 1, 128>}, {pipeline_mode = #tpu.pipeline_mode<synchronous>, transform_indices = @transform_6, window_bounds = array<i64: 128, 128>}, {pipeline_mode = #tpu.pipeline_mode<synchronous>, transform_indices = @transform_7, window_bounds = array<i64: 128, 128>}, {pipeline_mode = #tpu.pipeline_mode<synchronous>, transform_indices = @transform_8, window_bounds = array<i64: 1, 128>}, {transform_indices = @transform_9, window_bounds = array<i64: 2000, 128>}, {transform_indices = @transform_10, window_bounds = array<i64: 2000, 1>}]} {
    %get3A = arith.constant 0 : index
    %get3A_0 = arith.constant 0 : index
    %get3A_1 = vector.load %arg1[%get3A, %get3A_0] : memref<2000x128xf32, #tpu.memory_space<vmem>>, vector<2000x128xf32>
    %get3A_2 = arith.constant 0 : index
    %get3A_3 = arith.constant 0 : index
    %get3A_4 = vector.load %arg2[%get3A_2, %get3A_3] : memref<2000x128xf32, #tpu.memory_space<vmem>>, vector<2000x128xf32>
    %get3A_5 = arith.constant 0 : index
    %get3A_6 = arith.constant 0 : index
    %get3A_7 = vector.load %arg3[%get3A_5, %get3A_6] : memref<2000x128xf32, #tpu.memory_space<vmem>>, vector<2000x128xf32>
    %add3A = arith.addf %get3A_4, %get3A_7 : vector<2000x128xf32>
    %get3A_8 = arith.constant 0 : index
    %get3A_9 = arith.constant 0 : index
    %get3A_10 = vector.load %arg4[%get3A_8, %get3A_9] : memref<2000x1xf32, #tpu.memory_space<vmem>>, vector<2000x1xf32>
    %max3A = arith.constant 1.000000e+00 : f32
    %max3A_11 = vector.broadcast %max3A : f32 to vector<2000x1xf32>
    %max3A_12 = arith.maximumf %get3A_10, %max3A_11 : vector<2000x1xf32>
    %div3A = arith.constant 1.000000e+00 : f32
    %div3A_13 = vector.broadcast %div3A : f32 to vector<2000x1xf32>
    %div3A_14 = arith.divf %div3A_13, %max3A_12 : vector<2000x1xf32>
    %mul3A = vector.broadcast %div3A_14 : vector<2000x1xf32> to vector<2000x128xf32>
    %mul3A_15 = arith.mulf %add3A, %mul3A : vector<2000x128xf32>
    %get3A_16 = arith.constant 0 : index
    %get3A_17 = arith.constant 0 : index
    %get3A_18 = vector.load %arg5[%get3A_16, %get3A_17] : memref<128x128xf32, #tpu.memory_space<vmem>>, vector<128x128xf32>
    %dot_general3A = arith.constant dense<0.000000e+00> : vector<2000x128xf32>
    %dot_general3A_19 = tpu.matmul %mul3A_15, %get3A_18, %dot_general3A {dimension_numbers = #tpu.dot_dimension_numbers<[1], [0], [0], [1], [0, 0, 1, 1], [], []>, transpose_lhs_hint = false} : vector<2000x128xf32>, vector<128x128xf32>, vector<2000x128xf32> -> vector<2000x128xf32>
    %get3A_20 = arith.constant 0 : index
    %get3A_21 = arith.constant 0 : index
    %get3A_22 = vector.load %arg6[%get3A_20, %get3A_21] : memref<1x128xf32, #tpu.memory_space<vmem>>, vector<1x128xf32>
    %add3A_23 = vector.broadcast %get3A_22 : vector<1x128xf32> to vector<2000x128xf32>
    %add3A_24 = arith.addf %dot_general3A_19, %add3A_23 : vector<2000x128xf32>
    %max3A_25 = arith.constant 0.000000e+00 : f32
    %max3A_26 = vector.broadcast %max3A_25 : f32 to vector<2000x128xf32>
    %max3A_27 = arith.maximumf %add3A_24, %max3A_26 : vector<2000x128xf32>
    %get3A_28 = arith.constant 0 : index
    %get3A_29 = arith.constant 0 : index
    %get3A_30 = vector.load %arg7[%get3A_28, %get3A_29] : memref<128x128xf32, #tpu.memory_space<vmem>>, vector<128x128xf32>
    %dot_general3A_31 = arith.constant dense<0.000000e+00> : vector<2000x128xf32>
    %dot_general3A_32 = tpu.matmul %get3A_1, %get3A_30, %dot_general3A_31 {dimension_numbers = #tpu.dot_dimension_numbers<[1], [0], [0], [1], [0, 0, 1, 1], [], []>, transpose_lhs_hint = false} : vector<2000x128xf32>, vector<128x128xf32>, vector<2000x128xf32> -> vector<2000x128xf32>
    %get3A_33 = arith.constant 0 : index
    %get3A_34 = arith.constant 0 : index
    %get3A_35 = vector.load %arg8[%get3A_33, %get3A_34] : memref<128x128xf32, #tpu.memory_space<vmem>>, vector<128x128xf32>
    %dot_general3A_36 = arith.constant dense<0.000000e+00> : vector<2000x128xf32>
    %dot_general3A_37 = tpu.matmul %max3A_27, %get3A_35, %dot_general3A_36 {dimension_numbers = #tpu.dot_dimension_numbers<[1], [0], [0], [1], [0, 0, 1, 1], [], []>, transpose_lhs_hint = false} : vector<2000x128xf32>, vector<128x128xf32>, vector<2000x128xf32> -> vector<2000x128xf32>
    %add3A_38 = arith.addf %dot_general3A_32, %dot_general3A_37 : vector<2000x128xf32>
    %get3A_39 = arith.constant 0 : index
    %get3A_40 = arith.constant 0 : index
    %get3A_41 = vector.load %arg9[%get3A_39, %get3A_40] : memref<1x128xf32, #tpu.memory_space<vmem>>, vector<1x128xf32>
    %add3A_42 = vector.broadcast %get3A_41 : vector<1x128xf32> to vector<2000x128xf32>
    %add3A_43 = arith.addf %add3A_38, %add3A_42 : vector<2000x128xf32>
    %swap3A = arith.constant 0 : index
    %swap3A_44 = arith.constant 0 : index
    %swap3A_45 = vector.load %arg10[%swap3A, %swap3A_44] : memref<2000x128xf32, #tpu.memory_space<vmem>>, vector<2000x128xf32>
    tpu.vector_store %arg10[%swap3A, %swap3A_44], %add3A_43 {strides = array<i32>} : memref<2000x128xf32, #tpu.memory_space<vmem>>, vector<2000x128xf32>,
    %sub3A = arith.subf %add3A_43, %get3A_1 : vector<2000x128xf32>
    %mul3A_46 = arith.mulf %sub3A, %sub3A : vector<2000x128xf32>
    %reduce_sum3A = arith.constant dense<0.000000e+00> : vector<2000xf32>
    %reduce_sum3A_47 = vector.multi_reduction <add>, %mul3A_46, %reduce_sum3A [1] : vector<2000x128xf32> to vector<2000xf32>
    %broadcast_in_dim3A = vector.shape_cast %reduce_sum3A_47 : vector<2000xf32> to vector<2000x1xf32>
    %div3A_48 = arith.constant 1.280000e+02 : f32
    %div3A_49 = vector.broadcast %div3A_48 : f32 to vector<2000x1xf32>
    %div3A_50 = arith.divf %broadcast_in_dim3A, %div3A_49 : vector<2000x1xf32>
    %swap3A_51 = arith.constant 0 : index
    %swap3A_52 = arith.constant 0 : index
    %swap3A_53 = vector.load %arg11[%swap3A_51, %swap3A_52] : memref<2000x1xf32, #tpu.memory_space<vmem>>, vector<2000x1xf32>
    tpu.vector_store %arg11[%swap3A_51, %swap3A_52], %div3A_50 {strides = array<i32>} : memref<2000x1xf32, #tpu.memory_space<vmem>>, vector<2000x1xf32>,
    return
  }
  func.func @transform_0(%arg0: i32) -> (i32, i32) {
    %c0_i32 = arith.constant 0 : i32
    %c0_i32_0 = arith.constant 0 : i32
    return %arg0, %c0_i32 : i32, i32
  }
  func.func @transform_1(%arg0: i32) -> (i32, i32) {
    %c0_i32 = arith.constant 0 : i32
    %c0_i32_0 = arith.constant 0 : i32
    return %arg0, %c0_i32 : i32, i32
  }
  func.func @transform_2(%arg0: i32) -> (i32, i32) {
    %c0_i32 = arith.constant 0 : i32
    %c0_i32_0 = arith.constant 0 : i32
    return %arg0, %c0_i32 : i32, i32
  }
  func.func @transform_3(%arg0: i32) -> (i32, i32) {
    %c0_i32 = arith.constant 0 : i32
    %c0_i32_0 = arith.constant 0 : i32
    return %arg0, %c0_i32 : i32, i32
  }
  func.func @transform_4(%arg0: i32) -> (i32, i32) {
    %c0_i32 = arith.constant 0 : i32
    %c0_i32_0 = arith.constant 0 : i32
    %c0_i32_1 = arith.constant 0 : i32
    return %c0_i32, %c0_i32_0 : i32, i32
  }
  func.func @transform_5(%arg0: i32) -> (i32, i32) {
    %c0_i32 = arith.constant 0 : i32
    %c0_i32_0 = arith.constant 0 : i32
    %c0_i32_1 = arith.constant 0 : i32
    return %c0_i32, %c0_i32_0 : i32, i32
  }
  func.func @transform_6(%arg0: i32) -> (i32, i32) {
    %c0_i32 = arith.constant 0 : i32
    %c0_i32_0 = arith.constant 0 : i32
    %c0_i32_1 = arith.constant 0 : i32
    return %c0_i32, %c0_i32_0 : i32, i32
  }
  func.func @transform_7(%arg0: i32) -> (i32, i32) {
    %c0_i32 = arith.constant 0 : i32
    %c0_i32_0 = arith.constant 0 : i32
    %c0_i32_1 = arith.constant 0 : i32
    return %c0_i32, %c0_i32_0 : i32, i32
  }
  func.func @transform_8(%arg0: i32) -> (i32, i32) {
    %c0_i32 = arith.constant 0 : i32
    %c0_i32_0 = arith.constant 0 : i32
    %c0_i32_1 = arith.constant 0 : i32
    return %c0_i32, %c0_i32_0 : i32, i32
  }
  func.func @transform_9(%arg0: i32) -> (i32, i32) {
    %c0_i32 = arith.constant 0 : i32
    %c0_i32_0 = arith.constant 0 : i32
    return %arg0, %c0_i32 : i32, i32
  }
  func.func @transform_10(%arg0: i32) -> (i32, i32) {
    %c0_i32 = arith.constant 0 : i32
    %c0_i32_0 = arith.constant 0 : i32
    return %arg0, %c0_i32 : i32, i32
  }
}

</mosaic_0001>

<sc_bundles>
// kernel: kernel.4.cloned.1.call-start
scs
__scs_entry_jumppad:
0x0: {  	(pc) =	sbr.rel $0x88, $3  }
0x1: {  	(tag) =	ssettag $0x0;
	lr =	simm.s32 $0x1  }
0x2: {  	[smem:$0x3F9B] =	sst lr;
	_ =	strace $0xD0000000  }
0x3: {  	_ = 	snop  }
0x4: {  	_ = 	snop  }
0x5: {  	_ = 	snop  }
0x6: {  	_ = 	snop  }
0x7: {  	_ = 	snop  }
__scs_overlays_trampoline_lowered:
0x8: {  	[smem:$0x3FAA] =	sst s0  }
0x9: {  	[smem:$0x3FAB] =	sst s1  }
0xa: {  	[smem:$0x3FAC] =	sst s2  }
0xb: {  	[smem:$0x3FAD] =	sst s3  }
0xc: {  	[smem:$0x3FAE] =	sst s4  }
0xd: {  	[smem:$0x3FAF] =	sst s5  }
0xe: {  	[smem:$0x3FB0] =	sst s6  }
0xf: {  	[smem:$0x3FB1] =	sst s7  }
0x10: {  	[smem:$0x3FB2] =	sst s8  }
0x11: {  	[smem:$0x3FB3] =	sst s9;
	s0 =	simm.s32 @!p0 $0x0  }
0x12: {  	s1 =	sld [smem:$0x3F99];
	s0 =	simm.s32 @p0 $0x1  }
0x13: {  	[smem:$0x3FB4] =	sst s0;
	s0 =	simm.s32 @!p1 $0x0  }
0x14: {  	s2 =	sld [smem:$0x3F98];
	s0 =	simm.s32 @p1 $0x1  }
0x15: {  	[smem:$0x3FB5] =	sst s0;
	s0 =	simm.s32 @!p2 $0x0  }
0x16: {  	s3 =	sld [smem:$0x3FDB];
	s0 =	simm.s32 @p2 $0x1  }
0x17: {  	s4 =	simm.s32 $0x1BF5;
	[smem:$0x3FB7] =	sst s0  }
0x18: {  	s0 =	sld [smem:$0x3F9A];
	_ =	swait.ge [sflag:s4], $0x0  }
0x19: {  	s7 =	sld [smem:$0x3F9B]  }
0x1a: {  	s8 =	sadd.s32 $0xFFFFE003, lr  }
0x1b: {  	s9 =	sadd.s32 $0xFFFFFEF7, lr;
	s5 =	simm.s32 $0xFFFFFFFF;
	p2 =	slt.u32 s8, $0xFFFFF086  }
0x1c: {  	p1 =	slt.u32 s9, $0xF7A;
	s5 =	simm.s32 @!p2 $0x0  }
0x1d: {  	s5 =	simm.s32 @p1 $0x1;
	p0 =	seq.s32 s7, s2  }
0x1e: {  	s7 =	smul.u32 @!p0 $0xF7A, s2;
	p2 =	seq.s32 @!p0 s5, $0x0  }
0x1f: {  	s9 =	smul.u32 $0xF7A, s1;
	s8 =	simm.s32 @!p0 $0x1BF5;
	p2 =	por !p2, p0  }
0x20: {  	[sflag:s8] =	ssyncset.s32 @!p0 $0xFFFFF086;
	s6 =	sadd.s32 @!p0 s3, s7;
	s7 =	simm.s32 @!p0 $0x108  }
0x21: {  	s3 =	sadd.s32 s3, s9;
	s6 =	sadd.s32 @!p0 $0x88, s6;
	s7 =	simm.s32 @p2 $0x1082  }
0x22: {  	[simem:s7], [sflag:s8] =	dma.local @!p0 [hbm:s6], $0xF7A  }
0x23: {  	s9 =	sor.u32 $0xD0000000, s2;
	s6 =	simm.s32 $0x108;
	_ =	swait.ge @!p0 [sflag:s8], $0x0  }
0x24: {  	s3 =	sadd.s32 $0x88, s3;
	s6 =	simm.s32 @!p1 $0x1082;
	[sflag:s4] =	ssyncset.s32 $0xFFFFF086  }
0x25: {  	[simem:s6], [sflag:s4] =	dma.local [hbm:s3], $0xF7A  }
0x26: {  	[smem:$0x3F9B] =	sst s1;
	(tag) =	ssettag s2;
	_ =	strace s9  }
0x27: {  	s1 =	sld [smem:$0x3FAB]  }
0x28: {  	s2 =	sld [smem:$0x3FAC]  }
0x29: {  	s4 =	sld [smem:$0x3FAE]  }
0x2a: {  	p0 =	seq.s32 s5, $0x0;
	s5 =	sld [smem:$0x3FAF]  }
0x2b: {  	s6 =	sld [smem:$0x3FB0]  }
0x2c: {  	s7 =	sld [smem:$0x3FB1]  }
0x2d: {  	s3 =	simm.s32 $0x108;
	s8 =	sld [smem:$0x3FB2]  }
0x2e: {  	s3 =	simm.s32 @!p0 $0x1082;
	s9 =	sld [smem:$0x3FB3]  }
0x2f: {  	lr =	sadd.s32 s0, s3;
	s0 =	sld [smem:$0x3FAA]  }
0x30: {  	s3 =	sld [smem:$0x3FAD]  }
0x31: {  	[smem:$0x3FB6] =	sst s10  }
0x32: {  	s10 =	sld [smem:$0x3FB4];
	_ =	sdelay $0x3  }
0x33: {  	p0 =	seq.s32 s10, $0x1;
	s10 =	sld [smem:$0x3FB6];
	_ =	sdelay $0x3  }
0x34: {  	[smem:$0x3FB6] =	sst s10  }
0x35: {  	s10 =	sld [smem:$0x3FB5];
	_ =	sdelay $0x3  }
0x36: {  	p1 =	seq.s32 s10, $0x1;
	s10 =	sld [smem:$0x3FB6];
	_ =	sdelay $0x3  }
0x37: {  	[smem:$0x3FB6] =	sst s10  }
0x38: {  	s10 =	sld [smem:$0x3FB7]  }
0x39: {  	_ = 	snop;
	(pc) =	sbr.ind lr, $3  }
0x3a: {  	_ = 	snop  }
0x3b: {  	_ = 	snop  }
0x3c: {  	p2 =	seq.s32 s10, $0x1;
	s10 =	sld [smem:$0x3FB6]  }
0x3d: {  	_ =	shalt  }
0x3e: {  	_ =	shalt  }
0x3f: {  	_ =	shalt  }
0x40: {  	_ =	shalt  }
0x41: {  	_ =	shalt  }
0x42: {  	_ =	shalt  }
0x43: {  	_ =	shalt  }
0x44: {  	_ =	shalt  }
0x45: {  	_ =	shalt  }
0x46: {  	_ =	shalt  }
0x47: {  	_ =	shalt  }
0x48: {  	_ =	shalt  }
0x49: {  	_ =	shalt  }
0x4a: {  	_ =	shalt  }
0x4b: {  	_ =	shalt  }
0x4c: {  	_ =	shalt  }
0x4d: {  	_ =	shalt  }
0x4e: {  	_ =	shalt  }
0x4f: {  	_ =	shalt  }
0x50: {  	_ =	shalt  }
0x51: {  	_ =	shalt  }
0x52: {  	_ =	shalt  }
0x53: {  	_ =	shalt  }
0x54: {  	_ =	shalt  }
0x55: {  	_ =	shalt  }
0x56: {  	_ =	shalt  }
0x57: {  	_ =	shalt  }
0x58: {  	_ =	shalt  }
0x59: {  	_ =	shalt  }
0x5a: {  	_ =	shalt  }
0x5b: {  	_ =	shalt  }
0x5c: {  	_ =	shalt  }
0x5d: {  	_ =	shalt  }
0x5e: {  	_ =	shalt  }
0x5f: {  	_ =	shalt  }
0x60: {  	_ =	shalt  }
0x61: {  	_ =	shalt  }
0x62: {  	_ =	shalt  }
0x63: {  	_ =	shalt  }
0x64: {  	_ =	shalt  }
0x65: {  	_ =	shalt  }
0x66: {  	_ =	shalt  }
0x67: {  	_ =	shalt  }
0x68: {  	_ =	shalt  }
0x69: {  	_ =	shalt  }
0x6a: {  	_ =	shalt  }
0x6b: {  	_ =	shalt  }
0x6c: {  	_ =	shalt  }
0x6d: {  	_ =	shalt  }
0x6e: {  	_ =	shalt  }
0x6f: {  	_ =	shalt  }
0x70: {  	_ =	shalt  }
0x71: {  	_ =	shalt  }
0x72: {  	_ =	shalt  }
0x73: {  	_ =	shalt  }
0x74: {  	_ =	shalt  }
0x75: {  	_ =	shalt  }
0x76: {  	_ =	shalt  }
0x77: {  	_ =	shalt  }
0x78: {  	_ =	shalt  }
0x79: {  	_ =	shalt  }
0x7a: {  	_ =	shalt  }
0x7b: {  	_ =	shalt  }
0x7c: {  	_ =	shalt  }
0x7d: {  	_ =	shalt  }
0x7e: {  	_ =	shalt  }
0x7f: {  	_ =	shalt  }
0x80: {  	_ =	shalt  }
0x81: {  	_ =	shalt  }
0x82: {  	_ =	shalt  }
0x83: {  	_ =	shalt  }
0x84: {  	_ =	shalt  }
0x85: {  	_ =	shalt  }
0x86: {  	_ =	shalt  }
0x87: {  	_ =	shalt  }
.Lfunc_end0:
.L_simem_size_0:
called_computation_lowered:
.L_overlay_start_0:
0x88: {  	s2 =	sld [smem:$0x3FD9]  }
0x89: {  	s3 =	sld [smem:$0x3FFE];
	_ =	sdelay $0x1  }
0x8a: {  	s1 =	srdreg.scid  }
0x8b: {  	s0 =	sand.u32 $0x1, s1  }
0x8c: {  	s14 =	sshll.u32 s0, $0xA;
	s2 =	sadd.s32 s3, s2  }
0x8d: {  	s2 =	sadd.s32 s2, s14  }
0x8e: {  	[smem:$0x3FC2] =	sst s2  }
0x8f: {  	_ = 	snop  }
0x90: {  	s2 =	sld [smem:$0x3FD0];
	_ =	sdelay $0x1  }
0x91: {  	s15 =	sld [smem:$0x3FC9]  }
0x92: {  	s5 =	simm.s32 $0xA;
	s6 =	simm.s32 $0x10;
	s4 =	sld [smem:$0x3FC8]  }
0x93: {  	[smem:s6], [sflag:s5] =	dma.local [hbm:s2], $0x1  }
0x94: {  	_ =	swait.eq [sflag:s5], $0x1  }
0x95: {  	[sflag:s5] =	ssyncset.done $0x0  }
0x96: {  	s16 =	sld [smem:$0x10];
	[sflag:s5] =	ssyncadd.s32 $0xFFFFFFFF  }
0x97: {  	s17 =	sld [smem:$0x11];
	(tm) =	ssettm $0x1  }
0x98: {  	s18 =	sld [smem:$0x3FFB];
	_ =	sdelay $0x3  }
0x99: {  	_ =	strace s18  }
0x9a: {  	s6 =	sld [smem:$0x3FFC];
	_ =	sdelay $0x3  }
0x9b: {  	_ =	strace s6  }
0x9c: {  	s6 =	sld [smem:$0x3FFD];
	_ =	sdelay $0x3  }
0x9d: {  	_ =	strace s6  }
0x9e: {  	_ =	strace $0x8FFFFFFF  }
0x9f: {  	s19 =	sld [smem:$0x3FDB];
	_ =	sdelay $0x1  }
0xa0: {  	s7 =	simm.s32 $_scs_section_size  }
0xa1: {  	s8 =	simm.s32 $_size__tile_overlayer_lowered;
	s9 =	simm.s32 $_tile_overlayer_lowered  }
0xa2: {  	s22 =	simm.s32 $0x1BFF;
	s21 =	sshll.u32 s9, $0x1;
	s6 =	sadd.s32 s7, s19  }
0xa3: {  	s10 =	simm.s32 $0x0;
	s20 =	sshll.u32 s8, $0x1;
	s8 =	sadd.s32 s21, s6  }
0xa4: {  	[timem:s10], [sflag:s22] =	dma.local [hbm:s8], s20  }
0xa5: {  	_ =	swait.ge [sflag:s22], s20  }
0xa6: {  	s7 =	ssub.s32 $0x0, s20;
	[sflag:s22] =	ssyncset.done $0x0  }
0xa7: {  	[sflag:s22] =	ssyncadd.s32 s7;
	_ =	sdelay $0x1  }
0xa8: {  	s23 =	simm.s32 $0x1B8B  }
0xa9: {  	_ =	swait.ge [sflag:s23], $0x1  }
0xaa: {  	[sflag:s23] =	ssyncset.done $0x0  }
0xab: {  	s25 =	simm.s32 $0x1B8E;
	s24 =	sld [smem:$0x3FFE];
	[sflag:s23] =	ssyncadd.s32 $0xFFFFFFFF  }
0xac: {  	s26 =	simm.s32 $execute0_lowered;
	[smem:$0x3FD2] =	sst s25  }
0xad: {  	s8 =	sshll.u32 s26, $0x1;
	_ =	strace $0x80000046;
	[dreg:$0x1] =	wrdreg $0xFFFFFFFF  }
0xae: {  	s28 =	simm.s32 $_size_execute0_lowered;
	s6 =	sadd.s32 s6, s8;
	[dreg:$0x0] =	wrdreg $0x0  }
0xaf: {  	s8 =	sshll.u32 s28, $0x1;
	[dreg:$0x2] =	wrdreg s6  }
0xb0: {  	[dreg:$0x3] =	wrdreg s8  }
0xb1: {  	[dreg:$0x4] =	wrdreg $0xC0  }
0xb2: {  	_ =	task [dreg:s10], $0x5FFFF  }
0xb3: {  	[dreg:$0x1] =	wrdreg $0xFFFFFFFF  }
0xb4: {  	[dreg:$0x0] =	wrdreg $0x60  }
0xb5: {  	[dreg:$0x2] =	wrdreg s4  }
0xb6: {  	[dreg:$0x3] =	wrdreg s15  }
0xb7: {  	[dreg:$0x4] =	wrdreg s16  }
0xb8: {  	[dreg:$0x5] =	wrdreg s24  }
0xb9: {  	[dreg:$0x6] =	wrdreg s17  }
0xba: {  	[dreg:$0x7] =	wrdreg $0xC4800  }
0xbb: {  	[dreg:$0x8] =	wrdreg $0x1FD000  }
0xbc: {  	[dreg:$0x9] =	wrdreg $0x9  }
0xbd: {  	_ =	task.clear_ibuf [dreg:s10], $0xAFFFF;
	_ =	strace $0x90000046  }
0xbe: {  	s29 =	simm.s32 $0x9;
	_ =	strace $0x80000048  }
0xbf: {  	_ =	swait.ge [sflag:s29], $0x1  }
0xc0: {  	[sflag:s29] =	ssyncadd.s32 $0xFFFFFFFF  }
0xc1: {  	_ =	strace $0x90000048  }
0xc2: {  	_ =	sfence  }
0xc3: {  	s30 =	sld [smem:$0x0];
	_ =	sdelay $0x2  }
0xc4: {  	s31 =	sshll.u32 s1, $0xD;
	s1 =	sshrl.u32 s1, $0x2  }
0xc5: {  	s3 =	sand.u32 $0x4000, s31;
	s1 =	sadd.s32 s1, s30  }
0xc6: {  	s0 =	sor.u32 s3, s0;
	s1 =	sshll.u32 s1, $0x11  }
0xc7: {  	s0 =	sor.u32 s1, s0  }
0xc8: {  	s0 =	sadd.s32 $0x8F2B, s0  }
0xc9: {  	[sflag:s0] =	ssyncadd.remote.s32 $0x1  }
0xca: {  	_ =	sfence.sel $0xFFFF  }
0xcb: {  	[dreg:$0x0] =	wrdreg $0xFFFFFFFF;
	(pc) =	sbr.abs _section_cstart, $3  }
0xcc: {  	[dreg:$0x1] =	wrdreg $0xFFFFFFFF  }
0xcd: {  	_ =	task.clear_ibuf [dreg:s10], $0x2FFFF;
	_ =	strace $0x9FFFFFFF  }
0xce: {  	(tm) =	ssettm $0x7FFFFFFF  }
0xcf: {  	_ =	shalt  }
tec
execute0_lowered:
.L_overlay_start_1:
0x0: {  	(tag) =	ssettag $0x1  }
0x1: {  	s0 =	rddreg [dreg:$0x0]  }
0x2: {  	s1 =	rddreg [dreg:$0x1]  }
0x3: {  	s2 =	rddreg [dreg:$0x2]  }
0x4: {  	s3 =	rddreg [dreg:$0x3]  }
0x5: {  	s4 =	rddreg [dreg:$0x5]  }
0x6: {  	s5 =	rddreg [dreg:$0x6];
	s15 =	stileid.u32  }
0x7: {  	s6 =	simm.s32 $0x0;
	s8 =	srdreg.scid;
	s7 =	smul.u32 $0x2700, s15  }
0x8: {  	[smem:$0x7FF] =	sst s6;
	s9 =	smul.u32 $0x4E000, s15  }
0x9: {  	s8 =	sand.u32 $0x1, s8;
	s11 =	sadd.s32 $0x1C00, s3;
	s14 =	sshll.u32 s15, $0x5  }
0xa: {  	_ =	strace $0x80000047;
	s13 =	sshll.u32 s8, $0x4;
	s26 =	sadd.s32 s14, s0  }
0xb: {  	[dreg:$0x8] =	wrdreg s11;
	s19 =	sor.u32 s15, s13;
	s13 =	sadd.s32 $0x13800, s26  }
0xc: {  	s10 =	sadd.s32 s7, s3;
	s7 =	sadd.s32 s2, s7;
	[dreg:$0x10] =	wrdreg s13  }
0xd: {  	s2 =	sadd.s32 $0x27000, s2;
	[dreg:$0x11] =	wrdreg s7  }
0xe: {  	s9 =	sshrl.u32 s9, $0x2;
	s3 =	sadd.s32 $0x29200, s3;
	[dreg:$0x12] =	wrdreg s2  }
0xf: {  	s9 =	sadd.s32 s9, s4;
	s10 =	sadd.s32 $0x2200, s10;
	[dreg:$0x14] =	wrdreg s3  }
0x10: {  	s31 =	sshll.u32 s15, $0x8;
	s20 =	sadd.s32 $0x400, s9;
	[dreg:$0x13] =	wrdreg s10  }
0x11: {  	s18 =	ssub.s32 $0x2, s8;
	s21 =	sadd.s32 $0x800, s9;
	[dreg:$0x9] =	wrdreg s20  }
0x12: {  	s30 =	sshll.u32 s8, $0xC;
	s22 =	sadd.s32 $0xC00, s9;
	[dreg:$0xa] =	wrdreg s21  }
0x13: {  	s12 =	sshrl.u32 s18, $0x1;
	s23 =	sadd.s32 $0x1000, s9;
	[dreg:$0xb] =	wrdreg s22  }
0x14: {  	s11 =	ssub.s32 s18, s12;
	s24 =	sadd.s32 $0x1400, s9;
	[dreg:$0xc] =	wrdreg s23  }
0x15: {  	s2 =	sor.u32 s31, s30;
	s16 =	sadd.s32 $0x1800, s9;
	[dreg:$0xd] =	wrdreg s24  }
0x16: {  	s13 =	sor.u32 $0xA000, s2;
	s14 =	smax.u32 s11, $0x1;
	[dreg:$0xe] =	wrdreg s16  }
0x17: {  	s7 =	sor.u32 $0x8000, s2;
	s2 =	sor.u32 $0x6000, s2;
	[dreg:$0x15] =	wrdreg s14  }
0x18: {  	s17 =	sadd.s32 $0x1C00, s9;
	[dreg:$0x16] =	wrdreg s2  }
0x19: {  	s25 =	sshll.u32 s19, $0x5;
	s18 =	sadd.s32 $0x2000, s9;
	[dreg:$0x17] =	wrdreg s17  }
0x1a: {  	p1 =	sgt.u32 s19, $0x3;
	s19 =	sadd.s32 $0x2400, s9;
	[dreg:$0x18] =	wrdreg s18  }
0x1b: {  	s26 =	sadd.s32 $0x3800, s9;
	[dreg:$0x19] =	wrdreg s19  }
0x1c: {  	s30 =	sadd.s32 $0x3C00, s9;
	[dreg:$0x1e] =	wrdreg s26  }
0x1d: {  	s31 =	sadd.s32 $0x4000, s9;
	[dreg:$0x1f] =	wrdreg s30  }
0x1e: {  	p0 =	seq.s32 s8, $0x1;
	s8 =	sadd.s32 $0x4C00, s9;
	[smem:$0x78B] =	sst s31  }
0x1f: {  	s10 =	sadd.s32 $0x5000, s9;
	[smem:$0x78E] =	sst s8  }
0x20: {  	s11 =	sadd.s32 $0x5400, s9;
	[smem:$0x78F] =	sst s10  }
0x21: {  	s12 =	sadd.s32 $0x5800, s9;
	[smem:$0x790] =	sst s11  }
0x22: {  	p2 =	sne.s32 s15, $0x0;
	s15 =	sadd.s32 $0x6400, s9;
	[smem:$0x791] =	sst s12  }
0x23: {  	s20 =	sadd.s32 $0x2800, s9;
	[smem:$0x794] =	sst s15  }
0x24: {  	s21 =	sadd.s32 $0x2C00, s9;
	[dreg:$0x1a] =	wrdreg s20  }
0x25: {  	s22 =	sadd.s32 $0x3000, s9;
	[dreg:$0x1b] =	wrdreg s21  }
0x26: {  	s16 =	sadd.s32 s0, s25;
	s25 =	sadd.s32 $0x3400, s9;
	[dreg:$0x1c] =	wrdreg s22  }
0x27: {  	s3 =	sshrl.u32 s13, $0x3;
	s13 =	sadd.s32 $0x5C00, s9;
	[dreg:$0x1d] =	wrdreg s25  }
0x28: {  	s14 =	sadd.s32 $0x6000, s9;
	[smem:$0x792] =	sst s13  }
0x29: {  	s17 =	sadd.s32 $0x6800, s9;
	[smem:$0x793] =	sst s14  }
0x2a: {  	s18 =	sadd.s32 $0x6C00, s9;
	[smem:$0x795] =	sst s17  }
0x2b: {  	s19 =	sadd.s32 $0x7000, s9;
	[smem:$0x796] =	sst s18  }
0x2c: {  	s26 =	sadd.s32 $0x8400, s9;
	[smem:$0x797] =	sst s19  }
0x2d: {  	s30 =	sadd.s32 $0x8800, s9;
	[smem:$0x79C] =	sst s26  }
0x2e: {  	s31 =	sadd.s32 $0x8C00, s9;
	[smem:$0x79D] =	sst s30  }
0x2f: {  	s8 =	sadd.s32 $0x9800, s9;
	[smem:$0x79E] =	sst s31  }
0x30: {  	s10 =	sadd.s32 $0x9C00, s9;
	[smem:$0x7A1] =	sst s8  }
0x31: {  	s11 =	sadd.s32 $0xA000, s9;
	[smem:$0x7A2] =	sst s10  }
0x32: {  	s12 =	sadd.s32 $0xA400, s9;
	[smem:$0x7A3] =	sst s11  }
0x33: {  	s15 =	sadd.s32 $0xB000, s9;
	[smem:$0x7A4] =	sst s12  }
0x34: {  	s7 =	sshrl.u32 s7, $0x3;
	[smem:$0x7A7] =	sst s15  }
0x35: {  	s23 =	sadd.s32 s3, s0;
	s3 =	sadd.s32 $0x4400, s9;
	[dreg:$0xf] =	wrdreg s16  }
0x36: {  	s24 =	sadd.s32 s7, s0;
	s7 =	sadd.s32 $0x4800, s9;
	[smem:$0x78C] =	sst s3  }
0x37: {  	s20 =	sadd.s32 $0x7400, s9;
	[smem:$0x78D] =	sst s7  }
0x38: {  	s21 =	sadd.s32 $0x7800, s9;
	[smem:$0x798] =	sst s20  }
0x39: {  	s22 =	sadd.s32 $0x7C00, s9;
	[smem:$0x799] =	sst s21  }
0x3a: {  	s25 =	sadd.s32 $0x8000, s9;
	[smem:$0x79A] =	sst s22  }
0x3b: {  	s13 =	sadd.s32 $0xA800, s9;
	[smem:$0x79B] =	sst s25  }
0x3c: {  	s14 =	sadd.s32 $0xAC00, s9;
	[smem:$0x7A5] =	sst s13  }
0x3d: {  	s17 =	sadd.s32 $0xB400, s9;
	[smem:$0x7A6] =	sst s14  }
0x3e: {  	s18 =	sadd.s32 $0xB800, s9;
	[smem:$0x7A8] =	sst s17  }
0x3f: {  	s19 =	sadd.s32 $0xBC00, s9;
	[smem:$0x7A9] =	sst s18  }
0x40: {  	s26 =	sadd.s32 $0xD000, s9;
	[smem:$0x7AA] =	sst s19  }
0x41: {  	s30 =	sadd.s32 $0xD400, s9;
	[smem:$0x7AF] =	sst s26  }
0x42: {  	s31 =	sadd.s32 $0xD800, s9;
	[smem:$0x7B0] =	sst s30  }
0x43: {  	s8 =	sadd.s32 $0xE400, s9;
	[smem:$0x7B1] =	sst s31  }
0x44: {  	s10 =	sadd.s32 $0xE800, s9;
	[smem:$0x7B4] =	sst s8  }
0x45: {  	s11 =	sadd.s32 $0xEC00, s9;
	[smem:$0x7B5] =	sst s10  }
0x46: {  	s12 =	sadd.s32 $0xF000, s9;
	[smem:$0x7B6] =	sst s11  }
0x47: {  	s15 =	sadd.s32 $0xFC00, s9;
	[smem:$0x7B7] =	sst s12  }
0x48: {  	s3 =	sadd.s32 $0x9000, s9;
	[smem:$0x7BA] =	sst s15  }
0x49: {  	s7 =	sadd.s32 $0x9400, s9;
	[smem:$0x79F] =	sst s3  }
0x4a: {  	s20 =	sadd.s32 $0xC000, s9;
	[smem:$0x7A0] =	sst s7  }
0x4b: {  	s21 =	sadd.s32 $0xC400, s9;
	[smem:$0x7AB] =	sst s20  }
0x4c: {  	s22 =	sadd.s32 $0xC800, s9;
	[smem:$0x7AC] =	sst s21  }
0x4d: {  	s25 =	sadd.s32 $0xCC00, s9;
	[smem:$0x7AD] =	sst s22  }
0x4e: {  	s13 =	sadd.s32 $0xF400, s9;
	[smem:$0x7AE] =	sst s25  }
0x4f: {  	s14 =	sadd.s32 $0xF800, s9;
	[smem:$0x7B8] =	sst s13  }
0x50: {  	s17 =	sadd.s32 $0x10000, s9;
	[smem:$0x7B9] =	sst s14  }
0x51: {  	s18 =	sadd.s32 $0x10400, s9;
	[smem:$0x7BB] =	sst s17  }
0x52: {  	s19 =	sadd.s32 $0x10800, s9;
	[smem:$0x7BC] =	sst s18  }
0x53: {  	s26 =	sadd.s32 $0x11C00, s9;
	[smem:$0x7BD] =	sst s19  }
0x54: {  	s30 =	sadd.s32 $0x12000, s9;
	[smem:$0x7C2] =	sst s26  }
0x55: {  	s31 =	sadd.s32 $0x12400, s9;
	[smem:$0x7C3] =	sst s30  }
0x56: {  	s8 =	sadd.s32 $0x13000, s9;
	[smem:$0x7C4] =	sst s31  }
0x57: {  	s10 =	sadd.s32 $0x13400, s9;
	[smem:$0x7C7] =	sst s8  }
0x58: {  	s11 =	sadd.s32 $0x138000, s4;
	[smem:$0x7C8] =	sst s10  }
0x59: {  	s12 =	sadd.s32 $0x138400, s4;
	[smem:$0x7C9] =	sst s11  }
0x5a: {  	s15 =	sadd.s32 $0x258, s5;
	[smem:$0x7CA] =	sst s12  }
0x5b: {  	s3 =	sadd.s32 $0xDC00, s9;
	[smem:$0x7CD] =	sst s15  }
0x5c: {  	s7 =	sadd.s32 $0xE000, s9;
	[smem:$0x7B2] =	sst s3  }
0x5d: {  	s20 =	sadd.s32 $0x10C00, s9;
	[smem:$0x7B3] =	sst s7  }
0x5e: {  	s21 =	sadd.s32 $0x11000, s9;
	[smem:$0x7BE] =	sst s20  }
0x5f: {  	s22 =	sadd.s32 $0x11400, s9;
	[smem:$0x7BF] =	sst s21  }
0x60: {  	s25 =	sadd.s32 $0x11800, s9;
	[smem:$0x7C0] =	sst s22  }
0x61: {  	s13 =	sadd.s32 $0xC8, s5;
	[smem:$0x7C1] =	sst s25  }
0x62: {  	s14 =	sadd.s32 $0x190, s5;
	[smem:$0x7CB] =	sst s13  }
0x63: {  	s17 =	sadd.s32 $0x320, s5;
	[smem:$0x7CC] =	sst s14  }
0x64: {  	s18 =	sadd.s32 $0x3E8, s5;
	[smem:$0x7CE] =	sst s17  }
0x65: {  	s19 =	sadd.s32 $0x4B0, s5;
	[smem:$0x7CF] =	sst s18  }
0x66: {  	s26 =	sadd.s32 $0x898, s5;
	[smem:$0x7D0] =	sst s19  }
0x67: {  	s30 =	sadd.s32 $0x960, s5;
	[smem:$0x7D5] =	sst s26  }
0x68: {  	s31 =	sadd.s32 $0xA28, s5;
	[smem:$0x7D6] =	sst s30  }
0x69: {  	s8 =	sadd.s32 $0xC80, s5;
	[smem:$0x7D7] =	sst s31  }
0x6a: {  	s10 =	sadd.s32 $0xD48, s5;
	[smem:$0x7DA] =	sst s8  }
0x6b: {  	s11 =	sadd.s32 $0xE10, s5;
	[smem:$0x7DB] =	sst s10  }
0x6c: {  	s12 =	sadd.s32 $0xED8, s5;
	[smem:$0x7DC] =	sst s11  }
0x6d: {  	s15 =	sadd.s32 $0x1130, s5;
	[smem:$0x7DD] =	sst s12  }
0x6e: {  	s3 =	sadd.s32 $0x12800, s9;
	[smem:$0x7E0] =	sst s15  }
0x6f: {  	s7 =	sadd.s32 $0x12C00, s9;
	[smem:$0x7C5] =	sst s3  }
0x70: {  	s20 =	sadd.s32 $0x578, s5;
	[smem:$0x7C6] =	sst s7  }
0x71: {  	s21 =	sadd.s32 $0x640, s5;
	[smem:$0x7D1] =	sst s20  }
0x72: {  	s22 =	sadd.s32 $0x708, s5;
	[smem:$0x7D2] =	sst s21  }
0x73: {  	s25 =	sadd.s32 $0x7D0, s5;
	[smem:$0x7D3] =	sst s22  }
0x74: {  	s13 =	sadd.s32 $0xFA0, s5;
	[smem:$0x7D4] =	sst s25  }
0x75: {  	s14 =	sadd.s32 $0x1068, s5;
	[smem:$0x7DE] =	sst s13  }
0x76: {  	s17 =	sadd.s32 $0x11F8, s5;
	[smem:$0x7DF] =	sst s14  }
0x77: {  	s18 =	sadd.s32 $0x12C0, s5;
	[smem:$0x7E1] =	sst s17  }
0x78: {  	s19 =	sadd.s32 $0x1388, s5;
	[smem:$0x7E2] =	sst s18  }
0x79: {  	s26 =	sadd.s32 $0x1770, s5;
	[smem:$0x7E3] =	sst s19  }
0x7a: {  	s30 =	sadd.s32 $0x1838, s5;
	[smem:$0x7E8] =	sst s26  }
0x7b: {  	s31 =	sadd.s32 $0x1900, s5;
	[smem:$0x7E9] =	sst s30  }
0x7c: {  	s8 =	sadd.s32 $0x1B58, s5;
	[smem:$0x7EA] =	sst s31  }
0x7d: {  	s10 =	sadd.s32 $0x1C20, s5;
	[smem:$0x7ED] =	sst s8  }
0x7e: {  	s11 =	sadd.s32 $0x1CE8, s5;
	[smem:$0x7EE] =	sst s10  }
0x7f: {  	s12 =	sadd.s32 $0x1DB0, s5;
	[smem:$0x7EF] =	sst s11  }
0x80: {  	s15 =	sadd.s32 $0x2008, s5;
	[smem:$0x7F0] =	sst s12  }
0x81: {  	s3 =	sadd.s32 $0xAF0, s5;
	[smem:$0x7F3] =	sst s15  }
0x82: {  	s7 =	sadd.s32 $0xBB8, s5;
	[smem:$0x7D8] =	sst s3  }
0x83: {  	s20 =	sadd.s32 $0x1450, s5;
	[smem:$0x7D9] =	sst s7  }
0x84: {  	s21 =	sadd.s32 $0x1518, s5;
	[smem:$0x7E4] =	sst s20  }
0x85: {  	s22 =	sadd.s32 $0x15E0, s5;
	[smem:$0x7E5] =	sst s21  }
0x86: {  	s25 =	sadd.s32 $0x16A8, s5;
	[smem:$0x7E6] =	sst s22  }
0x87: {  	s13 =	sadd.s32 $0x1E78, s5;
	[smem:$0x7E7] =	sst s25  }
0x88: {  	s28 =	simm.s32 $0x280;
	s14 =	sadd.s32 $0x1F40, s5;
	[smem:$0x7F1] =	sst s13  }
0x89: {  	s29 =	simm.s32 $0x0;
	s17 =	sadd.s32 $0x20D0, s5;
	[smem:$0x7F2] =	sst s14  }
0x8a: {  	s18 =	sadd.s32 $0x2198, s5;
	s19 =	sadd.s32 $0x2260, s5;
	[smem:$0x7F4] =	sst s17  }
0x8b: {  	s26 =	sadd.s32 $0x2648, s5;
	s30 =	sadd.s32 $0x400, s16;
	[smem:$0x7F5] =	sst s18  }
0x8c: {  	s31 =	sadd.s32 $0x800, s16;
	s8 =	simm.s32 $0x300;
	[smem:$0x7F6] =	sst s19  }
0x8d: {  	s16 =	simm.s32 $0x80;
	s10 =	simm.s32 $0x4300;
	[smem:$0x7FB] =	sst s26  }
0x8e: {  	s11 =	simm.s32 $0x3;
	s12 =	simm.s32 $0x8300;
	[smem:$0x7FC] =	sst s30  }
0x8f: {  	s15 =	simm.s32 $0x8;
	s3 =	sadd.s32 $0x19C8, s5;
	[smem:$0x7FD] =	sst s31  }
0x90: {  	s7 =	sadd.s32 $0x1A90, s5;
	s20 =	sadd.s32 $0x2328, s5;
	[smem:$0x7EB] =	sst s3  }
0x91: {  	s21 =	sadd.s32 $0x23F0, s5;
	s22 =	sadd.s32 $0x24B8, s5;
	[smem:$0x7EC] =	sst s7  }
.Ltmp0:
0x92: {  	s25 =	sadd.s32 $0x2580, s5;
	[smem:$0x7F7] =	sst s20;
	(pc) =	sbr.rel .LBB2_1-.Ltmp0, $4  }
0x93: {  	s19 =	simm.s32 $0x7;
	s18 =	simm.s32 $0x200;
	[smem:$0x7F8] =	sst s21  }
0x94: {  	s13 =	simm.s32 $0x4;
	s14 =	simm.s32 $0xC300;
	[smem:$0x7F9] =	sst s22  }
0x95: {  	s17 =	simm.s32 $0x5;
	s26 =	simm.s32 $0x6;
	[smem:$0x7FA] =	sst s25  }
0x96: {  	v0 =	vimm.f32 $0.0e+00;
	v1 =	vimm.f32 $1.000000000e+00;
	s25 =	simm.s32 $0xC380;
	s7 =	simm.s32 $0x2;
	s22 =	simm.s32 $0x180  }
.LBB2_13:
0x97: {  	_ =	swait.ge [sflag:s15], $0x4F0  }
0x98: {  	[sflag:s15] =	ssyncset.done $0x0  }
0x99: {  	[sflag:s15] =	ssyncadd.s32 $0xFFFFFB10  }
.LBB2_14:
0x9a: {  	s29 =	sadd.s32 $0x1, s29;
	s2 =	rddreg [dreg:$0x15]  }
0x9b: {  	p3 =	sne.s32 s29, s2  }
.Ltmp1:
0x9c: {  	_ = 	snop;
	(pc) =	sbr.rel @!p3 .LBB2_15-.Ltmp1, $1  }
0x9d: {  	_ =	sdelay $0x3  }
.LBB2_1:
0x9e: {  	[tilespmem:$0x300] =	vst v0  }
0x9f: {  	[tilespmem:$0x310] =	vst v0  }
0xa0: {  	[tilespmem:$0x320] =	vst v0  }
0xa1: {  	[tilespmem:$0x330] =	vst v0  }
0xa2: {  	[tilespmem:$0x340] =	vst v0  }
0xa3: {  	[tilespmem:$0x350] =	vst v0  }
0xa4: {  	[tilespmem:$0x360] =	vst v0  }
0xa5: {  	[tilespmem:$0x370] =	vst v0  }
0xa6: {  	[tilespmem:$0x380] =	vst v0  }
0xa7: {  	[tilespmem:$0x390] =	vst v0  }
0xa8: {  	[tilespmem:$0x3A0] =	vst v0  }
0xa9: {  	[tilespmem:$0x3B0] =	vst v0  }
0xaa: {  	[tilespmem:$0x3C0] =	vst v0  }
0xab: {  	[tilespmem:$0x3D0] =	vst v0  }
0xac: {  	[tilespmem:$0x3E0] =	vst v0  }
0xad: {  	[tilespmem:$0x3F0] =	vst v0  }
0xae: {  	[tilespmem:$0x400] =	vst v0  }
0xaf: {  	[tilespmem:$0x410] =	vst v0  }
0xb0: {  	[tilespmem:$0x420] =	vst v0  }
0xb1: {  	[tilespmem:$0x430] =	vst v0  }
0xb2: {  	[tilespmem:$0x440] =	vst v0  }
0xb3: {  	[tilespmem:$0x450] =	vst v0  }
0xb4: {  	[tilespmem:$0x460] =	vst v0  }
0xb5: {  	[tilespmem:$0x470] =	vst v0  }
0xb6: {  	[tilespmem:$0x480] =	vst v0  }
0xb7: {  	[tilespmem:$0x490] =	vst v0  }
0xb8: {  	[tilespmem:$0x4A0] =	vst v0  }
0xb9: {  	[tilespmem:$0x4B0] =	vst v0  }
0xba: {  	[tilespmem:$0x4C0] =	vst v0  }
0xbb: {  	[tilespmem:$0x4D0] =	vst v0  }
0xbc: {  	[tilespmem:$0x4E0] =	vst v0  }
0xbd: {  	[tilespmem:$0x4F0] =	vst v0  }
0xbe: {  	[tilespmem:$0x500] =	vst v0  }
0xbf: {  	[tilespmem:$0x510] =	vst v0  }
0xc0: {  	[tilespmem:$0x520] =	vst v0  }
0xc1: {  	[tilespmem:$0x530] =	vst v0  }
0xc2: {  	[tilespmem:$0x540] =	vst v0  }
0xc3: {  	[tilespmem:$0x550] =	vst v0  }
0xc4: {  	[tilespmem:$0x560] =	vst v0  }
0xc5: {  	[tilespmem:$0x570] =	vst v0  }
0xc6: {  	[tilespmem:$0x580] =	vst v0  }
0xc7: {  	[tilespmem:$0x590] =	vst v0  }
0xc8: {  	[tilespmem:$0x5A0] =	vst v0  }
0xc9: {  	[tilespmem:$0x5B0] =	vst v0  }
0xca: {  	[tilespmem:$0x5C0] =	vst v0  }
0xcb: {  	[tilespmem:$0x5D0] =	vst v0  }
0xcc: {  	[tilespmem:$0x5E0] =	vst v0  }
0xcd: {  	[tilespmem:$0x5F0] =	vst v0  }
0xce: {  	[tilespmem:$0x600] =	vst v0  }
0xcf: {  	[tilespmem:$0x610] =	vst v0  }
0xd0: {  	[tilespmem:$0x620] =	vst v0  }
0xd1: {  	[tilespmem:$0x630] =	vst v0  }
0xd2: {  	[tilespmem:$0x640] =	vst v0  }
0xd3: {  	[tilespmem:$0x650] =	vst v0  }
0xd4: {  	[tilespmem:$0x660] =	vst v0  }
0xd5: {  	[tilespmem:$0x670] =	vst v0  }
0xd6: {  	[tilespmem:$0x680] =	vst v0  }
0xd7: {  	[tilespmem:$0x690] =	vst v0  }
0xd8: {  	[tilespmem:$0x6A0] =	vst v0  }
0xd9: {  	[tilespmem:$0x6B0] =	vst v0  }
0xda: {  	[tilespmem:$0x6C0] =	vst v0  }
0xdb: {  	[tilespmem:$0x6D0] =	vst v0  }
0xdc: {  	[tilespmem:$0x6E0] =	vst v0  }
0xdd: {  	[tilespmem:$0x6F0] =	vst v0  }
0xde: {  	[tilespmem:$0xC300] =	vst v1  }
0xdf: {  	[tilespmem:$0xC310] =	vst v1  }
0xe0: {  	[tilespmem:$0xC320] =	vst v1  }
0xe1: {  	[tilespmem:$0xC330] =	vst v1  }
0xe2: {  	[tilespmem:$0xC340] =	vst v1  }
0xe3: {  	[tilespmem:$0xC350] =	vst v1  }
0xe4: {  	[tilespmem:$0xC360] =	vst v1  }
0xe5: {  	[tilespmem:$0xC370] =	vst v1  }
0xe6: {  	[tilespmem:$0xC380] =	vst v0  }
0xe7: {  	[tilespmem:$0xC390] =	vst v0  }
0xe8: {  	[tilespmem:$0xC3A0] =	vst v0  }
0xe9: {  	[tilespmem:$0xC3B0] =	vst v0  }
0xea: {  	[tilespmem:$0xC3C0] =	vst v0  }
0xeb: {  	[tilespmem:$0xC3D0] =	vst v0  }
0xec: {  	[tilespmem:$0xC3E0] =	vst v0  }
0xed: {  	[tilespmem:$0xC3F0] =	vst v0  }
0xee: {  	[tilespmem:$0xC400] =	vst v0  }
0xef: {  	[tilespmem:$0xC410] =	vst v0  }
0xf0: {  	[tilespmem:$0xC420] =	vst v0  }
0xf1: {  	[tilespmem:$0xC430] =	vst v0;
	s2 =	rddreg [dreg:$0x9]  }
0xf2: {  	[spmem:s9] =	stream.linear.scatter [tilespmem:s8], [sflag:$0x7], $0x400, $0x38;
	[tilespmem:$0x1FF78] =	vst v63  }
0xf3: {  	s31 =	rddreg [dreg:$0xa]  }
0xf4: {  	[spmem:s2] =	stream.linear.scatter [tilespmem:s8], [sflag:$0x7], $0x400, $0x38;
	[tilespmem:$0x1FF78] =	vst v63  }
0xf5: {  	s3 =	rddreg [dreg:$0xb]  }
0xf6: {  	[spmem:s31] =	stream.linear.scatter [tilespmem:s8], [sflag:$0x7], $0x400, $0x38;
	[tilespmem:$0x1FF78] =	vst v63  }
0xf7: {  	s20 =	rddreg [dreg:$0xc]  }
0xf8: {  	[spmem:s3] =	stream.linear.scatter [tilespmem:s8], [sflag:$0x7], $0x400, $0x38;
	[tilespmem:$0x1FF78] =	vst v63  }
0xf9: {  	s21 =	rddreg [dreg:$0xd]  }
0xfa: {  	[spmem:s20] =	stream.linear.scatter [tilespmem:s8], [sflag:$0x7], $0x400, $0x38;
	[tilespmem:$0x1FF78] =	vst v63  }
0xfb: {  	s30 =	rddreg [dreg:$0xe]  }
0xfc: {  	[spmem:s21] =	stream.linear.scatter [tilespmem:s8], [sflag:$0x7], $0x400, $0x38;
	[tilespmem:$0x1FF78] =	vst v63  }
0xfd: {  	s31 =	rddreg [dreg:$0x17]  }
0xfe: {  	[spmem:s30] =	stream.linear.scatter [tilespmem:s8], [sflag:$0x7], $0x400, $0x38;
	[tilespmem:$0x1FF78] =	vst v63  }
0xff: {  	s3 =	rddreg [dreg:$0x18]  }
0x100: {  	[spmem:s31] =	stream.linear.scatter [tilespmem:s8], [sflag:$0x7], $0x400, $0x38;
	[tilespmem:$0x1FF78] =	vst v63  }
0x101: {  	s20 =	rddreg [dreg:$0x19]  }
0x102: {  	[spmem:s3] =	stream.linear.scatter [tilespmem:s8], [sflag:$0x7], $0x400, $0x38;
	[tilespmem:$0x1FF78] =	vst v63  }
0x103: {  	s21 =	rddreg [dreg:$0x1a]  }
0x104: {  	[spmem:s20] =	stream.linear.scatter [tilespmem:s8], [sflag:$0x7], $0x400, $0x38;
	[tilespmem:$0x1FF78] =	vst v63  }
0x105: {  	s30 =	rddreg [dreg:$0x1b]  }
0x106: {  	[spmem:s21] =	stream.linear.scatter [tilespmem:s8], [sflag:$0x7], $0x400, $0x38;
	[tilespmem:$0x1FF78] =	vst v63  }
0x107: {  	s31 =	rddreg [dreg:$0x1c]  }
0x108: {  	[spmem:s30] =	stream.linear.scatter [tilespmem:s8], [sflag:$0x7], $0x400, $0x38;
	[tilespmem:$0x1FF78] =	vst v63  }
0x109: {  	s3 =	rddreg [dreg:$0x1d]  }
0x10a: {  	[spmem:s31] =	stream.linear.scatter [tilespmem:s8], [sflag:$0x7], $0x400, $0x38;
	[tilespmem:$0x1FF78] =	vst v63  }
0x10b: {  	s20 =	rddreg [dreg:$0x1e]  }
0x10c: {  	[spmem:s3] =	stream.linear.scatter [tilespmem:s8], [sflag:$0x7], $0x400, $0x38;
	[tilespmem:$0x1FF78] =	vst v63  }
0x10d: {  	s21 =	rddreg [dreg:$0x1f]  }
0x10e: {  	[spmem:s20] =	stream.linear.scatter [tilespmem:s8], [sflag:$0x7], $0x400, $0x38;
	[tilespmem:$0x1FF78] =	vst v63  }
0x10f: {  	s30 =	sld [smem:$0x78B]  }
0x110: {  	[spmem:s21] =	stream.linear.scatter [tilespmem:s8], [sflag:$0x7], $0x400, $0x38;
	[tilespmem:$0x1FF78] =	vst v63  }
0x111: {  	s31 =	sld [smem:$0x78C]  }
0x112: {  	[spmem:s30] =	stream.linear.scatter [tilespmem:s8], [sflag:$0x7], $0x400, $0x38;
	[tilespmem:$0x1FF78] =	vst v63  }
0x113: {  	s3 =	sld [smem:$0x78D]  }
0x114: {  	[spmem:s31] =	stream.linear.scatter [tilespmem:s8], [sflag:$0x7], $0x400, $0x38;
	[tilespmem:$0x1FF78] =	vst v63  }
0x115: {  	s20 =	sld [smem:$0x78E]  }
0x116: {  	[spmem:s3] =	stream.linear.scatter [tilespmem:s8], [sflag:$0x7], $0x400, $0x38;
	[tilespmem:$0x1FF78] =	vst v63  }
0x117: {  	s21 =	sld [smem:$0x78F]  }
0x118: {  	[spmem:s20] =	stream.linear.scatter [tilespmem:s8], [sflag:$0x7], $0x400, $0x38;
	[tilespmem:$0x1FF78] =	vst v63  }
0x119: {  	s30 =	sld [smem:$0x790]  }
0x11a: {  	[spmem:s21] =	stream.linear.scatter [tilespmem:s8], [sflag:$0x7], $0x400, $0x38;
	[tilespmem:$0x1FF78] =	vst v63  }
0x11b: {  	s31 =	sld [smem:$0x791]  }
0x11c: {  	[spmem:s30] =	stream.linear.scatter [tilespmem:s8], [sflag:$0x7], $0x400, $0x38;
	[tilespmem:$0x1FF78] =	vst v63  }
0x11d: {  	s3 =	sld [smem:$0x792]  }
0x11e: {  	[spmem:s31] =	stream.linear.scatter [tilespmem:s8], [sflag:$0x7], $0x400, $0x38;
	[tilespmem:$0x1FF78] =	vst v63  }
0x11f: {  	s20 =	sld [smem:$0x793]  }
0x120: {  	[spmem:s3] =	stream.linear.scatter [tilespmem:s8], [sflag:$0x7], $0x400, $0x38;
	[tilespmem:$0x1FF78] =	vst v63  }
0x121: {  	s21 =	sld [smem:$0x794]  }
0x122: {  	[spmem:s20] =	stream.linear.scatter [tilespmem:s8], [sflag:$0x7], $0x400, $0x38;
	[tilespmem:$0x1FF78] =	vst v63  }
0x123: {  	s30 =	sld [smem:$0x795]  }
0x124: {  	[spmem:s21] =	stream.linear.scatter [tilespmem:s8], [sflag:$0x7], $0x400, $0x38;
	[tilespmem:$0x1FF78] =	vst v63  }
0x125: {  	s31 =	sld [smem:$0x796]  }
0x126: {  	[spmem:s30] =	stream.linear.scatter [tilespmem:s8], [sflag:$0x7], $0x400, $0x38;
	[tilespmem:$0x1FF78] =	vst v63  }
0x127: {  	s3 =	sld [smem:$0x797]  }
0x128: {  	[spmem:s31] =	stream.linear.scatter [tilespmem:s8], [sflag:$0x7], $0x400, $0x38;
	[tilespmem:$0x1FF78] =	vst v63  }
0x129: {  	s20 =	sld [smem:$0x798]  }
0x12a: {  	[spmem:s3] =	stream.linear.scatter [tilespmem:s8], [sflag:$0x7], $0x400, $0x38;
	[tilespmem:$0x1FF78] =	vst v63  }
0x12b: {  	s21 =	sld [smem:$0x799]  }
0x12c: {  	[spmem:s20] =	stream.linear.scatter [tilespmem:s8], [sflag:$0x7], $0x400, $0x38;
	[tilespmem:$0x1FF78] =	vst v63  }
0x12d: {  	s30 =	sld [smem:$0x79A]  }
0x12e: {  	[spmem:s21] =	stream.linear.scatter [tilespmem:s8], [sflag:$0x7], $0x400, $0x38;
	[tilespmem:$0x1FF78] =	vst v63  }
0x12f: {  	s31 =	sld [smem:$0x79B]  }
0x130: {  	[spmem:s30] =	stream.linear.scatter [tilespmem:s8], [sflag:$0x7], $0x400, $0x38;
	[tilespmem:$0x1FF78] =	vst v63  }
0x131: {  	s3 =	sld [smem:$0x79C]  }
0x132: {  	[spmem:s31] =	stream.linear.scatter [tilespmem:s8], [sflag:$0x7], $0x400, $0x38;
	[tilespmem:$0x1FF78] =	vst v63  }
0x133: {  	s20 =	sld [smem:$0x79D]  }
0x134: {  	[spmem:s3] =	stream.linear.scatter [tilespmem:s8], [sflag:$0x7], $0x400, $0x38;
	[tilespmem:$0x1FF78] =	vst v63  }
0x135: {  	s21 =	sld [smem:$0x79E]  }
0x136: {  	[spmem:s20] =	stream.linear.scatter [tilespmem:s8], [sflag:$0x7], $0x400, $0x38;
	[tilespmem:$0x1FF78] =	vst v63  }
0x137: {  	s30 =	sld [smem:$0x79F]  }
0x138: {  	[spmem:s21] =	stream.linear.scatter [tilespmem:s8], [sflag:$0x7], $0x400, $0x38;
	[tilespmem:$0x1FF78] =	vst v63  }
0x139: {  	s31 =	sld [smem:$0x7A0]  }
0x13a: {  	[spmem:s30] =	stream.linear.scatter [tilespmem:s8], [sflag:$0x7], $0x400, $0x38;
	[tilespmem:$0x1FF78] =	vst v63  }
0x13b: {  	s3 =	sld [smem:$0x7A1]  }
0x13c: {  	[spmem:s31] =	stream.linear.scatter [tilespmem:s8], [sflag:$0x7], $0x400, $0x38;
	[tilespmem:$0x1FF78] =	vst v63  }
0x13d: {  	s20 =	sld [smem:$0x7A2]  }
0x13e: {  	[spmem:s3] =	stream.linear.scatter [tilespmem:s8], [sflag:$0x7], $0x400, $0x38;
	[tilespmem:$0x1FF78] =	vst v63  }
0x13f: {  	s21 =	sld [smem:$0x7A3]  }
0x140: {  	[spmem:s20] =	stream.linear.scatter [tilespmem:s8], [sflag:$0x7], $0x400, $0x38;
	[tilespmem:$0x1FF78] =	vst v63  }
0x141: {  	s30 =	sld [smem:$0x7A4]  }
0x142: {  	[spmem:s21] =	stream.linear.scatter [tilespmem:s8], [sflag:$0x7], $0x400, $0x38;
	[tilespmem:$0x1FF78] =	vst v63  }
0x143: {  	s31 =	sld [smem:$0x7A5]  }
0x144: {  	[spmem:s30] =	stream.linear.scatter [tilespmem:s8], [sflag:$0x7], $0x400, $0x38;
	[tilespmem:$0x1FF78] =	vst v63  }
0x145: {  	s3 =	sld [smem:$0x7A6]  }
0x146: {  	[spmem:s31] =	stream.linear.scatter [tilespmem:s8], [sflag:$0x7], $0x400, $0x38;
	[tilespmem:$0x1FF78] =	vst v63  }
0x147: {  	s20 =	sld [smem:$0x7A7]  }
0x148: {  	[spmem:s3] =	stream.linear.scatter [tilespmem:s8], [sflag:$0x7], $0x400, $0x38;
	[tilespmem:$0x1FF78] =	vst v63  }
0x149: {  	s21 =	sld [smem:$0x7A8]  }
0x14a: {  	[spmem:s20] =	stream.linear.scatter [tilespmem:s8], [sflag:$0x7], $0x400, $0x38;
	[tilespmem:$0x1FF78] =	vst v63  }
0x14b: {  	s30 =	sld [smem:$0x7A9]  }
0x14c: {  	[spmem:s21] =	stream.linear.scatter [tilespmem:s8], [sflag:$0x7], $0x400, $0x38;
	[tilespmem:$0x1FF78] =	vst v63  }
0x14d: {  	s31 =	sld [smem:$0x7AA]  }
0x14e: {  	[spmem:s30] =	stream.linear.scatter [tilespmem:s8], [sflag:$0x7], $0x400, $0x38;
	[tilespmem:$0x1FF78] =	vst v63  }
0x14f: {  	s3 =	sld [smem:$0x7AB]  }
0x150: {  	[spmem:s31] =	stream.linear.scatter [tilespmem:s8], [sflag:$0x7], $0x400, $0x38;
	[tilespmem:$0x1FF78] =	vst v63  }
0x151: {  	s20 =	sld [smem:$0x7AC]  }
0x152: {  	[spmem:s3] =	stream.linear.scatter [tilespmem:s8], [sflag:$0x7], $0x400, $0x38;
	[tilespmem:$0x1FF78] =	vst v63  }
0x153: {  	s21 =	sld [smem:$0x7AD]  }
0x154: {  	[spmem:s20] =	stream.linear.scatter [tilespmem:s8], [sflag:$0x7], $0x400, $0x38;
	[tilespmem:$0x1FF78] =	vst v63  }
0x155: {  	s30 =	sld [smem:$0x7AE]  }
0x156: {  	[spmem:s21] =	stream.linear.scatter [tilespmem:s8], [sflag:$0x7], $0x400, $0x38;
	[tilespmem:$0x1FF78] =	vst v63  }
0x157: {  	s31 =	sld [smem:$0x7AF]  }
0x158: {  	[spmem:s30] =	stream.linear.scatter [tilespmem:s8], [sflag:$0x7], $0x400, $0x38;
	[tilespmem:$0x1FF78] =	vst v63  }
0x159: {  	s3 =	sld [smem:$0x7B0]  }
0x15a: {  	[spmem:s31] =	stream.linear.scatter [tilespmem:s8], [sflag:$0x7], $0x400, $0x38;
	[tilespmem:$0x1FF78] =	vst v63  }
0x15b: {  	s20 =	sld [smem:$0x7B1]  }
0x15c: {  	[spmem:s3] =	stream.linear.scatter [tilespmem:s8], [sflag:$0x7], $0x400, $0x38;
	[tilespmem:$0x1FF78] =	vst v63  }
0x15d: {  	s21 =	sld [smem:$0x7B2]  }
0x15e: {  	[spmem:s20] =	stream.linear.scatter [tilespmem:s8], [sflag:$0x7], $0x400, $0x38;
	[tilespmem:$0x1FF78] =	vst v63  }
0x15f: {  	s30 =	sld [smem:$0x7B3]  }
0x160: {  	[spmem:s21] =	stream.linear.scatter [tilespmem:s8], [sflag:$0x7], $0x400, $0x38;
	[tilespmem:$0x1FF78] =	vst v63  }
0x161: {  	s31 =	sld [smem:$0x7B4]  }
0x162: {  	[spmem:s30] =	stream.linear.scatter [tilespmem:s8], [sflag:$0x7], $0x400, $0x38;
	[tilespmem:$0x1FF78] =	vst v63  }
0x163: {  	s3 =	sld [smem:$0x7B5]  }
0x164: {  	[spmem:s31] =	stream.linear.scatter [tilespmem:s8], [sflag:$0x7], $0x400, $0x38;
	[tilespmem:$0x1FF78] =	vst v63  }
0x165: {  	s20 =	sld [smem:$0x7B6]  }
0x166: {  	[spmem:s3] =	stream.linear.scatter [tilespmem:s8], [sflag:$0x7], $0x400, $0x38;
	[tilespmem:$0x1FF78] =	vst v63  }
0x167: {  	s21 =	sld [smem:$0x7B7]  }
0x168: {  	[spmem:s20] =	stream.linear.scatter [tilespmem:s8], [sflag:$0x7], $0x400, $0x38;
	[tilespmem:$0x1FF78] =	vst v63  }
0x169: {  	s30 =	sld [smem:$0x7B8]  }
0x16a: {  	[spmem:s21] =	stream.linear.scatter [tilespmem:s8], [sflag:$0x7], $0x400, $0x38;
	[tilespmem:$0x1FF78] =	vst v63  }
0x16b: {  	s31 =	sld [smem:$0x7B9]  }
0x16c: {  	[spmem:s30] =	stream.linear.scatter [tilespmem:s8], [sflag:$0x7], $0x400, $0x38;
	[tilespmem:$0x1FF78] =	vst v63  }
0x16d: {  	s3 =	sld [smem:$0x7BA]  }
0x16e: {  	[spmem:s31] =	stream.linear.scatter [tilespmem:s8], [sflag:$0x7], $0x400, $0x38;
	[tilespmem:$0x1FF78] =	vst v63  }
0x16f: {  	s20 =	sld [smem:$0x7BB]  }
0x170: {  	[spmem:s3] =	stream.linear.scatter [tilespmem:s8], [sflag:$0x7], $0x400, $0x38;
	[tilespmem:$0x1FF78] =	vst v63  }
0x171: {  	s21 =	sld [smem:$0x7BC]  }
0x172: {  	[spmem:s20] =	stream.linear.scatter [tilespmem:s8], [sflag:$0x7], $0x400, $0x38;
	[tilespmem:$0x1FF78] =	vst v63  }
0x173: {  	s30 =	sld [smem:$0x7BD]  }
0x174: {  	[spmem:s21] =	stream.linear.scatter [tilespmem:s8], [sflag:$0x7], $0x400, $0x38;
	[tilespmem:$0x1FF78] =	vst v63  }
0x175: {  	s31 =	sld [smem:$0x7BE]  }
0x176: {  	[spmem:s30] =	stream.linear.scatter [tilespmem:s8], [sflag:$0x7], $0x400, $0x38;
	[tilespmem:$0x1FF78] =	vst v63  }
0x177: {  	s3 =	sld [smem:$0x7BF]  }
0x178: {  	[spmem:s31] =	stream.linear.scatter [tilespmem:s8], [sflag:$0x7], $0x400, $0x38;
	[tilespmem:$0x1FF78] =	vst v63  }
0x179: {  	s20 =	sld [smem:$0x7C0]  }
0x17a: {  	[spmem:s3] =	stream.linear.scatter [tilespmem:s8], [sflag:$0x7], $0x400, $0x38;
	[tilespmem:$0x1FF78] =	vst v63  }
0x17b: {  	s21 =	sld [smem:$0x7C1]  }
0x17c: {  	[spmem:s20] =	stream.linear.scatter [tilespmem:s8], [sflag:$0x7], $0x400, $0x38;
	[tilespmem:$0x1FF78] =	vst v63  }
0x17d: {  	s30 =	sld [smem:$0x7C2]  }
0x17e: {  	[spmem:s21] =	stream.linear.scatter [tilespmem:s8], [sflag:$0x7], $0x400, $0x38;
	[tilespmem:$0x1FF78] =	vst v63  }
0x17f: {  	s31 =	sld [smem:$0x7C3]  }
0x180: {  	[spmem:s30] =	stream.linear.scatter [tilespmem:s8], [sflag:$0x7], $0x400, $0x38;
	[tilespmem:$0x1FF78] =	vst v63  }
0x181: {  	s3 =	sld [smem:$0x7C4]  }
0x182: {  	[spmem:s31] =	stream.linear.scatter [tilespmem:s8], [sflag:$0x7], $0x400, $0x38;
	[tilespmem:$0x1FF78] =	vst v63  }
0x183: {  	s20 =	sld [smem:$0x7C5]  }
0x184: {  	[spmem:s3] =	stream.linear.scatter [tilespmem:s8], [sflag:$0x7], $0x400, $0x38;
	[tilespmem:$0x1FF78] =	vst v63  }
0x185: {  	s21 =	sld [smem:$0x7C6]  }
0x186: {  	[spmem:s20] =	stream.linear.scatter [tilespmem:s8], [sflag:$0x7], $0x400, $0x38;
	[tilespmem:$0x1FF78] =	vst v63  }
0x187: {  	s30 =	sld [smem:$0x7C7]  }
0x188: {  	[spmem:s21] =	stream.linear.scatter [tilespmem:s8], [sflag:$0x7], $0x400, $0x38;
	[tilespmem:$0x1FF78] =	vst v63  }
.Ltmp2:
0x189: {  	_ = 	snop;
	(pc) =	sbr.rel @p2 .LBB2_3-.Ltmp2, $4  }
0x18a: {  	s31 =	sld [smem:$0x7C8]  }
0x18b: {  	[spmem:s30] =	stream.linear.scatter [tilespmem:s8], [sflag:$0x7], $0x400, $0x38;
	[tilespmem:$0x1FF78] =	vst v63  }
0x18c: {  	_ = 	snop  }
0x18d: {  	[spmem:s31] =	stream.linear.scatter [tilespmem:s8], [sflag:$0x7], $0x400, $0x38;
	[tilespmem:$0x1FF78] =	vst v63  }
0x18e: {  	s2 =	sld [smem:$0x7C9];
	_ =	sdelay $0x1  }
0x18f: {  	s3 =	sld [smem:$0x7CA]  }
0x190: {  	[spmem:s2] =	stream.linear.scatter [tilespmem:s8], [sflag:$0x7], $0x400, $0x38;
	[tilespmem:$0x1FF78] =	vst v63  }
0x191: {  	_ = 	snop  }
0x192: {  	[spmem:s3] =	stream.linear.scatter [tilespmem:s8], [sflag:$0x7], $0x400, $0x38;
	[tilespmem:$0x1FF78] =	vst v63  }
0x193: {  	s20 =	sld [smem:$0x7CB]  }
0x194: {  	[spmem:s5] =	stream.linear.scatter [tilespmem:s25], [sflag:$0x7], $0xC8, $0x38;
	[tilespmem:$0x1FF78] =	vst v63  }
0x195: {  	s21 =	sld [smem:$0x7CC]  }
0x196: {  	[spmem:s20] =	stream.linear.scatter [tilespmem:s25], [sflag:$0x7], $0xC8, $0x38;
	[tilespmem:$0x1FF78] =	vst v63  }
0x197: {  	s30 =	sld [smem:$0x7CD]  }
0x198: {  	[spmem:s21] =	stream.linear.scatter [tilespmem:s25], [sflag:$0x7], $0xC8, $0x38;
	[tilespmem:$0x1FF78] =	vst v63  }
0x199: {  	s31 =	sld [smem:$0x7CE]  }
0x19a: {  	[spmem:s30] =	stream.linear.scatter [tilespmem:s25], [sflag:$0x7], $0xC8, $0x38;
	[tilespmem:$0x1FF78] =	vst v63  }
0x19b: {  	s3 =	sld [smem:$0x7CF]  }
0x19c: {  	[spmem:s31] =	stream.linear.scatter [tilespmem:s25], [sflag:$0x7], $0xC8, $0x38;
	[tilespmem:$0x1FF78] =	vst v63  }
0x19d: {  	s20 =	sld [smem:$0x7D0]  }
0x19e: {  	[spmem:s3] =	stream.linear.scatter [tilespmem:s25], [sflag:$0x7], $0xC8, $0x38;
	[tilespmem:$0x1FF78] =	vst v63  }
0x19f: {  	s21 =	sld [smem:$0x7D1]  }
0x1a0: {  	[spmem:s20] =	stream.linear.scatter [tilespmem:s25], [sflag:$0x7], $0xC8, $0x38;
	[tilespmem:$0x1FF78] =	vst v63  }
0x1a1: {  	s30 =	sld [smem:$0x7D2]  }
0x1a2: {  	[spmem:s21] =	stream.linear.scatter [tilespmem:s25], [sflag:$0x7], $0xC8, $0x38;
	[tilespmem:$0x1FF78] =	vst v63  }
0x1a3: {  	s31 =	sld [smem:$0x7D3]  }
0x1a4: {  	[spmem:s30] =	stream.linear.scatter [tilespmem:s25], [sflag:$0x7], $0xC8, $0x38;
	[tilespmem:$0x1FF78] =	vst v63  }
0x1a5: {  	s3 =	sld [smem:$0x7D4]  }
0x1a6: {  	[spmem:s31] =	stream.linear.scatter [tilespmem:s25], [sflag:$0x7], $0xC8, $0x38;
	[tilespmem:$0x1FF78] =	vst v63  }
0x1a7: {  	s20 =	sld [smem:$0x7D5]  }
0x1a8: {  	[spmem:s3] =	stream.linear.scatter [tilespmem:s25], [sflag:$0x7], $0xC8, $0x38;
	[tilespmem:$0x1FF78] =	vst v63  }
0x1a9: {  	s21 =	sld [smem:$0x7D6]  }
0x1aa: {  	[spmem:s20] =	stream.linear.scatter [tilespmem:s25], [sflag:$0x7], $0xC8, $0x38;
	[tilespmem:$0x1FF78] =	vst v63  }
0x1ab: {  	s30 =	sld [smem:$0x7D7]  }
0x1ac: {  	[spmem:s21] =	stream.linear.scatter [tilespmem:s25], [sflag:$0x7], $0xC8, $0x38;
	[tilespmem:$0x1FF78] =	vst v63  }
0x1ad: {  	s31 =	sld [smem:$0x7D8]  }
0x1ae: {  	[spmem:s30] =	stream.linear.scatter [tilespmem:s25], [sflag:$0x7], $0xC8, $0x38;
	[tilespmem:$0x1FF78] =	vst v63  }
0x1af: {  	s3 =	sld [smem:$0x7D9]  }
0x1b0: {  	[spmem:s31] =	stream.linear.scatter [tilespmem:s25], [sflag:$0x7], $0xC8, $0x38;
	[tilespmem:$0x1FF78] =	vst v63  }
0x1b1: {  	s20 =	sld [smem:$0x7DA]  }
0x1b2: {  	[spmem:s3] =	stream.linear.scatter [tilespmem:s25], [sflag:$0x7], $0xC8, $0x38;
	[tilespmem:$0x1FF78] =	vst v63  }
0x1b3: {  	s21 =	sld [smem:$0x7DB]  }
0x1b4: {  	[spmem:s20] =	stream.linear.scatter [tilespmem:s25], [sflag:$0x7], $0xC8, $0x38;
	[tilespmem:$0x1FF78] =	vst v63  }
0x1b5: {  	s30 =	sld [smem:$0x7DC]  }
0x1b6: {  	[spmem:s21] =	stream.linear.scatter [tilespmem:s25], [sflag:$0x7], $0xC8, $0x38;
	[tilespmem:$0x1FF78] =	vst v63  }
0x1b7: {  	s31 =	sld [smem:$0x7DD]  }
0x1b8: {  	[spmem:s30] =	stream.linear.scatter [tilespmem:s25], [sflag:$0x7], $0xC8, $0x38;
	[tilespmem:$0x1FF78] =	vst v63  }
0x1b9: {  	s3 =	sld [smem:$0x7DE]  }
0x1ba: {  	[spmem:s31] =	stream.linear.scatter [tilespmem:s25], [sflag:$0x7], $0xC8, $0x38;
	[tilespmem:$0x1FF78] =	vst v63  }
0x1bb: {  	s20 =	sld [smem:$0x7DF]  }
0x1bc: {  	[spmem:s3] =	stream.linear.scatter [tilespmem:s25], [sflag:$0x7], $0xC8, $0x38;
	[tilespmem:$0x1FF78] =	vst v63  }
0x1bd: {  	s21 =	sld [smem:$0x7E0]  }
0x1be: {  	[spmem:s20] =	stream.linear.scatter [tilespmem:s25], [sflag:$0x7], $0xC8, $0x38;
	[tilespmem:$0x1FF78] =	vst v63  }
0x1bf: {  	s30 =	sld [smem:$0x7E1]  }
0x1c0: {  	[spmem:s21] =	stream.linear.scatter [tilespmem:s25], [sflag:$0x7], $0xC8, $0x38;
	[tilespmem:$0x1FF78] =	vst v63  }
0x1c1: {  	s31 =	sld [smem:$0x7E2]  }
0x1c2: {  	[spmem:s30] =	stream.linear.scatter [tilespmem:s25], [sflag:$0x7], $0xC8, $0x38;
	[tilespmem:$0x1FF78] =	vst v63  }
0x1c3: {  	s3 =	sld [smem:$0x7E3]  }
0x1c4: {  	[spmem:s31] =	stream.linear.scatter [tilespmem:s25], [sflag:$0x7], $0xC8, $0x38;
	[tilespmem:$0x1FF78] =	vst v63  }
0x1c5: {  	s20 =	sld [smem:$0x7E4]  }
0x1c6: {  	[spmem:s3] =	stream.linear.scatter [tilespmem:s25], [sflag:$0x7], $0xC8, $0x38;
	[tilespmem:$0x1FF78] =	vst v63  }
0x1c7: {  	s21 =	sld [smem:$0x7E5]  }
0x1c8: {  	[spmem:s20] =	stream.linear.scatter [tilespmem:s25], [sflag:$0x7], $0xC8, $0x38;
	[tilespmem:$0x1FF78] =	vst v63  }
0x1c9: {  	s30 =	sld [smem:$0x7E6]  }
0x1ca: {  	[spmem:s21] =	stream.linear.scatter [tilespmem:s25], [sflag:$0x7], $0xC8, $0x38;
	[tilespmem:$0x1FF78] =	vst v63  }
0x1cb: {  	s31 =	sld [smem:$0x7E7]  }
0x1cc: {  	[spmem:s30] =	stream.linear.scatter [tilespmem:s25], [sflag:$0x7], $0xC8, $0x38;
	[tilespmem:$0x1FF78] =	vst v63  }
0x1cd: {  	s3 =	sld [smem:$0x7E8]  }
0x1ce: {  	[spmem:s31] =	stream.linear.scatter [tilespmem:s25], [sflag:$0x7], $0xC8, $0x38;
	[tilespmem:$0x1FF78] =	vst v63  }
0x1cf: {  	s20 =	sld [smem:$0x7E9]  }
0x1d0: {  	[spmem:s3] =	stream.linear.scatter [tilespmem:s25], [sflag:$0x7], $0xC8, $0x38;
	[tilespmem:$0x1FF78] =	vst v63  }
0x1d1: {  	s21 =	sld [smem:$0x7EA]  }
0x1d2: {  	[spmem:s20] =	stream.linear.scatter [tilespmem:s25], [sflag:$0x7], $0xC8, $0x38;
	[tilespmem:$0x1FF78] =	vst v63  }
0x1d3: {  	s30 =	sld [smem:$0x7EB]  }
0x1d4: {  	[spmem:s21] =	stream.linear.scatter [tilespmem:s25], [sflag:$0x7], $0xC8, $0x38;
	[tilespmem:$0x1FF78] =	vst v63  }
0x1d5: {  	s31 =	sld [smem:$0x7EC]  }
0x1d6: {  	[spmem:s30] =	stream.linear.scatter [tilespmem:s25], [sflag:$0x7], $0xC8, $0x38;
	[tilespmem:$0x1FF78] =	vst v63  }
0x1d7: {  	s3 =	sld [smem:$0x7ED]  }
0x1d8: {  	[spmem:s31] =	stream.linear.scatter [tilespmem:s25], [sflag:$0x7], $0xC8, $0x38;
	[tilespmem:$0x1FF78] =	vst v63  }
0x1d9: {  	s20 =	sld [smem:$0x7EE]  }
0x1da: {  	[spmem:s3] =	stream.linear.scatter [tilespmem:s25], [sflag:$0x7], $0xC8, $0x38;
	[tilespmem:$0x1FF78] =	vst v63  }
0x1db: {  	s21 =	sld [smem:$0x7EF]  }
0x1dc: {  	[spmem:s20] =	stream.linear.scatter [tilespmem:s25], [sflag:$0x7], $0xC8, $0x38;
	[tilespmem:$0x1FF78] =	vst v63  }
0x1dd: {  	s30 =	sld [smem:$0x7F0]  }
0x1de: {  	[spmem:s21] =	stream.linear.scatter [tilespmem:s25], [sflag:$0x7], $0xC8, $0x38;
	[tilespmem:$0x1FF78] =	vst v63  }
0x1df: {  	s31 =	sld [smem:$0x7F1]  }
0x1e0: {  	[spmem:s30] =	stream.linear.scatter [tilespmem:s25], [sflag:$0x7], $0xC8, $0x38;
	[tilespmem:$0x1FF78] =	vst v63  }
0x1e1: {  	s3 =	sld [smem:$0x7F2]  }
0x1e2: {  	[spmem:s31] =	stream.linear.scatter [tilespmem:s25], [sflag:$0x7], $0xC8, $0x38;
	[tilespmem:$0x1FF78] =	vst v63  }
0x1e3: {  	s20 =	sld [smem:$0x7F3]  }
0x1e4: {  	[spmem:s3] =	stream.linear.scatter [tilespmem:s25], [sflag:$0x7], $0xC8, $0x38;
	[tilespmem:$0x1FF78] =	vst v63  }
0x1e5: {  	s21 =	sld [smem:$0x7F4]  }
0x1e6: {  	[spmem:s20] =	stream.linear.scatter [tilespmem:s25], [sflag:$0x7], $0xC8, $0x38;
	[tilespmem:$0x1FF78] =	vst v63  }
0x1e7: {  	s30 =	sld [smem:$0x7F5]  }
0x1e8: {  	[spmem:s21] =	stream.linear.scatter [tilespmem:s25], [sflag:$0x7], $0xC8, $0x38;
	[tilespmem:$0x1FF78] =	vst v63  }
0x1e9: {  	s31 =	sld [smem:$0x7F6]  }
0x1ea: {  	[spmem:s30] =	stream.linear.scatter [tilespmem:s25], [sflag:$0x7], $0xC8, $0x38;
	[tilespmem:$0x1FF78] =	vst v63  }
0x1eb: {  	s3 =	sld [smem:$0x7F7]  }
0x1ec: {  	[spmem:s31] =	stream.linear.scatter [tilespmem:s25], [sflag:$0x7], $0xC8, $0x38;
	[tilespmem:$0x1FF78] =	vst v63  }
0x1ed: {  	s20 =	sld [smem:$0x7F8]  }
0x1ee: {  	[spmem:s3] =	stream.linear.scatter [tilespmem:s25], [sflag:$0x7], $0xC8, $0x38;
	[tilespmem:$0x1FF78] =	vst v63  }
0x1ef: {  	s21 =	sld [smem:$0x7F9]  }
0x1f0: {  	[spmem:s20] =	stream.linear.scatter [tilespmem:s25], [sflag:$0x7], $0xC8, $0x38;
	[tilespmem:$0x1FF78] =	vst v63  }
0x1f1: {  	s30 =	sld [smem:$0x7FA]  }
0x1f2: {  	[spmem:s21] =	stream.linear.scatter [tilespmem:s25], [sflag:$0x7], $0xC8, $0x38;
	[tilespmem:$0x1FF78] =	vst v63  }
0x1f3: {  	s31 =	sld [smem:$0x7FB]  }
0x1f4: {  	[spmem:s30] =	stream.linear.scatter [tilespmem:s25], [sflag:$0x7], $0xC8, $0x38;
	[tilespmem:$0x1FF78] =	vst v63  }
0x1f5: {  	_ = 	snop  }
0x1f6: {  	[spmem:s31] =	stream.linear.scatter [tilespmem:s25], [sflag:$0x7], $0xC8, $0x38;
	[tilespmem:$0x1FF78] =	vst v63  }
.LBB2_3:
0x1f7: {  	_ =	swait.ge [sflag:s19], $0x400  }
0x1f8: {  	[sflag:s19] =	ssyncset.done $0x0  }
0x1f9: {  	[sflag:s19] =	ssyncadd.s32 $0xFFFFFC00  }
0x1fa: {  	_ =	swait.ge [sflag:s19], $0x400  }
0x1fb: {  	[sflag:s19] =	ssyncset.done $0x0  }
0x1fc: {  	[sflag:s19] =	ssyncadd.s32 $0xFFFFFC00  }
0x1fd: {  	_ =	swait.ge [sflag:s19], $0x400  }
0x1fe: {  	[sflag:s19] =	ssyncset.done $0x0  }
0x1ff: {  	[sflag:s19] =	ssyncadd.s32 $0xFFFFFC00  }
0x200: {  	_ =	swait.ge [sflag:s19], $0x400  }
0x201: {  	[sflag:s19] =	ssyncset.done $0x0  }
0x202: {  	[sflag:s19] =	ssyncadd.s32 $0xFFFFFC00  }
0x203: {  	_ =	swait.ge [sflag:s19], $0x400  }
0x204: {  	[sflag:s19] =	ssyncset.done $0x0  }
0x205: {  	[sflag:s19] =	ssyncadd.s32 $0xFFFFFC00  }
0x206: {  	_ =	swait.ge [sflag:s19], $0x400  }
0x207: {  	[sflag:s19] =	ssyncset.done $0x0  }
0x208: {  	[sflag:s19] =	ssyncadd.s32 $0xFFFFFC00  }
0x209: {  	_ =	swait.ge [sflag:s19], $0x400  }
0x20a: {  	[sflag:s19] =	ssyncset.done $0x0  }
0x20b: {  	[sflag:s19] =	ssyncadd.s32 $0xFFFFFC00  }
0x20c: {  	_ =	swait.ge [sflag:s19], $0x400  }
0x20d: {  	[sflag:s19] =	ssyncset.done $0x0  }
0x20e: {  	[sflag:s19] =	ssyncadd.s32 $0xFFFFFC00  }
0x20f: {  	_ =	swait.ge [sflag:s19], $0x400  }
0x210: {  	[sflag:s19] =	ssyncset.done $0x0  }
0x211: {  	[sflag:s19] =	ssyncadd.s32 $0xFFFFFC00  }
0x212: {  	_ =	swait.ge [sflag:s19], $0x400  }
0x213: {  	[sflag:s19] =	ssyncset.done $0x0  }
0x214: {  	[sflag:s19] =	ssyncadd.s32 $0xFFFFFC00  }
0x215: {  	_ =	swait.ge [sflag:s19], $0x400  }
0x216: {  	[sflag:s19] =	ssyncset.done $0x0  }
0x217: {  	[sflag:s19] =	ssyncadd.s32 $0xFFFFFC00  }
0x218: {  	_ =	swait.ge [sflag:s19], $0x400  }
0x219: {  	[sflag:s19] =	ssyncset.done $0x0  }
0x21a: {  	[sflag:s19] =	ssyncadd.s32 $0xFFFFFC00  }
0x21b: {  	_ =	swait.ge [sflag:s19], $0x400  }
0x21c: {  	[sflag:s19] =	ssyncset.done $0x0  }
0x21d: {  	[sflag:s19] =	ssyncadd.s32 $0xFFFFFC00  }
0x21e: {  	_ =	swait.ge [sflag:s19], $0x400  }
0x21f: {  	[sflag:s19] =	ssyncset.done $0x0  }
0x220: {  	[sflag:s19] =	ssyncadd.s32 $0xFFFFFC00  }
0x221: {  	_ =	swait.ge [sflag:s19], $0x400  }
0x222: {  	[sflag:s19] =	ssyncset.done $0x0  }
0x223: {  	[sflag:s19] =	ssyncadd.s32 $0xFFFFFC00  }
0x224: {  	_ =	swait.ge [sflag:s19], $0x400  }
0x225: {  	[sflag:s19] =	ssyncset.done $0x0  }
0x226: {  	[sflag:s19] =	ssyncadd.s32 $0xFFFFFC00  }
0x227: {  	_ =	swait.ge [sflag:s19], $0x400  }
0x228: {  	[sflag:s19] =	ssyncset.done $0x0  }
0x229: {  	[sflag:s19] =	ssyncadd.s32 $0xFFFFFC00  }
0x22a: {  	_ =	swait.ge [sflag:s19], $0x400  }
0x22b: {  	[sflag:s19] =	ssyncset.done $0x0  }
0x22c: {  	[sflag:s19] =	ssyncadd.s32 $0xFFFFFC00  }
0x22d: {  	_ =	swait.ge [sflag:s19], $0x400  }
0x22e: {  	[sflag:s19] =	ssyncset.done $0x0  }
0x22f: {  	[sflag:s19] =	ssyncadd.s32 $0xFFFFFC00  }
0x230: {  	_ =	swait.ge [sflag:s19], $0x400  }
0x231: {  	[sflag:s19] =	ssyncset.done $0x0  }
0x232: {  	[sflag:s19] =	ssyncadd.s32 $0xFFFFFC00  }
0x233: {  	_ =	swait.ge [sflag:s19], $0x400  }
0x234: {  	[sflag:s19] =	ssyncset.done $0x0  }
0x235: {  	[sflag:s19] =	ssyncadd.s32 $0xFFFFFC00  }
0x236: {  	_ =	swait.ge [sflag:s19], $0x400  }
0x237: {  	[sflag:s19] =	ssyncset.done $0x0  }
0x238: {  	[sflag:s19] =	ssyncadd.s32 $0xFFFFFC00  }
0x239: {  	_ =	swait.ge [sflag:s19], $0x400  }
0x23a: {  	[sflag:s19] =	ssyncset.done $0x0  }
0x23b: {  	[sflag:s19] =	ssyncadd.s32 $0xFFFFFC00  }
0x23c: {  	_ =	swait.ge [sflag:s19], $0x400  }
0x23d: {  	[sflag:s19] =	ssyncset.done $0x0  }
0x23e: {  	[sflag:s19] =	ssyncadd.s32 $0xFFFFFC00  }
0x23f: {  	_ =	swait.ge [sflag:s19], $0x400  }
0x240: {  	[sflag:s19] =	ssyncset.done $0x0  }
0x241: {  	[sflag:s19] =	ssyncadd.s32 $0xFFFFFC00  }
0x242: {  	_ =	swait.ge [sflag:s19], $0x400  }
0x243: {  	[sflag:s19] =	ssyncset.done $0x0  }
0x244: {  	[sflag:s19] =	ssyncadd.s32 $0xFFFFFC00  }
0x245: {  	_ =	swait.ge [sflag:s19], $0x400  }
0x246: {  	[sflag:s19] =	ssyncset.done $0x0  }
0x247: {  	[sflag:s19] =	ssyncadd.s32 $0xFFFFFC00  }
0x248: {  	_ =	swait.ge [sflag:s19], $0x400  }
0x249: {  	[sflag:s19] =	ssyncset.done $0x0  }
0x24a: {  	[sflag:s19] =	ssyncadd.s32 $0xFFFFFC00  }
0x24b: {  	_ =	swait.ge [sflag:s19], $0x400  }
0x24c: {  	[sflag:s19] =	ssyncset.done $0x0  }
0x24d: {  	[sflag:s19] =	ssyncadd.s32 $0xFFFFFC00  }
0x24e: {  	_ =	swait.ge [sflag:s19], $0x400  }
0x24f: {  	[sflag:s19] =	ssyncset.done $0x0  }
0x250: {  	[sflag:s19] =	ssyncadd.s32 $0xFFFFFC00  }
0x251: {  	_ =	swait.ge [sflag:s19], $0x400  }
0x252: {  	[sflag:s19] =	ssyncset.done $0x0  }
0x253: {  	[sflag:s19] =	ssyncadd.s32 $0xFFFFFC00  }
0x254: {  	_ =	swait.ge [sflag:s19], $0x400  }
0x255: {  	[sflag:s19] =	ssyncset.done $0x0  }
0x256: {  	[sflag:s19] =	ssyncadd.s32 $0xFFFFFC00  }
0x257: {  	_ =	swait.ge [sflag:s19], $0x400  }
0x258: {  	[sflag:s19] =	ssyncset.done $0x0  }
0x259: {  	[sflag:s19] =	ssyncadd.s32 $0xFFFFFC00  }
0x25a: {  	_ =	swait.ge [sflag:s19], $0x400  }
0x25b: {  	[sflag:s19] =	ssyncset.done $0x0  }
0x25c: {  	[sflag:s19] =	ssyncadd.s32 $0xFFFFFC00  }
0x25d: {  	_ =	swait.ge [sflag:s19], $0x400  }
0x25e: {  	[sflag:s19] =	ssyncset.done $0x0  }
0x25f: {  	[sflag:s19] =	ssyncadd.s32 $0xFFFFFC00  }
0x260: {  	_ =	swait.ge [sflag:s19], $0x400  }
0x261: {  	[sflag:s19] =	ssyncset.done $0x0  }
0x262: {  	[sflag:s19] =	ssyncadd.s32 $0xFFFFFC00  }
0x263: {  	_ =	swait.ge [sflag:s19], $0x400  }
0x264: {  	[sflag:s19] =	ssyncset.done $0x0  }
0x265: {  	[sflag:s19] =	ssyncadd.s32 $0xFFFFFC00  }
0x266: {  	_ =	swait.ge [sflag:s19], $0x400  }
0x267: {  	[sflag:s19] =	ssyncset.done $0x0  }
0x268: {  	[sflag:s19] =	ssyncadd.s32 $0xFFFFFC00  }
0x269: {  	_ =	swait.ge [sflag:s19], $0x400  }
0x26a: {  	[sflag:s19] =	ssyncset.done $0x0  }
0x26b: {  	[sflag:s19] =	ssyncadd.s32 $0xFFFFFC00  }
0x26c: {  	_ =	swait.ge [sflag:s19], $0x400  }
0x26d: {  	[sflag:s19] =	ssyncset.done $0x0  }
0x26e: {  	[sflag:s19] =	ssyncadd.s32 $0xFFFFFC00  }
0x26f: {  	_ =	swait.ge [sflag:s19], $0x400  }
0x270: {  	[sflag:s19] =	ssyncset.done $0x0  }
0x271: {  	[sflag:s19] =	ssyncadd.s32 $0xFFFFFC00  }
0x272: {  	_ =	swait.ge [sflag:s19], $0x400  }
0x273: {  	[sflag:s19] =	ssyncset.done $0x0  }
0x274: {  	[sflag:s19] =	ssyncadd.s32 $0xFFFFFC00  }
0x275: {  	_ =	swait.ge [sflag:s19], $0x400  }
0x276: {  	[sflag:s19] =	ssyncset.done $0x0  }
0x277: {  	[sflag:s19] =	ssyncadd.s32 $0xFFFFFC00  }
0x278: {  	_ =	swait.ge [sflag:s19], $0x400  }
0x279: {  	[sflag:s19] =	ssyncset.done $0x0  }
0x27a: {  	[sflag:s19] =	ssyncadd.s32 $0xFFFFFC00  }
0x27b: {  	_ =	swait.ge [sflag:s19], $0x400  }
0x27c: {  	[sflag:s19] =	ssyncset.done $0x0  }
0x27d: {  	[sflag:s19] =	ssyncadd.s32 $0xFFFFFC00  }
0x27e: {  	_ =	swait.ge [sflag:s19], $0x400  }
0x27f: {  	[sflag:s19] =	ssyncset.done $0x0  }
0x280: {  	[sflag:s19] =	ssyncadd.s32 $0xFFFFFC00  }
0x281: {  	_ =	swait.ge [sflag:s19], $0x400  }
0x282: {  	[sflag:s19] =	ssyncset.done $0x0  }
0x283: {  	[sflag:s19] =	ssyncadd.s32 $0xFFFFFC00  }
0x284: {  	_ =	swait.ge [sflag:s19], $0x400  }
0x285: {  	[sflag:s19] =	ssyncset.done $0x0  }
0x286: {  	[sflag:s19] =	ssyncadd.s32 $0xFFFFFC00  }
0x287: {  	_ =	swait.ge [sflag:s19], $0x400  }
0x288: {  	[sflag:s19] =	ssyncset.done $0x0  }
0x289: {  	[sflag:s19] =	ssyncadd.s32 $0xFFFFFC00  }
0x28a: {  	_ =	swait.ge [sflag:s19], $0x400  }
0x28b: {  	[sflag:s19] =	ssyncset.done $0x0  }
0x28c: {  	[sflag:s19] =	ssyncadd.s32 $0xFFFFFC00  }
0x28d: {  	_ =	swait.ge [sflag:s19], $0x400  }
0x28e: {  	[sflag:s19] =	ssyncset.done $0x0  }
0x28f: {  	[sflag:s19] =	ssyncadd.s32 $0xFFFFFC00  }
0x290: {  	_ =	swait.ge [sflag:s19], $0x400  }
0x291: {  	[sflag:s19] =	ssyncset.done $0x0  }
0x292: {  	[sflag:s19] =	ssyncadd.s32 $0xFFFFFC00  }
0x293: {  	_ =	swait.ge [sflag:s19], $0x400  }
0x294: {  	[sflag:s19] =	ssyncset.done $0x0  }
0x295: {  	[sflag:s19] =	ssyncadd.s32 $0xFFFFFC00  }
0x296: {  	_ =	swait.ge [sflag:s19], $0x400  }
0x297: {  	[sflag:s19] =	ssyncset.done $0x0  }
0x298: {  	[sflag:s19] =	ssyncadd.s32 $0xFFFFFC00  }
0x299: {  	_ =	swait.ge [sflag:s19], $0x400  }
0x29a: {  	[sflag:s19] =	ssyncset.done $0x0  }
0x29b: {  	[sflag:s19] =	ssyncadd.s32 $0xFFFFFC00  }
0x29c: {  	_ =	swait.ge [sflag:s19], $0x400  }
0x29d: {  	[sflag:s19] =	ssyncset.done $0x0  }
0x29e: {  	[sflag:s19] =	ssyncadd.s32 $0xFFFFFC00  }
0x29f: {  	_ =	swait.ge [sflag:s19], $0x400  }
0x2a0: {  	[sflag:s19] =	ssyncset.done $0x0  }
0x2a1: {  	[sflag:s19] =	ssyncadd.s32 $0xFFFFFC00  }
0x2a2: {  	_ =	swait.ge [sflag:s19], $0x400  }
0x2a3: {  	[sflag:s19] =	ssyncset.done $0x0  }
0x2a4: {  	[sflag:s19] =	ssyncadd.s32 $0xFFFFFC00  }
0x2a5: {  	_ =	swait.ge [sflag:s19], $0x400  }
0x2a6: {  	[sflag:s19] =	ssyncset.done $0x0  }
0x2a7: {  	[sflag:s19] =	ssyncadd.s32 $0xFFFFFC00  }
0x2a8: {  	_ =	swait.ge [sflag:s19], $0x400  }
0x2a9: {  	[sflag:s19] =	ssyncset.done $0x0  }
0x2aa: {  	[sflag:s19] =	ssyncadd.s32 $0xFFFFFC00  }
0x2ab: {  	_ =	swait.ge [sflag:s19], $0x400  }
0x2ac: {  	[sflag:s19] =	ssyncset.done $0x0  }
0x2ad: {  	[sflag:s19] =	ssyncadd.s32 $0xFFFFFC00  }
0x2ae: {  	_ =	swait.ge [sflag:s19], $0x400  }
0x2af: {  	[sflag:s19] =	ssyncset.done $0x0  }
0x2b0: {  	[sflag:s19] =	ssyncadd.s32 $0xFFFFFC00  }
0x2b1: {  	_ =	swait.ge [sflag:s19], $0x400  }
0x2b2: {  	[sflag:s19] =	ssyncset.done $0x0  }
0x2b3: {  	[sflag:s19] =	ssyncadd.s32 $0xFFFFFC00  }
0x2b4: {  	_ =	swait.ge [sflag:s19], $0x400  }
0x2b5: {  	[sflag:s19] =	ssyncset.done $0x0  }
0x2b6: {  	[sflag:s19] =	ssyncadd.s32 $0xFFFFFC00  }
0x2b7: {  	_ =	swait.ge [sflag:s19], $0x400  }
0x2b8: {  	[sflag:s19] =	ssyncset.done $0x0  }
0x2b9: {  	[sflag:s19] =	ssyncadd.s32 $0xFFFFFC00  }
0x2ba: {  	_ =	swait.ge [sflag:s19], $0x400  }
0x2bb: {  	[sflag:s19] =	ssyncset.done $0x0  }
0x2bc: {  	[sflag:s19] =	ssyncadd.s32 $0xFFFFFC00  }
0x2bd: {  	_ =	swait.ge [sflag:s19], $0x400  }
0x2be: {  	[sflag:s19] =	ssyncset.done $0x0  }
0x2bf: {  	[sflag:s19] =	ssyncadd.s32 $0xFFFFFC00  }
0x2c0: {  	_ =	swait.ge [sflag:s19], $0x400  }
0x2c1: {  	[sflag:s19] =	ssyncset.done $0x0  }
0x2c2: {  	[sflag:s19] =	ssyncadd.s32 $0xFFFFFC00  }
0x2c3: {  	_ =	swait.ge [sflag:s19], $0x400  }
0x2c4: {  	[sflag:s19] =	ssyncset.done $0x0  }
0x2c5: {  	[sflag:s19] =	ssyncadd.s32 $0xFFFFFC00  }
0x2c6: {  	_ =	swait.ge [sflag:s19], $0x400  }
0x2c7: {  	[sflag:s19] =	ssyncset.done $0x0  }
0x2c8: {  	[sflag:s19] =	ssyncadd.s32 $0xFFFFFC00  }
0x2c9: {  	_ =	swait.ge [sflag:s19], $0x400  }
0x2ca: {  	[sflag:s19] =	ssyncset.done $0x0  }
0x2cb: {  	[sflag:s19] =	ssyncadd.s32 $0xFFFFFC00  }
0x2cc: {  	_ =	swait.ge [sflag:s19], $0x400  }
0x2cd: {  	[sflag:s19] =	ssyncset.done $0x0  }
0x2ce: {  	[sflag:s19] =	ssyncadd.s32 $0xFFFFFC00  }
0x2cf: {  	_ =	swait.ge [sflag:s19], $0x400  }
0x2d0: {  	[sflag:s19] =	ssyncset.done $0x0  }
0x2d1: {  	[sflag:s19] =	ssyncadd.s32 $0xFFFFFC00  }
0x2d2: {  	_ =	swait.ge [sflag:s19], $0x400  }
0x2d3: {  	[sflag:s19] =	ssyncset.done $0x0  }
0x2d4: {  	[sflag:s19] =	ssyncadd.s32 $0xFFFFFC00  }
0x2d5: {  	_ =	swait.ge [sflag:s19], $0x400  }
0x2d6: {  	[sflag:s19] =	ssyncset.done $0x0  }
0x2d7: {  	[sflag:s19] =	ssyncadd.s32 $0xFFFFFC00  }
0x2d8: {  	_ =	swait.ge [sflag:s19], $0x400  }
0x2d9: {  	[sflag:s19] =	ssyncset.done $0x0  }
0x2da: {  	[sflag:s19] =	ssyncadd.s32 $0xFFFFFC00  }
0x2db: {  	_ =	swait.ge [sflag:s19], $0x400  }
.Ltmp3:
0x2dc: {  	[sflag:s19] =	ssyncset.done $0x0;
	(pc) =	sbr.rel @p2 .LBB2_5-.Ltmp3, $4  }
0x2dd: {  	[sflag:s19] =	ssyncadd.s32 $0xFFFFFC00  }
0x2de: {  	_ =	swait.ge [sflag:s19], $0x400  }
0x2df: {  	[sflag:s19] =	ssyncset.done $0x0  }
0x2e0: {  	[sflag:s19] =	ssyncadd.s32 $0xFFFFFC00  }
0x2e1: {  	_ =	swait.ge [sflag:s19], $0x400  }
0x2e2: {  	[sflag:s19] =	ssyncset.done $0x0  }
0x2e3: {  	[sflag:s19] =	ssyncadd.s32 $0xFFFFFC00  }
0x2e4: {  	_ =	swait.ge [sflag:s19], $0x400  }
0x2e5: {  	[sflag:s19] =	ssyncset.done $0x0  }
0x2e6: {  	[sflag:s19] =	ssyncadd.s32 $0xFFFFFC00  }
0x2e7: {  	_ =	swait.ge [sflag:s19], $0xC8  }
0x2e8: {  	[sflag:s19] =	ssyncset.done $0x0  }
0x2e9: {  	[sflag:s19] =	ssyncadd.s32 $0xFFFFFF38  }
0x2ea: {  	_ =	swait.ge [sflag:s19], $0xC8  }
0x2eb: {  	[sflag:s19] =	ssyncset.done $0x0  }
0x2ec: {  	[sflag:s19] =	ssyncadd.s32 $0xFFFFFF38  }
0x2ed: {  	_ =	swait.ge [sflag:s19], $0xC8  }
0x2ee: {  	[sflag:s19] =	ssyncset.done $0x0  }
0x2ef: {  	[sflag:s19] =	ssyncadd.s32 $0xFFFFFF38  }
0x2f0: {  	_ =	swait.ge [sflag:s19], $0xC8  }
0x2f1: {  	[sflag:s19] =	ssyncset.done $0x0  }
0x2f2: {  	[sflag:s19] =	ssyncadd.s32 $0xFFFFFF38  }
0x2f3: {  	_ =	swait.ge [sflag:s19], $0xC8  }
0x2f4: {  	[sflag:s19] =	ssyncset.done $0x0  }
0x2f5: {  	[sflag:s19] =	ssyncadd.s32 $0xFFFFFF38  }
0x2f6: {  	_ =	swait.ge [sflag:s19], $0xC8  }
0x2f7: {  	[sflag:s19] =	ssyncset.done $0x0  }
0x2f8: {  	[sflag:s19] =	ssyncadd.s32 $0xFFFFFF38  }
0x2f9: {  	_ =	swait.ge [sflag:s19], $0xC8  }
0x2fa: {  	[sflag:s19] =	ssyncset.done $0x0  }
0x2fb: {  	[sflag:s19] =	ssyncadd.s32 $0xFFFFFF38  }
0x2fc: {  	_ =	swait.ge [sflag:s19], $0xC8  }
0x2fd: {  	[sflag:s19] =	ssyncset.done $0x0  }
0x2fe: {  	[sflag:s19] =	ssyncadd.s32 $0xFFFFFF38  }
0x2ff: {  	_ =	swait.ge [sflag:s19], $0xC8  }
0x300: {  	[sflag:s19] =	ssyncset.done $0x0  }
0x301: {  	[sflag:s19] =	ssyncadd.s32 $0xFFFFFF38  }
0x302: {  	_ =	swait.ge [sflag:s19], $0xC8  }
0x303: {  	[sflag:s19] =	ssyncset.done $0x0  }
0x304: {  	[sflag:s19] =	ssyncadd.s32 $0xFFFFFF38  }
0x305: {  	_ =	swait.ge [sflag:s19], $0xC8  }
0x306: {  	[sflag:s19] =	ssyncset.done $0x0  }
0x307: {  	[sflag:s19] =	ssyncadd.s32 $0xFFFFFF38  }
0x308: {  	_ =	swait.ge [sflag:s19], $0xC8  }
0x309: {  	[sflag:s19] =	ssyncset.done $0x0  }
0x30a: {  	[sflag:s19] =	ssyncadd.s32 $0xFFFFFF38  }
0x30b: {  	_ =	swait.ge [sflag:s19], $0xC8  }
0x30c: {  	[sflag:s19] =	ssyncset.done $0x0  }
0x30d: {  	[sflag:s19] =	ssyncadd.s32 $0xFFFFFF38  }
0x30e: {  	_ =	swait.ge [sflag:s19], $0xC8  }
0x30f: {  	[sflag:s19] =	ssyncset.done $0x0  }
0x310: {  	[sflag:s19] =	ssyncadd.s32 $0xFFFFFF38  }
0x311: {  	_ =	swait.ge [sflag:s19], $0xC8  }
0x312: {  	[sflag:s19] =	ssyncset.done $0x0  }
0x313: {  	[sflag:s19] =	ssyncadd.s32 $0xFFFFFF38  }
0x314: {  	_ =	swait.ge [sflag:s19], $0xC8  }
0x315: {  	[sflag:s19] =	ssyncset.done $0x0  }
0x316: {  	[sflag:s19] =	ssyncadd.s32 $0xFFFFFF38  }
0x317: {  	_ =	swait.ge [sflag:s19], $0xC8  }
0x318: {  	[sflag:s19] =	ssyncset.done $0x0  }
0x319: {  	[sflag:s19] =	ssyncadd.s32 $0xFFFFFF38  }
0x31a: {  	_ =	swait.ge [sflag:s19], $0xC8  }
0x31b: {  	[sflag:s19] =	ssyncset.done $0x0  }
0x31c: {  	[sflag:s19] =	ssyncadd.s32 $0xFFFFFF38  }
0x31d: {  	_ =	swait.ge [sflag:s19], $0xC8  }
0x31e: {  	[sflag:s19] =	ssyncset.done $0x0  }
0x31f: {  	[sflag:s19] =	ssyncadd.s32 $0xFFFFFF38  }
0x320: {  	_ =	swait.ge [sflag:s19], $0xC8  }
0x321: {  	[sflag:s19] =	ssyncset.done $0x0  }
0x322: {  	[sflag:s19] =	ssyncadd.s32 $0xFFFFFF38  }
0x323: {  	_ =	swait.ge [sflag:s19], $0xC8  }
0x324: {  	[sflag:s19] =	ssyncset.done $0x0  }
0x325: {  	[sflag:s19] =	ssyncadd.s32 $0xFFFFFF38  }
0x326: {  	_ =	swait.ge [sflag:s19], $0xC8  }
0x327: {  	[sflag:s19] =	ssyncset.done $0x0  }
0x328: {  	[sflag:s19] =	ssyncadd.s32 $0xFFFFFF38  }
0x329: {  	_ =	swait.ge [sflag:s19], $0xC8  }
0x32a: {  	[sflag:s19] =	ssyncset.done $0x0  }
0x32b: {  	[sflag:s19] =	ssyncadd.s32 $0xFFFFFF38  }
0x32c: {  	_ =	swait.ge [sflag:s19], $0xC8  }
0x32d: {  	[sflag:s19] =	ssyncset.done $0x0  }
0x32e: {  	[sflag:s19] =	ssyncadd.s32 $0xFFFFFF38  }
0x32f: {  	_ =	swait.ge [sflag:s19], $0xC8  }
0x330: {  	[sflag:s19] =	ssyncset.done $0x0  }
0x331: {  	[sflag:s19] =	ssyncadd.s32 $0xFFFFFF38  }
0x332: {  	_ =	swait.ge [sflag:s19], $0xC8  }
0x333: {  	[sflag:s19] =	ssyncset.done $0x0  }
0x334: {  	[sflag:s19] =	ssyncadd.s32 $0xFFFFFF38  }
0x335: {  	_ =	swait.ge [sflag:s19], $0xC8  }
0x336: {  	[sflag:s19] =	ssyncset.done $0x0  }
0x337: {  	[sflag:s19] =	ssyncadd.s32 $0xFFFFFF38  }
0x338: {  	_ =	swait.ge [sflag:s19], $0xC8  }
0x339: {  	[sflag:s19] =	ssyncset.done $0x0  }
0x33a: {  	[sflag:s19] =	ssyncadd.s32 $0xFFFFFF38  }
0x33b: {  	_ =	swait.ge [sflag:s19], $0xC8  }
0x33c: {  	[sflag:s19] =	ssyncset.done $0x0  }
0x33d: {  	[sflag:s19] =	ssyncadd.s32 $0xFFFFFF38  }
0x33e: {  	_ =	swait.ge [sflag:s19], $0xC8  }
0x33f: {  	[sflag:s19] =	ssyncset.done $0x0  }
0x340: {  	[sflag:s19] =	ssyncadd.s32 $0xFFFFFF38  }
0x341: {  	_ =	swait.ge [sflag:s19], $0xC8  }
0x342: {  	[sflag:s19] =	ssyncset.done $0x0  }
0x343: {  	[sflag:s19] =	ssyncadd.s32 $0xFFFFFF38  }
0x344: {  	_ =	swait.ge [sflag:s19], $0xC8  }
0x345: {  	[sflag:s19] =	ssyncset.done $0x0  }
0x346: {  	[sflag:s19] =	ssyncadd.s32 $0xFFFFFF38  }
0x347: {  	_ =	swait.ge [sflag:s19], $0xC8  }
0x348: {  	[sflag:s19] =	ssyncset.done $0x0  }
0x349: {  	[sflag:s19] =	ssyncadd.s32 $0xFFFFFF38  }
0x34a: {  	_ =	swait.ge [sflag:s19], $0xC8  }
0x34b: {  	[sflag:s19] =	ssyncset.done $0x0  }
0x34c: {  	[sflag:s19] =	ssyncadd.s32 $0xFFFFFF38  }
0x34d: {  	_ =	swait.ge [sflag:s19], $0xC8  }
0x34e: {  	[sflag:s19] =	ssyncset.done $0x0  }
0x34f: {  	[sflag:s19] =	ssyncadd.s32 $0xFFFFFF38  }
0x350: {  	_ =	swait.ge [sflag:s19], $0xC8  }
0x351: {  	[sflag:s19] =	ssyncset.done $0x0  }
0x352: {  	[sflag:s19] =	ssyncadd.s32 $0xFFFFFF38  }
0x353: {  	_ =	swait.ge [sflag:s19], $0xC8  }
0x354: {  	[sflag:s19] =	ssyncset.done $0x0  }
0x355: {  	[sflag:s19] =	ssyncadd.s32 $0xFFFFFF38  }
0x356: {  	_ =	swait.ge [sflag:s19], $0xC8  }
0x357: {  	[sflag:s19] =	ssyncset.done $0x0  }
0x358: {  	[sflag:s19] =	ssyncadd.s32 $0xFFFFFF38  }
0x359: {  	_ =	swait.ge [sflag:s19], $0xC8  }
0x35a: {  	[sflag:s19] =	ssyncset.done $0x0  }
0x35b: {  	[sflag:s19] =	ssyncadd.s32 $0xFFFFFF38  }
0x35c: {  	_ =	swait.ge [sflag:s19], $0xC8  }
0x35d: {  	[sflag:s19] =	ssyncset.done $0x0  }
0x35e: {  	[sflag:s19] =	ssyncadd.s32 $0xFFFFFF38  }
0x35f: {  	_ =	swait.ge [sflag:s19], $0xC8  }
0x360: {  	[sflag:s19] =	ssyncset.done $0x0  }
0x361: {  	[sflag:s19] =	ssyncadd.s32 $0xFFFFFF38  }
0x362: {  	_ =	swait.ge [sflag:s19], $0xC8  }
0x363: {  	[sflag:s19] =	ssyncset.done $0x0  }
0x364: {  	[sflag:s19] =	ssyncadd.s32 $0xFFFFFF38  }
0x365: {  	_ =	swait.ge [sflag:s19], $0xC8  }
0x366: {  	[sflag:s19] =	ssyncset.done $0x0  }
0x367: {  	[sflag:s19] =	ssyncadd.s32 $0xFFFFFF38  }
0x368: {  	_ =	swait.ge [sflag:s19], $0xC8  }
0x369: {  	[sflag:s19] =	ssyncset.done $0x0  }
0x36a: {  	[sflag:s19] =	ssyncadd.s32 $0xFFFFFF38  }
0x36b: {  	_ =	swait.ge [sflag:s19], $0xC8  }
0x36c: {  	[sflag:s19] =	ssyncset.done $0x0  }
0x36d: {  	[sflag:s19] =	ssyncadd.s32 $0xFFFFFF38  }
0x36e: {  	_ =	swait.ge [sflag:s19], $0xC8  }
0x36f: {  	[sflag:s19] =	ssyncset.done $0x0  }
0x370: {  	[sflag:s19] =	ssyncadd.s32 $0xFFFFFF38  }
0x371: {  	_ =	swait.ge [sflag:s19], $0xC8  }
0x372: {  	[sflag:s19] =	ssyncset.done $0x0  }
0x373: {  	[sflag:s19] =	ssyncadd.s32 $0xFFFFFF38  }
0x374: {  	_ =	swait.ge [sflag:s19], $0xC8  }
0x375: {  	[sflag:s19] =	ssyncset.done $0x0  }
0x376: {  	[sflag:s19] =	ssyncadd.s32 $0xFFFFFF38  }
0x377: {  	_ =	swait.ge [sflag:s19], $0xC8  }
0x378: {  	[sflag:s19] =	ssyncset.done $0x0  }
0x379: {  	[sflag:s19] =	ssyncadd.s32 $0xFFFFFF38  }
0x37a: {  	_ =	swait.ge [sflag:s19], $0xC8  }
0x37b: {  	[sflag:s19] =	ssyncset.done $0x0  }
0x37c: {  	[sflag:s19] =	ssyncadd.s32 $0xFFFFFF38  }
.LBB2_5:
0x37d: {  	[bflag:$0x0] =	sbarrier.arrive $0xFFFF  }
0x37e: {  	s2 =	rddreg [dreg:$0xf]  }
0x37f: {  	s30 =	simm.s32 $0x0;
	s21 =	sld [smem:$0x7FC]  }
0x380: {  	[tilespmem:s30], [sflag:$0x1] =	stream.linear.gather [hbm4b:s2+s30], $0x100, $0x38;
	[tilespmem:$0x1FF78] =	vst v63  }
0x381: {  	s3 =	simm.s32 $0x100;
	s20 =	sld [smem:$0x7FD]  }
0x382: {  	[tilespmem:s3], [sflag:$0x2] =	stream.linear.gather [hbm4b:s21+s30], $0x100, $0x38;
	[tilespmem:$0x1FF78] =	vst v63  }
0x383: {  	s21 =	simm.s32 $0x1  }
0x384: {  	[tilespmem:s18], [sflag:$0x3] =	stream.linear.gather [hbm4b:s20+s30], $0x100, $0x38;
	[tilespmem:$0x1FF78] =	vst v63  }
0x385: {  	_ =	swait.ge [sflag:s21], $0x100  }
0x386: {  	[sflag:s21] =	ssyncset.done $0x0  }
0x387: {  	[sflag:s21] =	ssyncadd.s32 $0xFFFFFF00  }
0x388: {  	[tilespmem:s8], [sflag:$0x4] =	stream.indirect.gather [hbm4b:s1+s16], $0x80, s30, s16, $0xb8;
	[tilespmem:$0x1FF78] =	vst v63  }
0x389: {  	_ =	swait.ge [sflag:s7], $0x100  }
0x38a: {  	[sflag:s7] =	ssyncset.done $0x0  }
0x38b: {  	s31 =	rddreg [dreg:$0x16];
	[sflag:s7] =	ssyncadd.s32 $0xFFFFFF00  }
0x38c: {  	[tilespmem:s10], [sflag:$0x5] =	stream.indirect.gather [hbm4b:s1+s16], $0x80, s3, s16, $0xb8;
	[tilespmem:$0x1FF78] =	vst v63  }
.LBB2_6:
0x38d: {  	_ =	swait.ge [sflag:s11], $0x100  }
0x38e: {  	[sflag:s11] =	ssyncset.done $0x0  }
0x38f: {  	[sflag:s11] =	ssyncadd.s32 $0xFFFFFF00  }
0x390: {  	[tilespmem:s12], [sflag:$0x6] =	stream.indirect.gather [hbm4b:s1+s16], $0x80, s18, s16, $0xb8;
	[tilespmem:$0x1FF78] =	vst v63  }
0x391: {  	_ =	swait.ge [sflag:s13], $0x4000  }
0x392: {  	[sflag:s13] =	ssyncset.done $0x0  }
0x393: {  	[sflag:s13] =	ssyncadd.s32 $0xFFFFC000  }
0x394: {  	[spmem:s5] =	stream.indirect.scatter.add.f32 [tilespmem:s14], [sflag:$0x7], $0x1, s16, s16, $0xb8;
	[tilespmem:$0x1FF78] =	vst v63  }
0x395: {  	_ = 	snop  }
0x396: {  	[spmem:s4] =	stream.indirect.scatter.add.f32 [tilespmem:s8], [sflag:$0x8], $0x80, s16, s16, $0xb8;
	[tilespmem:$0x1FF78] =	vst v63  }
0x397: {  	_ =	swait.ge [sflag:s15], $0x4000  }
0x398: {  	[sflag:s15] =	ssyncset.done $0x0  }
0x399: {  	[sflag:s15] =	ssyncadd.s32 $0xFFFFC000  }
0x39a: {  	p3 =	seq.s32 s30, $0x12C00;
	_ =	swait.ge [sflag:s19], $0x80  }
0x39b: {  	s21 =	sshrl.u32 @!p3 s31, $0x3;
	[sflag:s19] =	ssyncset.done $0x0  }
0x39c: {  	s2 =	simm.s32 @!p3 $0x0;
	s21 =	sadd.s32 @!p3 s0, s21;
	[sflag:s19] =	ssyncadd.s32 $0xFFFFFF80  }
0x39d: {  	[tilespmem:s2], [sflag:$0x1] =	stream.linear.gather @!p3 [hbm4b:s21+s2], $0x100, $0x38;
	[tilespmem:$0x1FF78] =	vst v63  }
0x39e: {  	s21 =	simm.s32 @!p3 $0x1  }
0x39f: {  	_ =	swait.ge @!p3 [sflag:s21], $0x100  }
0x3a0: {  	[sflag:s21] =	ssyncset.done @!p3 $0x0  }
0x3a1: {  	s3 =	simm.s32 @!p3 $0x300;
	[sflag:s21] =	ssyncadd.s32 @!p3 $0xFFFFFF00;
	s21 =	simm.s32 @!p3 $0x80  }
0x3a2: {  	[tilespmem:s3], [sflag:$0x4] =	stream.indirect.gather @!p3 [hbm4b:s1+s21], $0x80, s2, s21, $0xb8;
	[tilespmem:$0x1FF78] =	vst v63  }
0x3a3: {  	_ =	swait.ge [sflag:s17], $0x4000  }
0x3a4: {  	[sflag:s17] =	ssyncset.done $0x0  }
0x3a5: {  	[sflag:s17] =	ssyncadd.s32 $0xFFFFC000  }
0x3a6: {  	[spmem:s5] =	stream.indirect.scatter.add.f32 [tilespmem:s14], [sflag:$0x7], $0x1, s22, s16, $0xb8;
	[tilespmem:$0x1FF78] =	vst v63  }
0x3a7: {  	_ = 	snop  }
0x3a8: {  	[spmem:s4] =	stream.indirect.scatter.add.f32 [tilespmem:s10], [sflag:$0x8], $0x80, s22, s16, $0xb8;
	[tilespmem:$0x1FF78] =	vst v63  }
0x3a9: {  	_ =	swait.ge [sflag:s15], $0x4000  }
0x3aa: {  	[sflag:s15] =	ssyncset.done $0x0  }
0x3ab: {  	[sflag:s15] =	ssyncadd.s32 $0xFFFFC000  }
0x3ac: {  	_ =	swait.ge [sflag:s19], $0x80  }
0x3ad: {  	[sflag:s19] =	ssyncset.done $0x0  }
0x3ae: {  	s20 =	simm.s32 @!p3 $0x100;
	s3 =	sadd.s32 @!p3 s30, s24;
	[sflag:s19] =	ssyncadd.s32 $0xFFFFFF80  }
0x3af: {  	[tilespmem:s20], [sflag:$0x2] =	stream.linear.gather @!p3 [hbm4b:s3+s2], $0x100, $0x38;
	[tilespmem:$0x1FF78] =	vst v63  }
0x3b0: {  	s2 =	simm.s32 @!p3 $0x2  }
0x3b1: {  	_ =	swait.ge @!p3 [sflag:s2], $0x100  }
0x3b2: {  	[sflag:s2] =	ssyncset.done @!p3 $0x0  }
0x3b3: {  	[sflag:s2] =	ssyncadd.s32 @!p3 $0xFFFFFF00;
	s2 =	simm.s32 @!p3 $0x4300  }
0x3b4: {  	[tilespmem:s2], [sflag:$0x5] =	stream.indirect.gather @!p3 [hbm4b:s1+s21], $0x80, s20, s21, $0xb8;
	[tilespmem:$0x1FF78] =	vst v63  }
0x3b5: {  	_ =	swait.ge [sflag:s26], $0x4000  }
0x3b6: {  	[sflag:s26] =	ssyncset.done $0x0  }
0x3b7: {  	[sflag:s26] =	ssyncadd.s32 $0xFFFFC000  }
0x3b8: {  	[spmem:s5] =	stream.indirect.scatter.add.f32 [tilespmem:s14], [sflag:$0x7], $0x1, s28, s16, $0xb8;
	[tilespmem:$0x1FF78] =	vst v63  }
0x3b9: {  	_ = 	snop  }
0x3ba: {  	[spmem:s4] =	stream.indirect.scatter.add.f32 [tilespmem:s12], [sflag:$0x8], $0x80, s28, s16, $0xb8;
	[tilespmem:$0x1FF78] =	vst v63  }
0x3bb: {  	_ =	swait.ge [sflag:s15], $0x4000  }
.Ltmp4:
0x3bc: {  	[sflag:s15] =	ssyncset.done $0x0;
	(pc) =	sbr.rel @p3 .LBB2_8-.Ltmp4, $4  }
0x3bd: {  	[sflag:s15] =	ssyncadd.s32 $0xFFFFC000  }
0x3be: {  	_ =	swait.ge [sflag:s19], $0x80  }
0x3bf: {  	[sflag:s19] =	ssyncset.done $0x0  }
0x3c0: {  	[sflag:s19] =	ssyncadd.s32 $0xFFFFFF80  }
.Ltmp5:
0x3c1: {  	(pc) =	sbr.rel .LBB2_6-.Ltmp5, $3  }
0x3c2: {  	_ =	sdelay $0x1  }
0x3c3: {  	s2 =	sadd.s32 s30, s23;
	s30 =	sadd.s32 $0xC00, s30;
	s31 =	sadd.s32 $0x6000, s31  }
0x3c4: {  	[tilespmem:s18], [sflag:$0x3] =	stream.linear.gather [hbm4b:s2+s6], $0x100, $0x38;
	[tilespmem:$0x1FF78] =	vst v63  }
.LBB2_8:
0x3c5: {  	s2 =	simm.s32 @!p1 $0x0;
	s3 =	rddreg [dreg:$0x10]  }
0x3c6: {  	[tilespmem:s2], [sflag:$0x1] =	stream.linear.gather @!p1 [hbm4b:s3+s2], $0x100, $0x38;
	[tilespmem:$0x1FF78] =	vst v63  }
0x3c7: {  	s3 =	simm.s32 @!p1 $0x1  }
0x3c8: {  	_ =	swait.ge @!p1 [sflag:s3], $0x100  }
0x3c9: {  	[sflag:s3] =	ssyncset.done @!p1 $0x0  }
0x3ca: {  	s20 =	simm.s32 @!p1 $0x300;
	[sflag:s3] =	ssyncadd.s32 @!p1 $0xFFFFFF00;
	s3 =	simm.s32 @!p1 $0x80  }
0x3cb: {  	[tilespmem:s20], [sflag:$0x4] =	stream.indirect.gather @!p1 [hbm4b:s1+s3], $0x80, s2, s3, $0xb8;
	[tilespmem:$0x1FF78] =	vst v63  }
0x3cc: {  	s2 =	simm.s32 @!p1 $0x4  }
0x3cd: {  	_ =	swait.ge @!p1 [sflag:s2], $0x4000  }
0x3ce: {  	[sflag:s2] =	ssyncset.done @!p1 $0x0  }
0x3cf: {  	[sflag:s2] =	ssyncadd.s32 @!p1 $0xFFFFC000;
	s2 =	simm.s32 @!p1 $0x8  }
0x3d0: {  	[spmem:s4] =	stream.indirect.scatter.add.f32 @!p1 [tilespmem:s20], [sflag:$0x8], $0x80, s3, s3, $0xb8;
	[tilespmem:$0x1FF78] =	vst v63  }
0x3d1: {  	_ =	swait.ge @!p1 [sflag:s2], $0x4000  }
0x3d2: {  	[sflag:s2] =	ssyncset.done @!p1 $0x0  }
0x3d3: {  	s20 =	simm.s32 @!p1 $0xC300;
	[sflag:s2] =	ssyncadd.s32 @!p1 $0xFFFFC000  }
0x3d4: {  	[spmem:s5] =	stream.indirect.scatter.add.f32 @!p1 [tilespmem:s20], [sflag:$0x8], $0x1, s3, s3, $0xb8;
	[tilespmem:$0x1FF78] =	vst v63  }
.Ltmp6:
0x3d5: {  	_ =	swait.ge @!p1 [sflag:s2], $0x80;
	(pc) =	sbr.rel @!p0 .LBB2_9-.Ltmp6, $4  }
0x3d6: {  	[sflag:s2] =	ssyncset.done @!p1 $0x0  }
0x3d7: {  	s21 =	stileid.u32;
	[sflag:s2] =	ssyncadd.s32 @!p1 $0xFFFFFF80  }
0x3d8: {  	s2 =	sshll.u32 s21, $0x6;
	[bflag:$0x0] =	sbarrier.arrive $0xFFFF  }
0x3d9: {  	s31 =	sshrl.u32 s9, $0x3;
	s30 =	sor.u32 $0x1C08, s2  }
.Ltmp7:
0x3da: {  	s2 =	rddreg [dreg:$0x13];
	(pc) =	sbr.rel @p2 .LBB2_14-.Ltmp7, $4  }
0x3db: {  	[hbm:s2], [sflag:s30] =	dma.local [spmem:s31], $0x2700  }
0x3dc: {  	_ =	swait.ge [sflag:s15], $0x2700  }
0x3dd: {  	[sflag:s15] =	ssyncset.done $0x0  }
0x3de: {  	[sflag:s15] =	ssyncadd.s32 $0xFFFFD900  }
0x3df: {  	s2 =	sld [smem:$0x7C9];
	_ =	sdelay $0x2  }
0x3e0: {  	s3 =	rddreg [dreg:$0x14];
	s2 =	sshrl.u32 s2, $0x3  }
0x3e1: {  	[hbm:s3], [sflag:s30] =	dma.local [spmem:s2], $0x100  }
.Ltmp8:
0x3e2: {  	_ = 	snop;
	(pc) =	sbr.rel .LBB2_13-.Ltmp8, $4  }
0x3e3: {  	_ =	swait.ge [sflag:s15], $0x100  }
0x3e4: {  	[sflag:s15] =	ssyncset.done $0x0  }
0x3e5: {  	s21 =	sshrl.u32 s5, $0x3;
	s31 =	rddreg [dreg:$0x8];
	[sflag:s15] =	ssyncadd.s32 $0xFFFFFF00  }
0x3e6: {  	[hbm:s31], [sflag:s30] =	dma.local [spmem:s21], $0x4F0  }
.LBB2_9:
.Ltmp9:
0x3e7: {  	s2 =	rddreg [dreg:$0x11];
	(pc) =	sbr.rel @p2 .LBB2_14-.Ltmp9, $4  }
0x3e8: {  	[hbm:s2], [sflag:s30] =	dma.local [spmem:s31], $0x2700  }
0x3e9: {  	_ =	swait.ge [sflag:s15], $0x2700  }
0x3ea: {  	[sflag:s15] =	ssyncset.done $0x0  }
0x3eb: {  	[sflag:s15] =	ssyncadd.s32 $0xFFFFD900  }
0x3ec: {  	s2 =	sld [smem:$0x7C9];
	_ =	sdelay $0x2  }
0x3ed: {  	s3 =	rddreg [dreg:$0x12];
	s2 =	sshrl.u32 s2, $0x3  }
0x3ee: {  	[hbm:s3], [sflag:s30] =	dma.local [spmem:s2], $0x100  }
.Ltmp10:
0x3ef: {  	_ =	swait.ge [sflag:s15], $0x100;
	(pc) =	sbr.rel .LBB2_13-.Ltmp10, $4  }
0x3f0: {  	[sflag:s15] =	ssyncset.done $0x0  }
0x3f1: {  	[sflag:s15] =	ssyncadd.s32 $0xFFFFFF00  }
0x3f2: {  	s21 =	sshrl.u32 s5, $0x3;
	s31 =	rddreg [dreg:$0x4]  }
0x3f3: {  	[hbm:s31], [sflag:s30] =	dma.local [spmem:s21], $0x4F0  }
.LBB2_15:
0x3f4: {  	_ =	sfence.sel $0x180000  }
0x3f5: {  	[bflag:$0x0] =	sbarrier.arrive $0xFFFF  }
0x3f6: {  	_ =	strace $0x90000047  }
0x3f7: {  	[bflag:$0x2] =	sbarrier.arrive $0xFFFF  }
0x3f8: {  	s0 =	rddreg [dreg:$0x7]  }
0x3f9: {  	s0 =	sadd.s32 @!p2 $0x100000, s0  }
0x3fa: {  	[sflag:s0] =	ssyncadd.tile.s32 @!p2 $0x1;
	_ =	shalt  }
.Lfunc_end2:
_tile_overlayer_lowered:
.L_overlay_start_2:
0x3fb: {  	(tag) =	ssettag $0x2  }
0x3fc: {  	s0 =	rddreg [dreg:$0x0];
	s2 =	stileid.u32  }
0x3fd: {  	s1 =	rddreg [dreg:$0x1];
	p0 =	sne.s32 s2, $0x0  }
0x3fe: {  	s3 =	rddreg [dreg:$0x2];
	[bflag:$0x3] =	sbarrier.arrive $0xFFFF;
	s2 =	simm.s32 @!p0 $0x1C08  }
0x3ff: {  	[timem:s3], [sflag:s2] =	dma.local @!p0 [hbm:s0], s1  }
0x400: {  	s0 =	simm.s32 @!p0 $0x8  }
0x401: {  	_ =	swait.ge @!p0 [sflag:s0], s1  }
0x402: {  	s1 =	ssub.s32 @!p0 $0x0, s1;
	[sflag:s0] =	ssyncset.done @!p0 $0x0  }
0x403: {  	[sflag:s0] =	ssyncadd.s32 @!p0 s1  }
0x404: {  	[bflag:$0x3] =	sbarrier.arrive $0xFFFF  }
0x405: {  	_ =	shalt  }

</sc_bundles>
